<compile_context>
chip_gen: v7x
topology: tpu7x:2x2x1
jax: 0.10.2.dev20260603
libtpu: 0.0.44.dev20260713+nightly
codegen_flags: <defaults>
</compile_context>

<pallas_src>
import functools

import numpy as np

import jax
import jax.numpy as jnp
from jax import lax
from jax.experimental import pallas as pl
from jax.experimental.pallas import tpu as pltpu
from jax.experimental.pallas import tpu_sc as plsc

NHID = 128
N_NODES = 10000
N_EDGES = 320000

NC = 2
NS = 16
NW = NC * NS
K = 112
NCH = 90
BC = 6
NB = NCH // BC
EPW = NCH * K
E_PAD = NW * EPW
N_PAD = 10240
ROWS_PER_TILE = N_PAD // NS


def _sc_aggregate(h, src3, dst3, zeros):
    mesh = plsc.VectorSubcoreMesh(core_axis_name="c", subcore_axis_name="s")

    @functools.partial(
        pl.kernel,
        mesh=mesh,
        out_type=jax.ShapeDtypeStruct((NC, N_PAD, NHID), jnp.float32),
        scratch_types=[
            pltpu.VMEM((2, BC, K), jnp.int32),
            pltpu.VMEM((2, BC, K), jnp.int32),
            pltpu.VMEM((K, NHID), jnp.float32),
            pltpu.VMEM((K, NHID), jnp.float32),
            pltpu.VMEM((K, NHID), jnp.float32),
            pltpu.VMEM_SHARED((N_PAD, NHID), jnp.float32),
            pltpu.SemaphoreType.DMA,
            pltpu.SemaphoreType.DMA,
            pltpu.SemaphoreType.DMA,
            pltpu.SemaphoreType.DMA,
            pltpu.SemaphoreType.DMA,
            pltpu.SemaphoreType.DMA,
        ],
    )
    def agg_kernel(h_hbm, src_hbm, dst_hbm, z_hbm, out_hbm,
                   src_v, dst_v, rows_a, rows_b, rows_c, acc,
                   ga, gb, gc, i0, i1, zs):
        c = lax.axis_index("c")
        s = lax.axis_index("s")
        w = s * NC + c
        isems = (i0, i1)
        rbufs = (rows_a, rows_b, rows_c)
        gsems = (ga, gb, gc)
        stripe = pl.ds(s * ROWS_PER_TILE, ROWS_PER_TILE)

        def idx_issue(blk, ring):
            pltpu.async_copy(src_hbm.at[w, blk], src_v.at[ring], isems[ring])
            pltpu.async_copy(dst_hbm.at[w, blk], dst_v.at[ring], isems[ring])

        def idx_wait(blk, ring):
            pltpu.make_async_copy(
                src_hbm.at[w, blk], src_v.at[ring], isems[ring]).wait()
            pltpu.make_async_copy(
                dst_hbm.at[w, blk], dst_v.at[ring], isems[ring]).wait()

        def gather_issue(ring, cc, buf):
            pltpu.async_copy(
                h_hbm.at[src_v.at[ring, cc]], rbufs[buf], gsems[buf])

        def gather_wait(buf):
            pltpu.make_async_copy(
                h_hbm.at[src_v.at[0, 0]], rbufs[buf], gsems[buf]).wait()

        init_copy = pltpu.async_copy(z_hbm.at[stripe], acc.at[stripe], zs)
        idx_issue(0, 0)
        idx_issue(1, 1)
        idx_wait(0, 0)
        gather_issue(0, 0, 0)
        gather_issue(0, 1, 1)
        gather_issue(0, 2, 2)
        init_copy.wait()
        plsc.subcore_barrier()

        def block(b, ring, do_prefetch, do_next):
            for cc in range(BC):
                buf = cc % 3
                gather_wait(buf)
                pltpu.sync_copy(rbufs[buf], acc.at[dst_v.at[ring, cc]], add=True)
                if cc + 3 < BC:
                    gather_issue(ring, cc + 3, buf)
                elif do_next:
                    if cc + 3 == BC:
                        idx_wait(b + 1, 1 - ring)
                    gather_issue(1 - ring, cc + 3 - BC, buf)
            if do_prefetch:
                idx_issue(b + 2, ring)

        @pl.loop(0, NB - 3, step=2)
        def _(bb):
            block(bb, 0, True, True)
            block(bb + 1, 1, True, True)

        block(NB - 3, 0, True, True)
        block(NB - 2, 1, False, True)
        block(NB - 1, 0, False, False)

        plsc.subcore_barrier()
        pltpu.sync_copy(acc.at[stripe], out_hbm.at[c, stripe])

    return agg_kernel(h, src3, dst3, zeros)


def _tc_mlp(h, p, W1, b1, W2, b2):
    BLK = 2000

    def body(h_ref, p_ref, w1_ref, b1_ref, w2_ref, b2_ref, o_ref):
        z = h_ref[...] + p_ref[0] + p_ref[1]
        z = jnp.dot(z, w1_ref[...], preferred_element_type=jnp.float32)
        z = jnp.maximum(z + b1_ref[...], 0.0)
        o_ref[...] = (
            jnp.dot(z, w2_ref[...], preferred_element_type=jnp.float32)
            + b2_ref[...]
        )

    return pl.pallas_call(
        body,
        grid=(N_NODES // BLK,),
        in_specs=[
            pl.BlockSpec((BLK, NHID), lambda i: (i, 0)),
            pl.BlockSpec((NC, BLK, NHID), lambda i: (0, i, 0)),
            pl.BlockSpec((NHID, NHID), lambda i: (0, 0)),
            pl.BlockSpec((1, NHID), lambda i: (0, 0)),
            pl.BlockSpec((NHID, NHID), lambda i: (0, 0)),
            pl.BlockSpec((1, NHID), lambda i: (0, 0)),
        ],
        out_specs=pl.BlockSpec((BLK, NHID), lambda i: (i, 0)),
        out_shape=jax.ShapeDtypeStruct((N_NODES, NHID), jnp.float32),
    )(h, p, W1, b1.reshape(1, NHID), W2, b2.reshape(1, NHID))


def kernel(x, edge_index, W1_0, b1_0, W2_0, b2_0, W1_1, b1_1, W2_1, b2_1):
    ppt = EPW - N_EDGES // NW
    tix = np.arange(NW, dtype=np.int32)[:, None]
    pix = np.arange(ppt, dtype=np.int32)[None, :]
    pad_src = jnp.asarray((tix * 313 + pix * 37) % N_NODES)
    pad_dst = jnp.asarray(N_NODES + (tix * 7 + pix) % (N_PAD - N_NODES))
    src3 = jnp.concatenate(
        [edge_index[0].astype(jnp.int32).reshape(NW, N_EDGES // NW),
         pad_src], axis=1).reshape(NW, NB, BC, K)
    dst3 = jnp.concatenate(
        [edge_index[1].astype(jnp.int32).reshape(NW, N_EDGES // NW),
         pad_dst], axis=1).reshape(NW, NB, BC, K)
    zeros = jnp.zeros((N_PAD, NHID), jnp.float32)
    h = x
    for (W1, b1, W2, b2) in ((W1_0, b1_0, W2_0, b2_0), (W1_1, b1_1, W2_1, b2_1)):
        p = _sc_aggregate(h, src3, dst3, zeros)
        h = _tc_mlp(h, p, W1, b1, W2, b2)
    return h

# --- scband reference (transcript-rebuilt; emitter-appended) ---
"""Pipeline reference for scband-server-gin-4896262718014 (READ-ONLY COPY).

The authoritative reference and input builder live on the scoring server;
editing this copy changes nothing except your own understanding.
"""

import jax, jax.numpy as jnp
import numpy as np

NLAYER = 2
NHID = 128
N_NODES = 10000
N_EDGES = 320000


def setup_inputs(seed: int = 0) -> dict:
    key = jax.random.key(seed)
    ks = jax.random.split(key, 2 + 4 * NLAYER)
    inp = {}
    inp["x"] = jax.random.normal(ks[0], (N_NODES, NHID), dtype=jnp.float32)
    inp["edge_index"] = jax.random.randint(ks[1], (2, N_EDGES), 0, N_NODES, dtype=jnp.int64)
    scale = 1.0 / np.sqrt(NHID)
    for l in range(NLAYER):
        inp[f"W1_{l}"] = jax.random.uniform(ks[2 + 4 * l], (NHID, NHID), jnp.float32, -scale, scale)
        inp[f"b1_{l}"] = jax.random.uniform(ks[3 + 4 * l], (NHID,), jnp.float32, -scale, scale)
        inp[f"W2_{l}"] = jax.random.uniform(ks[4 + 4 * l], (NHID, NHID), jnp.float32, -scale, scale)
        inp[f"b2_{l}"] = jax.random.uniform(ks[5 + 4 * l], (NHID,), jnp.float32, -scale, scale)
    return inp


def reference(x, edge_index, W1_0, b1_0, W2_0, b2_0, W1_1, b1_1, W2_1, b2_1):
    # serverGIN: stack of GINConv layers, each with MLP nn = Linear->ReLU->Linear
    # GINConv (eps=0): h_v = MLP((1+eps)*h_v + sum_{u in N(v)} h_u)
    params = [(W1_0, b1_0, W2_0, b2_0), (W1_1, b1_1, W2_1, b2_1)]
    src = edge_index[0]
    dst = edge_index[1]
    h = x
    for (W1, b1, W2, b2) in params:
        msgs = jnp.take(h, src, axis=0)
        agg = jax.ops.segment_sum(msgs, dst, num_segments=h.shape[0])
        z = h + agg  # (1 + eps) * h + agg, eps = 0
        z = jnp.maximum(z @ W1 + b1, 0.0)
        h = z @ W2 + b2
    return h

if __name__ == "__main__":
    import jax
    _d = setup_inputs()
    print(jax.jit(kernel)(*tuple(_d.values())))

</pallas_src>

<mosaic_0001>
#map = affine_map<(d0, d1) -> (0, 0)>
#map1 = affine_map<(d0, d1) -> (0, 0, 0, 0)>
#map2 = affine_map<(d0, d1) -> (0, 0, 0)>
module attributes {stable_mosaic.version = 14 : i64} {
  func.func @agg_kernel(%arg0: i32, %arg1: i32, %arg2: memref<10000x128xf32, #tpu.memory_space<hbm>>, %arg3: memref<32x15x6x112xi32, #tpu.memory_space<hbm>>, %arg4: memref<32x15x6x112xi32, #tpu.memory_space<hbm>>, %arg5: memref<10240x128xf32, #tpu.memory_space<hbm>>, %arg6: memref<2x10240x128xf32, #tpu.memory_space<hbm>>, %arg7: memref<2x6x112xi32, #tpu.memory_space<vmem>>, %arg8: memref<2x6x112xi32, #tpu.memory_space<vmem>>, %arg9: memref<112x128xf32, #tpu.memory_space<vmem>>, %arg10: memref<112x128xf32, #tpu.memory_space<vmem>>, %arg11: memref<112x128xf32, #tpu.memory_space<vmem>>, %arg12: memref<10240x128xf32, #tpu.memory_space<vmem_shared>>, %arg13: memref<!tpu.dma_semaphore, #tpu.memory_space<semaphore_mem>>, %arg14: memref<!tpu.dma_semaphore, #tpu.memory_space<semaphore_mem>>, %arg15: memref<!tpu.dma_semaphore, #tpu.memory_space<semaphore_mem>>, %arg16: memref<!tpu.dma_semaphore, #tpu.memory_space<semaphore_mem>>, %arg17: memref<!tpu.dma_semaphore, #tpu.memory_space<semaphore_mem>>, %arg18: memref<!tpu.dma_semaphore, #tpu.memory_space<semaphore_mem>>) attributes {dimension_semantics = [#tpu.dimension_semantics<core_parallel>, #tpu.dimension_semantics<subcore_parallel>], iteration_bounds = array<i64: 2, 16>, scalar_prefetch = 0 : i64, scratch_operands = 12 : i64, tpu.core_type = #tpu.core_type<sc_vector_subcore>, window_params = [{transform_indices = #map}, {transform_indices = #map1}, {transform_indices = #map1}, {transform_indices = #map}, {transform_indices = #map2}]} {
    %mul3A = arith.constant 2 : i32
    %mul3A_0 = arith.muli %arg1, %mul3A : i32
    %add3A = arith.addi %mul3A_0, %arg0 : i32
    %mul3A_1 = arith.constant 640 : i32
    %mul3A_2 = arith.muli %arg1, %mul3A_1 : i32
    %dma_start3A = arith.constant 0 : i32
    %dma_start3A_3 = tpu.memref_slice %arg12[%mul3A_2, %dma_start3A] : memref<10240x128xf32, #tpu.memory_space<vmem_shared>> -> memref<640x128xf32, #tpu.memory_space<vmem_shared>>
    %dma_start3A_4 = arith.constant 0 : i32
    %dma_start3A_5 = tpu.memref_slice %arg5[%mul3A_2, %dma_start3A_4] : memref<10240x128xf32, #tpu.memory_space<hbm>> -> memref<640x128xf32, #tpu.memory_space<hbm>>
    tpu.enqueue_dma source(%dma_start3A_5 : memref<640x128xf32, #tpu.memory_space<hbm>>) target(%dma_start3A_3 : memref<640x128xf32, #tpu.memory_space<vmem_shared>>) target_semaphore(%arg18 : memref<!tpu.dma_semaphore, #tpu.memory_space<semaphore_mem>>)
    %dma_start3A_6 = arith.constant 0 : i32
    %dma_start3A_7 = arith.constant 0 : i32
    %dma_start3A_8 = arith.constant 0 : i32
    %dma_start3A_9 = arith.constant 0 : i32
    %dma_start3A_10 = tpu.memref_slice %arg7[%dma_start3A_7, %dma_start3A_8, %dma_start3A_9] : memref<2x6x112xi32, #tpu.memory_space<vmem>> -> memref<1x6x112xi32, #tpu.memory_space<vmem>>
    %dma_start3A_11 = tpu.memref_squeeze %dma_start3A_10 : memref<1x6x112xi32, #tpu.memory_space<vmem>> -> memref<6x112xi32, #tpu.memory_space<vmem>>
    %dma_start3A_12 = arith.constant 0 : i32
    %dma_start3A_13 = arith.constant 0 : i32
    %dma_start3A_14 = tpu.memref_slice %arg3[%add3A, %dma_start3A_6, %dma_start3A_12, %dma_start3A_13] : memref<32x15x6x112xi32, #tpu.memory_space<hbm>> -> memref<1x1x6x112xi32, #tpu.memory_space<hbm>>
    %dma_start3A_15 = tpu.memref_squeeze %dma_start3A_14 : memref<1x1x6x112xi32, #tpu.memory_space<hbm>> -> memref<6x112xi32, #tpu.memory_space<hbm>>
    %dma_start3A_16 = arith.constant 0 : i32
    %dma_start3A_17 = arith.constant 0 : i32
    %dma_start3A_18 = tpu.memref_slice %arg7[%dma_start3A_7, %dma_start3A_16, %dma_start3A_17] : memref<2x6x112xi32, #tpu.memory_space<vmem>> -> memref<1x6x112xi32, #tpu.memory_space<vmem>>
    %dma_start3A_19 = tpu.memref_squeeze %dma_start3A_18 : memref<1x6x112xi32, #tpu.memory_space<vmem>> -> memref<6x112xi32, #tpu.memory_space<vmem>>
    %dma_start3A_20 = arith.constant 0 : i32
    %dma_start3A_21 = arith.constant 0 : i32
    %dma_start3A_22 = tpu.memref_slice %arg3[%add3A, %dma_start3A_6, %dma_start3A_20, %dma_start3A_21] : memref<32x15x6x112xi32, #tpu.memory_space<hbm>> -> memref<1x1x6x112xi32, #tpu.memory_space<hbm>>
    %dma_start3A_23 = tpu.memref_squeeze %dma_start3A_22 : memref<1x1x6x112xi32, #tpu.memory_space<hbm>> -> memref<6x112xi32, #tpu.memory_space<hbm>>
    tpu.enqueue_dma source(%dma_start3A_23 : memref<6x112xi32, #tpu.memory_space<hbm>>) target(%dma_start3A_19 : memref<6x112xi32, #tpu.memory_space<vmem>>) target_semaphore(%arg16 : memref<!tpu.dma_semaphore, #tpu.memory_space<semaphore_mem>>)
    %dma_start3A_24 = arith.constant 0 : i32
    %dma_start3A_25 = arith.constant 0 : i32
    %dma_start3A_26 = arith.constant 0 : i32
    %dma_start3A_27 = arith.constant 0 : i32
    %dma_start3A_28 = tpu.memref_slice %arg8[%dma_start3A_25, %dma_start3A_26, %dma_start3A_27] : memref<2x6x112xi32, #tpu.memory_space<vmem>> -> memref<1x6x112xi32, #tpu.memory_space<vmem>>
    %dma_start3A_29 = tpu.memref_squeeze %dma_start3A_28 : memref<1x6x112xi32, #tpu.memory_space<vmem>> -> memref<6x112xi32, #tpu.memory_space<vmem>>
    %dma_start3A_30 = arith.constant 0 : i32
    %dma_start3A_31 = arith.constant 0 : i32
    %dma_start3A_32 = tpu.memref_slice %arg4[%add3A, %dma_start3A_24, %dma_start3A_30, %dma_start3A_31] : memref<32x15x6x112xi32, #tpu.memory_space<hbm>> -> memref<1x1x6x112xi32, #tpu.memory_space<hbm>>
    %dma_start3A_33 = tpu.memref_squeeze %dma_start3A_32 : memref<1x1x6x112xi32, #tpu.memory_space<hbm>> -> memref<6x112xi32, #tpu.memory_space<hbm>>
    %dma_start3A_34 = arith.constant 0 : i32
    %dma_start3A_35 = arith.constant 0 : i32
    %dma_start3A_36 = tpu.memref_slice %arg8[%dma_start3A_25, %dma_start3A_34, %dma_start3A_35] : memref<2x6x112xi32, #tpu.memory_space<vmem>> -> memref<1x6x112xi32, #tpu.memory_space<vmem>>
    %dma_start3A_37 = tpu.memref_squeeze %dma_start3A_36 : memref<1x6x112xi32, #tpu.memory_space<vmem>> -> memref<6x112xi32, #tpu.memory_space<vmem>>
    %dma_start3A_38 = arith.constant 0 : i32
    %dma_start3A_39 = arith.constant 0 : i32
    %dma_start3A_40 = tpu.memref_slice %arg4[%add3A, %dma_start3A_24, %dma_start3A_38, %dma_start3A_39] : memref<32x15x6x112xi32, #tpu.memory_space<hbm>> -> memref<1x1x6x112xi32, #tpu.memory_space<hbm>>
    %dma_start3A_41 = tpu.memref_squeeze %dma_start3A_40 : memref<1x1x6x112xi32, #tpu.memory_space<hbm>> -> memref<6x112xi32, #tpu.memory_space<hbm>>
    tpu.enqueue_dma source(%dma_start3A_41 : memref<6x112xi32, #tpu.memory_space<hbm>>) target(%dma_start3A_37 : memref<6x112xi32, #tpu.memory_space<vmem>>) target_semaphore(%arg16 : memref<!tpu.dma_semaphore, #tpu.memory_space<semaphore_mem>>)
    %dma_start3A_42 = arith.constant 1 : i32
    %dma_start3A_43 = arith.constant 1 : i32
    %dma_start3A_44 = arith.constant 0 : i32
    %dma_start3A_45 = arith.constant 0 : i32
    %dma_start3A_46 = tpu.memref_slice %arg7[%dma_start3A_43, %dma_start3A_44, %dma_start3A_45] : memref<2x6x112xi32, #tpu.memory_space<vmem>> -> memref<1x6x112xi32, #tpu.memory_space<vmem>>
    %dma_start3A_47 = tpu.memref_squeeze %dma_start3A_46 : memref<1x6x112xi32, #tpu.memory_space<vmem>> -> memref<6x112xi32, #tpu.memory_space<vmem>>
    %dma_start3A_48 = arith.constant 0 : i32
    %dma_start3A_49 = arith.constant 0 : i32
    %dma_start3A_50 = tpu.memref_slice %arg3[%add3A, %dma_start3A_42, %dma_start3A_48, %dma_start3A_49] : memref<32x15x6x112xi32, #tpu.memory_space<hbm>> -> memref<1x1x6x112xi32, #tpu.memory_space<hbm>>
    %dma_start3A_51 = tpu.memref_squeeze %dma_start3A_50 : memref<1x1x6x112xi32, #tpu.memory_space<hbm>> -> memref<6x112xi32, #tpu.memory_space<hbm>>
    %dma_start3A_52 = arith.constant 0 : i32
    %dma_start3A_53 = arith.constant 0 : i32
    %dma_start3A_54 = tpu.memref_slice %arg7[%dma_start3A_43, %dma_start3A_52, %dma_start3A_53] : memref<2x6x112xi32, #tpu.memory_space<vmem>> -> memref<1x6x112xi32, #tpu.memory_space<vmem>>
    %dma_start3A_55 = tpu.memref_squeeze %dma_start3A_54 : memref<1x6x112xi32, #tpu.memory_space<vmem>> -> memref<6x112xi32, #tpu.memory_space<vmem>>
    %dma_start3A_56 = arith.constant 0 : i32
    %dma_start3A_57 = arith.constant 0 : i32
    %dma_start3A_58 = tpu.memref_slice %arg3[%add3A, %dma_start3A_42, %dma_start3A_56, %dma_start3A_57] : memref<32x15x6x112xi32, #tpu.memory_space<hbm>> -> memref<1x1x6x112xi32, #tpu.memory_space<hbm>>
    %dma_start3A_59 = tpu.memref_squeeze %dma_start3A_58 : memref<1x1x6x112xi32, #tpu.memory_space<hbm>> -> memref<6x112xi32, #tpu.memory_space<hbm>>
    tpu.enqueue_dma source(%dma_start3A_59 : memref<6x112xi32, #tpu.memory_space<hbm>>) target(%dma_start3A_55 : memref<6x112xi32, #tpu.memory_space<vmem>>) target_semaphore(%arg17 : memref<!tpu.dma_semaphore, #tpu.memory_space<semaphore_mem>>)
    %dma_start3A_60 = arith.constant 1 : i32
    %dma_start3A_61 = arith.constant 1 : i32
    %dma_start3A_62 = arith.constant 0 : i32
    %dma_start3A_63 = arith.constant 0 : i32
    %dma_start3A_64 = tpu.memref_slice %arg8[%dma_start3A_61, %dma_start3A_62, %dma_start3A_63] : memref<2x6x112xi32, #tpu.memory_space<vmem>> -> memref<1x6x112xi32, #tpu.memory_space<vmem>>
    %dma_start3A_65 = tpu.memref_squeeze %dma_start3A_64 : memref<1x6x112xi32, #tpu.memory_space<vmem>> -> memref<6x112xi32, #tpu.memory_space<vmem>>
    %dma_start3A_66 = arith.constant 0 : i32
    %dma_start3A_67 = arith.constant 0 : i32
    %dma_start3A_68 = tpu.memref_slice %arg4[%add3A, %dma_start3A_60, %dma_start3A_66, %dma_start3A_67] : memref<32x15x6x112xi32, #tpu.memory_space<hbm>> -> memref<1x1x6x112xi32, #tpu.memory_space<hbm>>
    %dma_start3A_69 = tpu.memref_squeeze %dma_start3A_68 : memref<1x1x6x112xi32, #tpu.memory_space<hbm>> -> memref<6x112xi32, #tpu.memory_space<hbm>>
    %dma_start3A_70 = arith.constant 0 : i32
    %dma_start3A_71 = arith.constant 0 : i32
    %dma_start3A_72 = tpu.memref_slice %arg8[%dma_start3A_61, %dma_start3A_70, %dma_start3A_71] : memref<2x6x112xi32, #tpu.memory_space<vmem>> -> memref<1x6x112xi32, #tpu.memory_space<vmem>>
    %dma_start3A_73 = tpu.memref_squeeze %dma_start3A_72 : memref<1x6x112xi32, #tpu.memory_space<vmem>> -> memref<6x112xi32, #tpu.memory_space<vmem>>
    %dma_start3A_74 = arith.constant 0 : i32
    %dma_start3A_75 = arith.constant 0 : i32
    %dma_start3A_76 = tpu.memref_slice %arg4[%add3A, %dma_start3A_60, %dma_start3A_74, %dma_start3A_75] : memref<32x15x6x112xi32, #tpu.memory_space<hbm>> -> memref<1x1x6x112xi32, #tpu.memory_space<hbm>>
    %dma_start3A_77 = tpu.memref_squeeze %dma_start3A_76 : memref<1x1x6x112xi32, #tpu.memory_space<hbm>> -> memref<6x112xi32, #tpu.memory_space<hbm>>
    tpu.enqueue_dma source(%dma_start3A_77 : memref<6x112xi32, #tpu.memory_space<hbm>>) target(%dma_start3A_73 : memref<6x112xi32, #tpu.memory_space<vmem>>) target_semaphore(%arg17 : memref<!tpu.dma_semaphore, #tpu.memory_space<semaphore_mem>>)
    %dma_wait3A = arith.constant 0 : i32
    %dma_wait3A_78 = arith.constant 0 : i32
    %dma_wait3A_79 = arith.constant 0 : i32
    %dma_wait3A_80 = arith.constant 0 : i32
    %dma_wait3A_81 = tpu.memref_slice %arg7[%dma_wait3A_78, %dma_wait3A_79, %dma_wait3A_80] : memref<2x6x112xi32, #tpu.memory_space<vmem>> -> memref<1x6x112xi32, #tpu.memory_space<vmem>>
    %dma_wait3A_82 = tpu.memref_squeeze %dma_wait3A_81 : memref<1x6x112xi32, #tpu.memory_space<vmem>> -> memref<6x112xi32, #tpu.memory_space<vmem>>
    %dma_wait3A_83 = arith.constant 0 : i32
    %dma_wait3A_84 = arith.constant 0 : i32
    %dma_wait3A_85 = tpu.memref_slice %arg3[%add3A, %dma_wait3A, %dma_wait3A_83, %dma_wait3A_84] : memref<32x15x6x112xi32, #tpu.memory_space<hbm>> -> memref<1x1x6x112xi32, #tpu.memory_space<hbm>>
    %dma_wait3A_86 = tpu.memref_squeeze %dma_wait3A_85 : memref<1x1x6x112xi32, #tpu.memory_space<hbm>> -> memref<6x112xi32, #tpu.memory_space<hbm>>
    %dma_wait3A_87 = arith.constant 0 : i32
    %dma_wait3A_88 = arith.constant 0 : i32
    %dma_wait3A_89 = tpu.memref_slice %arg7[%dma_wait3A_78, %dma_wait3A_87, %dma_wait3A_88] : memref<2x6x112xi32, #tpu.memory_space<vmem>> -> memref<1x6x112xi32, #tpu.memory_space<vmem>>
    %dma_wait3A_90 = tpu.memref_squeeze %dma_wait3A_89 : memref<1x6x112xi32, #tpu.memory_space<vmem>> -> memref<6x112xi32, #tpu.memory_space<vmem>>
    %dma_wait3A_91 = arith.constant 0 : i32
    %dma_wait3A_92 = arith.constant 0 : i32
    %dma_wait3A_93 = tpu.memref_slice %arg3[%add3A, %dma_wait3A, %dma_wait3A_91, %dma_wait3A_92] : memref<32x15x6x112xi32, #tpu.memory_space<hbm>> -> memref<1x1x6x112xi32, #tpu.memory_space<hbm>>
    %dma_wait3A_94 = tpu.memref_squeeze %dma_wait3A_93 : memref<1x1x6x112xi32, #tpu.memory_space<hbm>> -> memref<6x112xi32, #tpu.memory_space<hbm>>
    tpu.wait_dma2 semaphore(%arg16 : memref<!tpu.dma_semaphore, #tpu.memory_space<semaphore_mem>>) src(%dma_wait3A_94 : memref<6x112xi32, #tpu.memory_space<hbm>>) dst(%dma_wait3A_90 : memref<6x112xi32, #tpu.memory_space<vmem>>)
    %dma_wait3A_95 = arith.constant 0 : i32
    %dma_wait3A_96 = arith.constant 0 : i32
    %dma_wait3A_97 = arith.constant 0 : i32
    %dma_wait3A_98 = arith.constant 0 : i32
    %dma_wait3A_99 = tpu.memref_slice %arg8[%dma_wait3A_96, %dma_wait3A_97, %dma_wait3A_98] : memref<2x6x112xi32, #tpu.memory_space<vmem>> -> memref<1x6x112xi32, #tpu.memory_space<vmem>>
    %dma_wait3A_100 = tpu.memref_squeeze %dma_wait3A_99 : memref<1x6x112xi32, #tpu.memory_space<vmem>> -> memref<6x112xi32, #tpu.memory_space<vmem>>
    %dma_wait3A_101 = arith.constant 0 : i32
    %dma_wait3A_102 = arith.constant 0 : i32
    %dma_wait3A_103 = tpu.memref_slice %arg4[%add3A, %dma_wait3A_95, %dma_wait3A_101, %dma_wait3A_102] : memref<32x15x6x112xi32, #tpu.memory_space<hbm>> -> memref<1x1x6x112xi32, #tpu.memory_space<hbm>>
    %dma_wait3A_104 = tpu.memref_squeeze %dma_wait3A_103 : memref<1x1x6x112xi32, #tpu.memory_space<hbm>> -> memref<6x112xi32, #tpu.memory_space<hbm>>
    %dma_wait3A_105 = arith.constant 0 : i32
    %dma_wait3A_106 = arith.constant 0 : i32
    %dma_wait3A_107 = tpu.memref_slice %arg8[%dma_wait3A_96, %dma_wait3A_105, %dma_wait3A_106] : memref<2x6x112xi32, #tpu.memory_space<vmem>> -> memref<1x6x112xi32, #tpu.memory_space<vmem>>
    %dma_wait3A_108 = tpu.memref_squeeze %dma_wait3A_107 : memref<1x6x112xi32, #tpu.memory_space<vmem>> -> memref<6x112xi32, #tpu.memory_space<vmem>>
    %dma_wait3A_109 = arith.constant 0 : i32
    %dma_wait3A_110 = arith.constant 0 : i32
    %dma_wait3A_111 = tpu.memref_slice %arg4[%add3A, %dma_wait3A_95, %dma_wait3A_109, %dma_wait3A_110] : memref<32x15x6x112xi32, #tpu.memory_space<hbm>> -> memref<1x1x6x112xi32, #tpu.memory_space<hbm>>
    %dma_wait3A_112 = tpu.memref_squeeze %dma_wait3A_111 : memref<1x1x6x112xi32, #tpu.memory_space<hbm>> -> memref<6x112xi32, #tpu.memory_space<hbm>>
    tpu.wait_dma2 semaphore(%arg16 : memref<!tpu.dma_semaphore, #tpu.memory_space<semaphore_mem>>) src(%dma_wait3A_112 : memref<6x112xi32, #tpu.memory_space<hbm>>) dst(%dma_wait3A_108 : memref<6x112xi32, #tpu.memory_space<vmem>>)
    %dma_start3A_113 = arith.constant 0 : i32
    %dma_start3A_114 = arith.constant 0 : i32
    %dma_start3A_115 = arith.constant 0 : i32
    %dma_start3A_116 = tpu.memref_slice %arg7[%dma_start3A_113, %dma_start3A_114, %dma_start3A_115] : memref<2x6x112xi32, #tpu.memory_space<vmem>> -> memref<1x1x112xi32, #tpu.memory_space<vmem>>
    %dma_start3A_117 = tpu.memref_squeeze %dma_start3A_116 : memref<1x1x112xi32, #tpu.memory_space<vmem>> -> memref<112xi32, #tpu.memory_space<vmem>>
    %dma_start3A_118 = arith.constant 0 : i32
    %dma_start3A_119 = arith.constant 0 : i32
    %dma_start3A_120 = tpu.memref_slice %arg2[%dma_start3A_118, %dma_start3A_119] : memref<10000x128xf32, #tpu.memory_space<hbm>> -> memref<10000x128xf32, #tpu.memory_space<hbm>>
    tpu.enqueue_indirect_dma source(%dma_start3A_120 : memref<10000x128xf32, #tpu.memory_space<hbm>>) target(%arg9 : memref<112x128xf32, #tpu.memory_space<vmem>>) offsets(%dma_start3A_117 : memref<112xi32, #tpu.memory_space<vmem>>) semaphore(%arg13 : memref<!tpu.dma_semaphore, #tpu.memory_space<semaphore_mem>>)
    %dma_start3A_121 = arith.constant 0 : i32
    %dma_start3A_122 = arith.constant 1 : i32
    %dma_start3A_123 = arith.constant 0 : i32
    %dma_start3A_124 = tpu.memref_slice %arg7[%dma_start3A_121, %dma_start3A_122, %dma_start3A_123] : memref<2x6x112xi32, #tpu.memory_space<vmem>> -> memref<1x1x112xi32, #tpu.memory_space<vmem>>
    %dma_start3A_125 = tpu.memref_squeeze %dma_start3A_124 : memref<1x1x112xi32, #tpu.memory_space<vmem>> -> memref<112xi32, #tpu.memory_space<vmem>>
    %dma_start3A_126 = arith.constant 0 : i32
    %dma_start3A_127 = arith.constant 0 : i32
    %dma_start3A_128 = tpu.memref_slice %arg2[%dma_start3A_126, %dma_start3A_127] : memref<10000x128xf32, #tpu.memory_space<hbm>> -> memref<10000x128xf32, #tpu.memory_space<hbm>>
    tpu.enqueue_indirect_dma source(%dma_start3A_128 : memref<10000x128xf32, #tpu.memory_space<hbm>>) target(%arg10 : memref<112x128xf32, #tpu.memory_space<vmem>>) offsets(%dma_start3A_125 : memref<112xi32, #tpu.memory_space<vmem>>) semaphore(%arg14 : memref<!tpu.dma_semaphore, #tpu.memory_space<semaphore_mem>>)
    %dma_start3A_129 = arith.constant 0 : i32
    %dma_start3A_130 = arith.constant 2 : i32
    %dma_start3A_131 = arith.constant 0 : i32
    %dma_start3A_132 = tpu.memref_slice %arg7[%dma_start3A_129, %dma_start3A_130, %dma_start3A_131] : memref<2x6x112xi32, #tpu.memory_space<vmem>> -> memref<1x1x112xi32, #tpu.memory_space<vmem>>
    %dma_start3A_133 = tpu.memref_squeeze %dma_start3A_132 : memref<1x1x112xi32, #tpu.memory_space<vmem>> -> memref<112xi32, #tpu.memory_space<vmem>>
    %dma_start3A_134 = arith.constant 0 : i32
    %dma_start3A_135 = arith.constant 0 : i32
    %dma_start3A_136 = tpu.memref_slice %arg2[%dma_start3A_134, %dma_start3A_135] : memref<10000x128xf32, #tpu.memory_space<hbm>> -> memref<10000x128xf32, #tpu.memory_space<hbm>>
    tpu.enqueue_indirect_dma source(%dma_start3A_136 : memref<10000x128xf32, #tpu.memory_space<hbm>>) target(%arg11 : memref<112x128xf32, #tpu.memory_space<vmem>>) offsets(%dma_start3A_133 : memref<112xi32, #tpu.memory_space<vmem>>) semaphore(%arg15 : memref<!tpu.dma_semaphore, #tpu.memory_space<semaphore_mem>>)
    %dma_wait3A_137 = arith.constant 0 : i32
    %dma_wait3A_138 = tpu.memref_slice %arg12[%mul3A_2, %dma_wait3A_137] : memref<10240x128xf32, #tpu.memory_space<vmem_shared>> -> memref<640x128xf32, #tpu.memory_space<vmem_shared>>
    %dma_wait3A_139 = arith.constant 0 : i32
    %dma_wait3A_140 = tpu.memref_slice %arg5[%mul3A_2, %dma_wait3A_139] : memref<10240x128xf32, #tpu.memory_space<hbm>> -> memref<640x128xf32, #tpu.memory_space<hbm>>
    tpu.wait_dma2 semaphore(%arg18 : memref<!tpu.dma_semaphore, #tpu.memory_space<semaphore_mem>>) src(%dma_wait3A_140 : memref<640x128xf32, #tpu.memory_space<hbm>>) dst(%dma_wait3A_138 : memref<640x128xf32, #tpu.memory_space<vmem_shared>>)
    %barrier3A = arith.constant 0 : index
    tpu.barrier barrier_id(%barrier3A)
    %scan3A = arith.constant 0 : i32
    %scan3A_141 = arith.constant 6 : i32
    %scan3A_142 = arith.addi %scan3A, %scan3A_141 : i32
    %scan3A_143 = arith.constant 1 : i32
    scf.for %scan3A_553 = %scan3A to %scan3A_142 step %scan3A_143  : i32 {
      %mul3A_554 = arith.constant 2 : i32
      %mul3A_555 = arith.muli %scan3A_553, %mul3A_554 : i32
      %add3A_556 = arith.constant 0 : i32
      %add3A_557 = arith.addi %add3A_556, %mul3A_555 : i32
      %dma_wait3A_558 = arith.constant 0 : i32
      %dma_wait3A_559 = arith.constant 0 : i32
      %dma_wait3A_560 = arith.constant 0 : i32
      %dma_wait3A_561 = tpu.memref_slice %arg7[%dma_wait3A_558, %dma_wait3A_559, %dma_wait3A_560] : memref<2x6x112xi32, #tpu.memory_space<vmem>> -> memref<1x1x112xi32, #tpu.memory_space<vmem>>
      %dma_wait3A_562 = tpu.memref_squeeze %dma_wait3A_561 : memref<1x1x112xi32, #tpu.memory_space<vmem>> -> memref<112xi32, #tpu.memory_space<vmem>>
      %dma_wait3A_563 = arith.constant 0 : i32
      %dma_wait3A_564 = arith.constant 0 : i32
      %dma_wait3A_565 = tpu.memref_slice %arg2[%dma_wait3A_563, %dma_wait3A_564] : memref<10000x128xf32, #tpu.memory_space<hbm>> -> memref<10000x128xf32, #tpu.memory_space<hbm>>
      tpu.wait_indirect_dma semaphore(%arg13 : memref<!tpu.dma_semaphore, #tpu.memory_space<semaphore_mem>>) src(%dma_wait3A_565 : memref<10000x128xf32, #tpu.memory_space<hbm>>) dst(%arg9 : memref<112x128xf32, #tpu.memory_space<vmem>>)
      %run_scoped3A_566 = arith.constant 0 : i32
      %run_scoped3A_567 = arith.constant 0 : i32
      "tpu.region"() ({
        %run_scoped3A_920 = tpu.sem_alloc : memref<!tpu.dma_semaphore, #tpu.memory_space<semaphore_mem>>
        %dma_start3A_921 = arith.constant 0 : i32
        %dma_start3A_922 = tpu.memref_slice %arg8[%run_scoped3A_566, %run_scoped3A_567, %dma_start3A_921] : memref<2x6x112xi32, #tpu.memory_space<vmem>> -> memref<1x1x112xi32, #tpu.memory_space<vmem>>
        %dma_start3A_923 = tpu.memref_squeeze %dma_start3A_922 : memref<1x1x112xi32, #tpu.memory_space<vmem>> -> memref<112xi32, #tpu.memory_space<vmem>>
        %dma_start3A_924 = arith.constant 0 : i32
        %dma_start3A_925 = arith.constant 0 : i32
        %dma_start3A_926 = tpu.memref_slice %arg12[%dma_start3A_924, %dma_start3A_925] : memref<10240x128xf32, #tpu.memory_space<vmem_shared>> -> memref<10240x128xf32, #tpu.memory_space<vmem_shared>>
        tpu.enqueue_indirect_dma source(%arg9 : memref<112x128xf32, #tpu.memory_space<vmem>>) target(%dma_start3A_926 : memref<10240x128xf32, #tpu.memory_space<vmem_shared>>) offsets(%dma_start3A_923 : memref<112xi32, #tpu.memory_space<vmem>>) semaphore(%run_scoped3A_920 : memref<!tpu.dma_semaphore, #tpu.memory_space<semaphore_mem>>) {add = true}
        %dma_wait3A_927 = arith.constant 0 : i32
        %dma_wait3A_928 = tpu.memref_slice %arg8[%run_scoped3A_566, %run_scoped3A_567, %dma_wait3A_927] : memref<2x6x112xi32, #tpu.memory_space<vmem>> -> memref<1x1x112xi32, #tpu.memory_space<vmem>>
        %dma_wait3A_929 = tpu.memref_squeeze %dma_wait3A_928 : memref<1x1x112xi32, #tpu.memory_space<vmem>> -> memref<112xi32, #tpu.memory_space<vmem>>
        %dma_wait3A_930 = arith.constant 0 : i32
        %dma_wait3A_931 = arith.constant 0 : i32
        %dma_wait3A_932 = tpu.memref_slice %arg12[%dma_wait3A_930, %dma_wait3A_931] : memref<10240x128xf32, #tpu.memory_space<vmem_shared>> -> memref<10240x128xf32, #tpu.memory_space<vmem_shared>>
        tpu.wait_indirect_dma semaphore(%run_scoped3A_920 : memref<!tpu.dma_semaphore, #tpu.memory_space<semaphore_mem>>) src(%arg9 : memref<112x128xf32, #tpu.memory_space<vmem>>) dst(%dma_wait3A_932 : memref<10240x128xf32, #tpu.memory_space<vmem_shared>>)
        tpu.yield
      }) : () -> ()
      %dma_start3A_568 = arith.constant 0 : i32
      %dma_start3A_569 = arith.constant 3 : i32
      %dma_start3A_570 = arith.constant 0 : i32
      %dma_start3A_571 = tpu.memref_slice %arg7[%dma_start3A_568, %dma_start3A_569, %dma_start3A_570] : memref<2x6x112xi32, #tpu.memory_space<vmem>> -> memref<1x1x112xi32, #tpu.memory_space<vmem>>
      %dma_start3A_572 = tpu.memref_squeeze %dma_start3A_571 : memref<1x1x112xi32, #tpu.memory_space<vmem>> -> memref<112xi32, #tpu.memory_space<vmem>>
      %dma_start3A_573 = arith.constant 0 : i32
      %dma_start3A_574 = arith.constant 0 : i32
      %dma_start3A_575 = tpu.memref_slice %arg2[%dma_start3A_573, %dma_start3A_574] : memref<10000x128xf32, #tpu.memory_space<hbm>> -> memref<10000x128xf32, #tpu.memory_space<hbm>>
      tpu.enqueue_indirect_dma source(%dma_start3A_575 : memref<10000x128xf32, #tpu.memory_space<hbm>>) target(%arg9 : memref<112x128xf32, #tpu.memory_space<vmem>>) offsets(%dma_start3A_572 : memref<112xi32, #tpu.memory_space<vmem>>) semaphore(%arg13 : memref<!tpu.dma_semaphore, #tpu.memory_space<semaphore_mem>>)
      %dma_wait3A_576 = arith.constant 0 : i32
      %dma_wait3A_577 = arith.constant 0 : i32
      %dma_wait3A_578 = arith.constant 0 : i32
      %dma_wait3A_579 = tpu.memref_slice %arg7[%dma_wait3A_576, %dma_wait3A_577, %dma_wait3A_578] : memref<2x6x112xi32, #tpu.memory_space<vmem>> -> memref<1x1x112xi32, #tpu.memory_space<vmem>>
      %dma_wait3A_580 = tpu.memref_squeeze %dma_wait3A_579 : memref<1x1x112xi32, #tpu.memory_space<vmem>> -> memref<112xi32, #tpu.memory_space<vmem>>
      %dma_wait3A_581 = arith.constant 0 : i32
      %dma_wait3A_582 = arith.constant 0 : i32
      %dma_wait3A_583 = tpu.memref_slice %arg2[%dma_wait3A_581, %dma_wait3A_582] : memref<10000x128xf32, #tpu.memory_space<hbm>> -> memref<10000x128xf32, #tpu.memory_space<hbm>>
      tpu.wait_indirect_dma semaphore(%arg14 : memref<!tpu.dma_semaphore, #tpu.memory_space<semaphore_mem>>) src(%dma_wait3A_583 : memref<10000x128xf32, #tpu.memory_space<hbm>>) dst(%arg10 : memref<112x128xf32, #tpu.memory_space<vmem>>)
      %run_scoped3A_584 = arith.constant 0 : i32
      %run_scoped3A_585 = arith.constant 1 : i32
      "tpu.region"() ({
        %run_scoped3A_920 = tpu.sem_alloc : memref<!tpu.dma_semaphore, #tpu.memory_space<semaphore_mem>>
        %dma_start3A_921 = arith.constant 0 : i32
        %dma_start3A_922 = tpu.memref_slice %arg8[%run_scoped3A_584, %run_scoped3A_585, %dma_start3A_921] : memref<2x6x112xi32, #tpu.memory_space<vmem>> -> memref<1x1x112xi32, #tpu.memory_space<vmem>>
        %dma_start3A_923 = tpu.memref_squeeze %dma_start3A_922 : memref<1x1x112xi32, #tpu.memory_space<vmem>> -> memref<112xi32, #tpu.memory_space<vmem>>
        %dma_start3A_924 = arith.constant 0 : i32
        %dma_start3A_925 = arith.constant 0 : i32
        %dma_start3A_926 = tpu.memref_slice %arg12[%dma_start3A_924, %dma_start3A_925] : memref<10240x128xf32, #tpu.memory_space<vmem_shared>> -> memref<10240x128xf32, #tpu.memory_space<vmem_shared>>
        tpu.enqueue_indirect_dma source(%arg10 : memref<112x128xf32, #tpu.memory_space<vmem>>) target(%dma_start3A_926 : memref<10240x128xf32, #tpu.memory_space<vmem_shared>>) offsets(%dma_start3A_923 : memref<112xi32, #tpu.memory_space<vmem>>) semaphore(%run_scoped3A_920 : memref<!tpu.dma_semaphore, #tpu.memory_space<semaphore_mem>>) {add = true}
        %dma_wait3A_927 = arith.constant 0 : i32
        %dma_wait3A_928 = tpu.memref_slice %arg8[%run_scoped3A_584, %run_scoped3A_585, %dma_wait3A_927] : memref<2x6x112xi32, #tpu.memory_space<vmem>> -> memref<1x1x112xi32, #tpu.memory_space<vmem>>
        %dma_wait3A_929 = tpu.memref_squeeze %dma_wait3A_928 : memref<1x1x112xi32, #tpu.memory_space<vmem>> -> memref<112xi32, #tpu.memory_space<vmem>>
        %dma_wait3A_930 = arith.constant 0 : i32
        %dma_wait3A_931 = arith.constant 0 : i32
        %dma_wait3A_932 = tpu.memref_slice %arg12[%dma_wait3A_930, %dma_wait3A_931] : memref<10240x128xf32, #tpu.memory_space<vmem_shared>> -> memref<10240x128xf32, #tpu.memory_space<vmem_shared>>
        tpu.wait_indirect_dma semaphore(%run_scoped3A_920 : memref<!tpu.dma_semaphore, #tpu.memory_space<semaphore_mem>>) src(%arg10 : memref<112x128xf32, #tpu.memory_space<vmem>>) dst(%dma_wait3A_932 : memref<10240x128xf32, #tpu.memory_space<vmem_shared>>)
        tpu.yield
      }) : () -> ()
      %dma_start3A_586 = arith.constant 0 : i32
      %dma_start3A_587 = arith.constant 4 : i32
      %dma_start3A_588 = arith.constant 0 : i32
      %dma_start3A_589 = tpu.memref_slice %arg7[%dma_start3A_586, %dma_start3A_587, %dma_start3A_588] : memref<2x6x112xi32, #tpu.memory_space<vmem>> -> memref<1x1x112xi32, #tpu.memory_space<vmem>>
      %dma_start3A_590 = tpu.memref_squeeze %dma_start3A_589 : memref<1x1x112xi32, #tpu.memory_space<vmem>> -> memref<112xi32, #tpu.memory_space<vmem>>
      %dma_start3A_591 = arith.constant 0 : i32
      %dma_start3A_592 = arith.constant 0 : i32
      %dma_start3A_593 = tpu.memref_slice %arg2[%dma_start3A_591, %dma_start3A_592] : memref<10000x128xf32, #tpu.memory_space<hbm>> -> memref<10000x128xf32, #tpu.memory_space<hbm>>
      tpu.enqueue_indirect_dma source(%dma_start3A_593 : memref<10000x128xf32, #tpu.memory_space<hbm>>) target(%arg10 : memref<112x128xf32, #tpu.memory_space<vmem>>) offsets(%dma_start3A_590 : memref<112xi32, #tpu.memory_space<vmem>>) semaphore(%arg14 : memref<!tpu.dma_semaphore, #tpu.memory_space<semaphore_mem>>)
      %dma_wait3A_594 = arith.constant 0 : i32
      %dma_wait3A_595 = arith.constant 0 : i32
      %dma_wait3A_596 = arith.constant 0 : i32
      %dma_wait3A_597 = tpu.memref_slice %arg7[%dma_wait3A_594, %dma_wait3A_595, %dma_wait3A_596] : memref<2x6x112xi32, #tpu.memory_space<vmem>> -> memref<1x1x112xi32, #tpu.memory_space<vmem>>
      %dma_wait3A_598 = tpu.memref_squeeze %dma_wait3A_597 : memref<1x1x112xi32, #tpu.memory_space<vmem>> -> memref<112xi32, #tpu.memory_space<vmem>>
      %dma_wait3A_599 = arith.constant 0 : i32
      %dma_wait3A_600 = arith.constant 0 : i32
      %dma_wait3A_601 = tpu.memref_slice %arg2[%dma_wait3A_599, %dma_wait3A_600] : memref<10000x128xf32, #tpu.memory_space<hbm>> -> memref<10000x128xf32, #tpu.memory_space<hbm>>
      tpu.wait_indirect_dma semaphore(%arg15 : memref<!tpu.dma_semaphore, #tpu.memory_space<semaphore_mem>>) src(%dma_wait3A_601 : memref<10000x128xf32, #tpu.memory_space<hbm>>) dst(%arg11 : memref<112x128xf32, #tpu.memory_space<vmem>>)
      %run_scoped3A_602 = arith.constant 0 : i32
      %run_scoped3A_603 = arith.constant 2 : i32
      "tpu.region"() ({
        %run_scoped3A_920 = tpu.sem_alloc : memref<!tpu.dma_semaphore, #tpu.memory_space<semaphore_mem>>
        %dma_start3A_921 = arith.constant 0 : i32
        %dma_start3A_922 = tpu.memref_slice %arg8[%run_scoped3A_602, %run_scoped3A_603, %dma_start3A_921] : memref<2x6x112xi32, #tpu.memory_space<vmem>> -> memref<1x1x112xi32, #tpu.memory_space<vmem>>
        %dma_start3A_923 = tpu.memref_squeeze %dma_start3A_922 : memref<1x1x112xi32, #tpu.memory_space<vmem>> -> memref<112xi32, #tpu.memory_space<vmem>>
        %dma_start3A_924 = arith.constant 0 : i32
        %dma_start3A_925 = arith.constant 0 : i32
        %dma_start3A_926 = tpu.memref_slice %arg12[%dma_start3A_924, %dma_start3A_925] : memref<10240x128xf32, #tpu.memory_space<vmem_shared>> -> memref<10240x128xf32, #tpu.memory_space<vmem_shared>>
        tpu.enqueue_indirect_dma source(%arg11 : memref<112x128xf32, #tpu.memory_space<vmem>>) target(%dma_start3A_926 : memref<10240x128xf32, #tpu.memory_space<vmem_shared>>) offsets(%dma_start3A_923 : memref<112xi32, #tpu.memory_space<vmem>>) semaphore(%run_scoped3A_920 : memref<!tpu.dma_semaphore, #tpu.memory_space<semaphore_mem>>) {add = true}
        %dma_wait3A_927 = arith.constant 0 : i32
        %dma_wait3A_928 = tpu.memref_slice %arg8[%run_scoped3A_602, %run_scoped3A_603, %dma_wait3A_927] : memref<2x6x112xi32, #tpu.memory_space<vmem>> -> memref<1x1x112xi32, #tpu.memory_space<vmem>>
        %dma_wait3A_929 = tpu.memref_squeeze %dma_wait3A_928 : memref<1x1x112xi32, #tpu.memory_space<vmem>> -> memref<112xi32, #tpu.memory_space<vmem>>
        %dma_wait3A_930 = arith.constant 0 : i32
        %dma_wait3A_931 = arith.constant 0 : i32
        %dma_wait3A_932 = tpu.memref_slice %arg12[%dma_wait3A_930, %dma_wait3A_931] : memref<10240x128xf32, #tpu.memory_space<vmem_shared>> -> memref<10240x128xf32, #tpu.memory_space<vmem_shared>>
        tpu.wait_indirect_dma semaphore(%run_scoped3A_920 : memref<!tpu.dma_semaphore, #tpu.memory_space<semaphore_mem>>) src(%arg11 : memref<112x128xf32, #tpu.memory_space<vmem>>) dst(%dma_wait3A_932 : memref<10240x128xf32, #tpu.memory_space<vmem_shared>>)
        tpu.yield
      }) : () -> ()
      %dma_start3A_604 = arith.constant 0 : i32
      %dma_start3A_605 = arith.constant 5 : i32
      %dma_start3A_606 = arith.constant 0 : i32
      %dma_start3A_607 = tpu.memref_slice %arg7[%dma_start3A_604, %dma_start3A_605, %dma_start3A_606] : memref<2x6x112xi32, #tpu.memory_space<vmem>> -> memref<1x1x112xi32, #tpu.memory_space<vmem>>
      %dma_start3A_608 = tpu.memref_squeeze %dma_start3A_607 : memref<1x1x112xi32, #tpu.memory_space<vmem>> -> memref<112xi32, #tpu.memory_space<vmem>>
      %dma_start3A_609 = arith.constant 0 : i32
      %dma_start3A_610 = arith.constant 0 : i32
      %dma_start3A_611 = tpu.memref_slice %arg2[%dma_start3A_609, %dma_start3A_610] : memref<10000x128xf32, #tpu.memory_space<hbm>> -> memref<10000x128xf32, #tpu.memory_space<hbm>>
      tpu.enqueue_indirect_dma source(%dma_start3A_611 : memref<10000x128xf32, #tpu.memory_space<hbm>>) target(%arg11 : memref<112x128xf32, #tpu.memory_space<vmem>>) offsets(%dma_start3A_608 : memref<112xi32, #tpu.memory_space<vmem>>) semaphore(%arg15 : memref<!tpu.dma_semaphore, #tpu.memory_space<semaphore_mem>>)
      %dma_wait3A_612 = arith.constant 0 : i32
      %dma_wait3A_613 = arith.constant 0 : i32
      %dma_wait3A_614 = arith.constant 0 : i32
      %dma_wait3A_615 = tpu.memref_slice %arg7[%dma_wait3A_612, %dma_wait3A_613, %dma_wait3A_614] : memref<2x6x112xi32, #tpu.memory_space<vmem>> -> memref<1x1x112xi32, #tpu.memory_space<vmem>>
      %dma_wait3A_616 = tpu.memref_squeeze %dma_wait3A_615 : memref<1x1x112xi32, #tpu.memory_space<vmem>> -> memref<112xi32, #tpu.memory_space<vmem>>
      %dma_wait3A_617 = arith.constant 0 : i32
      %dma_wait3A_618 = arith.constant 0 : i32
      %dma_wait3A_619 = tpu.memref_slice %arg2[%dma_wait3A_617, %dma_wait3A_618] : memref<10000x128xf32, #tpu.memory_space<hbm>> -> memref<10000x128xf32, #tpu.memory_space<hbm>>
      tpu.wait_indirect_dma semaphore(%arg13 : memref<!tpu.dma_semaphore, #tpu.memory_space<semaphore_mem>>) src(%dma_wait3A_619 : memref<10000x128xf32, #tpu.memory_space<hbm>>) dst(%arg9 : memref<112x128xf32, #tpu.memory_space<vmem>>)
      %run_scoped3A_620 = arith.constant 0 : i32
      %run_scoped3A_621 = arith.constant 3 : i32
      "tpu.region"() ({
        %run_scoped3A_920 = tpu.sem_alloc : memref<!tpu.dma_semaphore, #tpu.memory_space<semaphore_mem>>
        %dma_start3A_921 = arith.constant 0 : i32
        %dma_start3A_922 = tpu.memref_slice %arg8[%run_scoped3A_620, %run_scoped3A_621, %dma_start3A_921] : memref<2x6x112xi32, #tpu.memory_space<vmem>> -> memref<1x1x112xi32, #tpu.memory_space<vmem>>
        %dma_start3A_923 = tpu.memref_squeeze %dma_start3A_922 : memref<1x1x112xi32, #tpu.memory_space<vmem>> -> memref<112xi32, #tpu.memory_space<vmem>>
        %dma_start3A_924 = arith.constant 0 : i32
        %dma_start3A_925 = arith.constant 0 : i32
        %dma_start3A_926 = tpu.memref_slice %arg12[%dma_start3A_924, %dma_start3A_925] : memref<10240x128xf32, #tpu.memory_space<vmem_shared>> -> memref<10240x128xf32, #tpu.memory_space<vmem_shared>>
        tpu.enqueue_indirect_dma source(%arg9 : memref<112x128xf32, #tpu.memory_space<vmem>>) target(%dma_start3A_926 : memref<10240x128xf32, #tpu.memory_space<vmem_shared>>) offsets(%dma_start3A_923 : memref<112xi32, #tpu.memory_space<vmem>>) semaphore(%run_scoped3A_920 : memref<!tpu.dma_semaphore, #tpu.memory_space<semaphore_mem>>) {add = true}
        %dma_wait3A_927 = arith.constant 0 : i32
        %dma_wait3A_928 = tpu.memref_slice %arg8[%run_scoped3A_620, %run_scoped3A_621, %dma_wait3A_927] : memref<2x6x112xi32, #tpu.memory_space<vmem>> -> memref<1x1x112xi32, #tpu.memory_space<vmem>>
        %dma_wait3A_929 = tpu.memref_squeeze %dma_wait3A_928 : memref<1x1x112xi32, #tpu.memory_space<vmem>> -> memref<112xi32, #tpu.memory_space<vmem>>
        %dma_wait3A_930 = arith.constant 0 : i32
        %dma_wait3A_931 = arith.constant 0 : i32
        %dma_wait3A_932 = tpu.memref_slice %arg12[%dma_wait3A_930, %dma_wait3A_931] : memref<10240x128xf32, #tpu.memory_space<vmem_shared>> -> memref<10240x128xf32, #tpu.memory_space<vmem_shared>>
        tpu.wait_indirect_dma semaphore(%run_scoped3A_920 : memref<!tpu.dma_semaphore, #tpu.memory_space<semaphore_mem>>) src(%arg9 : memref<112x128xf32, #tpu.memory_space<vmem>>) dst(%dma_wait3A_932 : memref<10240x128xf32, #tpu.memory_space<vmem_shared>>)
        tpu.yield
      }) : () -> ()
      %add3A_622 = arith.constant 1 : i32
      %add3A_623 = arith.addi %add3A_557, %add3A_622 : i32
      %dma_wait3A_624 = arith.constant 1 : i32
      %dma_wait3A_625 = arith.constant 0 : i32
      %dma_wait3A_626 = arith.constant 0 : i32
      %dma_wait3A_627 = tpu.memref_slice %arg7[%dma_wait3A_624, %dma_wait3A_625, %dma_wait3A_626] : memref<2x6x112xi32, #tpu.memory_space<vmem>> -> memref<1x6x112xi32, #tpu.memory_space<vmem>>
      %dma_wait3A_628 = tpu.memref_squeeze %dma_wait3A_627 : memref<1x6x112xi32, #tpu.memory_space<vmem>> -> memref<6x112xi32, #tpu.memory_space<vmem>>
      %dma_wait3A_629 = arith.constant 0 : i32
      %dma_wait3A_630 = arith.constant 0 : i32
      %dma_wait3A_631 = tpu.memref_slice %arg3[%add3A, %add3A_623, %dma_wait3A_629, %dma_wait3A_630] : memref<32x15x6x112xi32, #tpu.memory_space<hbm>> -> memref<1x1x6x112xi32, #tpu.memory_space<hbm>>
      %dma_wait3A_632 = tpu.memref_squeeze %dma_wait3A_631 : memref<1x1x6x112xi32, #tpu.memory_space<hbm>> -> memref<6x112xi32, #tpu.memory_space<hbm>>
      %dma_wait3A_633 = arith.constant 0 : i32
      %dma_wait3A_634 = arith.constant 0 : i32
      %dma_wait3A_635 = tpu.memref_slice %arg7[%dma_wait3A_624, %dma_wait3A_633, %dma_wait3A_634] : memref<2x6x112xi32, #tpu.memory_space<vmem>> -> memref<1x6x112xi32, #tpu.memory_space<vmem>>
      %dma_wait3A_636 = tpu.memref_squeeze %dma_wait3A_635 : memref<1x6x112xi32, #tpu.memory_space<vmem>> -> memref<6x112xi32, #tpu.memory_space<vmem>>
      %dma_wait3A_637 = arith.constant 0 : i32
      %dma_wait3A_638 = arith.constant 0 : i32
      %dma_wait3A_639 = tpu.memref_slice %arg3[%add3A, %add3A_623, %dma_wait3A_637, %dma_wait3A_638] : memref<32x15x6x112xi32, #tpu.memory_space<hbm>> -> memref<1x1x6x112xi32, #tpu.memory_space<hbm>>
      %dma_wait3A_640 = tpu.memref_squeeze %dma_wait3A_639 : memref<1x1x6x112xi32, #tpu.memory_space<hbm>> -> memref<6x112xi32, #tpu.memory_space<hbm>>
      tpu.wait_dma2 semaphore(%arg17 : memref<!tpu.dma_semaphore, #tpu.memory_space<semaphore_mem>>) src(%dma_wait3A_640 : memref<6x112xi32, #tpu.memory_space<hbm>>) dst(%dma_wait3A_636 : memref<6x112xi32, #tpu.memory_space<vmem>>)
      %dma_wait3A_641 = arith.constant 1 : i32
      %dma_wait3A_642 = arith.constant 0 : i32
      %dma_wait3A_643 = arith.constant 0 : i32
      %dma_wait3A_644 = tpu.memref_slice %arg8[%dma_wait3A_641, %dma_wait3A_642, %dma_wait3A_643] : memref<2x6x112xi32, #tpu.memory_space<vmem>> -> memref<1x6x112xi32, #tpu.memory_space<vmem>>
      %dma_wait3A_645 = tpu.memref_squeeze %dma_wait3A_644 : memref<1x6x112xi32, #tpu.memory_space<vmem>> -> memref<6x112xi32, #tpu.memory_space<vmem>>
      %dma_wait3A_646 = arith.constant 0 : i32
      %dma_wait3A_647 = arith.constant 0 : i32
      %dma_wait3A_648 = tpu.memref_slice %arg4[%add3A, %add3A_623, %dma_wait3A_646, %dma_wait3A_647] : memref<32x15x6x112xi32, #tpu.memory_space<hbm>> -> memref<1x1x6x112xi32, #tpu.memory_space<hbm>>
      %dma_wait3A_649 = tpu.memref_squeeze %dma_wait3A_648 : memref<1x1x6x112xi32, #tpu.memory_space<hbm>> -> memref<6x112xi32, #tpu.memory_space<hbm>>
      %dma_wait3A_650 = arith.constant 0 : i32
      %dma_wait3A_651 = arith.constant 0 : i32
      %dma_wait3A_652 = tpu.memref_slice %arg8[%dma_wait3A_641, %dma_wait3A_650, %dma_wait3A_651] : memref<2x6x112xi32, #tpu.memory_space<vmem>> -> memref<1x6x112xi32, #tpu.memory_space<vmem>>
      %dma_wait3A_653 = tpu.memref_squeeze %dma_wait3A_652 : memref<1x6x112xi32, #tpu.memory_space<vmem>> -> memref<6x112xi32, #tpu.memory_space<vmem>>
      %dma_wait3A_654 = arith.constant 0 : i32
      %dma_wait3A_655 = arith.constant 0 : i32
      %dma_wait3A_656 = tpu.memref_slice %arg4[%add3A, %add3A_623, %dma_wait3A_654, %dma_wait3A_655] : memref<32x15x6x112xi32, #tpu.memory_space<hbm>> -> memref<1x1x6x112xi32, #tpu.memory_space<hbm>>
      %dma_wait3A_657 = tpu.memref_squeeze %dma_wait3A_656 : memref<1x1x6x112xi32, #tpu.memory_space<hbm>> -> memref<6x112xi32, #tpu.memory_space<hbm>>
      tpu.wait_dma2 semaphore(%arg17 : memref<!tpu.dma_semaphore, #tpu.memory_space<semaphore_mem>>) src(%dma_wait3A_657 : memref<6x112xi32, #tpu.memory_space<hbm>>) dst(%dma_wait3A_653 : memref<6x112xi32, #tpu.memory_space<vmem>>)
      %dma_start3A_658 = arith.constant 1 : i32
      %dma_start3A_659 = arith.constant 0 : i32
      %dma_start3A_660 = arith.constant 0 : i32
      %dma_start3A_661 = tpu.memref_slice %arg7[%dma_start3A_658, %dma_start3A_659, %dma_start3A_660] : memref<2x6x112xi32, #tpu.memory_space<vmem>> -> memref<1x1x112xi32, #tpu.memory_space<vmem>>
      %dma_start3A_662 = tpu.memref_squeeze %dma_start3A_661 : memref<1x1x112xi32, #tpu.memory_space<vmem>> -> memref<112xi32, #tpu.memory_space<vmem>>
      %dma_start3A_663 = arith.constant 0 : i32
      %dma_start3A_664 = arith.constant 0 : i32
      %dma_start3A_665 = tpu.memref_slice %arg2[%dma_start3A_663, %dma_start3A_664] : memref<10000x128xf32, #tpu.memory_space<hbm>> -> memref<10000x128xf32, #tpu.memory_space<hbm>>
      tpu.enqueue_indirect_dma source(%dma_start3A_665 : memref<10000x128xf32, #tpu.memory_space<hbm>>) target(%arg9 : memref<112x128xf32, #tpu.memory_space<vmem>>) offsets(%dma_start3A_662 : memref<112xi32, #tpu.memory_space<vmem>>) semaphore(%arg13 : memref<!tpu.dma_semaphore, #tpu.memory_space<semaphore_mem>>)
      %dma_wait3A_666 = arith.constant 0 : i32
      %dma_wait3A_667 = arith.constant 0 : i32
      %dma_wait3A_668 = arith.constant 0 : i32
      %dma_wait3A_669 = tpu.memref_slice %arg7[%dma_wait3A_666, %dma_wait3A_667, %dma_wait3A_668] : memref<2x6x112xi32, #tpu.memory_space<vmem>> -> memref<1x1x112xi32, #tpu.memory_space<vmem>>
      %dma_wait3A_670 = tpu.memref_squeeze %dma_wait3A_669 : memref<1x1x112xi32, #tpu.memory_space<vmem>> -> memref<112xi32, #tpu.memory_space<vmem>>
      %dma_wait3A_671 = arith.constant 0 : i32
      %dma_wait3A_672 = arith.constant 0 : i32
      %dma_wait3A_673 = tpu.memref_slice %arg2[%dma_wait3A_671, %dma_wait3A_672] : memref<10000x128xf32, #tpu.memory_space<hbm>> -> memref<10000x128xf32, #tpu.memory_space<hbm>>
      tpu.wait_indirect_dma semaphore(%arg14 : memref<!tpu.dma_semaphore, #tpu.memory_space<semaphore_mem>>) src(%dma_wait3A_673 : memref<10000x128xf32, #tpu.memory_space<hbm>>) dst(%arg10 : memref<112x128xf32, #tpu.memory_space<vmem>>)
      %run_scoped3A_674 = arith.constant 0 : i32
      %run_scoped3A_675 = arith.constant 4 : i32
      "tpu.region"() ({
        %run_scoped3A_920 = tpu.sem_alloc : memref<!tpu.dma_semaphore, #tpu.memory_space<semaphore_mem>>
        %dma_start3A_921 = arith.constant 0 : i32
        %dma_start3A_922 = tpu.memref_slice %arg8[%run_scoped3A_674, %run_scoped3A_675, %dma_start3A_921] : memref<2x6x112xi32, #tpu.memory_space<vmem>> -> memref<1x1x112xi32, #tpu.memory_space<vmem>>
        %dma_start3A_923 = tpu.memref_squeeze %dma_start3A_922 : memref<1x1x112xi32, #tpu.memory_space<vmem>> -> memref<112xi32, #tpu.memory_space<vmem>>
        %dma_start3A_924 = arith.constant 0 : i32
        %dma_start3A_925 = arith.constant 0 : i32
        %dma_start3A_926 = tpu.memref_slice %arg12[%dma_start3A_924, %dma_start3A_925] : memref<10240x128xf32, #tpu.memory_space<vmem_shared>> -> memref<10240x128xf32, #tpu.memory_space<vmem_shared>>
        tpu.enqueue_indirect_dma source(%arg10 : memref<112x128xf32, #tpu.memory_space<vmem>>) target(%dma_start3A_926 : memref<10240x128xf32, #tpu.memory_space<vmem_shared>>) offsets(%dma_start3A_923 : memref<112xi32, #tpu.memory_space<vmem>>) semaphore(%run_scoped3A_920 : memref<!tpu.dma_semaphore, #tpu.memory_space<semaphore_mem>>) {add = true}
        %dma_wait3A_927 = arith.constant 0 : i32
        %dma_wait3A_928 = tpu.memref_slice %arg8[%run_scoped3A_674, %run_scoped3A_675, %dma_wait3A_927] : memref<2x6x112xi32, #tpu.memory_space<vmem>> -> memref<1x1x112xi32, #tpu.memory_space<vmem>>
        %dma_wait3A_929 = tpu.memref_squeeze %dma_wait3A_928 : memref<1x1x112xi32, #tpu.memory_space<vmem>> -> memref<112xi32, #tpu.memory_space<vmem>>
        %dma_wait3A_930 = arith.constant 0 : i32
        %dma_wait3A_931 = arith.constant 0 : i32
        %dma_wait3A_932 = tpu.memref_slice %arg12[%dma_wait3A_930, %dma_wait3A_931] : memref<10240x128xf32, #tpu.memory_space<vmem_shared>> -> memref<10240x128xf32, #tpu.memory_space<vmem_shared>>
        tpu.wait_indirect_dma semaphore(%run_scoped3A_920 : memref<!tpu.dma_semaphore, #tpu.memory_space<semaphore_mem>>) src(%arg10 : memref<112x128xf32, #tpu.memory_space<vmem>>) dst(%dma_wait3A_932 : memref<10240x128xf32, #tpu.memory_space<vmem_shared>>)
        tpu.yield
      }) : () -> ()
      %dma_start3A_676 = arith.constant 1 : i32
      %dma_start3A_677 = arith.constant 1 : i32
      %dma_start3A_678 = arith.constant 0 : i32
      %dma_start3A_679 = tpu.memref_slice %arg7[%dma_start3A_676, %dma_start3A_677, %dma_start3A_678] : memref<2x6x112xi32, #tpu.memory_space<vmem>> -> memref<1x1x112xi32, #tpu.memory_space<vmem>>
      %dma_start3A_680 = tpu.memref_squeeze %dma_start3A_679 : memref<1x1x112xi32, #tpu.memory_space<vmem>> -> memref<112xi32, #tpu.memory_space<vmem>>
      %dma_start3A_681 = arith.constant 0 : i32
      %dma_start3A_682 = arith.constant 0 : i32
      %dma_start3A_683 = tpu.memref_slice %arg2[%dma_start3A_681, %dma_start3A_682] : memref<10000x128xf32, #tpu.memory_space<hbm>> -> memref<10000x128xf32, #tpu.memory_space<hbm>>
      tpu.enqueue_indirect_dma source(%dma_start3A_683 : memref<10000x128xf32, #tpu.memory_space<hbm>>) target(%arg10 : memref<112x128xf32, #tpu.memory_space<vmem>>) offsets(%dma_start3A_680 : memref<112xi32, #tpu.memory_space<vmem>>) semaphore(%arg14 : memref<!tpu.dma_semaphore, #tpu.memory_space<semaphore_mem>>)
      %dma_wait3A_684 = arith.constant 0 : i32
      %dma_wait3A_685 = arith.constant 0 : i32
      %dma_wait3A_686 = arith.constant 0 : i32
      %dma_wait3A_687 = tpu.memref_slice %arg7[%dma_wait3A_684, %dma_wait3A_685, %dma_wait3A_686] : memref<2x6x112xi32, #tpu.memory_space<vmem>> -> memref<1x1x112xi32, #tpu.memory_space<vmem>>
      %dma_wait3A_688 = tpu.memref_squeeze %dma_wait3A_687 : memref<1x1x112xi32, #tpu.memory_space<vmem>> -> memref<112xi32, #tpu.memory_space<vmem>>
      %dma_wait3A_689 = arith.constant 0 : i32
      %dma_wait3A_690 = arith.constant 0 : i32
      %dma_wait3A_691 = tpu.memref_slice %arg2[%dma_wait3A_689, %dma_wait3A_690] : memref<10000x128xf32, #tpu.memory_space<hbm>> -> memref<10000x128xf32, #tpu.memory_space<hbm>>
      tpu.wait_indirect_dma semaphore(%arg15 : memref<!tpu.dma_semaphore, #tpu.memory_space<semaphore_mem>>) src(%dma_wait3A_691 : memref<10000x128xf32, #tpu.memory_space<hbm>>) dst(%arg11 : memref<112x128xf32, #tpu.memory_space<vmem>>)
      %run_scoped3A_692 = arith.constant 0 : i32
      %run_scoped3A_693 = arith.constant 5 : i32
      "tpu.region"() ({
        %run_scoped3A_920 = tpu.sem_alloc : memref<!tpu.dma_semaphore, #tpu.memory_space<semaphore_mem>>
        %dma_start3A_921 = arith.constant 0 : i32
        %dma_start3A_922 = tpu.memref_slice %arg8[%run_scoped3A_692, %run_scoped3A_693, %dma_start3A_921] : memref<2x6x112xi32, #tpu.memory_space<vmem>> -> memref<1x1x112xi32, #tpu.memory_space<vmem>>
        %dma_start3A_923 = tpu.memref_squeeze %dma_start3A_922 : memref<1x1x112xi32, #tpu.memory_space<vmem>> -> memref<112xi32, #tpu.memory_space<vmem>>
        %dma_start3A_924 = arith.constant 0 : i32
        %dma_start3A_925 = arith.constant 0 : i32
        %dma_start3A_926 = tpu.memref_slice %arg12[%dma_start3A_924, %dma_start3A_925] : memref<10240x128xf32, #tpu.memory_space<vmem_shared>> -> memref<10240x128xf32, #tpu.memory_space<vmem_shared>>
        tpu.enqueue_indirect_dma source(%arg11 : memref<112x128xf32, #tpu.memory_space<vmem>>) target(%dma_start3A_926 : memref<10240x128xf32, #tpu.memory_space<vmem_shared>>) offsets(%dma_start3A_923 : memref<112xi32, #tpu.memory_space<vmem>>) semaphore(%run_scoped3A_920 : memref<!tpu.dma_semaphore, #tpu.memory_space<semaphore_mem>>) {add = true}
        %dma_wait3A_927 = arith.constant 0 : i32
        %dma_wait3A_928 = tpu.memref_slice %arg8[%run_scoped3A_692, %run_scoped3A_693, %dma_wait3A_927] : memref<2x6x112xi32, #tpu.memory_space<vmem>> -> memref<1x1x112xi32, #tpu.memory_space<vmem>>
        %dma_wait3A_929 = tpu.memref_squeeze %dma_wait3A_928 : memref<1x1x112xi32, #tpu.memory_space<vmem>> -> memref<112xi32, #tpu.memory_space<vmem>>
        %dma_wait3A_930 = arith.constant 0 : i32
        %dma_wait3A_931 = arith.constant 0 : i32
        %dma_wait3A_932 = tpu.memref_slice %arg12[%dma_wait3A_930, %dma_wait3A_931] : memref<10240x128xf32, #tpu.memory_space<vmem_shared>> -> memref<10240x128xf32, #tpu.memory_space<vmem_shared>>
        tpu.wait_indirect_dma semaphore(%run_scoped3A_920 : memref<!tpu.dma_semaphore, #tpu.memory_space<semaphore_mem>>) src(%arg11 : memref<112x128xf32, #tpu.memory_space<vmem>>) dst(%dma_wait3A_932 : memref<10240x128xf32, #tpu.memory_space<vmem_shared>>)
        tpu.yield
      }) : () -> ()
      %dma_start3A_694 = arith.constant 1 : i32
      %dma_start3A_695 = arith.constant 2 : i32
      %dma_start3A_696 = arith.constant 0 : i32
      %dma_start3A_697 = tpu.memref_slice %arg7[%dma_start3A_694, %dma_start3A_695, %dma_start3A_696] : memref<2x6x112xi32, #tpu.memory_space<vmem>> -> memref<1x1x112xi32, #tpu.memory_space<vmem>>
      %dma_start3A_698 = tpu.memref_squeeze %dma_start3A_697 : memref<1x1x112xi32, #tpu.memory_space<vmem>> -> memref<112xi32, #tpu.memory_space<vmem>>
      %dma_start3A_699 = arith.constant 0 : i32
      %dma_start3A_700 = arith.constant 0 : i32
      %dma_start3A_701 = tpu.memref_slice %arg2[%dma_start3A_699, %dma_start3A_700] : memref<10000x128xf32, #tpu.memory_space<hbm>> -> memref<10000x128xf32, #tpu.memory_space<hbm>>
      tpu.enqueue_indirect_dma source(%dma_start3A_701 : memref<10000x128xf32, #tpu.memory_space<hbm>>) target(%arg11 : memref<112x128xf32, #tpu.memory_space<vmem>>) offsets(%dma_start3A_698 : memref<112xi32, #tpu.memory_space<vmem>>) semaphore(%arg15 : memref<!tpu.dma_semaphore, #tpu.memory_space<semaphore_mem>>)
      %add3A_702 = arith.constant 2 : i32
      %add3A_703 = arith.addi %add3A_557, %add3A_702 : i32
      %dma_start3A_704 = arith.constant 0 : i32
      %dma_start3A_705 = arith.constant 0 : i32
      %dma_start3A_706 = arith.constant 0 : i32
      %dma_start3A_707 = tpu.memref_slice %arg7[%dma_start3A_704, %dma_start3A_705, %dma_start3A_706] : memref<2x6x112xi32, #tpu.memory_space<vmem>> -> memref<1x6x112xi32, #tpu.memory_space<vmem>>
      %dma_start3A_708 = tpu.memref_squeeze %dma_start3A_707 : memref<1x6x112xi32, #tpu.memory_space<vmem>> -> memref<6x112xi32, #tpu.memory_space<vmem>>
      %dma_start3A_709 = arith.constant 0 : i32
      %dma_start3A_710 = arith.constant 0 : i32
      %dma_start3A_711 = tpu.memref_slice %arg3[%add3A, %add3A_703, %dma_start3A_709, %dma_start3A_710] : memref<32x15x6x112xi32, #tpu.memory_space<hbm>> -> memref<1x1x6x112xi32, #tpu.memory_space<hbm>>
      %dma_start3A_712 = tpu.memref_squeeze %dma_start3A_711 : memref<1x1x6x112xi32, #tpu.memory_space<hbm>> -> memref<6x112xi32, #tpu.memory_space<hbm>>
      %dma_start3A_713 = arith.constant 0 : i32
      %dma_start3A_714 = arith.constant 0 : i32
      %dma_start3A_715 = tpu.memref_slice %arg7[%dma_start3A_704, %dma_start3A_713, %dma_start3A_714] : memref<2x6x112xi32, #tpu.memory_space<vmem>> -> memref<1x6x112xi32, #tpu.memory_space<vmem>>
      %dma_start3A_716 = tpu.memref_squeeze %dma_start3A_715 : memref<1x6x112xi32, #tpu.memory_space<vmem>> -> memref<6x112xi32, #tpu.memory_space<vmem>>
      %dma_start3A_717 = arith.constant 0 : i32
      %dma_start3A_718 = arith.constant 0 : i32
      %dma_start3A_719 = tpu.memref_slice %arg3[%add3A, %add3A_703, %dma_start3A_717, %dma_start3A_718] : memref<32x15x6x112xi32, #tpu.memory_space<hbm>> -> memref<1x1x6x112xi32, #tpu.memory_space<hbm>>
      %dma_start3A_720 = tpu.memref_squeeze %dma_start3A_719 : memref<1x1x6x112xi32, #tpu.memory_space<hbm>> -> memref<6x112xi32, #tpu.memory_space<hbm>>
      tpu.enqueue_dma source(%dma_start3A_720 : memref<6x112xi32, #tpu.memory_space<hbm>>) target(%dma_start3A_716 : memref<6x112xi32, #tpu.memory_space<vmem>>) target_semaphore(%arg16 : memref<!tpu.dma_semaphore, #tpu.memory_space<semaphore_mem>>)
      %dma_start3A_721 = arith.constant 0 : i32
      %dma_start3A_722 = arith.constant 0 : i32
      %dma_start3A_723 = arith.constant 0 : i32
      %dma_start3A_724 = tpu.memref_slice %arg8[%dma_start3A_721, %dma_start3A_722, %dma_start3A_723] : memref<2x6x112xi32, #tpu.memory_space<vmem>> -> memref<1x6x112xi32, #tpu.memory_space<vmem>>
      %dma_start3A_725 = tpu.memref_squeeze %dma_start3A_724 : memref<1x6x112xi32, #tpu.memory_space<vmem>> -> memref<6x112xi32, #tpu.memory_space<vmem>>
      %dma_start3A_726 = arith.constant 0 : i32
      %dma_start3A_727 = arith.constant 0 : i32
      %dma_start3A_728 = tpu.memref_slice %arg4[%add3A, %add3A_703, %dma_start3A_726, %dma_start3A_727] : memref<32x15x6x112xi32, #tpu.memory_space<hbm>> -> memref<1x1x6x112xi32, #tpu.memory_space<hbm>>
      %dma_start3A_729 = tpu.memref_squeeze %dma_start3A_728 : memref<1x1x6x112xi32, #tpu.memory_space<hbm>> -> memref<6x112xi32, #tpu.memory_space<hbm>>
      %dma_start3A_730 = arith.constant 0 : i32
      %dma_start3A_731 = arith.constant 0 : i32
      %dma_start3A_732 = tpu.memref_slice %arg8[%dma_start3A_721, %dma_start3A_730, %dma_start3A_731] : memref<2x6x112xi32, #tpu.memory_space<vmem>> -> memref<1x6x112xi32, #tpu.memory_space<vmem>>
      %dma_start3A_733 = tpu.memref_squeeze %dma_start3A_732 : memref<1x6x112xi32, #tpu.memory_space<vmem>> -> memref<6x112xi32, #tpu.memory_space<vmem>>
      %dma_start3A_734 = arith.constant 0 : i32
      %dma_start3A_735 = arith.constant 0 : i32
      %dma_start3A_736 = tpu.memref_slice %arg4[%add3A, %add3A_703, %dma_start3A_734, %dma_start3A_735] : memref<32x15x6x112xi32, #tpu.memory_space<hbm>> -> memref<1x1x6x112xi32, #tpu.memory_space<hbm>>
      %dma_start3A_737 = tpu.memref_squeeze %dma_start3A_736 : memref<1x1x6x112xi32, #tpu.memory_space<hbm>> -> memref<6x112xi32, #tpu.memory_space<hbm>>
      tpu.enqueue_dma source(%dma_start3A_737 : memref<6x112xi32, #tpu.memory_space<hbm>>) target(%dma_start3A_733 : memref<6x112xi32, #tpu.memory_space<vmem>>) target_semaphore(%arg16 : memref<!tpu.dma_semaphore, #tpu.memory_space<semaphore_mem>>)
      %add3A_738 = arith.constant 1 : i32
      %add3A_739 = arith.addi %add3A_557, %add3A_738 : i32
      %dma_wait3A_740 = arith.constant 0 : i32
      %dma_wait3A_741 = arith.constant 0 : i32
      %dma_wait3A_742 = arith.constant 0 : i32
      %dma_wait3A_743 = tpu.memref_slice %arg7[%dma_wait3A_740, %dma_wait3A_741, %dma_wait3A_742] : memref<2x6x112xi32, #tpu.memory_space<vmem>> -> memref<1x1x112xi32, #tpu.memory_space<vmem>>
      %dma_wait3A_744 = tpu.memref_squeeze %dma_wait3A_743 : memref<1x1x112xi32, #tpu.memory_space<vmem>> -> memref<112xi32, #tpu.memory_space<vmem>>
      %dma_wait3A_745 = arith.constant 0 : i32
      %dma_wait3A_746 = arith.constant 0 : i32
      %dma_wait3A_747 = tpu.memref_slice %arg2[%dma_wait3A_745, %dma_wait3A_746] : memref<10000x128xf32, #tpu.memory_space<hbm>> -> memref<10000x128xf32, #tpu.memory_space<hbm>>
      tpu.wait_indirect_dma semaphore(%arg13 : memref<!tpu.dma_semaphore, #tpu.memory_space<semaphore_mem>>) src(%dma_wait3A_747 : memref<10000x128xf32, #tpu.memory_space<hbm>>) dst(%arg9 : memref<112x128xf32, #tpu.memory_space<vmem>>)
      %run_scoped3A_748 = arith.constant 1 : i32
      %run_scoped3A_749 = arith.constant 0 : i32
      "tpu.region"() ({
        %run_scoped3A_920 = tpu.sem_alloc : memref<!tpu.dma_semaphore, #tpu.memory_space<semaphore_mem>>
        %dma_start3A_921 = arith.constant 0 : i32
        %dma_start3A_922 = tpu.memref_slice %arg8[%run_scoped3A_748, %run_scoped3A_749, %dma_start3A_921] : memref<2x6x112xi32, #tpu.memory_space<vmem>> -> memref<1x1x112xi32, #tpu.memory_space<vmem>>
        %dma_start3A_923 = tpu.memref_squeeze %dma_start3A_922 : memref<1x1x112xi32, #tpu.memory_space<vmem>> -> memref<112xi32, #tpu.memory_space<vmem>>
        %dma_start3A_924 = arith.constant 0 : i32
        %dma_start3A_925 = arith.constant 0 : i32
        %dma_start3A_926 = tpu.memref_slice %arg12[%dma_start3A_924, %dma_start3A_925] : memref<10240x128xf32, #tpu.memory_space<vmem_shared>> -> memref<10240x128xf32, #tpu.memory_space<vmem_shared>>
        tpu.enqueue_indirect_dma source(%arg9 : memref<112x128xf32, #tpu.memory_space<vmem>>) target(%dma_start3A_926 : memref<10240x128xf32, #tpu.memory_space<vmem_shared>>) offsets(%dma_start3A_923 : memref<112xi32, #tpu.memory_space<vmem>>) semaphore(%run_scoped3A_920 : memref<!tpu.dma_semaphore, #tpu.memory_space<semaphore_mem>>) {add = true}
        %dma_wait3A_927 = arith.constant 0 : i32
        %dma_wait3A_928 = tpu.memref_slice %arg8[%run_scoped3A_748, %run_scoped3A_749, %dma_wait3A_927] : memref<2x6x112xi32, #tpu.memory_space<vmem>> -> memref<1x1x112xi32, #tpu.memory_space<vmem>>
        %dma_wait3A_929 = tpu.memref_squeeze %dma_wait3A_928 : memref<1x1x112xi32, #tpu.memory_space<vmem>> -> memref<112xi32, #tpu.memory_space<vmem>>
        %dma_wait3A_930 = arith.constant 0 : i32
        %dma_wait3A_931 = arith.constant 0 : i32
        %dma_wait3A_932 = tpu.memref_slice %arg12[%dma_wait3A_930, %dma_wait3A_931] : memref<10240x128xf32, #tpu.memory_space<vmem_shared>> -> memref<10240x128xf32, #tpu.memory_space<vmem_shared>>
        tpu.wait_indirect_dma semaphore(%run_scoped3A_920 : memref<!tpu.dma_semaphore, #tpu.memory_space<semaphore_mem>>) src(%arg9 : memref<112x128xf32, #tpu.memory_space<vmem>>) dst(%dma_wait3A_932 : memref<10240x128xf32, #tpu.memory_space<vmem_shared>>)
        tpu.yield
      }) : () -> ()
      %dma_start3A_750 = arith.constant 1 : i32
      %dma_start3A_751 = arith.constant 3 : i32
      %dma_start3A_752 = arith.constant 0 : i32
      %dma_start3A_753 = tpu.memref_slice %arg7[%dma_start3A_750, %dma_start3A_751, %dma_start3A_752] : memref<2x6x112xi32, #tpu.memory_space<vmem>> -> memref<1x1x112xi32, #tpu.memory_space<vmem>>
      %dma_start3A_754 = tpu.memref_squeeze %dma_start3A_753 : memref<1x1x112xi32, #tpu.memory_space<vmem>> -> memref<112xi32, #tpu.memory_space<vmem>>
      %dma_start3A_755 = arith.constant 0 : i32
      %dma_start3A_756 = arith.constant 0 : i32
      %dma_start3A_757 = tpu.memref_slice %arg2[%dma_start3A_755, %dma_start3A_756] : memref<10000x128xf32, #tpu.memory_space<hbm>> -> memref<10000x128xf32, #tpu.memory_space<hbm>>
      tpu.enqueue_indirect_dma source(%dma_start3A_757 : memref<10000x128xf32, #tpu.memory_space<hbm>>) target(%arg9 : memref<112x128xf32, #tpu.memory_space<vmem>>) offsets(%dma_start3A_754 : memref<112xi32, #tpu.memory_space<vmem>>) semaphore(%arg13 : memref<!tpu.dma_semaphore, #tpu.memory_space<semaphore_mem>>)
      %dma_wait3A_758 = arith.constant 0 : i32
      %dma_wait3A_759 = arith.constant 0 : i32
      %dma_wait3A_760 = arith.constant 0 : i32
      %dma_wait3A_761 = tpu.memref_slice %arg7[%dma_wait3A_758, %dma_wait3A_759, %dma_wait3A_760] : memref<2x6x112xi32, #tpu.memory_space<vmem>> -> memref<1x1x112xi32, #tpu.memory_space<vmem>>
      %dma_wait3A_762 = tpu.memref_squeeze %dma_wait3A_761 : memref<1x1x112xi32, #tpu.memory_space<vmem>> -> memref<112xi32, #tpu.memory_space<vmem>>
      %dma_wait3A_763 = arith.constant 0 : i32
      %dma_wait3A_764 = arith.constant 0 : i32
      %dma_wait3A_765 = tpu.memref_slice %arg2[%dma_wait3A_763, %dma_wait3A_764] : memref<10000x128xf32, #tpu.memory_space<hbm>> -> memref<10000x128xf32, #tpu.memory_space<hbm>>
      tpu.wait_indirect_dma semaphore(%arg14 : memref<!tpu.dma_semaphore, #tpu.memory_space<semaphore_mem>>) src(%dma_wait3A_765 : memref<10000x128xf32, #tpu.memory_space<hbm>>) dst(%arg10 : memref<112x128xf32, #tpu.memory_space<vmem>>)
      %run_scoped3A_766 = arith.constant 1 : i32
      %run_scoped3A_767 = arith.constant 1 : i32
      "tpu.region"() ({
        %run_scoped3A_920 = tpu.sem_alloc : memref<!tpu.dma_semaphore, #tpu.memory_space<semaphore_mem>>
        %dma_start3A_921 = arith.constant 0 : i32
        %dma_start3A_922 = tpu.memref_slice %arg8[%run_scoped3A_766, %run_scoped3A_767, %dma_start3A_921] : memref<2x6x112xi32, #tpu.memory_space<vmem>> -> memref<1x1x112xi32, #tpu.memory_space<vmem>>
        %dma_start3A_923 = tpu.memref_squeeze %dma_start3A_922 : memref<1x1x112xi32, #tpu.memory_space<vmem>> -> memref<112xi32, #tpu.memory_space<vmem>>
        %dma_start3A_924 = arith.constant 0 : i32
        %dma_start3A_925 = arith.constant 0 : i32
        %dma_start3A_926 = tpu.memref_slice %arg12[%dma_start3A_924, %dma_start3A_925] : memref<10240x128xf32, #tpu.memory_space<vmem_shared>> -> memref<10240x128xf32, #tpu.memory_space<vmem_shared>>
        tpu.enqueue_indirect_dma source(%arg10 : memref<112x128xf32, #tpu.memory_space<vmem>>) target(%dma_start3A_926 : memref<10240x128xf32, #tpu.memory_space<vmem_shared>>) offsets(%dma_start3A_923 : memref<112xi32, #tpu.memory_space<vmem>>) semaphore(%run_scoped3A_920 : memref<!tpu.dma_semaphore, #tpu.memory_space<semaphore_mem>>) {add = true}
        %dma_wait3A_927 = arith.constant 0 : i32
        %dma_wait3A_928 = tpu.memref_slice %arg8[%run_scoped3A_766, %run_scoped3A_767, %dma_wait3A_927] : memref<2x6x112xi32, #tpu.memory_space<vmem>> -> memref<1x1x112xi32, #tpu.memory_space<vmem>>
        %dma_wait3A_929 = tpu.memref_squeeze %dma_wait3A_928 : memref<1x1x112xi32, #tpu.memory_space<vmem>> -> memref<112xi32, #tpu.memory_space<vmem>>
        %dma_wait3A_930 = arith.constant 0 : i32
        %dma_wait3A_931 = arith.constant 0 : i32
        %dma_wait3A_932 = tpu.memref_slice %arg12[%dma_wait3A_930, %dma_wait3A_931] : memref<10240x128xf32, #tpu.memory_space<vmem_shared>> -> memref<10240x128xf32, #tpu.memory_space<vmem_shared>>
        tpu.wait_indirect_dma semaphore(%run_scoped3A_920 : memref<!tpu.dma_semaphore, #tpu.memory_space<semaphore_mem>>) src(%arg10 : memref<112x128xf32, #tpu.memory_space<vmem>>) dst(%dma_wait3A_932 : memref<10240x128xf32, #tpu.memory_space<vmem_shared>>)
        tpu.yield
      }) : () -> ()
      %dma_start3A_768 = arith.constant 1 : i32
      %dma_start3A_769 = arith.constant 4 : i32
      %dma_start3A_770 = arith.constant 0 : i32
      %dma_start3A_771 = tpu.memref_slice %arg7[%dma_start3A_768, %dma_start3A_769, %dma_start3A_770] : memref<2x6x112xi32, #tpu.memory_space<vmem>> -> memref<1x1x112xi32, #tpu.memory_space<vmem>>
      %dma_start3A_772 = tpu.memref_squeeze %dma_start3A_771 : memref<1x1x112xi32, #tpu.memory_space<vmem>> -> memref<112xi32, #tpu.memory_space<vmem>>
      %dma_start3A_773 = arith.constant 0 : i32
      %dma_start3A_774 = arith.constant 0 : i32
      %dma_start3A_775 = tpu.memref_slice %arg2[%dma_start3A_773, %dma_start3A_774] : memref<10000x128xf32, #tpu.memory_space<hbm>> -> memref<10000x128xf32, #tpu.memory_space<hbm>>
      tpu.enqueue_indirect_dma source(%dma_start3A_775 : memref<10000x128xf32, #tpu.memory_space<hbm>>) target(%arg10 : memref<112x128xf32, #tpu.memory_space<vmem>>) offsets(%dma_start3A_772 : memref<112xi32, #tpu.memory_space<vmem>>) semaphore(%arg14 : memref<!tpu.dma_semaphore, #tpu.memory_space<semaphore_mem>>)
      %dma_wait3A_776 = arith.constant 0 : i32
      %dma_wait3A_777 = arith.constant 0 : i32
      %dma_wait3A_778 = arith.constant 0 : i32
      %dma_wait3A_779 = tpu.memref_slice %arg7[%dma_wait3A_776, %dma_wait3A_777, %dma_wait3A_778] : memref<2x6x112xi32, #tpu.memory_space<vmem>> -> memref<1x1x112xi32, #tpu.memory_space<vmem>>
      %dma_wait3A_780 = tpu.memref_squeeze %dma_wait3A_779 : memref<1x1x112xi32, #tpu.memory_space<vmem>> -> memref<112xi32, #tpu.memory_space<vmem>>
      %dma_wait3A_781 = arith.constant 0 : i32
      %dma_wait3A_782 = arith.constant 0 : i32
      %dma_wait3A_783 = tpu.memref_slice %arg2[%dma_wait3A_781, %dma_wait3A_782] : memref<10000x128xf32, #tpu.memory_space<hbm>> -> memref<10000x128xf32, #tpu.memory_space<hbm>>
      tpu.wait_indirect_dma semaphore(%arg15 : memref<!tpu.dma_semaphore, #tpu.memory_space<semaphore_mem>>) src(%dma_wait3A_783 : memref<10000x128xf32, #tpu.memory_space<hbm>>) dst(%arg11 : memref<112x128xf32, #tpu.memory_space<vmem>>)
      %run_scoped3A_784 = arith.constant 1 : i32
      %run_scoped3A_785 = arith.constant 2 : i32
      "tpu.region"() ({
        %run_scoped3A_920 = tpu.sem_alloc : memref<!tpu.dma_semaphore, #tpu.memory_space<semaphore_mem>>
        %dma_start3A_921 = arith.constant 0 : i32
        %dma_start3A_922 = tpu.memref_slice %arg8[%run_scoped3A_784, %run_scoped3A_785, %dma_start3A_921] : memref<2x6x112xi32, #tpu.memory_space<vmem>> -> memref<1x1x112xi32, #tpu.memory_space<vmem>>
        %dma_start3A_923 = tpu.memref_squeeze %dma_start3A_922 : memref<1x1x112xi32, #tpu.memory_space<vmem>> -> memref<112xi32, #tpu.memory_space<vmem>>
        %dma_start3A_924 = arith.constant 0 : i32
        %dma_start3A_925 = arith.constant 0 : i32
        %dma_start3A_926 = tpu.memref_slice %arg12[%dma_start3A_924, %dma_start3A_925] : memref<10240x128xf32, #tpu.memory_space<vmem_shared>> -> memref<10240x128xf32, #tpu.memory_space<vmem_shared>>
        tpu.enqueue_indirect_dma source(%arg11 : memref<112x128xf32, #tpu.memory_space<vmem>>) target(%dma_start3A_926 : memref<10240x128xf32, #tpu.memory_space<vmem_shared>>) offsets(%dma_start3A_923 : memref<112xi32, #tpu.memory_space<vmem>>) semaphore(%run_scoped3A_920 : memref<!tpu.dma_semaphore, #tpu.memory_space<semaphore_mem>>) {add = true}
        %dma_wait3A_927 = arith.constant 0 : i32
        %dma_wait3A_928 = tpu.memref_slice %arg8[%run_scoped3A_784, %run_scoped3A_785, %dma_wait3A_927] : memref<2x6x112xi32, #tpu.memory_space<vmem>> -> memref<1x1x112xi32, #tpu.memory_space<vmem>>
        %dma_wait3A_929 = tpu.memref_squeeze %dma_wait3A_928 : memref<1x1x112xi32, #tpu.memory_space<vmem>> -> memref<112xi32, #tpu.memory_space<vmem>>
        %dma_wait3A_930 = arith.constant 0 : i32
        %dma_wait3A_931 = arith.constant 0 : i32
        %dma_wait3A_932 = tpu.memref_slice %arg12[%dma_wait3A_930, %dma_wait3A_931] : memref<10240x128xf32, #tpu.memory_space<vmem_shared>> -> memref<10240x128xf32, #tpu.memory_space<vmem_shared>>
        tpu.wait_indirect_dma semaphore(%run_scoped3A_920 : memref<!tpu.dma_semaphore, #tpu.memory_space<semaphore_mem>>) src(%arg11 : memref<112x128xf32, #tpu.memory_space<vmem>>) dst(%dma_wait3A_932 : memref<10240x128xf32, #tpu.memory_space<vmem_shared>>)
        tpu.yield
      }) : () -> ()
      %dma_start3A_786 = arith.constant 1 : i32
      %dma_start3A_787 = arith.constant 5 : i32
      %dma_start3A_788 = arith.constant 0 : i32
      %dma_start3A_789 = tpu.memref_slice %arg7[%dma_start3A_786, %dma_start3A_787, %dma_start3A_788] : memref<2x6x112xi32, #tpu.memory_space<vmem>> -> memref<1x1x112xi32, #tpu.memory_space<vmem>>
      %dma_start3A_790 = tpu.memref_squeeze %dma_start3A_789 : memref<1x1x112xi32, #tpu.memory_space<vmem>> -> memref<112xi32, #tpu.memory_space<vmem>>
      %dma_start3A_791 = arith.constant 0 : i32
      %dma_start3A_792 = arith.constant 0 : i32
      %dma_start3A_793 = tpu.memref_slice %arg2[%dma_start3A_791, %dma_start3A_792] : memref<10000x128xf32, #tpu.memory_space<hbm>> -> memref<10000x128xf32, #tpu.memory_space<hbm>>
      tpu.enqueue_indirect_dma source(%dma_start3A_793 : memref<10000x128xf32, #tpu.memory_space<hbm>>) target(%arg11 : memref<112x128xf32, #tpu.memory_space<vmem>>) offsets(%dma_start3A_790 : memref<112xi32, #tpu.memory_space<vmem>>) semaphore(%arg15 : memref<!tpu.dma_semaphore, #tpu.memory_space<semaphore_mem>>)
      %dma_wait3A_794 = arith.constant 0 : i32
      %dma_wait3A_795 = arith.constant 0 : i32
      %dma_wait3A_796 = arith.constant 0 : i32
      %dma_wait3A_797 = tpu.memref_slice %arg7[%dma_wait3A_794, %dma_wait3A_795, %dma_wait3A_796] : memref<2x6x112xi32, #tpu.memory_space<vmem>> -> memref<1x1x112xi32, #tpu.memory_space<vmem>>
      %dma_wait3A_798 = tpu.memref_squeeze %dma_wait3A_797 : memref<1x1x112xi32, #tpu.memory_space<vmem>> -> memref<112xi32, #tpu.memory_space<vmem>>
      %dma_wait3A_799 = arith.constant 0 : i32
      %dma_wait3A_800 = arith.constant 0 : i32
      %dma_wait3A_801 = tpu.memref_slice %arg2[%dma_wait3A_799, %dma_wait3A_800] : memref<10000x128xf32, #tpu.memory_space<hbm>> -> memref<10000x128xf32, #tpu.memory_space<hbm>>
      tpu.wait_indirect_dma semaphore(%arg13 : memref<!tpu.dma_semaphore, #tpu.memory_space<semaphore_mem>>) src(%dma_wait3A_801 : memref<10000x128xf32, #tpu.memory_space<hbm>>) dst(%arg9 : memref<112x128xf32, #tpu.memory_space<vmem>>)
      %run_scoped3A_802 = arith.constant 1 : i32
      %run_scoped3A_803 = arith.constant 3 : i32
      "tpu.region"() ({
        %run_scoped3A_920 = tpu.sem_alloc : memref<!tpu.dma_semaphore, #tpu.memory_space<semaphore_mem>>
        %dma_start3A_921 = arith.constant 0 : i32
        %dma_start3A_922 = tpu.memref_slice %arg8[%run_scoped3A_802, %run_scoped3A_803, %dma_start3A_921] : memref<2x6x112xi32, #tpu.memory_space<vmem>> -> memref<1x1x112xi32, #tpu.memory_space<vmem>>
        %dma_start3A_923 = tpu.memref_squeeze %dma_start3A_922 : memref<1x1x112xi32, #tpu.memory_space<vmem>> -> memref<112xi32, #tpu.memory_space<vmem>>
        %dma_start3A_924 = arith.constant 0 : i32
        %dma_start3A_925 = arith.constant 0 : i32
        %dma_start3A_926 = tpu.memref_slice %arg12[%dma_start3A_924, %dma_start3A_925] : memref<10240x128xf32, #tpu.memory_space<vmem_shared>> -> memref<10240x128xf32, #tpu.memory_space<vmem_shared>>
        tpu.enqueue_indirect_dma source(%arg9 : memref<112x128xf32, #tpu.memory_space<vmem>>) target(%dma_start3A_926 : memref<10240x128xf32, #tpu.memory_space<vmem_shared>>) offsets(%dma_start3A_923 : memref<112xi32, #tpu.memory_space<vmem>>) semaphore(%run_scoped3A_920 : memref<!tpu.dma_semaphore, #tpu.memory_space<semaphore_mem>>) {add = true}
        %dma_wait3A_927 = arith.constant 0 : i32
        %dma_wait3A_928 = tpu.memref_slice %arg8[%run_scoped3A_802, %run_scoped3A_803, %dma_wait3A_927] : memref<2x6x112xi32, #tpu.memory_space<vmem>> -> memref<1x1x112xi32, #tpu.memory_space<vmem>>
        %dma_wait3A_929 = tpu.memref_squeeze %dma_wait3A_928 : memref<1x1x112xi32, #tpu.memory_space<vmem>> -> memref<112xi32, #tpu.memory_space<vmem>>
        %dma_wait3A_930 = arith.constant 0 : i32
        %dma_wait3A_931 = arith.constant 0 : i32
        %dma_wait3A_932 = tpu.memref_slice %arg12[%dma_wait3A_930, %dma_wait3A_931] : memref<10240x128xf32, #tpu.memory_space<vmem_shared>> -> memref<10240x128xf32, #tpu.memory_space<vmem_shared>>
        tpu.wait_indirect_dma semaphore(%run_scoped3A_920 : memref<!tpu.dma_semaphore, #tpu.memory_space<semaphore_mem>>) src(%arg9 : memref<112x128xf32, #tpu.memory_space<vmem>>) dst(%dma_wait3A_932 : memref<10240x128xf32, #tpu.memory_space<vmem_shared>>)
        tpu.yield
      }) : () -> ()
      %add3A_804 = arith.constant 1 : i32
      %add3A_805 = arith.addi %add3A_739, %add3A_804 : i32
      %dma_wait3A_806 = arith.constant 0 : i32
      %dma_wait3A_807 = arith.constant 0 : i32
      %dma_wait3A_808 = arith.constant 0 : i32
      %dma_wait3A_809 = tpu.memref_slice %arg7[%dma_wait3A_806, %dma_wait3A_807, %dma_wait3A_808] : memref<2x6x112xi32, #tpu.memory_space<vmem>> -> memref<1x6x112xi32, #tpu.memory_space<vmem>>
      %dma_wait3A_810 = tpu.memref_squeeze %dma_wait3A_809 : memref<1x6x112xi32, #tpu.memory_space<vmem>> -> memref<6x112xi32, #tpu.memory_space<vmem>>
      %dma_wait3A_811 = arith.constant 0 : i32
      %dma_wait3A_812 = arith.constant 0 : i32
      %dma_wait3A_813 = tpu.memref_slice %arg3[%add3A, %add3A_805, %dma_wait3A_811, %dma_wait3A_812] : memref<32x15x6x112xi32, #tpu.memory_space<hbm>> -> memref<1x1x6x112xi32, #tpu.memory_space<hbm>>
      %dma_wait3A_814 = tpu.memref_squeeze %dma_wait3A_813 : memref<1x1x6x112xi32, #tpu.memory_space<hbm>> -> memref<6x112xi32, #tpu.memory_space<hbm>>
      %dma_wait3A_815 = arith.constant 0 : i32
      %dma_wait3A_816 = arith.constant 0 : i32
      %dma_wait3A_817 = tpu.memref_slice %arg7[%dma_wait3A_806, %dma_wait3A_815, %dma_wait3A_816] : memref<2x6x112xi32, #tpu.memory_space<vmem>> -> memref<1x6x112xi32, #tpu.memory_space<vmem>>
      %dma_wait3A_818 = tpu.memref_squeeze %dma_wait3A_817 : memref<1x6x112xi32, #tpu.memory_space<vmem>> -> memref<6x112xi32, #tpu.memory_space<vmem>>
      %dma_wait3A_819 = arith.constant 0 : i32
      %dma_wait3A_820 = arith.constant 0 : i32
      %dma_wait3A_821 = tpu.memref_slice %arg3[%add3A, %add3A_805, %dma_wait3A_819, %dma_wait3A_820] : memref<32x15x6x112xi32, #tpu.memory_space<hbm>> -> memref<1x1x6x112xi32, #tpu.memory_space<hbm>>
      %dma_wait3A_822 = tpu.memref_squeeze %dma_wait3A_821 : memref<1x1x6x112xi32, #tpu.memory_space<hbm>> -> memref<6x112xi32, #tpu.memory_space<hbm>>
      tpu.wait_dma2 semaphore(%arg16 : memref<!tpu.dma_semaphore, #tpu.memory_space<semaphore_mem>>) src(%dma_wait3A_822 : memref<6x112xi32, #tpu.memory_space<hbm>>) dst(%dma_wait3A_818 : memref<6x112xi32, #tpu.memory_space<vmem>>)
      %dma_wait3A_823 = arith.constant 0 : i32
      %dma_wait3A_824 = arith.constant 0 : i32
      %dma_wait3A_825 = arith.constant 0 : i32
      %dma_wait3A_826 = tpu.memref_slice %arg8[%dma_wait3A_823, %dma_wait3A_824, %dma_wait3A_825] : memref<2x6x112xi32, #tpu.memory_space<vmem>> -> memref<1x6x112xi32, #tpu.memory_space<vmem>>
      %dma_wait3A_827 = tpu.memref_squeeze %dma_wait3A_826 : memref<1x6x112xi32, #tpu.memory_space<vmem>> -> memref<6x112xi32, #tpu.memory_space<vmem>>
      %dma_wait3A_828 = arith.constant 0 : i32
      %dma_wait3A_829 = arith.constant 0 : i32
      %dma_wait3A_830 = tpu.memref_slice %arg4[%add3A, %add3A_805, %dma_wait3A_828, %dma_wait3A_829] : memref<32x15x6x112xi32, #tpu.memory_space<hbm>> -> memref<1x1x6x112xi32, #tpu.memory_space<hbm>>
      %dma_wait3A_831 = tpu.memref_squeeze %dma_wait3A_830 : memref<1x1x6x112xi32, #tpu.memory_space<hbm>> -> memref<6x112xi32, #tpu.memory_space<hbm>>
      %dma_wait3A_832 = arith.constant 0 : i32
      %dma_wait3A_833 = arith.constant 0 : i32
      %dma_wait3A_834 = tpu.memref_slice %arg8[%dma_wait3A_823, %dma_wait3A_832, %dma_wait3A_833] : memref<2x6x112xi32, #tpu.memory_space<vmem>> -> memref<1x6x112xi32, #tpu.memory_space<vmem>>
      %dma_wait3A_835 = tpu.memref_squeeze %dma_wait3A_834 : memref<1x6x112xi32, #tpu.memory_space<vmem>> -> memref<6x112xi32, #tpu.memory_space<vmem>>
      %dma_wait3A_836 = arith.constant 0 : i32
      %dma_wait3A_837 = arith.constant 0 : i32
      %dma_wait3A_838 = tpu.memref_slice %arg4[%add3A, %add3A_805, %dma_wait3A_836, %dma_wait3A_837] : memref<32x15x6x112xi32, #tpu.memory_space<hbm>> -> memref<1x1x6x112xi32, #tpu.memory_space<hbm>>
      %dma_wait3A_839 = tpu.memref_squeeze %dma_wait3A_838 : memref<1x1x6x112xi32, #tpu.memory_space<hbm>> -> memref<6x112xi32, #tpu.memory_space<hbm>>
      tpu.wait_dma2 semaphore(%arg16 : memref<!tpu.dma_semaphore, #tpu.memory_space<semaphore_mem>>) src(%dma_wait3A_839 : memref<6x112xi32, #tpu.memory_space<hbm>>) dst(%dma_wait3A_835 : memref<6x112xi32, #tpu.memory_space<vmem>>)
      %dma_start3A_840 = arith.constant 0 : i32
      %dma_start3A_841 = arith.constant 0 : i32
      %dma_start3A_842 = arith.constant 0 : i32
      %dma_start3A_843 = tpu.memref_slice %arg7[%dma_start3A_840, %dma_start3A_841, %dma_start3A_842] : memref<2x6x112xi32, #tpu.memory_space<vmem>> -> memref<1x1x112xi32, #tpu.memory_space<vmem>>
      %dma_start3A_844 = tpu.memref_squeeze %dma_start3A_843 : memref<1x1x112xi32, #tpu.memory_space<vmem>> -> memref<112xi32, #tpu.memory_space<vmem>>
      %dma_start3A_845 = arith.constant 0 : i32
      %dma_start3A_846 = arith.constant 0 : i32
      %dma_start3A_847 = tpu.memref_slice %arg2[%dma_start3A_845, %dma_start3A_846] : memref<10000x128xf32, #tpu.memory_space<hbm>> -> memref<10000x128xf32, #tpu.memory_space<hbm>>
      tpu.enqueue_indirect_dma source(%dma_start3A_847 : memref<10000x128xf32, #tpu.memory_space<hbm>>) target(%arg9 : memref<112x128xf32, #tpu.memory_space<vmem>>) offsets(%dma_start3A_844 : memref<112xi32, #tpu.memory_space<vmem>>) semaphore(%arg13 : memref<!tpu.dma_semaphore, #tpu.memory_space<semaphore_mem>>)
      %dma_wait3A_848 = arith.constant 0 : i32
      %dma_wait3A_849 = arith.constant 0 : i32
      %dma_wait3A_850 = arith.constant 0 : i32
      %dma_wait3A_851 = tpu.memref_slice %arg7[%dma_wait3A_848, %dma_wait3A_849, %dma_wait3A_850] : memref<2x6x112xi32, #tpu.memory_space<vmem>> -> memref<1x1x112xi32, #tpu.memory_space<vmem>>
      %dma_wait3A_852 = tpu.memref_squeeze %dma_wait3A_851 : memref<1x1x112xi32, #tpu.memory_space<vmem>> -> memref<112xi32, #tpu.memory_space<vmem>>
      %dma_wait3A_853 = arith.constant 0 : i32
      %dma_wait3A_854 = arith.constant 0 : i32
      %dma_wait3A_855 = tpu.memref_slice %arg2[%dma_wait3A_853, %dma_wait3A_854] : memref<10000x128xf32, #tpu.memory_space<hbm>> -> memref<10000x128xf32, #tpu.memory_space<hbm>>
      tpu.wait_indirect_dma semaphore(%arg14 : memref<!tpu.dma_semaphore, #tpu.memory_space<semaphore_mem>>) src(%dma_wait3A_855 : memref<10000x128xf32, #tpu.memory_space<hbm>>) dst(%arg10 : memref<112x128xf32, #tpu.memory_space<vmem>>)
      %run_scoped3A_856 = arith.constant 1 : i32
      %run_scoped3A_857 = arith.constant 4 : i32
      "tpu.region"() ({
        %run_scoped3A_920 = tpu.sem_alloc : memref<!tpu.dma_semaphore, #tpu.memory_space<semaphore_mem>>
        %dma_start3A_921 = arith.constant 0 : i32
        %dma_start3A_922 = tpu.memref_slice %arg8[%run_scoped3A_856, %run_scoped3A_857, %dma_start3A_921] : memref<2x6x112xi32, #tpu.memory_space<vmem>> -> memref<1x1x112xi32, #tpu.memory_space<vmem>>
        %dma_start3A_923 = tpu.memref_squeeze %dma_start3A_922 : memref<1x1x112xi32, #tpu.memory_space<vmem>> -> memref<112xi32, #tpu.memory_space<vmem>>
        %dma_start3A_924 = arith.constant 0 : i32
        %dma_start3A_925 = arith.constant 0 : i32
        %dma_start3A_926 = tpu.memref_slice %arg12[%dma_start3A_924, %dma_start3A_925] : memref<10240x128xf32, #tpu.memory_space<vmem_shared>> -> memref<10240x128xf32, #tpu.memory_space<vmem_shared>>
        tpu.enqueue_indirect_dma source(%arg10 : memref<112x128xf32, #tpu.memory_space<vmem>>) target(%dma_start3A_926 : memref<10240x128xf32, #tpu.memory_space<vmem_shared>>) offsets(%dma_start3A_923 : memref<112xi32, #tpu.memory_space<vmem>>) semaphore(%run_scoped3A_920 : memref<!tpu.dma_semaphore, #tpu.memory_space<semaphore_mem>>) {add = true}
        %dma_wait3A_927 = arith.constant 0 : i32
        %dma_wait3A_928 = tpu.memref_slice %arg8[%run_scoped3A_856, %run_scoped3A_857, %dma_wait3A_927] : memref<2x6x112xi32, #tpu.memory_space<vmem>> -> memref<1x1x112xi32, #tpu.memory_space<vmem>>
        %dma_wait3A_929 = tpu.memref_squeeze %dma_wait3A_928 : memref<1x1x112xi32, #tpu.memory_space<vmem>> -> memref<112xi32, #tpu.memory_space<vmem>>
        %dma_wait3A_930 = arith.constant 0 : i32
        %dma_wait3A_931 = arith.constant 0 : i32
        %dma_wait3A_932 = tpu.memref_slice %arg12[%dma_wait3A_930, %dma_wait3A_931] : memref<10240x128xf32, #tpu.memory_space<vmem_shared>> -> memref<10240x128xf32, #tpu.memory_space<vmem_shared>>
        tpu.wait_indirect_dma semaphore(%run_scoped3A_920 : memref<!tpu.dma_semaphore, #tpu.memory_space<semaphore_mem>>) src(%arg10 : memref<112x128xf32, #tpu.memory_space<vmem>>) dst(%dma_wait3A_932 : memref<10240x128xf32, #tpu.memory_space<vmem_shared>>)
        tpu.yield
      }) : () -> ()
      %dma_start3A_858 = arith.constant 0 : i32
      %dma_start3A_859 = arith.constant 1 : i32
      %dma_start3A_860 = arith.constant 0 : i32
      %dma_start3A_861 = tpu.memref_slice %arg7[%dma_start3A_858, %dma_start3A_859, %dma_start3A_860] : memref<2x6x112xi32, #tpu.memory_space<vmem>> -> memref<1x1x112xi32, #tpu.memory_space<vmem>>
      %dma_start3A_862 = tpu.memref_squeeze %dma_start3A_861 : memref<1x1x112xi32, #tpu.memory_space<vmem>> -> memref<112xi32, #tpu.memory_space<vmem>>
      %dma_start3A_863 = arith.constant 0 : i32
      %dma_start3A_864 = arith.constant 0 : i32
      %dma_start3A_865 = tpu.memref_slice %arg2[%dma_start3A_863, %dma_start3A_864] : memref<10000x128xf32, #tpu.memory_space<hbm>> -> memref<10000x128xf32, #tpu.memory_space<hbm>>
      tpu.enqueue_indirect_dma source(%dma_start3A_865 : memref<10000x128xf32, #tpu.memory_space<hbm>>) target(%arg10 : memref<112x128xf32, #tpu.memory_space<vmem>>) offsets(%dma_start3A_862 : memref<112xi32, #tpu.memory_space<vmem>>) semaphore(%arg14 : memref<!tpu.dma_semaphore, #tpu.memory_space<semaphore_mem>>)
      %dma_wait3A_866 = arith.constant 0 : i32
      %dma_wait3A_867 = arith.constant 0 : i32
      %dma_wait3A_868 = arith.constant 0 : i32
      %dma_wait3A_869 = tpu.memref_slice %arg7[%dma_wait3A_866, %dma_wait3A_867, %dma_wait3A_868] : memref<2x6x112xi32, #tpu.memory_space<vmem>> -> memref<1x1x112xi32, #tpu.memory_space<vmem>>
      %dma_wait3A_870 = tpu.memref_squeeze %dma_wait3A_869 : memref<1x1x112xi32, #tpu.memory_space<vmem>> -> memref<112xi32, #tpu.memory_space<vmem>>
      %dma_wait3A_871 = arith.constant 0 : i32
      %dma_wait3A_872 = arith.constant 0 : i32
      %dma_wait3A_873 = tpu.memref_slice %arg2[%dma_wait3A_871, %dma_wait3A_872] : memref<10000x128xf32, #tpu.memory_space<hbm>> -> memref<10000x128xf32, #tpu.memory_space<hbm>>
      tpu.wait_indirect_dma semaphore(%arg15 : memref<!tpu.dma_semaphore, #tpu.memory_space<semaphore_mem>>) src(%dma_wait3A_873 : memref<10000x128xf32, #tpu.memory_space<hbm>>) dst(%arg11 : memref<112x128xf32, #tpu.memory_space<vmem>>)
      %run_scoped3A_874 = arith.constant 1 : i32
      %run_scoped3A_875 = arith.constant 5 : i32
      "tpu.region"() ({
        %run_scoped3A_920 = tpu.sem_alloc : memref<!tpu.dma_semaphore, #tpu.memory_space<semaphore_mem>>
        %dma_start3A_921 = arith.constant 0 : i32
        %dma_start3A_922 = tpu.memref_slice %arg8[%run_scoped3A_874, %run_scoped3A_875, %dma_start3A_921] : memref<2x6x112xi32, #tpu.memory_space<vmem>> -> memref<1x1x112xi32, #tpu.memory_space<vmem>>
        %dma_start3A_923 = tpu.memref_squeeze %dma_start3A_922 : memref<1x1x112xi32, #tpu.memory_space<vmem>> -> memref<112xi32, #tpu.memory_space<vmem>>
        %dma_start3A_924 = arith.constant 0 : i32
        %dma_start3A_925 = arith.constant 0 : i32
        %dma_start3A_926 = tpu.memref_slice %arg12[%dma_start3A_924, %dma_start3A_925] : memref<10240x128xf32, #tpu.memory_space<vmem_shared>> -> memref<10240x128xf32, #tpu.memory_space<vmem_shared>>
        tpu.enqueue_indirect_dma source(%arg11 : memref<112x128xf32, #tpu.memory_space<vmem>>) target(%dma_start3A_926 : memref<10240x128xf32, #tpu.memory_space<vmem_shared>>) offsets(%dma_start3A_923 : memref<112xi32, #tpu.memory_space<vmem>>) semaphore(%run_scoped3A_920 : memref<!tpu.dma_semaphore, #tpu.memory_space<semaphore_mem>>) {add = true}
        %dma_wait3A_927 = arith.constant 0 : i32
        %dma_wait3A_928 = tpu.memref_slice %arg8[%run_scoped3A_874, %run_scoped3A_875, %dma_wait3A_927] : memref<2x6x112xi32, #tpu.memory_space<vmem>> -> memref<1x1x112xi32, #tpu.memory_space<vmem>>
        %dma_wait3A_929 = tpu.memref_squeeze %dma_wait3A_928 : memref<1x1x112xi32, #tpu.memory_space<vmem>> -> memref<112xi32, #tpu.memory_space<vmem>>
        %dma_wait3A_930 = arith.constant 0 : i32
        %dma_wait3A_931 = arith.constant 0 : i32
        %dma_wait3A_932 = tpu.memref_slice %arg12[%dma_wait3A_930, %dma_wait3A_931] : memref<10240x128xf32, #tpu.memory_space<vmem_shared>> -> memref<10240x128xf32, #tpu.memory_space<vmem_shared>>
        tpu.wait_indirect_dma semaphore(%run_scoped3A_920 : memref<!tpu.dma_semaphore, #tpu.memory_space<semaphore_mem>>) src(%arg11 : memref<112x128xf32, #tpu.memory_space<vmem>>) dst(%dma_wait3A_932 : memref<10240x128xf32, #tpu.memory_space<vmem_shared>>)
        tpu.yield
      }) : () -> ()
      %dma_start3A_876 = arith.constant 0 : i32
      %dma_start3A_877 = arith.constant 2 : i32
      %dma_start3A_878 = arith.constant 0 : i32
      %dma_start3A_879 = tpu.memref_slice %arg7[%dma_start3A_876, %dma_start3A_877, %dma_start3A_878] : memref<2x6x112xi32, #tpu.memory_space<vmem>> -> memref<1x1x112xi32, #tpu.memory_space<vmem>>
      %dma_start3A_880 = tpu.memref_squeeze %dma_start3A_879 : memref<1x1x112xi32, #tpu.memory_space<vmem>> -> memref<112xi32, #tpu.memory_space<vmem>>
      %dma_start3A_881 = arith.constant 0 : i32
      %dma_start3A_882 = arith.constant 0 : i32
      %dma_start3A_883 = tpu.memref_slice %arg2[%dma_start3A_881, %dma_start3A_882] : memref<10000x128xf32, #tpu.memory_space<hbm>> -> memref<10000x128xf32, #tpu.memory_space<hbm>>
      tpu.enqueue_indirect_dma source(%dma_start3A_883 : memref<10000x128xf32, #tpu.memory_space<hbm>>) target(%arg11 : memref<112x128xf32, #tpu.memory_space<vmem>>) offsets(%dma_start3A_880 : memref<112xi32, #tpu.memory_space<vmem>>) semaphore(%arg15 : memref<!tpu.dma_semaphore, #tpu.memory_space<semaphore_mem>>)
      %add3A_884 = arith.constant 2 : i32
      %add3A_885 = arith.addi %add3A_739, %add3A_884 : i32
      %dma_start3A_886 = arith.constant 1 : i32
      %dma_start3A_887 = arith.constant 0 : i32
      %dma_start3A_888 = arith.constant 0 : i32
      %dma_start3A_889 = tpu.memref_slice %arg7[%dma_start3A_886, %dma_start3A_887, %dma_start3A_888] : memref<2x6x112xi32, #tpu.memory_space<vmem>> -> memref<1x6x112xi32, #tpu.memory_space<vmem>>
      %dma_start3A_890 = tpu.memref_squeeze %dma_start3A_889 : memref<1x6x112xi32, #tpu.memory_space<vmem>> -> memref<6x112xi32, #tpu.memory_space<vmem>>
      %dma_start3A_891 = arith.constant 0 : i32
      %dma_start3A_892 = arith.constant 0 : i32
      %dma_start3A_893 = tpu.memref_slice %arg3[%add3A, %add3A_885, %dma_start3A_891, %dma_start3A_892] : memref<32x15x6x112xi32, #tpu.memory_space<hbm>> -> memref<1x1x6x112xi32, #tpu.memory_space<hbm>>
      %dma_start3A_894 = tpu.memref_squeeze %dma_start3A_893 : memref<1x1x6x112xi32, #tpu.memory_space<hbm>> -> memref<6x112xi32, #tpu.memory_space<hbm>>
      %dma_start3A_895 = arith.constant 0 : i32
      %dma_start3A_896 = arith.constant 0 : i32
      %dma_start3A_897 = tpu.memref_slice %arg7[%dma_start3A_886, %dma_start3A_895, %dma_start3A_896] : memref<2x6x112xi32, #tpu.memory_space<vmem>> -> memref<1x6x112xi32, #tpu.memory_space<vmem>>
      %dma_start3A_898 = tpu.memref_squeeze %dma_start3A_897 : memref<1x6x112xi32, #tpu.memory_space<vmem>> -> memref<6x112xi32, #tpu.memory_space<vmem>>
      %dma_start3A_899 = arith.constant 0 : i32
      %dma_start3A_900 = arith.constant 0 : i32
      %dma_start3A_901 = tpu.memref_slice %arg3[%add3A, %add3A_885, %dma_start3A_899, %dma_start3A_900] : memref<32x15x6x112xi32, #tpu.memory_space<hbm>> -> memref<1x1x6x112xi32, #tpu.memory_space<hbm>>
      %dma_start3A_902 = tpu.memref_squeeze %dma_start3A_901 : memref<1x1x6x112xi32, #tpu.memory_space<hbm>> -> memref<6x112xi32, #tpu.memory_space<hbm>>
      tpu.enqueue_dma source(%dma_start3A_902 : memref<6x112xi32, #tpu.memory_space<hbm>>) target(%dma_start3A_898 : memref<6x112xi32, #tpu.memory_space<vmem>>) target_semaphore(%arg17 : memref<!tpu.dma_semaphore, #tpu.memory_space<semaphore_mem>>)
      %dma_start3A_903 = arith.constant 1 : i32
      %dma_start3A_904 = arith.constant 0 : i32
      %dma_start3A_905 = arith.constant 0 : i32
      %dma_start3A_906 = tpu.memref_slice %arg8[%dma_start3A_903, %dma_start3A_904, %dma_start3A_905] : memref<2x6x112xi32, #tpu.memory_space<vmem>> -> memref<1x6x112xi32, #tpu.memory_space<vmem>>
      %dma_start3A_907 = tpu.memref_squeeze %dma_start3A_906 : memref<1x6x112xi32, #tpu.memory_space<vmem>> -> memref<6x112xi32, #tpu.memory_space<vmem>>
      %dma_start3A_908 = arith.constant 0 : i32
      %dma_start3A_909 = arith.constant 0 : i32
      %dma_start3A_910 = tpu.memref_slice %arg4[%add3A, %add3A_885, %dma_start3A_908, %dma_start3A_909] : memref<32x15x6x112xi32, #tpu.memory_space<hbm>> -> memref<1x1x6x112xi32, #tpu.memory_space<hbm>>
      %dma_start3A_911 = tpu.memref_squeeze %dma_start3A_910 : memref<1x1x6x112xi32, #tpu.memory_space<hbm>> -> memref<6x112xi32, #tpu.memory_space<hbm>>
      %dma_start3A_912 = arith.constant 0 : i32
      %dma_start3A_913 = arith.constant 0 : i32
      %dma_start3A_914 = tpu.memref_slice %arg8[%dma_start3A_903, %dma_start3A_912, %dma_start3A_913] : memref<2x6x112xi32, #tpu.memory_space<vmem>> -> memref<1x6x112xi32, #tpu.memory_space<vmem>>
      %dma_start3A_915 = tpu.memref_squeeze %dma_start3A_914 : memref<1x6x112xi32, #tpu.memory_space<vmem>> -> memref<6x112xi32, #tpu.memory_space<vmem>>
      %dma_start3A_916 = arith.constant 0 : i32
      %dma_start3A_917 = arith.constant 0 : i32
      %dma_start3A_918 = tpu.memref_slice %arg4[%add3A, %add3A_885, %dma_start3A_916, %dma_start3A_917] : memref<32x15x6x112xi32, #tpu.memory_space<hbm>> -> memref<1x1x6x112xi32, #tpu.memory_space<hbm>>
      %dma_start3A_919 = tpu.memref_squeeze %dma_start3A_918 : memref<1x1x6x112xi32, #tpu.memory_space<hbm>> -> memref<6x112xi32, #tpu.memory_space<hbm>>
      tpu.enqueue_dma source(%dma_start3A_919 : memref<6x112xi32, #tpu.memory_space<hbm>>) target(%dma_start3A_915 : memref<6x112xi32, #tpu.memory_space<vmem>>) target_semaphore(%arg17 : memref<!tpu.dma_semaphore, #tpu.memory_space<semaphore_mem>>)
    }
    %scan3A_144 = arith.constant 6 : i32
    %dma_wait3A_145 = arith.constant 0 : i32
    %dma_wait3A_146 = arith.constant 0 : i32
    %dma_wait3A_147 = arith.constant 0 : i32
    %dma_wait3A_148 = tpu.memref_slice %arg7[%dma_wait3A_145, %dma_wait3A_146, %dma_wait3A_147] : memref<2x6x112xi32, #tpu.memory_space<vmem>> -> memref<1x1x112xi32, #tpu.memory_space<vmem>>
    %dma_wait3A_149 = tpu.memref_squeeze %dma_wait3A_148 : memref<1x1x112xi32, #tpu.memory_space<vmem>> -> memref<112xi32, #tpu.memory_space<vmem>>
    %dma_wait3A_150 = arith.constant 0 : i32
    %dma_wait3A_151 = arith.constant 0 : i32
    %dma_wait3A_152 = tpu.memref_slice %arg2[%dma_wait3A_150, %dma_wait3A_151] : memref<10000x128xf32, #tpu.memory_space<hbm>> -> memref<10000x128xf32, #tpu.memory_space<hbm>>
    tpu.wait_indirect_dma semaphore(%arg13 : memref<!tpu.dma_semaphore, #tpu.memory_space<semaphore_mem>>) src(%dma_wait3A_152 : memref<10000x128xf32, #tpu.memory_space<hbm>>) dst(%arg9 : memref<112x128xf32, #tpu.memory_space<vmem>>)
    %run_scoped3A = arith.constant 0 : i32
    %run_scoped3A_153 = arith.constant 0 : i32
    "tpu.region"() ({
      %run_scoped3A_553 = tpu.sem_alloc : memref<!tpu.dma_semaphore, #tpu.memory_space<semaphore_mem>>
      %dma_start3A_554 = arith.constant 0 : i32
      %dma_start3A_555 = tpu.memref_slice %arg8[%run_scoped3A, %run_scoped3A_153, %dma_start3A_554] : memref<2x6x112xi32, #tpu.memory_space<vmem>> -> memref<1x1x112xi32, #tpu.memory_space<vmem>>
      %dma_start3A_556 = tpu.memref_squeeze %dma_start3A_555 : memref<1x1x112xi32, #tpu.memory_space<vmem>> -> memref<112xi32, #tpu.memory_space<vmem>>
      %dma_start3A_557 = arith.constant 0 : i32
      %dma_start3A_558 = arith.constant 0 : i32
      %dma_start3A_559 = tpu.memref_slice %arg12[%dma_start3A_557, %dma_start3A_558] : memref<10240x128xf32, #tpu.memory_space<vmem_shared>> -> memref<10240x128xf32, #tpu.memory_space<vmem_shared>>
      tpu.enqueue_indirect_dma source(%arg9 : memref<112x128xf32, #tpu.memory_space<vmem>>) target(%dma_start3A_559 : memref<10240x128xf32, #tpu.memory_space<vmem_shared>>) offsets(%dma_start3A_556 : memref<112xi32, #tpu.memory_space<vmem>>) semaphore(%run_scoped3A_553 : memref<!tpu.dma_semaphore, #tpu.memory_space<semaphore_mem>>) {add = true}
      %dma_wait3A_560 = arith.constant 0 : i32
      %dma_wait3A_561 = tpu.memref_slice %arg8[%run_scoped3A, %run_scoped3A_153, %dma_wait3A_560] : memref<2x6x112xi32, #tpu.memory_space<vmem>> -> memref<1x1x112xi32, #tpu.memory_space<vmem>>
      %dma_wait3A_562 = tpu.memref_squeeze %dma_wait3A_561 : memref<1x1x112xi32, #tpu.memory_space<vmem>> -> memref<112xi32, #tpu.memory_space<vmem>>
      %dma_wait3A_563 = arith.constant 0 : i32
      %dma_wait3A_564 = arith.constant 0 : i32
      %dma_wait3A_565 = tpu.memref_slice %arg12[%dma_wait3A_563, %dma_wait3A_564] : memref<10240x128xf32, #tpu.memory_space<vmem_shared>> -> memref<10240x128xf32, #tpu.memory_space<vmem_shared>>
      tpu.wait_indirect_dma semaphore(%run_scoped3A_553 : memref<!tpu.dma_semaphore, #tpu.memory_space<semaphore_mem>>) src(%arg9 : memref<112x128xf32, #tpu.memory_space<vmem>>) dst(%dma_wait3A_565 : memref<10240x128xf32, #tpu.memory_space<vmem_shared>>)
      tpu.yield
    }) : () -> ()
    %dma_start3A_154 = arith.constant 0 : i32
    %dma_start3A_155 = arith.constant 3 : i32
    %dma_start3A_156 = arith.constant 0 : i32
    %dma_start3A_157 = tpu.memref_slice %arg7[%dma_start3A_154, %dma_start3A_155, %dma_start3A_156] : memref<2x6x112xi32, #tpu.memory_space<vmem>> -> memref<1x1x112xi32, #tpu.memory_space<vmem>>
    %dma_start3A_158 = tpu.memref_squeeze %dma_start3A_157 : memref<1x1x112xi32, #tpu.memory_space<vmem>> -> memref<112xi32, #tpu.memory_space<vmem>>
    %dma_start3A_159 = arith.constant 0 : i32
    %dma_start3A_160 = arith.constant 0 : i32
    %dma_start3A_161 = tpu.memref_slice %arg2[%dma_start3A_159, %dma_start3A_160] : memref<10000x128xf32, #tpu.memory_space<hbm>> -> memref<10000x128xf32, #tpu.memory_space<hbm>>
    tpu.enqueue_indirect_dma source(%dma_start3A_161 : memref<10000x128xf32, #tpu.memory_space<hbm>>) target(%arg9 : memref<112x128xf32, #tpu.memory_space<vmem>>) offsets(%dma_start3A_158 : memref<112xi32, #tpu.memory_space<vmem>>) semaphore(%arg13 : memref<!tpu.dma_semaphore, #tpu.memory_space<semaphore_mem>>)
    %dma_wait3A_162 = arith.constant 0 : i32
    %dma_wait3A_163 = arith.constant 0 : i32
    %dma_wait3A_164 = arith.constant 0 : i32
    %dma_wait3A_165 = tpu.memref_slice %arg7[%dma_wait3A_162, %dma_wait3A_163, %dma_wait3A_164] : memref<2x6x112xi32, #tpu.memory_space<vmem>> -> memref<1x1x112xi32, #tpu.memory_space<vmem>>
    %dma_wait3A_166 = tpu.memref_squeeze %dma_wait3A_165 : memref<1x1x112xi32, #tpu.memory_space<vmem>> -> memref<112xi32, #tpu.memory_space<vmem>>
    %dma_wait3A_167 = arith.constant 0 : i32
    %dma_wait3A_168 = arith.constant 0 : i32
    %dma_wait3A_169 = tpu.memref_slice %arg2[%dma_wait3A_167, %dma_wait3A_168] : memref<10000x128xf32, #tpu.memory_space<hbm>> -> memref<10000x128xf32, #tpu.memory_space<hbm>>
    tpu.wait_indirect_dma semaphore(%arg14 : memref<!tpu.dma_semaphore, #tpu.memory_space<semaphore_mem>>) src(%dma_wait3A_169 : memref<10000x128xf32, #tpu.memory_space<hbm>>) dst(%arg10 : memref<112x128xf32, #tpu.memory_space<vmem>>)
    %run_scoped3A_170 = arith.constant 0 : i32
    %run_scoped3A_171 = arith.constant 1 : i32
    "tpu.region"() ({
      %run_scoped3A_553 = tpu.sem_alloc : memref<!tpu.dma_semaphore, #tpu.memory_space<semaphore_mem>>
      %dma_start3A_554 = arith.constant 0 : i32
      %dma_start3A_555 = tpu.memref_slice %arg8[%run_scoped3A_170, %run_scoped3A_171, %dma_start3A_554] : memref<2x6x112xi32, #tpu.memory_space<vmem>> -> memref<1x1x112xi32, #tpu.memory_space<vmem>>
      %dma_start3A_556 = tpu.memref_squeeze %dma_start3A_555 : memref<1x1x112xi32, #tpu.memory_space<vmem>> -> memref<112xi32, #tpu.memory_space<vmem>>
      %dma_start3A_557 = arith.constant 0 : i32
      %dma_start3A_558 = arith.constant 0 : i32
      %dma_start3A_559 = tpu.memref_slice %arg12[%dma_start3A_557, %dma_start3A_558] : memref<10240x128xf32, #tpu.memory_space<vmem_shared>> -> memref<10240x128xf32, #tpu.memory_space<vmem_shared>>
      tpu.enqueue_indirect_dma source(%arg10 : memref<112x128xf32, #tpu.memory_space<vmem>>) target(%dma_start3A_559 : memref<10240x128xf32, #tpu.memory_space<vmem_shared>>) offsets(%dma_start3A_556 : memref<112xi32, #tpu.memory_space<vmem>>) semaphore(%run_scoped3A_553 : memref<!tpu.dma_semaphore, #tpu.memory_space<semaphore_mem>>) {add = true}
      %dma_wait3A_560 = arith.constant 0 : i32
      %dma_wait3A_561 = tpu.memref_slice %arg8[%run_scoped3A_170, %run_scoped3A_171, %dma_wait3A_560] : memref<2x6x112xi32, #tpu.memory_space<vmem>> -> memref<1x1x112xi32, #tpu.memory_space<vmem>>
      %dma_wait3A_562 = tpu.memref_squeeze %dma_wait3A_561 : memref<1x1x112xi32, #tpu.memory_space<vmem>> -> memref<112xi32, #tpu.memory_space<vmem>>
      %dma_wait3A_563 = arith.constant 0 : i32
      %dma_wait3A_564 = arith.constant 0 : i32
      %dma_wait3A_565 = tpu.memref_slice %arg12[%dma_wait3A_563, %dma_wait3A_564] : memref<10240x128xf32, #tpu.memory_space<vmem_shared>> -> memref<10240x128xf32, #tpu.memory_space<vmem_shared>>
      tpu.wait_indirect_dma semaphore(%run_scoped3A_553 : memref<!tpu.dma_semaphore, #tpu.memory_space<semaphore_mem>>) src(%arg10 : memref<112x128xf32, #tpu.memory_space<vmem>>) dst(%dma_wait3A_565 : memref<10240x128xf32, #tpu.memory_space<vmem_shared>>)
      tpu.yield
    }) : () -> ()
    %dma_start3A_172 = arith.constant 0 : i32
    %dma_start3A_173 = arith.constant 4 : i32
    %dma_start3A_174 = arith.constant 0 : i32
    %dma_start3A_175 = tpu.memref_slice %arg7[%dma_start3A_172, %dma_start3A_173, %dma_start3A_174] : memref<2x6x112xi32, #tpu.memory_space<vmem>> -> memref<1x1x112xi32, #tpu.memory_space<vmem>>
    %dma_start3A_176 = tpu.memref_squeeze %dma_start3A_175 : memref<1x1x112xi32, #tpu.memory_space<vmem>> -> memref<112xi32, #tpu.memory_space<vmem>>
    %dma_start3A_177 = arith.constant 0 : i32
    %dma_start3A_178 = arith.constant 0 : i32
    %dma_start3A_179 = tpu.memref_slice %arg2[%dma_start3A_177, %dma_start3A_178] : memref<10000x128xf32, #tpu.memory_space<hbm>> -> memref<10000x128xf32, #tpu.memory_space<hbm>>
    tpu.enqueue_indirect_dma source(%dma_start3A_179 : memref<10000x128xf32, #tpu.memory_space<hbm>>) target(%arg10 : memref<112x128xf32, #tpu.memory_space<vmem>>) offsets(%dma_start3A_176 : memref<112xi32, #tpu.memory_space<vmem>>) semaphore(%arg14 : memref<!tpu.dma_semaphore, #tpu.memory_space<semaphore_mem>>)
    %dma_wait3A_180 = arith.constant 0 : i32
    %dma_wait3A_181 = arith.constant 0 : i32
    %dma_wait3A_182 = arith.constant 0 : i32
    %dma_wait3A_183 = tpu.memref_slice %arg7[%dma_wait3A_180, %dma_wait3A_181, %dma_wait3A_182] : memref<2x6x112xi32, #tpu.memory_space<vmem>> -> memref<1x1x112xi32, #tpu.memory_space<vmem>>
    %dma_wait3A_184 = tpu.memref_squeeze %dma_wait3A_183 : memref<1x1x112xi32, #tpu.memory_space<vmem>> -> memref<112xi32, #tpu.memory_space<vmem>>
    %dma_wait3A_185 = arith.constant 0 : i32
    %dma_wait3A_186 = arith.constant 0 : i32
    %dma_wait3A_187 = tpu.memref_slice %arg2[%dma_wait3A_185, %dma_wait3A_186] : memref<10000x128xf32, #tpu.memory_space<hbm>> -> memref<10000x128xf32, #tpu.memory_space<hbm>>
    tpu.wait_indirect_dma semaphore(%arg15 : memref<!tpu.dma_semaphore, #tpu.memory_space<semaphore_mem>>) src(%dma_wait3A_187 : memref<10000x128xf32, #tpu.memory_space<hbm>>) dst(%arg11 : memref<112x128xf32, #tpu.memory_space<vmem>>)
    %run_scoped3A_188 = arith.constant 0 : i32
    %run_scoped3A_189 = arith.constant 2 : i32
    "tpu.region"() ({
      %run_scoped3A_553 = tpu.sem_alloc : memref<!tpu.dma_semaphore, #tpu.memory_space<semaphore_mem>>
      %dma_start3A_554 = arith.constant 0 : i32
      %dma_start3A_555 = tpu.memref_slice %arg8[%run_scoped3A_188, %run_scoped3A_189, %dma_start3A_554] : memref<2x6x112xi32, #tpu.memory_space<vmem>> -> memref<1x1x112xi32, #tpu.memory_space<vmem>>
      %dma_start3A_556 = tpu.memref_squeeze %dma_start3A_555 : memref<1x1x112xi32, #tpu.memory_space<vmem>> -> memref<112xi32, #tpu.memory_space<vmem>>
      %dma_start3A_557 = arith.constant 0 : i32
      %dma_start3A_558 = arith.constant 0 : i32
      %dma_start3A_559 = tpu.memref_slice %arg12[%dma_start3A_557, %dma_start3A_558] : memref<10240x128xf32, #tpu.memory_space<vmem_shared>> -> memref<10240x128xf32, #tpu.memory_space<vmem_shared>>
      tpu.enqueue_indirect_dma source(%arg11 : memref<112x128xf32, #tpu.memory_space<vmem>>) target(%dma_start3A_559 : memref<10240x128xf32, #tpu.memory_space<vmem_shared>>) offsets(%dma_start3A_556 : memref<112xi32, #tpu.memory_space<vmem>>) semaphore(%run_scoped3A_553 : memref<!tpu.dma_semaphore, #tpu.memory_space<semaphore_mem>>) {add = true}
      %dma_wait3A_560 = arith.constant 0 : i32
      %dma_wait3A_561 = tpu.memref_slice %arg8[%run_scoped3A_188, %run_scoped3A_189, %dma_wait3A_560] : memref<2x6x112xi32, #tpu.memory_space<vmem>> -> memref<1x1x112xi32, #tpu.memory_space<vmem>>
      %dma_wait3A_562 = tpu.memref_squeeze %dma_wait3A_561 : memref<1x1x112xi32, #tpu.memory_space<vmem>> -> memref<112xi32, #tpu.memory_space<vmem>>
      %dma_wait3A_563 = arith.constant 0 : i32
      %dma_wait3A_564 = arith.constant 0 : i32
      %dma_wait3A_565 = tpu.memref_slice %arg12[%dma_wait3A_563, %dma_wait3A_564] : memref<10240x128xf32, #tpu.memory_space<vmem_shared>> -> memref<10240x128xf32, #tpu.memory_space<vmem_shared>>
      tpu.wait_indirect_dma semaphore(%run_scoped3A_553 : memref<!tpu.dma_semaphore, #tpu.memory_space<semaphore_mem>>) src(%arg11 : memref<112x128xf32, #tpu.memory_space<vmem>>) dst(%dma_wait3A_565 : memref<10240x128xf32, #tpu.memory_space<vmem_shared>>)
      tpu.yield
    }) : () -> ()
    %dma_start3A_190 = arith.constant 0 : i32
    %dma_start3A_191 = arith.constant 5 : i32
    %dma_start3A_192 = arith.constant 0 : i32
    %dma_start3A_193 = tpu.memref_slice %arg7[%dma_start3A_190, %dma_start3A_191, %dma_start3A_192] : memref<2x6x112xi32, #tpu.memory_space<vmem>> -> memref<1x1x112xi32, #tpu.memory_space<vmem>>
    %dma_start3A_194 = tpu.memref_squeeze %dma_start3A_193 : memref<1x1x112xi32, #tpu.memory_space<vmem>> -> memref<112xi32, #tpu.memory_space<vmem>>
    %dma_start3A_195 = arith.constant 0 : i32
    %dma_start3A_196 = arith.constant 0 : i32
    %dma_start3A_197 = tpu.memref_slice %arg2[%dma_start3A_195, %dma_start3A_196] : memref<10000x128xf32, #tpu.memory_space<hbm>> -> memref<10000x128xf32, #tpu.memory_space<hbm>>
    tpu.enqueue_indirect_dma source(%dma_start3A_197 : memref<10000x128xf32, #tpu.memory_space<hbm>>) target(%arg11 : memref<112x128xf32, #tpu.memory_space<vmem>>) offsets(%dma_start3A_194 : memref<112xi32, #tpu.memory_space<vmem>>) semaphore(%arg15 : memref<!tpu.dma_semaphore, #tpu.memory_space<semaphore_mem>>)
    %dma_wait3A_198 = arith.constant 0 : i32
    %dma_wait3A_199 = arith.constant 0 : i32
    %dma_wait3A_200 = arith.constant 0 : i32
    %dma_wait3A_201 = tpu.memref_slice %arg7[%dma_wait3A_198, %dma_wait3A_199, %dma_wait3A_200] : memref<2x6x112xi32, #tpu.memory_space<vmem>> -> memref<1x1x112xi32, #tpu.memory_space<vmem>>
    %dma_wait3A_202 = tpu.memref_squeeze %dma_wait3A_201 : memref<1x1x112xi32, #tpu.memory_space<vmem>> -> memref<112xi32, #tpu.memory_space<vmem>>
    %dma_wait3A_203 = arith.constant 0 : i32
    %dma_wait3A_204 = arith.constant 0 : i32
    %dma_wait3A_205 = tpu.memref_slice %arg2[%dma_wait3A_203, %dma_wait3A_204] : memref<10000x128xf32, #tpu.memory_space<hbm>> -> memref<10000x128xf32, #tpu.memory_space<hbm>>
    tpu.wait_indirect_dma semaphore(%arg13 : memref<!tpu.dma_semaphore, #tpu.memory_space<semaphore_mem>>) src(%dma_wait3A_205 : memref<10000x128xf32, #tpu.memory_space<hbm>>) dst(%arg9 : memref<112x128xf32, #tpu.memory_space<vmem>>)
    %run_scoped3A_206 = arith.constant 0 : i32
    %run_scoped3A_207 = arith.constant 3 : i32
    "tpu.region"() ({
      %run_scoped3A_553 = tpu.sem_alloc : memref<!tpu.dma_semaphore, #tpu.memory_space<semaphore_mem>>
      %dma_start3A_554 = arith.constant 0 : i32
      %dma_start3A_555 = tpu.memref_slice %arg8[%run_scoped3A_206, %run_scoped3A_207, %dma_start3A_554] : memref<2x6x112xi32, #tpu.memory_space<vmem>> -> memref<1x1x112xi32, #tpu.memory_space<vmem>>
      %dma_start3A_556 = tpu.memref_squeeze %dma_start3A_555 : memref<1x1x112xi32, #tpu.memory_space<vmem>> -> memref<112xi32, #tpu.memory_space<vmem>>
      %dma_start3A_557 = arith.constant 0 : i32
      %dma_start3A_558 = arith.constant 0 : i32
      %dma_start3A_559 = tpu.memref_slice %arg12[%dma_start3A_557, %dma_start3A_558] : memref<10240x128xf32, #tpu.memory_space<vmem_shared>> -> memref<10240x128xf32, #tpu.memory_space<vmem_shared>>
      tpu.enqueue_indirect_dma source(%arg9 : memref<112x128xf32, #tpu.memory_space<vmem>>) target(%dma_start3A_559 : memref<10240x128xf32, #tpu.memory_space<vmem_shared>>) offsets(%dma_start3A_556 : memref<112xi32, #tpu.memory_space<vmem>>) semaphore(%run_scoped3A_553 : memref<!tpu.dma_semaphore, #tpu.memory_space<semaphore_mem>>) {add = true}
      %dma_wait3A_560 = arith.constant 0 : i32
      %dma_wait3A_561 = tpu.memref_slice %arg8[%run_scoped3A_206, %run_scoped3A_207, %dma_wait3A_560] : memref<2x6x112xi32, #tpu.memory_space<vmem>> -> memref<1x1x112xi32, #tpu.memory_space<vmem>>
      %dma_wait3A_562 = tpu.memref_squeeze %dma_wait3A_561 : memref<1x1x112xi32, #tpu.memory_space<vmem>> -> memref<112xi32, #tpu.memory_space<vmem>>
      %dma_wait3A_563 = arith.constant 0 : i32
      %dma_wait3A_564 = arith.constant 0 : i32
      %dma_wait3A_565 = tpu.memref_slice %arg12[%dma_wait3A_563, %dma_wait3A_564] : memref<10240x128xf32, #tpu.memory_space<vmem_shared>> -> memref<10240x128xf32, #tpu.memory_space<vmem_shared>>
      tpu.wait_indirect_dma semaphore(%run_scoped3A_553 : memref<!tpu.dma_semaphore, #tpu.memory_space<semaphore_mem>>) src(%arg9 : memref<112x128xf32, #tpu.memory_space<vmem>>) dst(%dma_wait3A_565 : memref<10240x128xf32, #tpu.memory_space<vmem_shared>>)
      tpu.yield
    }) : () -> ()
    %dma_wait3A_208 = arith.constant 13 : i32
    %dma_wait3A_209 = arith.constant 1 : i32
    %dma_wait3A_210 = arith.constant 0 : i32
    %dma_wait3A_211 = arith.constant 0 : i32
    %dma_wait3A_212 = tpu.memref_slice %arg7[%dma_wait3A_209, %dma_wait3A_210, %dma_wait3A_211] : memref<2x6x112xi32, #tpu.memory_space<vmem>> -> memref<1x6x112xi32, #tpu.memory_space<vmem>>
    %dma_wait3A_213 = tpu.memref_squeeze %dma_wait3A_212 : memref<1x6x112xi32, #tpu.memory_space<vmem>> -> memref<6x112xi32, #tpu.memory_space<vmem>>
    %dma_wait3A_214 = arith.constant 0 : i32
    %dma_wait3A_215 = arith.constant 0 : i32
    %dma_wait3A_216 = tpu.memref_slice %arg3[%add3A, %dma_wait3A_208, %dma_wait3A_214, %dma_wait3A_215] : memref<32x15x6x112xi32, #tpu.memory_space<hbm>> -> memref<1x1x6x112xi32, #tpu.memory_space<hbm>>
    %dma_wait3A_217 = tpu.memref_squeeze %dma_wait3A_216 : memref<1x1x6x112xi32, #tpu.memory_space<hbm>> -> memref<6x112xi32, #tpu.memory_space<hbm>>
    %dma_wait3A_218 = arith.constant 0 : i32
    %dma_wait3A_219 = arith.constant 0 : i32
    %dma_wait3A_220 = tpu.memref_slice %arg7[%dma_wait3A_209, %dma_wait3A_218, %dma_wait3A_219] : memref<2x6x112xi32, #tpu.memory_space<vmem>> -> memref<1x6x112xi32, #tpu.memory_space<vmem>>
    %dma_wait3A_221 = tpu.memref_squeeze %dma_wait3A_220 : memref<1x6x112xi32, #tpu.memory_space<vmem>> -> memref<6x112xi32, #tpu.memory_space<vmem>>
    %dma_wait3A_222 = arith.constant 0 : i32
    %dma_wait3A_223 = arith.constant 0 : i32
    %dma_wait3A_224 = tpu.memref_slice %arg3[%add3A, %dma_wait3A_208, %dma_wait3A_222, %dma_wait3A_223] : memref<32x15x6x112xi32, #tpu.memory_space<hbm>> -> memref<1x1x6x112xi32, #tpu.memory_space<hbm>>
    %dma_wait3A_225 = tpu.memref_squeeze %dma_wait3A_224 : memref<1x1x6x112xi32, #tpu.memory_space<hbm>> -> memref<6x112xi32, #tpu.memory_space<hbm>>
    tpu.wait_dma2 semaphore(%arg17 : memref<!tpu.dma_semaphore, #tpu.memory_space<semaphore_mem>>) src(%dma_wait3A_225 : memref<6x112xi32, #tpu.memory_space<hbm>>) dst(%dma_wait3A_221 : memref<6x112xi32, #tpu.memory_space<vmem>>)
    %dma_wait3A_226 = arith.constant 13 : i32
    %dma_wait3A_227 = arith.constant 1 : i32
    %dma_wait3A_228 = arith.constant 0 : i32
    %dma_wait3A_229 = arith.constant 0 : i32
    %dma_wait3A_230 = tpu.memref_slice %arg8[%dma_wait3A_227, %dma_wait3A_228, %dma_wait3A_229] : memref<2x6x112xi32, #tpu.memory_space<vmem>> -> memref<1x6x112xi32, #tpu.memory_space<vmem>>
    %dma_wait3A_231 = tpu.memref_squeeze %dma_wait3A_230 : memref<1x6x112xi32, #tpu.memory_space<vmem>> -> memref<6x112xi32, #tpu.memory_space<vmem>>
    %dma_wait3A_232 = arith.constant 0 : i32
    %dma_wait3A_233 = arith.constant 0 : i32
    %dma_wait3A_234 = tpu.memref_slice %arg4[%add3A, %dma_wait3A_226, %dma_wait3A_232, %dma_wait3A_233] : memref<32x15x6x112xi32, #tpu.memory_space<hbm>> -> memref<1x1x6x112xi32, #tpu.memory_space<hbm>>
    %dma_wait3A_235 = tpu.memref_squeeze %dma_wait3A_234 : memref<1x1x6x112xi32, #tpu.memory_space<hbm>> -> memref<6x112xi32, #tpu.memory_space<hbm>>
    %dma_wait3A_236 = arith.constant 0 : i32
    %dma_wait3A_237 = arith.constant 0 : i32
    %dma_wait3A_238 = tpu.memref_slice %arg8[%dma_wait3A_227, %dma_wait3A_236, %dma_wait3A_237] : memref<2x6x112xi32, #tpu.memory_space<vmem>> -> memref<1x6x112xi32, #tpu.memory_space<vmem>>
    %dma_wait3A_239 = tpu.memref_squeeze %dma_wait3A_238 : memref<1x6x112xi32, #tpu.memory_space<vmem>> -> memref<6x112xi32, #tpu.memory_space<vmem>>
    %dma_wait3A_240 = arith.constant 0 : i32
    %dma_wait3A_241 = arith.constant 0 : i32
    %dma_wait3A_242 = tpu.memref_slice %arg4[%add3A, %dma_wait3A_226, %dma_wait3A_240, %dma_wait3A_241] : memref<32x15x6x112xi32, #tpu.memory_space<hbm>> -> memref<1x1x6x112xi32, #tpu.memory_space<hbm>>
    %dma_wait3A_243 = tpu.memref_squeeze %dma_wait3A_242 : memref<1x1x6x112xi32, #tpu.memory_space<hbm>> -> memref<6x112xi32, #tpu.memory_space<hbm>>
    tpu.wait_dma2 semaphore(%arg17 : memref<!tpu.dma_semaphore, #tpu.memory_space<semaphore_mem>>) src(%dma_wait3A_243 : memref<6x112xi32, #tpu.memory_space<hbm>>) dst(%dma_wait3A_239 : memref<6x112xi32, #tpu.memory_space<vmem>>)
    %dma_start3A_244 = arith.constant 1 : i32
    %dma_start3A_245 = arith.constant 0 : i32
    %dma_start3A_246 = arith.constant 0 : i32
    %dma_start3A_247 = tpu.memref_slice %arg7[%dma_start3A_244, %dma_start3A_245, %dma_start3A_246] : memref<2x6x112xi32, #tpu.memory_space<vmem>> -> memref<1x1x112xi32, #tpu.memory_space<vmem>>
    %dma_start3A_248 = tpu.memref_squeeze %dma_start3A_247 : memref<1x1x112xi32, #tpu.memory_space<vmem>> -> memref<112xi32, #tpu.memory_space<vmem>>
    %dma_start3A_249 = arith.constant 0 : i32
    %dma_start3A_250 = arith.constant 0 : i32
    %dma_start3A_251 = tpu.memref_slice %arg2[%dma_start3A_249, %dma_start3A_250] : memref<10000x128xf32, #tpu.memory_space<hbm>> -> memref<10000x128xf32, #tpu.memory_space<hbm>>
    tpu.enqueue_indirect_dma source(%dma_start3A_251 : memref<10000x128xf32, #tpu.memory_space<hbm>>) target(%arg9 : memref<112x128xf32, #tpu.memory_space<vmem>>) offsets(%dma_start3A_248 : memref<112xi32, #tpu.memory_space<vmem>>) semaphore(%arg13 : memref<!tpu.dma_semaphore, #tpu.memory_space<semaphore_mem>>)
    %dma_wait3A_252 = arith.constant 0 : i32
    %dma_wait3A_253 = arith.constant 0 : i32
    %dma_wait3A_254 = arith.constant 0 : i32
    %dma_wait3A_255 = tpu.memref_slice %arg7[%dma_wait3A_252, %dma_wait3A_253, %dma_wait3A_254] : memref<2x6x112xi32, #tpu.memory_space<vmem>> -> memref<1x1x112xi32, #tpu.memory_space<vmem>>
    %dma_wait3A_256 = tpu.memref_squeeze %dma_wait3A_255 : memref<1x1x112xi32, #tpu.memory_space<vmem>> -> memref<112xi32, #tpu.memory_space<vmem>>
    %dma_wait3A_257 = arith.constant 0 : i32
    %dma_wait3A_258 = arith.constant 0 : i32
    %dma_wait3A_259 = tpu.memref_slice %arg2[%dma_wait3A_257, %dma_wait3A_258] : memref<10000x128xf32, #tpu.memory_space<hbm>> -> memref<10000x128xf32, #tpu.memory_space<hbm>>
    tpu.wait_indirect_dma semaphore(%arg14 : memref<!tpu.dma_semaphore, #tpu.memory_space<semaphore_mem>>) src(%dma_wait3A_259 : memref<10000x128xf32, #tpu.memory_space<hbm>>) dst(%arg10 : memref<112x128xf32, #tpu.memory_space<vmem>>)
    %run_scoped3A_260 = arith.constant 0 : i32
    %run_scoped3A_261 = arith.constant 4 : i32
    "tpu.region"() ({
      %run_scoped3A_553 = tpu.sem_alloc : memref<!tpu.dma_semaphore, #tpu.memory_space<semaphore_mem>>
      %dma_start3A_554 = arith.constant 0 : i32
      %dma_start3A_555 = tpu.memref_slice %arg8[%run_scoped3A_260, %run_scoped3A_261, %dma_start3A_554] : memref<2x6x112xi32, #tpu.memory_space<vmem>> -> memref<1x1x112xi32, #tpu.memory_space<vmem>>
      %dma_start3A_556 = tpu.memref_squeeze %dma_start3A_555 : memref<1x1x112xi32, #tpu.memory_space<vmem>> -> memref<112xi32, #tpu.memory_space<vmem>>
      %dma_start3A_557 = arith.constant 0 : i32
      %dma_start3A_558 = arith.constant 0 : i32
      %dma_start3A_559 = tpu.memref_slice %arg12[%dma_start3A_557, %dma_start3A_558] : memref<10240x128xf32, #tpu.memory_space<vmem_shared>> -> memref<10240x128xf32, #tpu.memory_space<vmem_shared>>
      tpu.enqueue_indirect_dma source(%arg10 : memref<112x128xf32, #tpu.memory_space<vmem>>) target(%dma_start3A_559 : memref<10240x128xf32, #tpu.memory_space<vmem_shared>>) offsets(%dma_start3A_556 : memref<112xi32, #tpu.memory_space<vmem>>) semaphore(%run_scoped3A_553 : memref<!tpu.dma_semaphore, #tpu.memory_space<semaphore_mem>>) {add = true}
      %dma_wait3A_560 = arith.constant 0 : i32
      %dma_wait3A_561 = tpu.memref_slice %arg8[%run_scoped3A_260, %run_scoped3A_261, %dma_wait3A_560] : memref<2x6x112xi32, #tpu.memory_space<vmem>> -> memref<1x1x112xi32, #tpu.memory_space<vmem>>
      %dma_wait3A_562 = tpu.memref_squeeze %dma_wait3A_561 : memref<1x1x112xi32, #tpu.memory_space<vmem>> -> memref<112xi32, #tpu.memory_space<vmem>>
      %dma_wait3A_563 = arith.constant 0 : i32
      %dma_wait3A_564 = arith.constant 0 : i32
      %dma_wait3A_565 = tpu.memref_slice %arg12[%dma_wait3A_563, %dma_wait3A_564] : memref<10240x128xf32, #tpu.memory_space<vmem_shared>> -> memref<10240x128xf32, #tpu.memory_space<vmem_shared>>
      tpu.wait_indirect_dma semaphore(%run_scoped3A_553 : memref<!tpu.dma_semaphore, #tpu.memory_space<semaphore_mem>>) src(%arg10 : memref<112x128xf32, #tpu.memory_space<vmem>>) dst(%dma_wait3A_565 : memref<10240x128xf32, #tpu.memory_space<vmem_shared>>)
      tpu.yield
    }) : () -> ()
    %dma_start3A_262 = arith.constant 1 : i32
    %dma_start3A_263 = arith.constant 1 : i32
    %dma_start3A_264 = arith.constant 0 : i32
    %dma_start3A_265 = tpu.memref_slice %arg7[%dma_start3A_262, %dma_start3A_263, %dma_start3A_264] : memref<2x6x112xi32, #tpu.memory_space<vmem>> -> memref<1x1x112xi32, #tpu.memory_space<vmem>>
    %dma_start3A_266 = tpu.memref_squeeze %dma_start3A_265 : memref<1x1x112xi32, #tpu.memory_space<vmem>> -> memref<112xi32, #tpu.memory_space<vmem>>
    %dma_start3A_267 = arith.constant 0 : i32
    %dma_start3A_268 = arith.constant 0 : i32
    %dma_start3A_269 = tpu.memref_slice %arg2[%dma_start3A_267, %dma_start3A_268] : memref<10000x128xf32, #tpu.memory_space<hbm>> -> memref<10000x128xf32, #tpu.memory_space<hbm>>
    tpu.enqueue_indirect_dma source(%dma_start3A_269 : memref<10000x128xf32, #tpu.memory_space<hbm>>) target(%arg10 : memref<112x128xf32, #tpu.memory_space<vmem>>) offsets(%dma_start3A_266 : memref<112xi32, #tpu.memory_space<vmem>>) semaphore(%arg14 : memref<!tpu.dma_semaphore, #tpu.memory_space<semaphore_mem>>)
    %dma_wait3A_270 = arith.constant 0 : i32
    %dma_wait3A_271 = arith.constant 0 : i32
    %dma_wait3A_272 = arith.constant 0 : i32
    %dma_wait3A_273 = tpu.memref_slice %arg7[%dma_wait3A_270, %dma_wait3A_271, %dma_wait3A_272] : memref<2x6x112xi32, #tpu.memory_space<vmem>> -> memref<1x1x112xi32, #tpu.memory_space<vmem>>
    %dma_wait3A_274 = tpu.memref_squeeze %dma_wait3A_273 : memref<1x1x112xi32, #tpu.memory_space<vmem>> -> memref<112xi32, #tpu.memory_space<vmem>>
    %dma_wait3A_275 = arith.constant 0 : i32
    %dma_wait3A_276 = arith.constant 0 : i32
    %dma_wait3A_277 = tpu.memref_slice %arg2[%dma_wait3A_275, %dma_wait3A_276] : memref<10000x128xf32, #tpu.memory_space<hbm>> -> memref<10000x128xf32, #tpu.memory_space<hbm>>
    tpu.wait_indirect_dma semaphore(%arg15 : memref<!tpu.dma_semaphore, #tpu.memory_space<semaphore_mem>>) src(%dma_wait3A_277 : memref<10000x128xf32, #tpu.memory_space<hbm>>) dst(%arg11 : memref<112x128xf32, #tpu.memory_space<vmem>>)
    %run_scoped3A_278 = arith.constant 0 : i32
    %run_scoped3A_279 = arith.constant 5 : i32
    "tpu.region"() ({
      %run_scoped3A_553 = tpu.sem_alloc : memref<!tpu.dma_semaphore, #tpu.memory_space<semaphore_mem>>
      %dma_start3A_554 = arith.constant 0 : i32
      %dma_start3A_555 = tpu.memref_slice %arg8[%run_scoped3A_278, %run_scoped3A_279, %dma_start3A_554] : memref<2x6x112xi32, #tpu.memory_space<vmem>> -> memref<1x1x112xi32, #tpu.memory_space<vmem>>
      %dma_start3A_556 = tpu.memref_squeeze %dma_start3A_555 : memref<1x1x112xi32, #tpu.memory_space<vmem>> -> memref<112xi32, #tpu.memory_space<vmem>>
      %dma_start3A_557 = arith.constant 0 : i32
      %dma_start3A_558 = arith.constant 0 : i32
      %dma_start3A_559 = tpu.memref_slice %arg12[%dma_start3A_557, %dma_start3A_558] : memref<10240x128xf32, #tpu.memory_space<vmem_shared>> -> memref<10240x128xf32, #tpu.memory_space<vmem_shared>>
      tpu.enqueue_indirect_dma source(%arg11 : memref<112x128xf32, #tpu.memory_space<vmem>>) target(%dma_start3A_559 : memref<10240x128xf32, #tpu.memory_space<vmem_shared>>) offsets(%dma_start3A_556 : memref<112xi32, #tpu.memory_space<vmem>>) semaphore(%run_scoped3A_553 : memref<!tpu.dma_semaphore, #tpu.memory_space<semaphore_mem>>) {add = true}
      %dma_wait3A_560 = arith.constant 0 : i32
      %dma_wait3A_561 = tpu.memref_slice %arg8[%run_scoped3A_278, %run_scoped3A_279, %dma_wait3A_560] : memref<2x6x112xi32, #tpu.memory_space<vmem>> -> memref<1x1x112xi32, #tpu.memory_space<vmem>>
      %dma_wait3A_562 = tpu.memref_squeeze %dma_wait3A_561 : memref<1x1x112xi32, #tpu.memory_space<vmem>> -> memref<112xi32, #tpu.memory_space<vmem>>
      %dma_wait3A_563 = arith.constant 0 : i32
      %dma_wait3A_564 = arith.constant 0 : i32
      %dma_wait3A_565 = tpu.memref_slice %arg12[%dma_wait3A_563, %dma_wait3A_564] : memref<10240x128xf32, #tpu.memory_space<vmem_shared>> -> memref<10240x128xf32, #tpu.memory_space<vmem_shared>>
      tpu.wait_indirect_dma semaphore(%run_scoped3A_553 : memref<!tpu.dma_semaphore, #tpu.memory_space<semaphore_mem>>) src(%arg11 : memref<112x128xf32, #tpu.memory_space<vmem>>) dst(%dma_wait3A_565 : memref<10240x128xf32, #tpu.memory_space<vmem_shared>>)
      tpu.yield
    }) : () -> ()
    %dma_start3A_280 = arith.constant 1 : i32
    %dma_start3A_281 = arith.constant 2 : i32
    %dma_start3A_282 = arith.constant 0 : i32
    %dma_start3A_283 = tpu.memref_slice %arg7[%dma_start3A_280, %dma_start3A_281, %dma_start3A_282] : memref<2x6x112xi32, #tpu.memory_space<vmem>> -> memref<1x1x112xi32, #tpu.memory_space<vmem>>
    %dma_start3A_284 = tpu.memref_squeeze %dma_start3A_283 : memref<1x1x112xi32, #tpu.memory_space<vmem>> -> memref<112xi32, #tpu.memory_space<vmem>>
    %dma_start3A_285 = arith.constant 0 : i32
    %dma_start3A_286 = arith.constant 0 : i32
    %dma_start3A_287 = tpu.memref_slice %arg2[%dma_start3A_285, %dma_start3A_286] : memref<10000x128xf32, #tpu.memory_space<hbm>> -> memref<10000x128xf32, #tpu.memory_space<hbm>>
    tpu.enqueue_indirect_dma source(%dma_start3A_287 : memref<10000x128xf32, #tpu.memory_space<hbm>>) target(%arg11 : memref<112x128xf32, #tpu.memory_space<vmem>>) offsets(%dma_start3A_284 : memref<112xi32, #tpu.memory_space<vmem>>) semaphore(%arg15 : memref<!tpu.dma_semaphore, #tpu.memory_space<semaphore_mem>>)
    %dma_start3A_288 = arith.constant 14 : i32
    %dma_start3A_289 = arith.constant 0 : i32
    %dma_start3A_290 = arith.constant 0 : i32
    %dma_start3A_291 = arith.constant 0 : i32
    %dma_start3A_292 = tpu.memref_slice %arg7[%dma_start3A_289, %dma_start3A_290, %dma_start3A_291] : memref<2x6x112xi32, #tpu.memory_space<vmem>> -> memref<1x6x112xi32, #tpu.memory_space<vmem>>
    %dma_start3A_293 = tpu.memref_squeeze %dma_start3A_292 : memref<1x6x112xi32, #tpu.memory_space<vmem>> -> memref<6x112xi32, #tpu.memory_space<vmem>>
    %dma_start3A_294 = arith.constant 0 : i32
    %dma_start3A_295 = arith.constant 0 : i32
    %dma_start3A_296 = tpu.memref_slice %arg3[%add3A, %dma_start3A_288, %dma_start3A_294, %dma_start3A_295] : memref<32x15x6x112xi32, #tpu.memory_space<hbm>> -> memref<1x1x6x112xi32, #tpu.memory_space<hbm>>
    %dma_start3A_297 = tpu.memref_squeeze %dma_start3A_296 : memref<1x1x6x112xi32, #tpu.memory_space<hbm>> -> memref<6x112xi32, #tpu.memory_space<hbm>>
    %dma_start3A_298 = arith.constant 0 : i32
    %dma_start3A_299 = arith.constant 0 : i32
    %dma_start3A_300 = tpu.memref_slice %arg7[%dma_start3A_289, %dma_start3A_298, %dma_start3A_299] : memref<2x6x112xi32, #tpu.memory_space<vmem>> -> memref<1x6x112xi32, #tpu.memory_space<vmem>>
    %dma_start3A_301 = tpu.memref_squeeze %dma_start3A_300 : memref<1x6x112xi32, #tpu.memory_space<vmem>> -> memref<6x112xi32, #tpu.memory_space<vmem>>
    %dma_start3A_302 = arith.constant 0 : i32
    %dma_start3A_303 = arith.constant 0 : i32
    %dma_start3A_304 = tpu.memref_slice %arg3[%add3A, %dma_start3A_288, %dma_start3A_302, %dma_start3A_303] : memref<32x15x6x112xi32, #tpu.memory_space<hbm>> -> memref<1x1x6x112xi32, #tpu.memory_space<hbm>>
    %dma_start3A_305 = tpu.memref_squeeze %dma_start3A_304 : memref<1x1x6x112xi32, #tpu.memory_space<hbm>> -> memref<6x112xi32, #tpu.memory_space<hbm>>
    tpu.enqueue_dma source(%dma_start3A_305 : memref<6x112xi32, #tpu.memory_space<hbm>>) target(%dma_start3A_301 : memref<6x112xi32, #tpu.memory_space<vmem>>) target_semaphore(%arg16 : memref<!tpu.dma_semaphore, #tpu.memory_space<semaphore_mem>>)
    %dma_start3A_306 = arith.constant 14 : i32
    %dma_start3A_307 = arith.constant 0 : i32
    %dma_start3A_308 = arith.constant 0 : i32
    %dma_start3A_309 = arith.constant 0 : i32
    %dma_start3A_310 = tpu.memref_slice %arg8[%dma_start3A_307, %dma_start3A_308, %dma_start3A_309] : memref<2x6x112xi32, #tpu.memory_space<vmem>> -> memref<1x6x112xi32, #tpu.memory_space<vmem>>
    %dma_start3A_311 = tpu.memref_squeeze %dma_start3A_310 : memref<1x6x112xi32, #tpu.memory_space<vmem>> -> memref<6x112xi32, #tpu.memory_space<vmem>>
    %dma_start3A_312 = arith.constant 0 : i32
    %dma_start3A_313 = arith.constant 0 : i32
    %dma_start3A_314 = tpu.memref_slice %arg4[%add3A, %dma_start3A_306, %dma_start3A_312, %dma_start3A_313] : memref<32x15x6x112xi32, #tpu.memory_space<hbm>> -> memref<1x1x6x112xi32, #tpu.memory_space<hbm>>
    %dma_start3A_315 = tpu.memref_squeeze %dma_start3A_314 : memref<1x1x6x112xi32, #tpu.memory_space<hbm>> -> memref<6x112xi32, #tpu.memory_space<hbm>>
    %dma_start3A_316 = arith.constant 0 : i32
    %dma_start3A_317 = arith.constant 0 : i32
    %dma_start3A_318 = tpu.memref_slice %arg8[%dma_start3A_307, %dma_start3A_316, %dma_start3A_317] : memref<2x6x112xi32, #tpu.memory_space<vmem>> -> memref<1x6x112xi32, #tpu.memory_space<vmem>>
    %dma_start3A_319 = tpu.memref_squeeze %dma_start3A_318 : memref<1x6x112xi32, #tpu.memory_space<vmem>> -> memref<6x112xi32, #tpu.memory_space<vmem>>
    %dma_start3A_320 = arith.constant 0 : i32
    %dma_start3A_321 = arith.constant 0 : i32
    %dma_start3A_322 = tpu.memref_slice %arg4[%add3A, %dma_start3A_306, %dma_start3A_320, %dma_start3A_321] : memref<32x15x6x112xi32, #tpu.memory_space<hbm>> -> memref<1x1x6x112xi32, #tpu.memory_space<hbm>>
    %dma_start3A_323 = tpu.memref_squeeze %dma_start3A_322 : memref<1x1x6x112xi32, #tpu.memory_space<hbm>> -> memref<6x112xi32, #tpu.memory_space<hbm>>
    tpu.enqueue_dma source(%dma_start3A_323 : memref<6x112xi32, #tpu.memory_space<hbm>>) target(%dma_start3A_319 : memref<6x112xi32, #tpu.memory_space<vmem>>) target_semaphore(%arg16 : memref<!tpu.dma_semaphore, #tpu.memory_space<semaphore_mem>>)
    %dma_wait3A_324 = arith.constant 0 : i32
    %dma_wait3A_325 = arith.constant 0 : i32
    %dma_wait3A_326 = arith.constant 0 : i32
    %dma_wait3A_327 = tpu.memref_slice %arg7[%dma_wait3A_324, %dma_wait3A_325, %dma_wait3A_326] : memref<2x6x112xi32, #tpu.memory_space<vmem>> -> memref<1x1x112xi32, #tpu.memory_space<vmem>>
    %dma_wait3A_328 = tpu.memref_squeeze %dma_wait3A_327 : memref<1x1x112xi32, #tpu.memory_space<vmem>> -> memref<112xi32, #tpu.memory_space<vmem>>
    %dma_wait3A_329 = arith.constant 0 : i32
    %dma_wait3A_330 = arith.constant 0 : i32
    %dma_wait3A_331 = tpu.memref_slice %arg2[%dma_wait3A_329, %dma_wait3A_330] : memref<10000x128xf32, #tpu.memory_space<hbm>> -> memref<10000x128xf32, #tpu.memory_space<hbm>>
    tpu.wait_indirect_dma semaphore(%arg13 : memref<!tpu.dma_semaphore, #tpu.memory_space<semaphore_mem>>) src(%dma_wait3A_331 : memref<10000x128xf32, #tpu.memory_space<hbm>>) dst(%arg9 : memref<112x128xf32, #tpu.memory_space<vmem>>)
    %run_scoped3A_332 = arith.constant 1 : i32
    %run_scoped3A_333 = arith.constant 0 : i32
    "tpu.region"() ({
      %run_scoped3A_553 = tpu.sem_alloc : memref<!tpu.dma_semaphore, #tpu.memory_space<semaphore_mem>>
      %dma_start3A_554 = arith.constant 0 : i32
      %dma_start3A_555 = tpu.memref_slice %arg8[%run_scoped3A_332, %run_scoped3A_333, %dma_start3A_554] : memref<2x6x112xi32, #tpu.memory_space<vmem>> -> memref<1x1x112xi32, #tpu.memory_space<vmem>>
      %dma_start3A_556 = tpu.memref_squeeze %dma_start3A_555 : memref<1x1x112xi32, #tpu.memory_space<vmem>> -> memref<112xi32, #tpu.memory_space<vmem>>
      %dma_start3A_557 = arith.constant 0 : i32
      %dma_start3A_558 = arith.constant 0 : i32
      %dma_start3A_559 = tpu.memref_slice %arg12[%dma_start3A_557, %dma_start3A_558] : memref<10240x128xf32, #tpu.memory_space<vmem_shared>> -> memref<10240x128xf32, #tpu.memory_space<vmem_shared>>
      tpu.enqueue_indirect_dma source(%arg9 : memref<112x128xf32, #tpu.memory_space<vmem>>) target(%dma_start3A_559 : memref<10240x128xf32, #tpu.memory_space<vmem_shared>>) offsets(%dma_start3A_556 : memref<112xi32, #tpu.memory_space<vmem>>) semaphore(%run_scoped3A_553 : memref<!tpu.dma_semaphore, #tpu.memory_space<semaphore_mem>>) {add = true}
      %dma_wait3A_560 = arith.constant 0 : i32
      %dma_wait3A_561 = tpu.memref_slice %arg8[%run_scoped3A_332, %run_scoped3A_333, %dma_wait3A_560] : memref<2x6x112xi32, #tpu.memory_space<vmem>> -> memref<1x1x112xi32, #tpu.memory_space<vmem>>
      %dma_wait3A_562 = tpu.memref_squeeze %dma_wait3A_561 : memref<1x1x112xi32, #tpu.memory_space<vmem>> -> memref<112xi32, #tpu.memory_space<vmem>>
      %dma_wait3A_563 = arith.constant 0 : i32
      %dma_wait3A_564 = arith.constant 0 : i32
      %dma_wait3A_565 = tpu.memref_slice %arg12[%dma_wait3A_563, %dma_wait3A_564] : memref<10240x128xf32, #tpu.memory_space<vmem_shared>> -> memref<10240x128xf32, #tpu.memory_space<vmem_shared>>
      tpu.wait_indirect_dma semaphore(%run_scoped3A_553 : memref<!tpu.dma_semaphore, #tpu.memory_space<semaphore_mem>>) src(%arg9 : memref<112x128xf32, #tpu.memory_space<vmem>>) dst(%dma_wait3A_565 : memref<10240x128xf32, #tpu.memory_space<vmem_shared>>)
      tpu.yield
    }) : () -> ()
    %dma_start3A_334 = arith.constant 1 : i32
    %dma_start3A_335 = arith.constant 3 : i32
    %dma_start3A_336 = arith.constant 0 : i32
    %dma_start3A_337 = tpu.memref_slice %arg7[%dma_start3A_334, %dma_start3A_335, %dma_start3A_336] : memref<2x6x112xi32, #tpu.memory_space<vmem>> -> memref<1x1x112xi32, #tpu.memory_space<vmem>>
    %dma_start3A_338 = tpu.memref_squeeze %dma_start3A_337 : memref<1x1x112xi32, #tpu.memory_space<vmem>> -> memref<112xi32, #tpu.memory_space<vmem>>
    %dma_start3A_339 = arith.constant 0 : i32
    %dma_start3A_340 = arith.constant 0 : i32
    %dma_start3A_341 = tpu.memref_slice %arg2[%dma_start3A_339, %dma_start3A_340] : memref<10000x128xf32, #tpu.memory_space<hbm>> -> memref<10000x128xf32, #tpu.memory_space<hbm>>
    tpu.enqueue_indirect_dma source(%dma_start3A_341 : memref<10000x128xf32, #tpu.memory_space<hbm>>) target(%arg9 : memref<112x128xf32, #tpu.memory_space<vmem>>) offsets(%dma_start3A_338 : memref<112xi32, #tpu.memory_space<vmem>>) semaphore(%arg13 : memref<!tpu.dma_semaphore, #tpu.memory_space<semaphore_mem>>)
    %dma_wait3A_342 = arith.constant 0 : i32
    %dma_wait3A_343 = arith.constant 0 : i32
    %dma_wait3A_344 = arith.constant 0 : i32
    %dma_wait3A_345 = tpu.memref_slice %arg7[%dma_wait3A_342, %dma_wait3A_343, %dma_wait3A_344] : memref<2x6x112xi32, #tpu.memory_space<vmem>> -> memref<1x1x112xi32, #tpu.memory_space<vmem>>
    %dma_wait3A_346 = tpu.memref_squeeze %dma_wait3A_345 : memref<1x1x112xi32, #tpu.memory_space<vmem>> -> memref<112xi32, #tpu.memory_space<vmem>>
    %dma_wait3A_347 = arith.constant 0 : i32
    %dma_wait3A_348 = arith.constant 0 : i32
    %dma_wait3A_349 = tpu.memref_slice %arg2[%dma_wait3A_347, %dma_wait3A_348] : memref<10000x128xf32, #tpu.memory_space<hbm>> -> memref<10000x128xf32, #tpu.memory_space<hbm>>
    tpu.wait_indirect_dma semaphore(%arg14 : memref<!tpu.dma_semaphore, #tpu.memory_space<semaphore_mem>>) src(%dma_wait3A_349 : memref<10000x128xf32, #tpu.memory_space<hbm>>) dst(%arg10 : memref<112x128xf32, #tpu.memory_space<vmem>>)
    %run_scoped3A_350 = arith.constant 1 : i32
    %run_scoped3A_351 = arith.constant 1 : i32
    "tpu.region"() ({
      %run_scoped3A_553 = tpu.sem_alloc : memref<!tpu.dma_semaphore, #tpu.memory_space<semaphore_mem>>
      %dma_start3A_554 = arith.constant 0 : i32
      %dma_start3A_555 = tpu.memref_slice %arg8[%run_scoped3A_350, %run_scoped3A_351, %dma_start3A_554] : memref<2x6x112xi32, #tpu.memory_space<vmem>> -> memref<1x1x112xi32, #tpu.memory_space<vmem>>
      %dma_start3A_556 = tpu.memref_squeeze %dma_start3A_555 : memref<1x1x112xi32, #tpu.memory_space<vmem>> -> memref<112xi32, #tpu.memory_space<vmem>>
      %dma_start3A_557 = arith.constant 0 : i32
      %dma_start3A_558 = arith.constant 0 : i32
      %dma_start3A_559 = tpu.memref_slice %arg12[%dma_start3A_557, %dma_start3A_558] : memref<10240x128xf32, #tpu.memory_space<vmem_shared>> -> memref<10240x128xf32, #tpu.memory_space<vmem_shared>>
      tpu.enqueue_indirect_dma source(%arg10 : memref<112x128xf32, #tpu.memory_space<vmem>>) target(%dma_start3A_559 : memref<10240x128xf32, #tpu.memory_space<vmem_shared>>) offsets(%dma_start3A_556 : memref<112xi32, #tpu.memory_space<vmem>>) semaphore(%run_scoped3A_553 : memref<!tpu.dma_semaphore, #tpu.memory_space<semaphore_mem>>) {add = true}
      %dma_wait3A_560 = arith.constant 0 : i32
      %dma_wait3A_561 = tpu.memref_slice %arg8[%run_scoped3A_350, %run_scoped3A_351, %dma_wait3A_560] : memref<2x6x112xi32, #tpu.memory_space<vmem>> -> memref<1x1x112xi32, #tpu.memory_space<vmem>>
      %dma_wait3A_562 = tpu.memref_squeeze %dma_wait3A_561 : memref<1x1x112xi32, #tpu.memory_space<vmem>> -> memref<112xi32, #tpu.memory_space<vmem>>
      %dma_wait3A_563 = arith.constant 0 : i32
      %dma_wait3A_564 = arith.constant 0 : i32
      %dma_wait3A_565 = tpu.memref_slice %arg12[%dma_wait3A_563, %dma_wait3A_564] : memref<10240x128xf32, #tpu.memory_space<vmem_shared>> -> memref<10240x128xf32, #tpu.memory_space<vmem_shared>>
      tpu.wait_indirect_dma semaphore(%run_scoped3A_553 : memref<!tpu.dma_semaphore, #tpu.memory_space<semaphore_mem>>) src(%arg10 : memref<112x128xf32, #tpu.memory_space<vmem>>) dst(%dma_wait3A_565 : memref<10240x128xf32, #tpu.memory_space<vmem_shared>>)
      tpu.yield
    }) : () -> ()
    %dma_start3A_352 = arith.constant 1 : i32
    %dma_start3A_353 = arith.constant 4 : i32
    %dma_start3A_354 = arith.constant 0 : i32
    %dma_start3A_355 = tpu.memref_slice %arg7[%dma_start3A_352, %dma_start3A_353, %dma_start3A_354] : memref<2x6x112xi32, #tpu.memory_space<vmem>> -> memref<1x1x112xi32, #tpu.memory_space<vmem>>
    %dma_start3A_356 = tpu.memref_squeeze %dma_start3A_355 : memref<1x1x112xi32, #tpu.memory_space<vmem>> -> memref<112xi32, #tpu.memory_space<vmem>>
    %dma_start3A_357 = arith.constant 0 : i32
    %dma_start3A_358 = arith.constant 0 : i32
    %dma_start3A_359 = tpu.memref_slice %arg2[%dma_start3A_357, %dma_start3A_358] : memref<10000x128xf32, #tpu.memory_space<hbm>> -> memref<10000x128xf32, #tpu.memory_space<hbm>>
    tpu.enqueue_indirect_dma source(%dma_start3A_359 : memref<10000x128xf32, #tpu.memory_space<hbm>>) target(%arg10 : memref<112x128xf32, #tpu.memory_space<vmem>>) offsets(%dma_start3A_356 : memref<112xi32, #tpu.memory_space<vmem>>) semaphore(%arg14 : memref<!tpu.dma_semaphore, #tpu.memory_space<semaphore_mem>>)
    %dma_wait3A_360 = arith.constant 0 : i32
    %dma_wait3A_361 = arith.constant 0 : i32
    %dma_wait3A_362 = arith.constant 0 : i32
    %dma_wait3A_363 = tpu.memref_slice %arg7[%dma_wait3A_360, %dma_wait3A_361, %dma_wait3A_362] : memref<2x6x112xi32, #tpu.memory_space<vmem>> -> memref<1x1x112xi32, #tpu.memory_space<vmem>>
    %dma_wait3A_364 = tpu.memref_squeeze %dma_wait3A_363 : memref<1x1x112xi32, #tpu.memory_space<vmem>> -> memref<112xi32, #tpu.memory_space<vmem>>
    %dma_wait3A_365 = arith.constant 0 : i32
    %dma_wait3A_366 = arith.constant 0 : i32
    %dma_wait3A_367 = tpu.memref_slice %arg2[%dma_wait3A_365, %dma_wait3A_366] : memref<10000x128xf32, #tpu.memory_space<hbm>> -> memref<10000x128xf32, #tpu.memory_space<hbm>>
    tpu.wait_indirect_dma semaphore(%arg15 : memref<!tpu.dma_semaphore, #tpu.memory_space<semaphore_mem>>) src(%dma_wait3A_367 : memref<10000x128xf32, #tpu.memory_space<hbm>>) dst(%arg11 : memref<112x128xf32, #tpu.memory_space<vmem>>)
    %run_scoped3A_368 = arith.constant 1 : i32
    %run_scoped3A_369 = arith.constant 2 : i32
    "tpu.region"() ({
      %run_scoped3A_553 = tpu.sem_alloc : memref<!tpu.dma_semaphore, #tpu.memory_space<semaphore_mem>>
      %dma_start3A_554 = arith.constant 0 : i32
      %dma_start3A_555 = tpu.memref_slice %arg8[%run_scoped3A_368, %run_scoped3A_369, %dma_start3A_554] : memref<2x6x112xi32, #tpu.memory_space<vmem>> -> memref<1x1x112xi32, #tpu.memory_space<vmem>>
      %dma_start3A_556 = tpu.memref_squeeze %dma_start3A_555 : memref<1x1x112xi32, #tpu.memory_space<vmem>> -> memref<112xi32, #tpu.memory_space<vmem>>
      %dma_start3A_557 = arith.constant 0 : i32
      %dma_start3A_558 = arith.constant 0 : i32
      %dma_start3A_559 = tpu.memref_slice %arg12[%dma_start3A_557, %dma_start3A_558] : memref<10240x128xf32, #tpu.memory_space<vmem_shared>> -> memref<10240x128xf32, #tpu.memory_space<vmem_shared>>
      tpu.enqueue_indirect_dma source(%arg11 : memref<112x128xf32, #tpu.memory_space<vmem>>) target(%dma_start3A_559 : memref<10240x128xf32, #tpu.memory_space<vmem_shared>>) offsets(%dma_start3A_556 : memref<112xi32, #tpu.memory_space<vmem>>) semaphore(%run_scoped3A_553 : memref<!tpu.dma_semaphore, #tpu.memory_space<semaphore_mem>>) {add = true}
      %dma_wait3A_560 = arith.constant 0 : i32
      %dma_wait3A_561 = tpu.memref_slice %arg8[%run_scoped3A_368, %run_scoped3A_369, %dma_wait3A_560] : memref<2x6x112xi32, #tpu.memory_space<vmem>> -> memref<1x1x112xi32, #tpu.memory_space<vmem>>
      %dma_wait3A_562 = tpu.memref_squeeze %dma_wait3A_561 : memref<1x1x112xi32, #tpu.memory_space<vmem>> -> memref<112xi32, #tpu.memory_space<vmem>>
      %dma_wait3A_563 = arith.constant 0 : i32
      %dma_wait3A_564 = arith.constant 0 : i32
      %dma_wait3A_565 = tpu.memref_slice %arg12[%dma_wait3A_563, %dma_wait3A_564] : memref<10240x128xf32, #tpu.memory_space<vmem_shared>> -> memref<10240x128xf32, #tpu.memory_space<vmem_shared>>
      tpu.wait_indirect_dma semaphore(%run_scoped3A_553 : memref<!tpu.dma_semaphore, #tpu.memory_space<semaphore_mem>>) src(%arg11 : memref<112x128xf32, #tpu.memory_space<vmem>>) dst(%dma_wait3A_565 : memref<10240x128xf32, #tpu.memory_space<vmem_shared>>)
      tpu.yield
    }) : () -> ()
    %dma_start3A_370 = arith.constant 1 : i32
    %dma_start3A_371 = arith.constant 5 : i32
    %dma_start3A_372 = arith.constant 0 : i32
    %dma_start3A_373 = tpu.memref_slice %arg7[%dma_start3A_370, %dma_start3A_371, %dma_start3A_372] : memref<2x6x112xi32, #tpu.memory_space<vmem>> -> memref<1x1x112xi32, #tpu.memory_space<vmem>>
    %dma_start3A_374 = tpu.memref_squeeze %dma_start3A_373 : memref<1x1x112xi32, #tpu.memory_space<vmem>> -> memref<112xi32, #tpu.memory_space<vmem>>
    %dma_start3A_375 = arith.constant 0 : i32
    %dma_start3A_376 = arith.constant 0 : i32
    %dma_start3A_377 = tpu.memref_slice %arg2[%dma_start3A_375, %dma_start3A_376] : memref<10000x128xf32, #tpu.memory_space<hbm>> -> memref<10000x128xf32, #tpu.memory_space<hbm>>
    tpu.enqueue_indirect_dma source(%dma_start3A_377 : memref<10000x128xf32, #tpu.memory_space<hbm>>) target(%arg11 : memref<112x128xf32, #tpu.memory_space<vmem>>) offsets(%dma_start3A_374 : memref<112xi32, #tpu.memory_space<vmem>>) semaphore(%arg15 : memref<!tpu.dma_semaphore, #tpu.memory_space<semaphore_mem>>)
    %dma_wait3A_378 = arith.constant 0 : i32
    %dma_wait3A_379 = arith.constant 0 : i32
    %dma_wait3A_380 = arith.constant 0 : i32
    %dma_wait3A_381 = tpu.memref_slice %arg7[%dma_wait3A_378, %dma_wait3A_379, %dma_wait3A_380] : memref<2x6x112xi32, #tpu.memory_space<vmem>> -> memref<1x1x112xi32, #tpu.memory_space<vmem>>
    %dma_wait3A_382 = tpu.memref_squeeze %dma_wait3A_381 : memref<1x1x112xi32, #tpu.memory_space<vmem>> -> memref<112xi32, #tpu.memory_space<vmem>>
    %dma_wait3A_383 = arith.constant 0 : i32
    %dma_wait3A_384 = arith.constant 0 : i32
    %dma_wait3A_385 = tpu.memref_slice %arg2[%dma_wait3A_383, %dma_wait3A_384] : memref<10000x128xf32, #tpu.memory_space<hbm>> -> memref<10000x128xf32, #tpu.memory_space<hbm>>
    tpu.wait_indirect_dma semaphore(%arg13 : memref<!tpu.dma_semaphore, #tpu.memory_space<semaphore_mem>>) src(%dma_wait3A_385 : memref<10000x128xf32, #tpu.memory_space<hbm>>) dst(%arg9 : memref<112x128xf32, #tpu.memory_space<vmem>>)
    %run_scoped3A_386 = arith.constant 1 : i32
    %run_scoped3A_387 = arith.constant 3 : i32
    "tpu.region"() ({
      %run_scoped3A_553 = tpu.sem_alloc : memref<!tpu.dma_semaphore, #tpu.memory_space<semaphore_mem>>
      %dma_start3A_554 = arith.constant 0 : i32
      %dma_start3A_555 = tpu.memref_slice %arg8[%run_scoped3A_386, %run_scoped3A_387, %dma_start3A_554] : memref<2x6x112xi32, #tpu.memory_space<vmem>> -> memref<1x1x112xi32, #tpu.memory_space<vmem>>
      %dma_start3A_556 = tpu.memref_squeeze %dma_start3A_555 : memref<1x1x112xi32, #tpu.memory_space<vmem>> -> memref<112xi32, #tpu.memory_space<vmem>>
      %dma_start3A_557 = arith.constant 0 : i32
      %dma_start3A_558 = arith.constant 0 : i32
      %dma_start3A_559 = tpu.memref_slice %arg12[%dma_start3A_557, %dma_start3A_558] : memref<10240x128xf32, #tpu.memory_space<vmem_shared>> -> memref<10240x128xf32, #tpu.memory_space<vmem_shared>>
      tpu.enqueue_indirect_dma source(%arg9 : memref<112x128xf32, #tpu.memory_space<vmem>>) target(%dma_start3A_559 : memref<10240x128xf32, #tpu.memory_space<vmem_shared>>) offsets(%dma_start3A_556 : memref<112xi32, #tpu.memory_space<vmem>>) semaphore(%run_scoped3A_553 : memref<!tpu.dma_semaphore, #tpu.memory_space<semaphore_mem>>) {add = true}
      %dma_wait3A_560 = arith.constant 0 : i32
      %dma_wait3A_561 = tpu.memref_slice %arg8[%run_scoped3A_386, %run_scoped3A_387, %dma_wait3A_560] : memref<2x6x112xi32, #tpu.memory_space<vmem>> -> memref<1x1x112xi32, #tpu.memory_space<vmem>>
      %dma_wait3A_562 = tpu.memref_squeeze %dma_wait3A_561 : memref<1x1x112xi32, #tpu.memory_space<vmem>> -> memref<112xi32, #tpu.memory_space<vmem>>
      %dma_wait3A_563 = arith.constant 0 : i32
      %dma_wait3A_564 = arith.constant 0 : i32
      %dma_wait3A_565 = tpu.memref_slice %arg12[%dma_wait3A_563, %dma_wait3A_564] : memref<10240x128xf32, #tpu.memory_space<vmem_shared>> -> memref<10240x128xf32, #tpu.memory_space<vmem_shared>>
      tpu.wait_indirect_dma semaphore(%run_scoped3A_553 : memref<!tpu.dma_semaphore, #tpu.memory_space<semaphore_mem>>) src(%arg9 : memref<112x128xf32, #tpu.memory_space<vmem>>) dst(%dma_wait3A_565 : memref<10240x128xf32, #tpu.memory_space<vmem_shared>>)
      tpu.yield
    }) : () -> ()
    %dma_wait3A_388 = arith.constant 14 : i32
    %dma_wait3A_389 = arith.constant 0 : i32
    %dma_wait3A_390 = arith.constant 0 : i32
    %dma_wait3A_391 = arith.constant 0 : i32
    %dma_wait3A_392 = tpu.memref_slice %arg7[%dma_wait3A_389, %dma_wait3A_390, %dma_wait3A_391] : memref<2x6x112xi32, #tpu.memory_space<vmem>> -> memref<1x6x112xi32, #tpu.memory_space<vmem>>
    %dma_wait3A_393 = tpu.memref_squeeze %dma_wait3A_392 : memref<1x6x112xi32, #tpu.memory_space<vmem>> -> memref<6x112xi32, #tpu.memory_space<vmem>>
    %dma_wait3A_394 = arith.constant 0 : i32
    %dma_wait3A_395 = arith.constant 0 : i32
    %dma_wait3A_396 = tpu.memref_slice %arg3[%add3A, %dma_wait3A_388, %dma_wait3A_394, %dma_wait3A_395] : memref<32x15x6x112xi32, #tpu.memory_space<hbm>> -> memref<1x1x6x112xi32, #tpu.memory_space<hbm>>
    %dma_wait3A_397 = tpu.memref_squeeze %dma_wait3A_396 : memref<1x1x6x112xi32, #tpu.memory_space<hbm>> -> memref<6x112xi32, #tpu.memory_space<hbm>>
    %dma_wait3A_398 = arith.constant 0 : i32
    %dma_wait3A_399 = arith.constant 0 : i32
    %dma_wait3A_400 = tpu.memref_slice %arg7[%dma_wait3A_389, %dma_wait3A_398, %dma_wait3A_399] : memref<2x6x112xi32, #tpu.memory_space<vmem>> -> memref<1x6x112xi32, #tpu.memory_space<vmem>>
    %dma_wait3A_401 = tpu.memref_squeeze %dma_wait3A_400 : memref<1x6x112xi32, #tpu.memory_space<vmem>> -> memref<6x112xi32, #tpu.memory_space<vmem>>
    %dma_wait3A_402 = arith.constant 0 : i32
    %dma_wait3A_403 = arith.constant 0 : i32
    %dma_wait3A_404 = tpu.memref_slice %arg3[%add3A, %dma_wait3A_388, %dma_wait3A_402, %dma_wait3A_403] : memref<32x15x6x112xi32, #tpu.memory_space<hbm>> -> memref<1x1x6x112xi32, #tpu.memory_space<hbm>>
    %dma_wait3A_405 = tpu.memref_squeeze %dma_wait3A_404 : memref<1x1x6x112xi32, #tpu.memory_space<hbm>> -> memref<6x112xi32, #tpu.memory_space<hbm>>
    tpu.wait_dma2 semaphore(%arg16 : memref<!tpu.dma_semaphore, #tpu.memory_space<semaphore_mem>>) src(%dma_wait3A_405 : memref<6x112xi32, #tpu.memory_space<hbm>>) dst(%dma_wait3A_401 : memref<6x112xi32, #tpu.memory_space<vmem>>)
    %dma_wait3A_406 = arith.constant 14 : i32
    %dma_wait3A_407 = arith.constant 0 : i32
    %dma_wait3A_408 = arith.constant 0 : i32
    %dma_wait3A_409 = arith.constant 0 : i32
    %dma_wait3A_410 = tpu.memref_slice %arg8[%dma_wait3A_407, %dma_wait3A_408, %dma_wait3A_409] : memref<2x6x112xi32, #tpu.memory_space<vmem>> -> memref<1x6x112xi32, #tpu.memory_space<vmem>>
    %dma_wait3A_411 = tpu.memref_squeeze %dma_wait3A_410 : memref<1x6x112xi32, #tpu.memory_space<vmem>> -> memref<6x112xi32, #tpu.memory_space<vmem>>
    %dma_wait3A_412 = arith.constant 0 : i32
    %dma_wait3A_413 = arith.constant 0 : i32
    %dma_wait3A_414 = tpu.memref_slice %arg4[%add3A, %dma_wait3A_406, %dma_wait3A_412, %dma_wait3A_413] : memref<32x15x6x112xi32, #tpu.memory_space<hbm>> -> memref<1x1x6x112xi32, #tpu.memory_space<hbm>>
    %dma_wait3A_415 = tpu.memref_squeeze %dma_wait3A_414 : memref<1x1x6x112xi32, #tpu.memory_space<hbm>> -> memref<6x112xi32, #tpu.memory_space<hbm>>
    %dma_wait3A_416 = arith.constant 0 : i32
    %dma_wait3A_417 = arith.constant 0 : i32
    %dma_wait3A_418 = tpu.memref_slice %arg8[%dma_wait3A_407, %dma_wait3A_416, %dma_wait3A_417] : memref<2x6x112xi32, #tpu.memory_space<vmem>> -> memref<1x6x112xi32, #tpu.memory_space<vmem>>
    %dma_wait3A_419 = tpu.memref_squeeze %dma_wait3A_418 : memref<1x6x112xi32, #tpu.memory_space<vmem>> -> memref<6x112xi32, #tpu.memory_space<vmem>>
    %dma_wait3A_420 = arith.constant 0 : i32
    %dma_wait3A_421 = arith.constant 0 : i32
    %dma_wait3A_422 = tpu.memref_slice %arg4[%add3A, %dma_wait3A_406, %dma_wait3A_420, %dma_wait3A_421] : memref<32x15x6x112xi32, #tpu.memory_space<hbm>> -> memref<1x1x6x112xi32, #tpu.memory_space<hbm>>
    %dma_wait3A_423 = tpu.memref_squeeze %dma_wait3A_422 : memref<1x1x6x112xi32, #tpu.memory_space<hbm>> -> memref<6x112xi32, #tpu.memory_space<hbm>>
    tpu.wait_dma2 semaphore(%arg16 : memref<!tpu.dma_semaphore, #tpu.memory_space<semaphore_mem>>) src(%dma_wait3A_423 : memref<6x112xi32, #tpu.memory_space<hbm>>) dst(%dma_wait3A_419 : memref<6x112xi32, #tpu.memory_space<vmem>>)
    %dma_start3A_424 = arith.constant 0 : i32
    %dma_start3A_425 = arith.constant 0 : i32
    %dma_start3A_426 = arith.constant 0 : i32
    %dma_start3A_427 = tpu.memref_slice %arg7[%dma_start3A_424, %dma_start3A_425, %dma_start3A_426] : memref<2x6x112xi32, #tpu.memory_space<vmem>> -> memref<1x1x112xi32, #tpu.memory_space<vmem>>
    %dma_start3A_428 = tpu.memref_squeeze %dma_start3A_427 : memref<1x1x112xi32, #tpu.memory_space<vmem>> -> memref<112xi32, #tpu.memory_space<vmem>>
    %dma_start3A_429 = arith.constant 0 : i32
    %dma_start3A_430 = arith.constant 0 : i32
    %dma_start3A_431 = tpu.memref_slice %arg2[%dma_start3A_429, %dma_start3A_430] : memref<10000x128xf32, #tpu.memory_space<hbm>> -> memref<10000x128xf32, #tpu.memory_space<hbm>>
    tpu.enqueue_indirect_dma source(%dma_start3A_431 : memref<10000x128xf32, #tpu.memory_space<hbm>>) target(%arg9 : memref<112x128xf32, #tpu.memory_space<vmem>>) offsets(%dma_start3A_428 : memref<112xi32, #tpu.memory_space<vmem>>) semaphore(%arg13 : memref<!tpu.dma_semaphore, #tpu.memory_space<semaphore_mem>>)
    %dma_wait3A_432 = arith.constant 0 : i32
    %dma_wait3A_433 = arith.constant 0 : i32
    %dma_wait3A_434 = arith.constant 0 : i32
    %dma_wait3A_435 = tpu.memref_slice %arg7[%dma_wait3A_432, %dma_wait3A_433, %dma_wait3A_434] : memref<2x6x112xi32, #tpu.memory_space<vmem>> -> memref<1x1x112xi32, #tpu.memory_space<vmem>>
    %dma_wait3A_436 = tpu.memref_squeeze %dma_wait3A_435 : memref<1x1x112xi32, #tpu.memory_space<vmem>> -> memref<112xi32, #tpu.memory_space<vmem>>
    %dma_wait3A_437 = arith.constant 0 : i32
    %dma_wait3A_438 = arith.constant 0 : i32
    %dma_wait3A_439 = tpu.memref_slice %arg2[%dma_wait3A_437, %dma_wait3A_438] : memref<10000x128xf32, #tpu.memory_space<hbm>> -> memref<10000x128xf32, #tpu.memory_space<hbm>>
    tpu.wait_indirect_dma semaphore(%arg14 : memref<!tpu.dma_semaphore, #tpu.memory_space<semaphore_mem>>) src(%dma_wait3A_439 : memref<10000x128xf32, #tpu.memory_space<hbm>>) dst(%arg10 : memref<112x128xf32, #tpu.memory_space<vmem>>)
    %run_scoped3A_440 = arith.constant 1 : i32
    %run_scoped3A_441 = arith.constant 4 : i32
    "tpu.region"() ({
      %run_scoped3A_553 = tpu.sem_alloc : memref<!tpu.dma_semaphore, #tpu.memory_space<semaphore_mem>>
      %dma_start3A_554 = arith.constant 0 : i32
      %dma_start3A_555 = tpu.memref_slice %arg8[%run_scoped3A_440, %run_scoped3A_441, %dma_start3A_554] : memref<2x6x112xi32, #tpu.memory_space<vmem>> -> memref<1x1x112xi32, #tpu.memory_space<vmem>>
      %dma_start3A_556 = tpu.memref_squeeze %dma_start3A_555 : memref<1x1x112xi32, #tpu.memory_space<vmem>> -> memref<112xi32, #tpu.memory_space<vmem>>
      %dma_start3A_557 = arith.constant 0 : i32
      %dma_start3A_558 = arith.constant 0 : i32
      %dma_start3A_559 = tpu.memref_slice %arg12[%dma_start3A_557, %dma_start3A_558] : memref<10240x128xf32, #tpu.memory_space<vmem_shared>> -> memref<10240x128xf32, #tpu.memory_space<vmem_shared>>
      tpu.enqueue_indirect_dma source(%arg10 : memref<112x128xf32, #tpu.memory_space<vmem>>) target(%dma_start3A_559 : memref<10240x128xf32, #tpu.memory_space<vmem_shared>>) offsets(%dma_start3A_556 : memref<112xi32, #tpu.memory_space<vmem>>) semaphore(%run_scoped3A_553 : memref<!tpu.dma_semaphore, #tpu.memory_space<semaphore_mem>>) {add = true}
      %dma_wait3A_560 = arith.constant 0 : i32
      %dma_wait3A_561 = tpu.memref_slice %arg8[%run_scoped3A_440, %run_scoped3A_441, %dma_wait3A_560] : memref<2x6x112xi32, #tpu.memory_space<vmem>> -> memref<1x1x112xi32, #tpu.memory_space<vmem>>
      %dma_wait3A_562 = tpu.memref_squeeze %dma_wait3A_561 : memref<1x1x112xi32, #tpu.memory_space<vmem>> -> memref<112xi32, #tpu.memory_space<vmem>>
      %dma_wait3A_563 = arith.constant 0 : i32
      %dma_wait3A_564 = arith.constant 0 : i32
      %dma_wait3A_565 = tpu.memref_slice %arg12[%dma_wait3A_563, %dma_wait3A_564] : memref<10240x128xf32, #tpu.memory_space<vmem_shared>> -> memref<10240x128xf32, #tpu.memory_space<vmem_shared>>
      tpu.wait_indirect_dma semaphore(%run_scoped3A_553 : memref<!tpu.dma_semaphore, #tpu.memory_space<semaphore_mem>>) src(%arg10 : memref<112x128xf32, #tpu.memory_space<vmem>>) dst(%dma_wait3A_565 : memref<10240x128xf32, #tpu.memory_space<vmem_shared>>)
      tpu.yield
    }) : () -> ()
    %dma_start3A_442 = arith.constant 0 : i32
    %dma_start3A_443 = arith.constant 1 : i32
    %dma_start3A_444 = arith.constant 0 : i32
    %dma_start3A_445 = tpu.memref_slice %arg7[%dma_start3A_442, %dma_start3A_443, %dma_start3A_444] : memref<2x6x112xi32, #tpu.memory_space<vmem>> -> memref<1x1x112xi32, #tpu.memory_space<vmem>>
    %dma_start3A_446 = tpu.memref_squeeze %dma_start3A_445 : memref<1x1x112xi32, #tpu.memory_space<vmem>> -> memref<112xi32, #tpu.memory_space<vmem>>
    %dma_start3A_447 = arith.constant 0 : i32
    %dma_start3A_448 = arith.constant 0 : i32
    %dma_start3A_449 = tpu.memref_slice %arg2[%dma_start3A_447, %dma_start3A_448] : memref<10000x128xf32, #tpu.memory_space<hbm>> -> memref<10000x128xf32, #tpu.memory_space<hbm>>
    tpu.enqueue_indirect_dma source(%dma_start3A_449 : memref<10000x128xf32, #tpu.memory_space<hbm>>) target(%arg10 : memref<112x128xf32, #tpu.memory_space<vmem>>) offsets(%dma_start3A_446 : memref<112xi32, #tpu.memory_space<vmem>>) semaphore(%arg14 : memref<!tpu.dma_semaphore, #tpu.memory_space<semaphore_mem>>)
    %dma_wait3A_450 = arith.constant 0 : i32
    %dma_wait3A_451 = arith.constant 0 : i32
    %dma_wait3A_452 = arith.constant 0 : i32
    %dma_wait3A_453 = tpu.memref_slice %arg7[%dma_wait3A_450, %dma_wait3A_451, %dma_wait3A_452] : memref<2x6x112xi32, #tpu.memory_space<vmem>> -> memref<1x1x112xi32, #tpu.memory_space<vmem>>
    %dma_wait3A_454 = tpu.memref_squeeze %dma_wait3A_453 : memref<1x1x112xi32, #tpu.memory_space<vmem>> -> memref<112xi32, #tpu.memory_space<vmem>>
    %dma_wait3A_455 = arith.constant 0 : i32
    %dma_wait3A_456 = arith.constant 0 : i32
    %dma_wait3A_457 = tpu.memref_slice %arg2[%dma_wait3A_455, %dma_wait3A_456] : memref<10000x128xf32, #tpu.memory_space<hbm>> -> memref<10000x128xf32, #tpu.memory_space<hbm>>
    tpu.wait_indirect_dma semaphore(%arg15 : memref<!tpu.dma_semaphore, #tpu.memory_space<semaphore_mem>>) src(%dma_wait3A_457 : memref<10000x128xf32, #tpu.memory_space<hbm>>) dst(%arg11 : memref<112x128xf32, #tpu.memory_space<vmem>>)
    %run_scoped3A_458 = arith.constant 1 : i32
    %run_scoped3A_459 = arith.constant 5 : i32
    "tpu.region"() ({
      %run_scoped3A_553 = tpu.sem_alloc : memref<!tpu.dma_semaphore, #tpu.memory_space<semaphore_mem>>
      %dma_start3A_554 = arith.constant 0 : i32
      %dma_start3A_555 = tpu.memref_slice %arg8[%run_scoped3A_458, %run_scoped3A_459, %dma_start3A_554] : memref<2x6x112xi32, #tpu.memory_space<vmem>> -> memref<1x1x112xi32, #tpu.memory_space<vmem>>
      %dma_start3A_556 = tpu.memref_squeeze %dma_start3A_555 : memref<1x1x112xi32, #tpu.memory_space<vmem>> -> memref<112xi32, #tpu.memory_space<vmem>>
      %dma_start3A_557 = arith.constant 0 : i32
      %dma_start3A_558 = arith.constant 0 : i32
      %dma_start3A_559 = tpu.memref_slice %arg12[%dma_start3A_557, %dma_start3A_558] : memref<10240x128xf32, #tpu.memory_space<vmem_shared>> -> memref<10240x128xf32, #tpu.memory_space<vmem_shared>>
      tpu.enqueue_indirect_dma source(%arg11 : memref<112x128xf32, #tpu.memory_space<vmem>>) target(%dma_start3A_559 : memref<10240x128xf32, #tpu.memory_space<vmem_shared>>) offsets(%dma_start3A_556 : memref<112xi32, #tpu.memory_space<vmem>>) semaphore(%run_scoped3A_553 : memref<!tpu.dma_semaphore, #tpu.memory_space<semaphore_mem>>) {add = true}
      %dma_wait3A_560 = arith.constant 0 : i32
      %dma_wait3A_561 = tpu.memref_slice %arg8[%run_scoped3A_458, %run_scoped3A_459, %dma_wait3A_560] : memref<2x6x112xi32, #tpu.memory_space<vmem>> -> memref<1x1x112xi32, #tpu.memory_space<vmem>>
      %dma_wait3A_562 = tpu.memref_squeeze %dma_wait3A_561 : memref<1x1x112xi32, #tpu.memory_space<vmem>> -> memref<112xi32, #tpu.memory_space<vmem>>
      %dma_wait3A_563 = arith.constant 0 : i32
      %dma_wait3A_564 = arith.constant 0 : i32
      %dma_wait3A_565 = tpu.memref_slice %arg12[%dma_wait3A_563, %dma_wait3A_564] : memref<10240x128xf32, #tpu.memory_space<vmem_shared>> -> memref<10240x128xf32, #tpu.memory_space<vmem_shared>>
      tpu.wait_indirect_dma semaphore(%run_scoped3A_553 : memref<!tpu.dma_semaphore, #tpu.memory_space<semaphore_mem>>) src(%arg11 : memref<112x128xf32, #tpu.memory_space<vmem>>) dst(%dma_wait3A_565 : memref<10240x128xf32, #tpu.memory_space<vmem_shared>>)
      tpu.yield
    }) : () -> ()
    %dma_start3A_460 = arith.constant 0 : i32
    %dma_start3A_461 = arith.constant 2 : i32
    %dma_start3A_462 = arith.constant 0 : i32
    %dma_start3A_463 = tpu.memref_slice %arg7[%dma_start3A_460, %dma_start3A_461, %dma_start3A_462] : memref<2x6x112xi32, #tpu.memory_space<vmem>> -> memref<1x1x112xi32, #tpu.memory_space<vmem>>
    %dma_start3A_464 = tpu.memref_squeeze %dma_start3A_463 : memref<1x1x112xi32, #tpu.memory_space<vmem>> -> memref<112xi32, #tpu.memory_space<vmem>>
    %dma_start3A_465 = arith.constant 0 : i32
    %dma_start3A_466 = arith.constant 0 : i32
    %dma_start3A_467 = tpu.memref_slice %arg2[%dma_start3A_465, %dma_start3A_466] : memref<10000x128xf32, #tpu.memory_space<hbm>> -> memref<10000x128xf32, #tpu.memory_space<hbm>>
    tpu.enqueue_indirect_dma source(%dma_start3A_467 : memref<10000x128xf32, #tpu.memory_space<hbm>>) target(%arg11 : memref<112x128xf32, #tpu.memory_space<vmem>>) offsets(%dma_start3A_464 : memref<112xi32, #tpu.memory_space<vmem>>) semaphore(%arg15 : memref<!tpu.dma_semaphore, #tpu.memory_space<semaphore_mem>>)
    %dma_wait3A_468 = arith.constant 0 : i32
    %dma_wait3A_469 = arith.constant 0 : i32
    %dma_wait3A_470 = arith.constant 0 : i32
    %dma_wait3A_471 = tpu.memref_slice %arg7[%dma_wait3A_468, %dma_wait3A_469, %dma_wait3A_470] : memref<2x6x112xi32, #tpu.memory_space<vmem>> -> memref<1x1x112xi32, #tpu.memory_space<vmem>>
    %dma_wait3A_472 = tpu.memref_squeeze %dma_wait3A_471 : memref<1x1x112xi32, #tpu.memory_space<vmem>> -> memref<112xi32, #tpu.memory_space<vmem>>
    %dma_wait3A_473 = arith.constant 0 : i32
    %dma_wait3A_474 = arith.constant 0 : i32
    %dma_wait3A_475 = tpu.memref_slice %arg2[%dma_wait3A_473, %dma_wait3A_474] : memref<10000x128xf32, #tpu.memory_space<hbm>> -> memref<10000x128xf32, #tpu.memory_space<hbm>>
    tpu.wait_indirect_dma semaphore(%arg13 : memref<!tpu.dma_semaphore, #tpu.memory_space<semaphore_mem>>) src(%dma_wait3A_475 : memref<10000x128xf32, #tpu.memory_space<hbm>>) dst(%arg9 : memref<112x128xf32, #tpu.memory_space<vmem>>)
    %run_scoped3A_476 = arith.constant 0 : i32
    %run_scoped3A_477 = arith.constant 0 : i32
    "tpu.region"() ({
      %run_scoped3A_553 = tpu.sem_alloc : memref<!tpu.dma_semaphore, #tpu.memory_space<semaphore_mem>>
      %dma_start3A_554 = arith.constant 0 : i32
      %dma_start3A_555 = tpu.memref_slice %arg8[%run_scoped3A_476, %run_scoped3A_477, %dma_start3A_554] : memref<2x6x112xi32, #tpu.memory_space<vmem>> -> memref<1x1x112xi32, #tpu.memory_space<vmem>>
      %dma_start3A_556 = tpu.memref_squeeze %dma_start3A_555 : memref<1x1x112xi32, #tpu.memory_space<vmem>> -> memref<112xi32, #tpu.memory_space<vmem>>
      %dma_start3A_557 = arith.constant 0 : i32
      %dma_start3A_558 = arith.constant 0 : i32
      %dma_start3A_559 = tpu.memref_slice %arg12[%dma_start3A_557, %dma_start3A_558] : memref<10240x128xf32, #tpu.memory_space<vmem_shared>> -> memref<10240x128xf32, #tpu.memory_space<vmem_shared>>
      tpu.enqueue_indirect_dma source(%arg9 : memref<112x128xf32, #tpu.memory_space<vmem>>) target(%dma_start3A_559 : memref<10240x128xf32, #tpu.memory_space<vmem_shared>>) offsets(%dma_start3A_556 : memref<112xi32, #tpu.memory_space<vmem>>) semaphore(%run_scoped3A_553 : memref<!tpu.dma_semaphore, #tpu.memory_space<semaphore_mem>>) {add = true}
      %dma_wait3A_560 = arith.constant 0 : i32
      %dma_wait3A_561 = tpu.memref_slice %arg8[%run_scoped3A_476, %run_scoped3A_477, %dma_wait3A_560] : memref<2x6x112xi32, #tpu.memory_space<vmem>> -> memref<1x1x112xi32, #tpu.memory_space<vmem>>
      %dma_wait3A_562 = tpu.memref_squeeze %dma_wait3A_561 : memref<1x1x112xi32, #tpu.memory_space<vmem>> -> memref<112xi32, #tpu.memory_space<vmem>>
      %dma_wait3A_563 = arith.constant 0 : i32
      %dma_wait3A_564 = arith.constant 0 : i32
      %dma_wait3A_565 = tpu.memref_slice %arg12[%dma_wait3A_563, %dma_wait3A_564] : memref<10240x128xf32, #tpu.memory_space<vmem_shared>> -> memref<10240x128xf32, #tpu.memory_space<vmem_shared>>
      tpu.wait_indirect_dma semaphore(%run_scoped3A_553 : memref<!tpu.dma_semaphore, #tpu.memory_space<semaphore_mem>>) src(%arg9 : memref<112x128xf32, #tpu.memory_space<vmem>>) dst(%dma_wait3A_565 : memref<10240x128xf32, #tpu.memory_space<vmem_shared>>)
      tpu.yield
    }) : () -> ()
    %dma_start3A_478 = arith.constant 0 : i32
    %dma_start3A_479 = arith.constant 3 : i32
    %dma_start3A_480 = arith.constant 0 : i32
    %dma_start3A_481 = tpu.memref_slice %arg7[%dma_start3A_478, %dma_start3A_479, %dma_start3A_480] : memref<2x6x112xi32, #tpu.memory_space<vmem>> -> memref<1x1x112xi32, #tpu.memory_space<vmem>>
    %dma_start3A_482 = tpu.memref_squeeze %dma_start3A_481 : memref<1x1x112xi32, #tpu.memory_space<vmem>> -> memref<112xi32, #tpu.memory_space<vmem>>
    %dma_start3A_483 = arith.constant 0 : i32
    %dma_start3A_484 = arith.constant 0 : i32
    %dma_start3A_485 = tpu.memref_slice %arg2[%dma_start3A_483, %dma_start3A_484] : memref<10000x128xf32, #tpu.memory_space<hbm>> -> memref<10000x128xf32, #tpu.memory_space<hbm>>
    tpu.enqueue_indirect_dma source(%dma_start3A_485 : memref<10000x128xf32, #tpu.memory_space<hbm>>) target(%arg9 : memref<112x128xf32, #tpu.memory_space<vmem>>) offsets(%dma_start3A_482 : memref<112xi32, #tpu.memory_space<vmem>>) semaphore(%arg13 : memref<!tpu.dma_semaphore, #tpu.memory_space<semaphore_mem>>)
    %dma_wait3A_486 = arith.constant 0 : i32
    %dma_wait3A_487 = arith.constant 0 : i32
    %dma_wait3A_488 = arith.constant 0 : i32
    %dma_wait3A_489 = tpu.memref_slice %arg7[%dma_wait3A_486, %dma_wait3A_487, %dma_wait3A_488] : memref<2x6x112xi32, #tpu.memory_space<vmem>> -> memref<1x1x112xi32, #tpu.memory_space<vmem>>
    %dma_wait3A_490 = tpu.memref_squeeze %dma_wait3A_489 : memref<1x1x112xi32, #tpu.memory_space<vmem>> -> memref<112xi32, #tpu.memory_space<vmem>>
    %dma_wait3A_491 = arith.constant 0 : i32
    %dma_wait3A_492 = arith.constant 0 : i32
    %dma_wait3A_493 = tpu.memref_slice %arg2[%dma_wait3A_491, %dma_wait3A_492] : memref<10000x128xf32, #tpu.memory_space<hbm>> -> memref<10000x128xf32, #tpu.memory_space<hbm>>
    tpu.wait_indirect_dma semaphore(%arg14 : memref<!tpu.dma_semaphore, #tpu.memory_space<semaphore_mem>>) src(%dma_wait3A_493 : memref<10000x128xf32, #tpu.memory_space<hbm>>) dst(%arg10 : memref<112x128xf32, #tpu.memory_space<vmem>>)
    %run_scoped3A_494 = arith.constant 0 : i32
    %run_scoped3A_495 = arith.constant 1 : i32
    "tpu.region"() ({
      %run_scoped3A_553 = tpu.sem_alloc : memref<!tpu.dma_semaphore, #tpu.memory_space<semaphore_mem>>
      %dma_start3A_554 = arith.constant 0 : i32
      %dma_start3A_555 = tpu.memref_slice %arg8[%run_scoped3A_494, %run_scoped3A_495, %dma_start3A_554] : memref<2x6x112xi32, #tpu.memory_space<vmem>> -> memref<1x1x112xi32, #tpu.memory_space<vmem>>
      %dma_start3A_556 = tpu.memref_squeeze %dma_start3A_555 : memref<1x1x112xi32, #tpu.memory_space<vmem>> -> memref<112xi32, #tpu.memory_space<vmem>>
      %dma_start3A_557 = arith.constant 0 : i32
      %dma_start3A_558 = arith.constant 0 : i32
      %dma_start3A_559 = tpu.memref_slice %arg12[%dma_start3A_557, %dma_start3A_558] : memref<10240x128xf32, #tpu.memory_space<vmem_shared>> -> memref<10240x128xf32, #tpu.memory_space<vmem_shared>>
      tpu.enqueue_indirect_dma source(%arg10 : memref<112x128xf32, #tpu.memory_space<vmem>>) target(%dma_start3A_559 : memref<10240x128xf32, #tpu.memory_space<vmem_shared>>) offsets(%dma_start3A_556 : memref<112xi32, #tpu.memory_space<vmem>>) semaphore(%run_scoped3A_553 : memref<!tpu.dma_semaphore, #tpu.memory_space<semaphore_mem>>) {add = true}
      %dma_wait3A_560 = arith.constant 0 : i32
      %dma_wait3A_561 = tpu.memref_slice %arg8[%run_scoped3A_494, %run_scoped3A_495, %dma_wait3A_560] : memref<2x6x112xi32, #tpu.memory_space<vmem>> -> memref<1x1x112xi32, #tpu.memory_space<vmem>>
      %dma_wait3A_562 = tpu.memref_squeeze %dma_wait3A_561 : memref<1x1x112xi32, #tpu.memory_space<vmem>> -> memref<112xi32, #tpu.memory_space<vmem>>
      %dma_wait3A_563 = arith.constant 0 : i32
      %dma_wait3A_564 = arith.constant 0 : i32
      %dma_wait3A_565 = tpu.memref_slice %arg12[%dma_wait3A_563, %dma_wait3A_564] : memref<10240x128xf32, #tpu.memory_space<vmem_shared>> -> memref<10240x128xf32, #tpu.memory_space<vmem_shared>>
      tpu.wait_indirect_dma semaphore(%run_scoped3A_553 : memref<!tpu.dma_semaphore, #tpu.memory_space<semaphore_mem>>) src(%arg10 : memref<112x128xf32, #tpu.memory_space<vmem>>) dst(%dma_wait3A_565 : memref<10240x128xf32, #tpu.memory_space<vmem_shared>>)
      tpu.yield
    }) : () -> ()
    %dma_start3A_496 = arith.constant 0 : i32
    %dma_start3A_497 = arith.constant 4 : i32
    %dma_start3A_498 = arith.constant 0 : i32
    %dma_start3A_499 = tpu.memref_slice %arg7[%dma_start3A_496, %dma_start3A_497, %dma_start3A_498] : memref<2x6x112xi32, #tpu.memory_space<vmem>> -> memref<1x1x112xi32, #tpu.memory_space<vmem>>
    %dma_start3A_500 = tpu.memref_squeeze %dma_start3A_499 : memref<1x1x112xi32, #tpu.memory_space<vmem>> -> memref<112xi32, #tpu.memory_space<vmem>>
    %dma_start3A_501 = arith.constant 0 : i32
    %dma_start3A_502 = arith.constant 0 : i32
    %dma_start3A_503 = tpu.memref_slice %arg2[%dma_start3A_501, %dma_start3A_502] : memref<10000x128xf32, #tpu.memory_space<hbm>> -> memref<10000x128xf32, #tpu.memory_space<hbm>>
    tpu.enqueue_indirect_dma source(%dma_start3A_503 : memref<10000x128xf32, #tpu.memory_space<hbm>>) target(%arg10 : memref<112x128xf32, #tpu.memory_space<vmem>>) offsets(%dma_start3A_500 : memref<112xi32, #tpu.memory_space<vmem>>) semaphore(%arg14 : memref<!tpu.dma_semaphore, #tpu.memory_space<semaphore_mem>>)
    %dma_wait3A_504 = arith.constant 0 : i32
    %dma_wait3A_505 = arith.constant 0 : i32
    %dma_wait3A_506 = arith.constant 0 : i32
    %dma_wait3A_507 = tpu.memref_slice %arg7[%dma_wait3A_504, %dma_wait3A_505, %dma_wait3A_506] : memref<2x6x112xi32, #tpu.memory_space<vmem>> -> memref<1x1x112xi32, #tpu.memory_space<vmem>>
    %dma_wait3A_508 = tpu.memref_squeeze %dma_wait3A_507 : memref<1x1x112xi32, #tpu.memory_space<vmem>> -> memref<112xi32, #tpu.memory_space<vmem>>
    %dma_wait3A_509 = arith.constant 0 : i32
    %dma_wait3A_510 = arith.constant 0 : i32
    %dma_wait3A_511 = tpu.memref_slice %arg2[%dma_wait3A_509, %dma_wait3A_510] : memref<10000x128xf32, #tpu.memory_space<hbm>> -> memref<10000x128xf32, #tpu.memory_space<hbm>>
    tpu.wait_indirect_dma semaphore(%arg15 : memref<!tpu.dma_semaphore, #tpu.memory_space<semaphore_mem>>) src(%dma_wait3A_511 : memref<10000x128xf32, #tpu.memory_space<hbm>>) dst(%arg11 : memref<112x128xf32, #tpu.memory_space<vmem>>)
    %run_scoped3A_512 = arith.constant 0 : i32
    %run_scoped3A_513 = arith.constant 2 : i32
    "tpu.region"() ({
      %run_scoped3A_553 = tpu.sem_alloc : memref<!tpu.dma_semaphore, #tpu.memory_space<semaphore_mem>>
      %dma_start3A_554 = arith.constant 0 : i32
      %dma_start3A_555 = tpu.memref_slice %arg8[%run_scoped3A_512, %run_scoped3A_513, %dma_start3A_554] : memref<2x6x112xi32, #tpu.memory_space<vmem>> -> memref<1x1x112xi32, #tpu.memory_space<vmem>>
      %dma_start3A_556 = tpu.memref_squeeze %dma_start3A_555 : memref<1x1x112xi32, #tpu.memory_space<vmem>> -> memref<112xi32, #tpu.memory_space<vmem>>
      %dma_start3A_557 = arith.constant 0 : i32
      %dma_start3A_558 = arith.constant 0 : i32
      %dma_start3A_559 = tpu.memref_slice %arg12[%dma_start3A_557, %dma_start3A_558] : memref<10240x128xf32, #tpu.memory_space<vmem_shared>> -> memref<10240x128xf32, #tpu.memory_space<vmem_shared>>
      tpu.enqueue_indirect_dma source(%arg11 : memref<112x128xf32, #tpu.memory_space<vmem>>) target(%dma_start3A_559 : memref<10240x128xf32, #tpu.memory_space<vmem_shared>>) offsets(%dma_start3A_556 : memref<112xi32, #tpu.memory_space<vmem>>) semaphore(%run_scoped3A_553 : memref<!tpu.dma_semaphore, #tpu.memory_space<semaphore_mem>>) {add = true}
      %dma_wait3A_560 = arith.constant 0 : i32
      %dma_wait3A_561 = tpu.memref_slice %arg8[%run_scoped3A_512, %run_scoped3A_513, %dma_wait3A_560] : memref<2x6x112xi32, #tpu.memory_space<vmem>> -> memref<1x1x112xi32, #tpu.memory_space<vmem>>
      %dma_wait3A_562 = tpu.memref_squeeze %dma_wait3A_561 : memref<1x1x112xi32, #tpu.memory_space<vmem>> -> memref<112xi32, #tpu.memory_space<vmem>>
      %dma_wait3A_563 = arith.constant 0 : i32
      %dma_wait3A_564 = arith.constant 0 : i32
      %dma_wait3A_565 = tpu.memref_slice %arg12[%dma_wait3A_563, %dma_wait3A_564] : memref<10240x128xf32, #tpu.memory_space<vmem_shared>> -> memref<10240x128xf32, #tpu.memory_space<vmem_shared>>
      tpu.wait_indirect_dma semaphore(%run_scoped3A_553 : memref<!tpu.dma_semaphore, #tpu.memory_space<semaphore_mem>>) src(%arg11 : memref<112x128xf32, #tpu.memory_space<vmem>>) dst(%dma_wait3A_565 : memref<10240x128xf32, #tpu.memory_space<vmem_shared>>)
      tpu.yield
    }) : () -> ()
    %dma_start3A_514 = arith.constant 0 : i32
    %dma_start3A_515 = arith.constant 5 : i32
    %dma_start3A_516 = arith.constant 0 : i32
    %dma_start3A_517 = tpu.memref_slice %arg7[%dma_start3A_514, %dma_start3A_515, %dma_start3A_516] : memref<2x6x112xi32, #tpu.memory_space<vmem>> -> memref<1x1x112xi32, #tpu.memory_space<vmem>>
    %dma_start3A_518 = tpu.memref_squeeze %dma_start3A_517 : memref<1x1x112xi32, #tpu.memory_space<vmem>> -> memref<112xi32, #tpu.memory_space<vmem>>
    %dma_start3A_519 = arith.constant 0 : i32
    %dma_start3A_520 = arith.constant 0 : i32
    %dma_start3A_521 = tpu.memref_slice %arg2[%dma_start3A_519, %dma_start3A_520] : memref<10000x128xf32, #tpu.memory_space<hbm>> -> memref<10000x128xf32, #tpu.memory_space<hbm>>
    tpu.enqueue_indirect_dma source(%dma_start3A_521 : memref<10000x128xf32, #tpu.memory_space<hbm>>) target(%arg11 : memref<112x128xf32, #tpu.memory_space<vmem>>) offsets(%dma_start3A_518 : memref<112xi32, #tpu.memory_space<vmem>>) semaphore(%arg15 : memref<!tpu.dma_semaphore, #tpu.memory_space<semaphore_mem>>)
    %dma_wait3A_522 = arith.constant 0 : i32
    %dma_wait3A_523 = arith.constant 0 : i32
    %dma_wait3A_524 = arith.constant 0 : i32
    %dma_wait3A_525 = tpu.memref_slice %arg7[%dma_wait3A_522, %dma_wait3A_523, %dma_wait3A_524] : memref<2x6x112xi32, #tpu.memory_space<vmem>> -> memref<1x1x112xi32, #tpu.memory_space<vmem>>
    %dma_wait3A_526 = tpu.memref_squeeze %dma_wait3A_525 : memref<1x1x112xi32, #tpu.memory_space<vmem>> -> memref<112xi32, #tpu.memory_space<vmem>>
    %dma_wait3A_527 = arith.constant 0 : i32
    %dma_wait3A_528 = arith.constant 0 : i32
    %dma_wait3A_529 = tpu.memref_slice %arg2[%dma_wait3A_527, %dma_wait3A_528] : memref<10000x128xf32, #tpu.memory_space<hbm>> -> memref<10000x128xf32, #tpu.memory_space<hbm>>
    tpu.wait_indirect_dma semaphore(%arg13 : memref<!tpu.dma_semaphore, #tpu.memory_space<semaphore_mem>>) src(%dma_wait3A_529 : memref<10000x128xf32, #tpu.memory_space<hbm>>) dst(%arg9 : memref<112x128xf32, #tpu.memory_space<vmem>>)
    %run_scoped3A_530 = arith.constant 0 : i32
    %run_scoped3A_531 = arith.constant 3 : i32
    "tpu.region"() ({
      %run_scoped3A_553 = tpu.sem_alloc : memref<!tpu.dma_semaphore, #tpu.memory_space<semaphore_mem>>
      %dma_start3A_554 = arith.constant 0 : i32
      %dma_start3A_555 = tpu.memref_slice %arg8[%run_scoped3A_530, %run_scoped3A_531, %dma_start3A_554] : memref<2x6x112xi32, #tpu.memory_space<vmem>> -> memref<1x1x112xi32, #tpu.memory_space<vmem>>
      %dma_start3A_556 = tpu.memref_squeeze %dma_start3A_555 : memref<1x1x112xi32, #tpu.memory_space<vmem>> -> memref<112xi32, #tpu.memory_space<vmem>>
      %dma_start3A_557 = arith.constant 0 : i32
      %dma_start3A_558 = arith.constant 0 : i32
      %dma_start3A_559 = tpu.memref_slice %arg12[%dma_start3A_557, %dma_start3A_558] : memref<10240x128xf32, #tpu.memory_space<vmem_shared>> -> memref<10240x128xf32, #tpu.memory_space<vmem_shared>>
      tpu.enqueue_indirect_dma source(%arg9 : memref<112x128xf32, #tpu.memory_space<vmem>>) target(%dma_start3A_559 : memref<10240x128xf32, #tpu.memory_space<vmem_shared>>) offsets(%dma_start3A_556 : memref<112xi32, #tpu.memory_space<vmem>>) semaphore(%run_scoped3A_553 : memref<!tpu.dma_semaphore, #tpu.memory_space<semaphore_mem>>) {add = true}
      %dma_wait3A_560 = arith.constant 0 : i32
      %dma_wait3A_561 = tpu.memref_slice %arg8[%run_scoped3A_530, %run_scoped3A_531, %dma_wait3A_560] : memref<2x6x112xi32, #tpu.memory_space<vmem>> -> memref<1x1x112xi32, #tpu.memory_space<vmem>>
      %dma_wait3A_562 = tpu.memref_squeeze %dma_wait3A_561 : memref<1x1x112xi32, #tpu.memory_space<vmem>> -> memref<112xi32, #tpu.memory_space<vmem>>
      %dma_wait3A_563 = arith.constant 0 : i32
      %dma_wait3A_564 = arith.constant 0 : i32
      %dma_wait3A_565 = tpu.memref_slice %arg12[%dma_wait3A_563, %dma_wait3A_564] : memref<10240x128xf32, #tpu.memory_space<vmem_shared>> -> memref<10240x128xf32, #tpu.memory_space<vmem_shared>>
      tpu.wait_indirect_dma semaphore(%run_scoped3A_553 : memref<!tpu.dma_semaphore, #tpu.memory_space<semaphore_mem>>) src(%arg9 : memref<112x128xf32, #tpu.memory_space<vmem>>) dst(%dma_wait3A_565 : memref<10240x128xf32, #tpu.memory_space<vmem_shared>>)
      tpu.yield
    }) : () -> ()
    %dma_wait3A_532 = arith.constant 0 : i32
    %dma_wait3A_533 = arith.constant 0 : i32
    %dma_wait3A_534 = arith.constant 0 : i32
    %dma_wait3A_535 = tpu.memref_slice %arg7[%dma_wait3A_532, %dma_wait3A_533, %dma_wait3A_534] : memref<2x6x112xi32, #tpu.memory_space<vmem>> -> memref<1x1x112xi32, #tpu.memory_space<vmem>>
    %dma_wait3A_536 = tpu.memref_squeeze %dma_wait3A_535 : memref<1x1x112xi32, #tpu.memory_space<vmem>> -> memref<112xi32, #tpu.memory_space<vmem>>
    %dma_wait3A_537 = arith.constant 0 : i32
    %dma_wait3A_538 = arith.constant 0 : i32
    %dma_wait3A_539 = tpu.memref_slice %arg2[%dma_wait3A_537, %dma_wait3A_538] : memref<10000x128xf32, #tpu.memory_space<hbm>> -> memref<10000x128xf32, #tpu.memory_space<hbm>>
    tpu.wait_indirect_dma semaphore(%arg14 : memref<!tpu.dma_semaphore, #tpu.memory_space<semaphore_mem>>) src(%dma_wait3A_539 : memref<10000x128xf32, #tpu.memory_space<hbm>>) dst(%arg10 : memref<112x128xf32, #tpu.memory_space<vmem>>)
    %run_scoped3A_540 = arith.constant 0 : i32
    %run_scoped3A_541 = arith.constant 4 : i32
    "tpu.region"() ({
      %run_scoped3A_553 = tpu.sem_alloc : memref<!tpu.dma_semaphore, #tpu.memory_space<semaphore_mem>>
      %dma_start3A_554 = arith.constant 0 : i32
      %dma_start3A_555 = tpu.memref_slice %arg8[%run_scoped3A_540, %run_scoped3A_541, %dma_start3A_554] : memref<2x6x112xi32, #tpu.memory_space<vmem>> -> memref<1x1x112xi32, #tpu.memory_space<vmem>>
      %dma_start3A_556 = tpu.memref_squeeze %dma_start3A_555 : memref<1x1x112xi32, #tpu.memory_space<vmem>> -> memref<112xi32, #tpu.memory_space<vmem>>
      %dma_start3A_557 = arith.constant 0 : i32
      %dma_start3A_558 = arith.constant 0 : i32
      %dma_start3A_559 = tpu.memref_slice %arg12[%dma_start3A_557, %dma_start3A_558] : memref<10240x128xf32, #tpu.memory_space<vmem_shared>> -> memref<10240x128xf32, #tpu.memory_space<vmem_shared>>
      tpu.enqueue_indirect_dma source(%arg10 : memref<112x128xf32, #tpu.memory_space<vmem>>) target(%dma_start3A_559 : memref<10240x128xf32, #tpu.memory_space<vmem_shared>>) offsets(%dma_start3A_556 : memref<112xi32, #tpu.memory_space<vmem>>) semaphore(%run_scoped3A_553 : memref<!tpu.dma_semaphore, #tpu.memory_space<semaphore_mem>>) {add = true}
      %dma_wait3A_560 = arith.constant 0 : i32
      %dma_wait3A_561 = tpu.memref_slice %arg8[%run_scoped3A_540, %run_scoped3A_541, %dma_wait3A_560] : memref<2x6x112xi32, #tpu.memory_space<vmem>> -> memref<1x1x112xi32, #tpu.memory_space<vmem>>
      %dma_wait3A_562 = tpu.memref_squeeze %dma_wait3A_561 : memref<1x1x112xi32, #tpu.memory_space<vmem>> -> memref<112xi32, #tpu.memory_space<vmem>>
      %dma_wait3A_563 = arith.constant 0 : i32
      %dma_wait3A_564 = arith.constant 0 : i32
      %dma_wait3A_565 = tpu.memref_slice %arg12[%dma_wait3A_563, %dma_wait3A_564] : memref<10240x128xf32, #tpu.memory_space<vmem_shared>> -> memref<10240x128xf32, #tpu.memory_space<vmem_shared>>
      tpu.wait_indirect_dma semaphore(%run_scoped3A_553 : memref<!tpu.dma_semaphore, #tpu.memory_space<semaphore_mem>>) src(%arg10 : memref<112x128xf32, #tpu.memory_space<vmem>>) dst(%dma_wait3A_565 : memref<10240x128xf32, #tpu.memory_space<vmem_shared>>)
      tpu.yield
    }) : () -> ()
    %dma_wait3A_542 = arith.constant 0 : i32
    %dma_wait3A_543 = arith.constant 0 : i32
    %dma_wait3A_544 = arith.constant 0 : i32
    %dma_wait3A_545 = tpu.memref_slice %arg7[%dma_wait3A_542, %dma_wait3A_543, %dma_wait3A_544] : memref<2x6x112xi32, #tpu.memory_space<vmem>> -> memref<1x1x112xi32, #tpu.memory_space<vmem>>
    %dma_wait3A_546 = tpu.memref_squeeze %dma_wait3A_545 : memref<1x1x112xi32, #tpu.memory_space<vmem>> -> memref<112xi32, #tpu.memory_space<vmem>>
    %dma_wait3A_547 = arith.constant 0 : i32
    %dma_wait3A_548 = arith.constant 0 : i32
    %dma_wait3A_549 = tpu.memref_slice %arg2[%dma_wait3A_547, %dma_wait3A_548] : memref<10000x128xf32, #tpu.memory_space<hbm>> -> memref<10000x128xf32, #tpu.memory_space<hbm>>
    tpu.wait_indirect_dma semaphore(%arg15 : memref<!tpu.dma_semaphore, #tpu.memory_space<semaphore_mem>>) src(%dma_wait3A_549 : memref<10000x128xf32, #tpu.memory_space<hbm>>) dst(%arg11 : memref<112x128xf32, #tpu.memory_space<vmem>>)
    %run_scoped3A_550 = arith.constant 0 : i32
    %run_scoped3A_551 = arith.constant 5 : i32
    "tpu.region"() ({
      %run_scoped3A_553 = tpu.sem_alloc : memref<!tpu.dma_semaphore, #tpu.memory_space<semaphore_mem>>
      %dma_start3A_554 = arith.constant 0 : i32
      %dma_start3A_555 = tpu.memref_slice %arg8[%run_scoped3A_550, %run_scoped3A_551, %dma_start3A_554] : memref<2x6x112xi32, #tpu.memory_space<vmem>> -> memref<1x1x112xi32, #tpu.memory_space<vmem>>
      %dma_start3A_556 = tpu.memref_squeeze %dma_start3A_555 : memref<1x1x112xi32, #tpu.memory_space<vmem>> -> memref<112xi32, #tpu.memory_space<vmem>>
      %dma_start3A_557 = arith.constant 0 : i32
      %dma_start3A_558 = arith.constant 0 : i32
      %dma_start3A_559 = tpu.memref_slice %arg12[%dma_start3A_557, %dma_start3A_558] : memref<10240x128xf32, #tpu.memory_space<vmem_shared>> -> memref<10240x128xf32, #tpu.memory_space<vmem_shared>>
      tpu.enqueue_indirect_dma source(%arg11 : memref<112x128xf32, #tpu.memory_space<vmem>>) target(%dma_start3A_559 : memref<10240x128xf32, #tpu.memory_space<vmem_shared>>) offsets(%dma_start3A_556 : memref<112xi32, #tpu.memory_space<vmem>>) semaphore(%run_scoped3A_553 : memref<!tpu.dma_semaphore, #tpu.memory_space<semaphore_mem>>) {add = true}
      %dma_wait3A_560 = arith.constant 0 : i32
      %dma_wait3A_561 = tpu.memref_slice %arg8[%run_scoped3A_550, %run_scoped3A_551, %dma_wait3A_560] : memref<2x6x112xi32, #tpu.memory_space<vmem>> -> memref<1x1x112xi32, #tpu.memory_space<vmem>>
      %dma_wait3A_562 = tpu.memref_squeeze %dma_wait3A_561 : memref<1x1x112xi32, #tpu.memory_space<vmem>> -> memref<112xi32, #tpu.memory_space<vmem>>
      %dma_wait3A_563 = arith.constant 0 : i32
      %dma_wait3A_564 = arith.constant 0 : i32
      %dma_wait3A_565 = tpu.memref_slice %arg12[%dma_wait3A_563, %dma_wait3A_564] : memref<10240x128xf32, #tpu.memory_space<vmem_shared>> -> memref<10240x128xf32, #tpu.memory_space<vmem_shared>>
      tpu.wait_indirect_dma semaphore(%run_scoped3A_553 : memref<!tpu.dma_semaphore, #tpu.memory_space<semaphore_mem>>) src(%arg11 : memref<112x128xf32, #tpu.memory_space<vmem>>) dst(%dma_wait3A_565 : memref<10240x128xf32, #tpu.memory_space<vmem_shared>>)
      tpu.yield
    }) : () -> ()
    %barrier3A_552 = arith.constant 0 : index
    tpu.barrier barrier_id(%barrier3A_552)
    "tpu.region"() ({
      %run_scoped3A_553 = tpu.sem_alloc : memref<!tpu.dma_semaphore, #tpu.memory_space<semaphore_mem>>
      %dma_start3A_554 = arith.constant 0 : i32
      %dma_start3A_555 = tpu.memref_slice %arg6[%arg0, %mul3A_2, %dma_start3A_554] : memref<2x10240x128xf32, #tpu.memory_space<hbm>> -> memref<1x640x128xf32, #tpu.memory_space<hbm>>
      %dma_start3A_556 = tpu.memref_squeeze %dma_start3A_555 : memref<1x640x128xf32, #tpu.memory_space<hbm>> -> memref<640x128xf32, #tpu.memory_space<hbm>>
      %dma_start3A_557 = arith.constant 0 : i32
      %dma_start3A_558 = tpu.memref_slice %arg12[%mul3A_2, %dma_start3A_557] : memref<10240x128xf32, #tpu.memory_space<vmem_shared>> -> memref<640x128xf32, #tpu.memory_space<vmem_shared>>
      tpu.enqueue_dma source(%dma_start3A_558 : memref<640x128xf32, #tpu.memory_space<vmem_shared>>) target(%dma_start3A_556 : memref<640x128xf32, #tpu.memory_space<hbm>>) target_semaphore(%run_scoped3A_553 : memref<!tpu.dma_semaphore, #tpu.memory_space<semaphore_mem>>)
      %dma_wait3A_559 = arith.constant 0 : i32
      %dma_wait3A_560 = tpu.memref_slice %arg6[%arg0, %mul3A_2, %dma_wait3A_559] : memref<2x10240x128xf32, #tpu.memory_space<hbm>> -> memref<1x640x128xf32, #tpu.memory_space<hbm>>
      %dma_wait3A_561 = tpu.memref_squeeze %dma_wait3A_560 : memref<1x640x128xf32, #tpu.memory_space<hbm>> -> memref<640x128xf32, #tpu.memory_space<hbm>>
      %dma_wait3A_562 = arith.constant 0 : i32
      %dma_wait3A_563 = tpu.memref_slice %arg12[%mul3A_2, %dma_wait3A_562] : memref<10240x128xf32, #tpu.memory_space<vmem_shared>> -> memref<640x128xf32, #tpu.memory_space<vmem_shared>>
      tpu.wait_dma2 semaphore(%run_scoped3A_553 : memref<!tpu.dma_semaphore, #tpu.memory_space<semaphore_mem>>) src(%dma_wait3A_563 : memref<640x128xf32, #tpu.memory_space<vmem_shared>>) dst(%dma_wait3A_561 : memref<640x128xf32, #tpu.memory_space<hbm>>)
      tpu.yield
    }) : () -> ()
    return
  }
}

#map = affine_map<(d0, d1) -> (0, 0)>
#map1 = affine_map<(d0, d1) -> (0, 0, 0, 0)>
#map2 = affine_map<(d0, d1) -> (0, 0, 0)>
module attributes {stable_mosaic.version = 14 : i64} {
  func.func @agg_kernel(%arg0: i32, %arg1: i32, %arg2: memref<10000x128xf32, #tpu.memory_space<hbm>>, %arg3: memref<32x15x6x112xi32, #tpu.memory_space<hbm>>, %arg4: memref<32x15x6x112xi32, #tpu.memory_space<hbm>>, %arg5: memref<10240x128xf32, #tpu.memory_space<hbm>>, %arg6: memref<2x10240x128xf32, #tpu.memory_space<hbm>>, %arg7: memref<2x6x112xi32, #tpu.memory_space<vmem>>, %arg8: memref<2x6x112xi32, #tpu.memory_space<vmem>>, %arg9: memref<112x128xf32, #tpu.memory_space<vmem>>, %arg10: memref<112x128xf32, #tpu.memory_space<vmem>>, %arg11: memref<112x128xf32, #tpu.memory_space<vmem>>, %arg12: memref<10240x128xf32, #tpu.memory_space<vmem_shared>>, %arg13: memref<!tpu.dma_semaphore, #tpu.memory_space<semaphore_mem>>, %arg14: memref<!tpu.dma_semaphore, #tpu.memory_space<semaphore_mem>>, %arg15: memref<!tpu.dma_semaphore, #tpu.memory_space<semaphore_mem>>, %arg16: memref<!tpu.dma_semaphore, #tpu.memory_space<semaphore_mem>>, %arg17: memref<!tpu.dma_semaphore, #tpu.memory_space<semaphore_mem>>, %arg18: memref<!tpu.dma_semaphore, #tpu.memory_space<semaphore_mem>>) attributes {dimension_semantics = [#tpu.dimension_semantics<core_parallel>, #tpu.dimension_semantics<subcore_parallel>], iteration_bounds = array<i64: 2, 16>, scalar_prefetch = 0 : i64, scratch_operands = 12 : i64, tpu.core_type = #tpu.core_type<sc_vector_subcore>, window_params = [{transform_indices = #map}, {transform_indices = #map1}, {transform_indices = #map1}, {transform_indices = #map}, {transform_indices = #map2}]} {
    %mul3A = arith.constant 2 : i32
    %mul3A_0 = arith.muli %arg1, %mul3A : i32
    %add3A = arith.addi %mul3A_0, %arg0 : i32
    %mul3A_1 = arith.constant 640 : i32
    %mul3A_2 = arith.muli %arg1, %mul3A_1 : i32
    %dma_start3A = arith.constant 0 : i32
    %dma_start3A_3 = tpu.memref_slice %arg12[%mul3A_2, %dma_start3A] : memref<10240x128xf32, #tpu.memory_space<vmem_shared>> -> memref<640x128xf32, #tpu.memory_space<vmem_shared>>
    %dma_start3A_4 = arith.constant 0 : i32
    %dma_start3A_5 = tpu.memref_slice %arg5[%mul3A_2, %dma_start3A_4] : memref<10240x128xf32, #tpu.memory_space<hbm>> -> memref<640x128xf32, #tpu.memory_space<hbm>>
    tpu.enqueue_dma source(%dma_start3A_5 : memref<640x128xf32, #tpu.memory_space<hbm>>) target(%dma_start3A_3 : memref<640x128xf32, #tpu.memory_space<vmem_shared>>) target_semaphore(%arg18 : memref<!tpu.dma_semaphore, #tpu.memory_space<semaphore_mem>>)
    %dma_start3A_6 = arith.constant 0 : i32
    %dma_start3A_7 = arith.constant 0 : i32
    %dma_start3A_8 = arith.constant 0 : i32
    %dma_start3A_9 = arith.constant 0 : i32
    %dma_start3A_10 = tpu.memref_slice %arg7[%dma_start3A_7, %dma_start3A_8, %dma_start3A_9] : memref<2x6x112xi32, #tpu.memory_space<vmem>> -> memref<1x6x112xi32, #tpu.memory_space<vmem>>
    %dma_start3A_11 = tpu.memref_squeeze %dma_start3A_10 : memref<1x6x112xi32, #tpu.memory_space<vmem>> -> memref<6x112xi32, #tpu.memory_space<vmem>>
    %dma_start3A_12 = arith.constant 0 : i32
    %dma_start3A_13 = arith.constant 0 : i32
    %dma_start3A_14 = tpu.memref_slice %arg3[%add3A, %dma_start3A_6, %dma_start3A_12, %dma_start3A_13] : memref<32x15x6x112xi32, #tpu.memory_space<hbm>> -> memref<1x1x6x112xi32, #tpu.memory_space<hbm>>
    %dma_start3A_15 = tpu.memref_squeeze %dma_start3A_14 : memref<1x1x6x112xi32, #tpu.memory_space<hbm>> -> memref<6x112xi32, #tpu.memory_space<hbm>>
    %dma_start3A_16 = arith.constant 0 : i32
    %dma_start3A_17 = arith.constant 0 : i32
    %dma_start3A_18 = tpu.memref_slice %arg7[%dma_start3A_7, %dma_start3A_16, %dma_start3A_17] : memref<2x6x112xi32, #tpu.memory_space<vmem>> -> memref<1x6x112xi32, #tpu.memory_space<vmem>>
    %dma_start3A_19 = tpu.memref_squeeze %dma_start3A_18 : memref<1x6x112xi32, #tpu.memory_space<vmem>> -> memref<6x112xi32, #tpu.memory_space<vmem>>
    %dma_start3A_20 = arith.constant 0 : i32
    %dma_start3A_21 = arith.constant 0 : i32
    %dma_start3A_22 = tpu.memref_slice %arg3[%add3A, %dma_start3A_6, %dma_start3A_20, %dma_start3A_21] : memref<32x15x6x112xi32, #tpu.memory_space<hbm>> -> memref<1x1x6x112xi32, #tpu.memory_space<hbm>>
    %dma_start3A_23 = tpu.memref_squeeze %dma_start3A_22 : memref<1x1x6x112xi32, #tpu.memory_space<hbm>> -> memref<6x112xi32, #tpu.memory_space<hbm>>
    tpu.enqueue_dma source(%dma_start3A_23 : memref<6x112xi32, #tpu.memory_space<hbm>>) target(%dma_start3A_19 : memref<6x112xi32, #tpu.memory_space<vmem>>) target_semaphore(%arg16 : memref<!tpu.dma_semaphore, #tpu.memory_space<semaphore_mem>>)
    %dma_start3A_24 = arith.constant 0 : i32
    %dma_start3A_25 = arith.constant 0 : i32
    %dma_start3A_26 = arith.constant 0 : i32
    %dma_start3A_27 = arith.constant 0 : i32
    %dma_start3A_28 = tpu.memref_slice %arg8[%dma_start3A_25, %dma_start3A_26, %dma_start3A_27] : memref<2x6x112xi32, #tpu.memory_space<vmem>> -> memref<1x6x112xi32, #tpu.memory_space<vmem>>
    %dma_start3A_29 = tpu.memref_squeeze %dma_start3A_28 : memref<1x6x112xi32, #tpu.memory_space<vmem>> -> memref<6x112xi32, #tpu.memory_space<vmem>>
    %dma_start3A_30 = arith.constant 0 : i32
    %dma_start3A_31 = arith.constant 0 : i32
    %dma_start3A_32 = tpu.memref_slice %arg4[%add3A, %dma_start3A_24, %dma_start3A_30, %dma_start3A_31] : memref<32x15x6x112xi32, #tpu.memory_space<hbm>> -> memref<1x1x6x112xi32, #tpu.memory_space<hbm>>
    %dma_start3A_33 = tpu.memref_squeeze %dma_start3A_32 : memref<1x1x6x112xi32, #tpu.memory_space<hbm>> -> memref<6x112xi32, #tpu.memory_space<hbm>>
    %dma_start3A_34 = arith.constant 0 : i32
    %dma_start3A_35 = arith.constant 0 : i32
    %dma_start3A_36 = tpu.memref_slice %arg8[%dma_start3A_25, %dma_start3A_34, %dma_start3A_35] : memref<2x6x112xi32, #tpu.memory_space<vmem>> -> memref<1x6x112xi32, #tpu.memory_space<vmem>>
    %dma_start3A_37 = tpu.memref_squeeze %dma_start3A_36 : memref<1x6x112xi32, #tpu.memory_space<vmem>> -> memref<6x112xi32, #tpu.memory_space<vmem>>
    %dma_start3A_38 = arith.constant 0 : i32
    %dma_start3A_39 = arith.constant 0 : i32
    %dma_start3A_40 = tpu.memref_slice %arg4[%add3A, %dma_start3A_24, %dma_start3A_38, %dma_start3A_39] : memref<32x15x6x112xi32, #tpu.memory_space<hbm>> -> memref<1x1x6x112xi32, #tpu.memory_space<hbm>>
    %dma_start3A_41 = tpu.memref_squeeze %dma_start3A_40 : memref<1x1x6x112xi32, #tpu.memory_space<hbm>> -> memref<6x112xi32, #tpu.memory_space<hbm>>
    tpu.enqueue_dma source(%dma_start3A_41 : memref<6x112xi32, #tpu.memory_space<hbm>>) target(%dma_start3A_37 : memref<6x112xi32, #tpu.memory_space<vmem>>) target_semaphore(%arg16 : memref<!tpu.dma_semaphore, #tpu.memory_space<semaphore_mem>>)
    %dma_start3A_42 = arith.constant 1 : i32
    %dma_start3A_43 = arith.constant 1 : i32
    %dma_start3A_44 = arith.constant 0 : i32
    %dma_start3A_45 = arith.constant 0 : i32
    %dma_start3A_46 = tpu.memref_slice %arg7[%dma_start3A_43, %dma_start3A_44, %dma_start3A_45] : memref<2x6x112xi32, #tpu.memory_space<vmem>> -> memref<1x6x112xi32, #tpu.memory_space<vmem>>
    %dma_start3A_47 = tpu.memref_squeeze %dma_start3A_46 : memref<1x6x112xi32, #tpu.memory_space<vmem>> -> memref<6x112xi32, #tpu.memory_space<vmem>>
    %dma_start3A_48 = arith.constant 0 : i32
    %dma_start3A_49 = arith.constant 0 : i32
    %dma_start3A_50 = tpu.memref_slice %arg3[%add3A, %dma_start3A_42, %dma_start3A_48, %dma_start3A_49] : memref<32x15x6x112xi32, #tpu.memory_space<hbm>> -> memref<1x1x6x112xi32, #tpu.memory_space<hbm>>
    %dma_start3A_51 = tpu.memref_squeeze %dma_start3A_50 : memref<1x1x6x112xi32, #tpu.memory_space<hbm>> -> memref<6x112xi32, #tpu.memory_space<hbm>>
    %dma_start3A_52 = arith.constant 0 : i32
    %dma_start3A_53 = arith.constant 0 : i32
    %dma_start3A_54 = tpu.memref_slice %arg7[%dma_start3A_43, %dma_start3A_52, %dma_start3A_53] : memref<2x6x112xi32, #tpu.memory_space<vmem>> -> memref<1x6x112xi32, #tpu.memory_space<vmem>>
    %dma_start3A_55 = tpu.memref_squeeze %dma_start3A_54 : memref<1x6x112xi32, #tpu.memory_space<vmem>> -> memref<6x112xi32, #tpu.memory_space<vmem>>
    %dma_start3A_56 = arith.constant 0 : i32
    %dma_start3A_57 = arith.constant 0 : i32
    %dma_start3A_58 = tpu.memref_slice %arg3[%add3A, %dma_start3A_42, %dma_start3A_56, %dma_start3A_57] : memref<32x15x6x112xi32, #tpu.memory_space<hbm>> -> memref<1x1x6x112xi32, #tpu.memory_space<hbm>>
    %dma_start3A_59 = tpu.memref_squeeze %dma_start3A_58 : memref<1x1x6x112xi32, #tpu.memory_space<hbm>> -> memref<6x112xi32, #tpu.memory_space<hbm>>
    tpu.enqueue_dma source(%dma_start3A_59 : memref<6x112xi32, #tpu.memory_space<hbm>>) target(%dma_start3A_55 : memref<6x112xi32, #tpu.memory_space<vmem>>) target_semaphore(%arg17 : memref<!tpu.dma_semaphore, #tpu.memory_space<semaphore_mem>>)
    %dma_start3A_60 = arith.constant 1 : i32
    %dma_start3A_61 = arith.constant 1 : i32
    %dma_start3A_62 = arith.constant 0 : i32
    %dma_start3A_63 = arith.constant 0 : i32
    %dma_start3A_64 = tpu.memref_slice %arg8[%dma_start3A_61, %dma_start3A_62, %dma_start3A_63] : memref<2x6x112xi32, #tpu.memory_space<vmem>> -> memref<1x6x112xi32, #tpu.memory_space<vmem>>
    %dma_start3A_65 = tpu.memref_squeeze %dma_start3A_64 : memref<1x6x112xi32, #tpu.memory_space<vmem>> -> memref<6x112xi32, #tpu.memory_space<vmem>>
    %dma_start3A_66 = arith.constant 0 : i32
    %dma_start3A_67 = arith.constant 0 : i32
    %dma_start3A_68 = tpu.memref_slice %arg4[%add3A, %dma_start3A_60, %dma_start3A_66, %dma_start3A_67] : memref<32x15x6x112xi32, #tpu.memory_space<hbm>> -> memref<1x1x6x112xi32, #tpu.memory_space<hbm>>
    %dma_start3A_69 = tpu.memref_squeeze %dma_start3A_68 : memref<1x1x6x112xi32, #tpu.memory_space<hbm>> -> memref<6x112xi32, #tpu.memory_space<hbm>>
    %dma_start3A_70 = arith.constant 0 : i32
    %dma_start3A_71 = arith.constant 0 : i32
    %dma_start3A_72 = tpu.memref_slice %arg8[%dma_start3A_61, %dma_start3A_70, %dma_start3A_71] : memref<2x6x112xi32, #tpu.memory_space<vmem>> -> memref<1x6x112xi32, #tpu.memory_space<vmem>>
    %dma_start3A_73 = tpu.memref_squeeze %dma_start3A_72 : memref<1x6x112xi32, #tpu.memory_space<vmem>> -> memref<6x112xi32, #tpu.memory_space<vmem>>
    %dma_start3A_74 = arith.constant 0 : i32
    %dma_start3A_75 = arith.constant 0 : i32
    %dma_start3A_76 = tpu.memref_slice %arg4[%add3A, %dma_start3A_60, %dma_start3A_74, %dma_start3A_75] : memref<32x15x6x112xi32, #tpu.memory_space<hbm>> -> memref<1x1x6x112xi32, #tpu.memory_space<hbm>>
    %dma_start3A_77 = tpu.memref_squeeze %dma_start3A_76 : memref<1x1x6x112xi32, #tpu.memory_space<hbm>> -> memref<6x112xi32, #tpu.memory_space<hbm>>
    tpu.enqueue_dma source(%dma_start3A_77 : memref<6x112xi32, #tpu.memory_space<hbm>>) target(%dma_start3A_73 : memref<6x112xi32, #tpu.memory_space<vmem>>) target_semaphore(%arg17 : memref<!tpu.dma_semaphore, #tpu.memory_space<semaphore_mem>>)
    %dma_wait3A = arith.constant 0 : i32
    %dma_wait3A_78 = arith.constant 0 : i32
    %dma_wait3A_79 = arith.constant 0 : i32
    %dma_wait3A_80 = arith.constant 0 : i32
    %dma_wait3A_81 = tpu.memref_slice %arg7[%dma_wait3A_78, %dma_wait3A_79, %dma_wait3A_80] : memref<2x6x112xi32, #tpu.memory_space<vmem>> -> memref<1x6x112xi32, #tpu.memory_space<vmem>>
    %dma_wait3A_82 = tpu.memref_squeeze %dma_wait3A_81 : memref<1x6x112xi32, #tpu.memory_space<vmem>> -> memref<6x112xi32, #tpu.memory_space<vmem>>
    %dma_wait3A_83 = arith.constant 0 : i32
    %dma_wait3A_84 = arith.constant 0 : i32
    %dma_wait3A_85 = tpu.memref_slice %arg3[%add3A, %dma_wait3A, %dma_wait3A_83, %dma_wait3A_84] : memref<32x15x6x112xi32, #tpu.memory_space<hbm>> -> memref<1x1x6x112xi32, #tpu.memory_space<hbm>>
    %dma_wait3A_86 = tpu.memref_squeeze %dma_wait3A_85 : memref<1x1x6x112xi32, #tpu.memory_space<hbm>> -> memref<6x112xi32, #tpu.memory_space<hbm>>
    %dma_wait3A_87 = arith.constant 0 : i32
    %dma_wait3A_88 = arith.constant 0 : i32
    %dma_wait3A_89 = tpu.memref_slice %arg7[%dma_wait3A_78, %dma_wait3A_87, %dma_wait3A_88] : memref<2x6x112xi32, #tpu.memory_space<vmem>> -> memref<1x6x112xi32, #tpu.memory_space<vmem>>
    %dma_wait3A_90 = tpu.memref_squeeze %dma_wait3A_89 : memref<1x6x112xi32, #tpu.memory_space<vmem>> -> memref<6x112xi32, #tpu.memory_space<vmem>>
    %dma_wait3A_91 = arith.constant 0 : i32
    %dma_wait3A_92 = arith.constant 0 : i32
    %dma_wait3A_93 = tpu.memref_slice %arg3[%add3A, %dma_wait3A, %dma_wait3A_91, %dma_wait3A_92] : memref<32x15x6x112xi32, #tpu.memory_space<hbm>> -> memref<1x1x6x112xi32, #tpu.memory_space<hbm>>
    %dma_wait3A_94 = tpu.memref_squeeze %dma_wait3A_93 : memref<1x1x6x112xi32, #tpu.memory_space<hbm>> -> memref<6x112xi32, #tpu.memory_space<hbm>>
    tpu.wait_dma2 semaphore(%arg16 : memref<!tpu.dma_semaphore, #tpu.memory_space<semaphore_mem>>) src(%dma_wait3A_94 : memref<6x112xi32, #tpu.memory_space<hbm>>) dst(%dma_wait3A_90 : memref<6x112xi32, #tpu.memory_space<vmem>>)
    %dma_wait3A_95 = arith.constant 0 : i32
    %dma_wait3A_96 = arith.constant 0 : i32
    %dma_wait3A_97 = arith.constant 0 : i32
    %dma_wait3A_98 = arith.constant 0 : i32
    %dma_wait3A_99 = tpu.memref_slice %arg8[%dma_wait3A_96, %dma_wait3A_97, %dma_wait3A_98] : memref<2x6x112xi32, #tpu.memory_space<vmem>> -> memref<1x6x112xi32, #tpu.memory_space<vmem>>
    %dma_wait3A_100 = tpu.memref_squeeze %dma_wait3A_99 : memref<1x6x112xi32, #tpu.memory_space<vmem>> -> memref<6x112xi32, #tpu.memory_space<vmem>>
    %dma_wait3A_101 = arith.constant 0 : i32
    %dma_wait3A_102 = arith.constant 0 : i32
    %dma_wait3A_103 = tpu.memref_slice %arg4[%add3A, %dma_wait3A_95, %dma_wait3A_101, %dma_wait3A_102] : memref<32x15x6x112xi32, #tpu.memory_space<hbm>> -> memref<1x1x6x112xi32, #tpu.memory_space<hbm>>
    %dma_wait3A_104 = tpu.memref_squeeze %dma_wait3A_103 : memref<1x1x6x112xi32, #tpu.memory_space<hbm>> -> memref<6x112xi32, #tpu.memory_space<hbm>>
    %dma_wait3A_105 = arith.constant 0 : i32
    %dma_wait3A_106 = arith.constant 0 : i32
    %dma_wait3A_107 = tpu.memref_slice %arg8[%dma_wait3A_96, %dma_wait3A_105, %dma_wait3A_106] : memref<2x6x112xi32, #tpu.memory_space<vmem>> -> memref<1x6x112xi32, #tpu.memory_space<vmem>>
    %dma_wait3A_108 = tpu.memref_squeeze %dma_wait3A_107 : memref<1x6x112xi32, #tpu.memory_space<vmem>> -> memref<6x112xi32, #tpu.memory_space<vmem>>
    %dma_wait3A_109 = arith.constant 0 : i32
    %dma_wait3A_110 = arith.constant 0 : i32
    %dma_wait3A_111 = tpu.memref_slice %arg4[%add3A, %dma_wait3A_95, %dma_wait3A_109, %dma_wait3A_110] : memref<32x15x6x112xi32, #tpu.memory_space<hbm>> -> memref<1x1x6x112xi32, #tpu.memory_space<hbm>>
    %dma_wait3A_112 = tpu.memref_squeeze %dma_wait3A_111 : memref<1x1x6x112xi32, #tpu.memory_space<hbm>> -> memref<6x112xi32, #tpu.memory_space<hbm>>
    tpu.wait_dma2 semaphore(%arg16 : memref<!tpu.dma_semaphore, #tpu.memory_space<semaphore_mem>>) src(%dma_wait3A_112 : memref<6x112xi32, #tpu.memory_space<hbm>>) dst(%dma_wait3A_108 : memref<6x112xi32, #tpu.memory_space<vmem>>)
    %dma_start3A_113 = arith.constant 0 : i32
    %dma_start3A_114 = arith.constant 0 : i32
    %dma_start3A_115 = arith.constant 0 : i32
    %dma_start3A_116 = tpu.memref_slice %arg7[%dma_start3A_113, %dma_start3A_114, %dma_start3A_115] : memref<2x6x112xi32, #tpu.memory_space<vmem>> -> memref<1x1x112xi32, #tpu.memory_space<vmem>>
    %dma_start3A_117 = tpu.memref_squeeze %dma_start3A_116 : memref<1x1x112xi32, #tpu.memory_space<vmem>> -> memref<112xi32, #tpu.memory_space<vmem>>
    %dma_start3A_118 = arith.constant 0 : i32
    %dma_start3A_119 = arith.constant 0 : i32
    %dma_start3A_120 = tpu.memref_slice %arg2[%dma_start3A_118, %dma_start3A_119] : memref<10000x128xf32, #tpu.memory_space<hbm>> -> memref<10000x128xf32, #tpu.memory_space<hbm>>
    tpu.enqueue_indirect_dma source(%dma_start3A_120 : memref<10000x128xf32, #tpu.memory_space<hbm>>) target(%arg9 : memref<112x128xf32, #tpu.memory_space<vmem>>) offsets(%dma_start3A_117 : memref<112xi32, #tpu.memory_space<vmem>>) semaphore(%arg13 : memref<!tpu.dma_semaphore, #tpu.memory_space<semaphore_mem>>)
    %dma_start3A_121 = arith.constant 0 : i32
    %dma_start3A_122 = arith.constant 1 : i32
    %dma_start3A_123 = arith.constant 0 : i32
    %dma_start3A_124 = tpu.memref_slice %arg7[%dma_start3A_121, %dma_start3A_122, %dma_start3A_123] : memref<2x6x112xi32, #tpu.memory_space<vmem>> -> memref<1x1x112xi32, #tpu.memory_space<vmem>>
    %dma_start3A_125 = tpu.memref_squeeze %dma_start3A_124 : memref<1x1x112xi32, #tpu.memory_space<vmem>> -> memref<112xi32, #tpu.memory_space<vmem>>
    %dma_start3A_126 = arith.constant 0 : i32
    %dma_start3A_127 = arith.constant 0 : i32
    %dma_start3A_128 = tpu.memref_slice %arg2[%dma_start3A_126, %dma_start3A_127] : memref<10000x128xf32, #tpu.memory_space<hbm>> -> memref<10000x128xf32, #tpu.memory_space<hbm>>
    tpu.enqueue_indirect_dma source(%dma_start3A_128 : memref<10000x128xf32, #tpu.memory_space<hbm>>) target(%arg10 : memref<112x128xf32, #tpu.memory_space<vmem>>) offsets(%dma_start3A_125 : memref<112xi32, #tpu.memory_space<vmem>>) semaphore(%arg14 : memref<!tpu.dma_semaphore, #tpu.memory_space<semaphore_mem>>)
    %dma_start3A_129 = arith.constant 0 : i32
    %dma_start3A_130 = arith.constant 2 : i32
    %dma_start3A_131 = arith.constant 0 : i32
    %dma_start3A_132 = tpu.memref_slice %arg7[%dma_start3A_129, %dma_start3A_130, %dma_start3A_131] : memref<2x6x112xi32, #tpu.memory_space<vmem>> -> memref<1x1x112xi32, #tpu.memory_space<vmem>>
    %dma_start3A_133 = tpu.memref_squeeze %dma_start3A_132 : memref<1x1x112xi32, #tpu.memory_space<vmem>> -> memref<112xi32, #tpu.memory_space<vmem>>
    %dma_start3A_134 = arith.constant 0 : i32
    %dma_start3A_135 = arith.constant 0 : i32
    %dma_start3A_136 = tpu.memref_slice %arg2[%dma_start3A_134, %dma_start3A_135] : memref<10000x128xf32, #tpu.memory_space<hbm>> -> memref<10000x128xf32, #tpu.memory_space<hbm>>
    tpu.enqueue_indirect_dma source(%dma_start3A_136 : memref<10000x128xf32, #tpu.memory_space<hbm>>) target(%arg11 : memref<112x128xf32, #tpu.memory_space<vmem>>) offsets(%dma_start3A_133 : memref<112xi32, #tpu.memory_space<vmem>>) semaphore(%arg15 : memref<!tpu.dma_semaphore, #tpu.memory_space<semaphore_mem>>)
    %dma_wait3A_137 = arith.constant 0 : i32
    %dma_wait3A_138 = tpu.memref_slice %arg12[%mul3A_2, %dma_wait3A_137] : memref<10240x128xf32, #tpu.memory_space<vmem_shared>> -> memref<640x128xf32, #tpu.memory_space<vmem_shared>>
    %dma_wait3A_139 = arith.constant 0 : i32
    %dma_wait3A_140 = tpu.memref_slice %arg5[%mul3A_2, %dma_wait3A_139] : memref<10240x128xf32, #tpu.memory_space<hbm>> -> memref<640x128xf32, #tpu.memory_space<hbm>>
    tpu.wait_dma2 semaphore(%arg18 : memref<!tpu.dma_semaphore, #tpu.memory_space<semaphore_mem>>) src(%dma_wait3A_140 : memref<640x128xf32, #tpu.memory_space<hbm>>) dst(%dma_wait3A_138 : memref<640x128xf32, #tpu.memory_space<vmem_shared>>)
    %barrier3A = arith.constant 0 : index
    tpu.barrier barrier_id(%barrier3A)
    %scan3A = arith.constant 0 : i32
    %scan3A_141 = arith.constant 6 : i32
    %scan3A_142 = arith.addi %scan3A, %scan3A_141 : i32
    %scan3A_143 = arith.constant 1 : i32
    scf.for %scan3A_553 = %scan3A to %scan3A_142 step %scan3A_143  : i32 {
      %mul3A_554 = arith.constant 2 : i32
      %mul3A_555 = arith.muli %scan3A_553, %mul3A_554 : i32
      %add3A_556 = arith.constant 0 : i32
      %add3A_557 = arith.addi %add3A_556, %mul3A_555 : i32
      %dma_wait3A_558 = arith.constant 0 : i32
      %dma_wait3A_559 = arith.constant 0 : i32
      %dma_wait3A_560 = arith.constant 0 : i32
      %dma_wait3A_561 = tpu.memref_slice %arg7[%dma_wait3A_558, %dma_wait3A_559, %dma_wait3A_560] : memref<2x6x112xi32, #tpu.memory_space<vmem>> -> memref<1x1x112xi32, #tpu.memory_space<vmem>>
      %dma_wait3A_562 = tpu.memref_squeeze %dma_wait3A_561 : memref<1x1x112xi32, #tpu.memory_space<vmem>> -> memref<112xi32, #tpu.memory_space<vmem>>
      %dma_wait3A_563 = arith.constant 0 : i32
      %dma_wait3A_564 = arith.constant 0 : i32
      %dma_wait3A_565 = tpu.memref_slice %arg2[%dma_wait3A_563, %dma_wait3A_564] : memref<10000x128xf32, #tpu.memory_space<hbm>> -> memref<10000x128xf32, #tpu.memory_space<hbm>>
      tpu.wait_indirect_dma semaphore(%arg13 : memref<!tpu.dma_semaphore, #tpu.memory_space<semaphore_mem>>) src(%dma_wait3A_565 : memref<10000x128xf32, #tpu.memory_space<hbm>>) dst(%arg9 : memref<112x128xf32, #tpu.memory_space<vmem>>)
      %run_scoped3A_566 = arith.constant 0 : i32
      %run_scoped3A_567 = arith.constant 0 : i32
      "tpu.region"() ({
        %run_scoped3A_920 = tpu.sem_alloc : memref<!tpu.dma_semaphore, #tpu.memory_space<semaphore_mem>>
        %dma_start3A_921 = arith.constant 0 : i32
        %dma_start3A_922 = tpu.memref_slice %arg8[%run_scoped3A_566, %run_scoped3A_567, %dma_start3A_921] : memref<2x6x112xi32, #tpu.memory_space<vmem>> -> memref<1x1x112xi32, #tpu.memory_space<vmem>>
        %dma_start3A_923 = tpu.memref_squeeze %dma_start3A_922 : memref<1x1x112xi32, #tpu.memory_space<vmem>> -> memref<112xi32, #tpu.memory_space<vmem>>
        %dma_start3A_924 = arith.constant 0 : i32
        %dma_start3A_925 = arith.constant 0 : i32
        %dma_start3A_926 = tpu.memref_slice %arg12[%dma_start3A_924, %dma_start3A_925] : memref<10240x128xf32, #tpu.memory_space<vmem_shared>> -> memref<10240x128xf32, #tpu.memory_space<vmem_shared>>
        tpu.enqueue_indirect_dma source(%arg9 : memref<112x128xf32, #tpu.memory_space<vmem>>) target(%dma_start3A_926 : memref<10240x128xf32, #tpu.memory_space<vmem_shared>>) offsets(%dma_start3A_923 : memref<112xi32, #tpu.memory_space<vmem>>) semaphore(%run_scoped3A_920 : memref<!tpu.dma_semaphore, #tpu.memory_space<semaphore_mem>>) {add = true}
        %dma_wait3A_927 = arith.constant 0 : i32
        %dma_wait3A_928 = tpu.memref_slice %arg8[%run_scoped3A_566, %run_scoped3A_567, %dma_wait3A_927] : memref<2x6x112xi32, #tpu.memory_space<vmem>> -> memref<1x1x112xi32, #tpu.memory_space<vmem>>
        %dma_wait3A_929 = tpu.memref_squeeze %dma_wait3A_928 : memref<1x1x112xi32, #tpu.memory_space<vmem>> -> memref<112xi32, #tpu.memory_space<vmem>>
        %dma_wait3A_930 = arith.constant 0 : i32
        %dma_wait3A_931 = arith.constant 0 : i32
        %dma_wait3A_932 = tpu.memref_slice %arg12[%dma_wait3A_930, %dma_wait3A_931] : memref<10240x128xf32, #tpu.memory_space<vmem_shared>> -> memref<10240x128xf32, #tpu.memory_space<vmem_shared>>
        tpu.wait_indirect_dma semaphore(%run_scoped3A_920 : memref<!tpu.dma_semaphore, #tpu.memory_space<semaphore_mem>>) src(%arg9 : memref<112x128xf32, #tpu.memory_space<vmem>>) dst(%dma_wait3A_932 : memref<10240x128xf32, #tpu.memory_space<vmem_shared>>)
        tpu.yield
      }) : () -> ()
      %dma_start3A_568 = arith.constant 0 : i32
      %dma_start3A_569 = arith.constant 3 : i32
      %dma_start3A_570 = arith.constant 0 : i32
      %dma_start3A_571 = tpu.memref_slice %arg7[%dma_start3A_568, %dma_start3A_569, %dma_start3A_570] : memref<2x6x112xi32, #tpu.memory_space<vmem>> -> memref<1x1x112xi32, #tpu.memory_space<vmem>>
      %dma_start3A_572 = tpu.memref_squeeze %dma_start3A_571 : memref<1x1x112xi32, #tpu.memory_space<vmem>> -> memref<112xi32, #tpu.memory_space<vmem>>
      %dma_start3A_573 = arith.constant 0 : i32
      %dma_start3A_574 = arith.constant 0 : i32
      %dma_start3A_575 = tpu.memref_slice %arg2[%dma_start3A_573, %dma_start3A_574] : memref<10000x128xf32, #tpu.memory_space<hbm>> -> memref<10000x128xf32, #tpu.memory_space<hbm>>
      tpu.enqueue_indirect_dma source(%dma_start3A_575 : memref<10000x128xf32, #tpu.memory_space<hbm>>) target(%arg9 : memref<112x128xf32, #tpu.memory_space<vmem>>) offsets(%dma_start3A_572 : memref<112xi32, #tpu.memory_space<vmem>>) semaphore(%arg13 : memref<!tpu.dma_semaphore, #tpu.memory_space<semaphore_mem>>)
      %dma_wait3A_576 = arith.constant 0 : i32
      %dma_wait3A_577 = arith.constant 0 : i32
      %dma_wait3A_578 = arith.constant 0 : i32
      %dma_wait3A_579 = tpu.memref_slice %arg7[%dma_wait3A_576, %dma_wait3A_577, %dma_wait3A_578] : memref<2x6x112xi32, #tpu.memory_space<vmem>> -> memref<1x1x112xi32, #tpu.memory_space<vmem>>
      %dma_wait3A_580 = tpu.memref_squeeze %dma_wait3A_579 : memref<1x1x112xi32, #tpu.memory_space<vmem>> -> memref<112xi32, #tpu.memory_space<vmem>>
      %dma_wait3A_581 = arith.constant 0 : i32
      %dma_wait3A_582 = arith.constant 0 : i32
      %dma_wait3A_583 = tpu.memref_slice %arg2[%dma_wait3A_581, %dma_wait3A_582] : memref<10000x128xf32, #tpu.memory_space<hbm>> -> memref<10000x128xf32, #tpu.memory_space<hbm>>
      tpu.wait_indirect_dma semaphore(%arg14 : memref<!tpu.dma_semaphore, #tpu.memory_space<semaphore_mem>>) src(%dma_wait3A_583 : memref<10000x128xf32, #tpu.memory_space<hbm>>) dst(%arg10 : memref<112x128xf32, #tpu.memory_space<vmem>>)
      %run_scoped3A_584 = arith.constant 0 : i32
      %run_scoped3A_585 = arith.constant 1 : i32
      "tpu.region"() ({
        %run_scoped3A_920 = tpu.sem_alloc : memref<!tpu.dma_semaphore, #tpu.memory_space<semaphore_mem>>
        %dma_start3A_921 = arith.constant 0 : i32
        %dma_start3A_922 = tpu.memref_slice %arg8[%run_scoped3A_584, %run_scoped3A_585, %dma_start3A_921] : memref<2x6x112xi32, #tpu.memory_space<vmem>> -> memref<1x1x112xi32, #tpu.memory_space<vmem>>
        %dma_start3A_923 = tpu.memref_squeeze %dma_start3A_922 : memref<1x1x112xi32, #tpu.memory_space<vmem>> -> memref<112xi32, #tpu.memory_space<vmem>>
        %dma_start3A_924 = arith.constant 0 : i32
        %dma_start3A_925 = arith.constant 0 : i32
        %dma_start3A_926 = tpu.memref_slice %arg12[%dma_start3A_924, %dma_start3A_925] : memref<10240x128xf32, #tpu.memory_space<vmem_shared>> -> memref<10240x128xf32, #tpu.memory_space<vmem_shared>>
        tpu.enqueue_indirect_dma source(%arg10 : memref<112x128xf32, #tpu.memory_space<vmem>>) target(%dma_start3A_926 : memref<10240x128xf32, #tpu.memory_space<vmem_shared>>) offsets(%dma_start3A_923 : memref<112xi32, #tpu.memory_space<vmem>>) semaphore(%run_scoped3A_920 : memref<!tpu.dma_semaphore, #tpu.memory_space<semaphore_mem>>) {add = true}
        %dma_wait3A_927 = arith.constant 0 : i32
        %dma_wait3A_928 = tpu.memref_slice %arg8[%run_scoped3A_584, %run_scoped3A_585, %dma_wait3A_927] : memref<2x6x112xi32, #tpu.memory_space<vmem>> -> memref<1x1x112xi32, #tpu.memory_space<vmem>>
        %dma_wait3A_929 = tpu.memref_squeeze %dma_wait3A_928 : memref<1x1x112xi32, #tpu.memory_space<vmem>> -> memref<112xi32, #tpu.memory_space<vmem>>
        %dma_wait3A_930 = arith.constant 0 : i32
        %dma_wait3A_931 = arith.constant 0 : i32
        %dma_wait3A_932 = tpu.memref_slice %arg12[%dma_wait3A_930, %dma_wait3A_931] : memref<10240x128xf32, #tpu.memory_space<vmem_shared>> -> memref<10240x128xf32, #tpu.memory_space<vmem_shared>>
        tpu.wait_indirect_dma semaphore(%run_scoped3A_920 : memref<!tpu.dma_semaphore, #tpu.memory_space<semaphore_mem>>) src(%arg10 : memref<112x128xf32, #tpu.memory_space<vmem>>) dst(%dma_wait3A_932 : memref<10240x128xf32, #tpu.memory_space<vmem_shared>>)
        tpu.yield
      }) : () -> ()
      %dma_start3A_586 = arith.constant 0 : i32
      %dma_start3A_587 = arith.constant 4 : i32
      %dma_start3A_588 = arith.constant 0 : i32
      %dma_start3A_589 = tpu.memref_slice %arg7[%dma_start3A_586, %dma_start3A_587, %dma_start3A_588] : memref<2x6x112xi32, #tpu.memory_space<vmem>> -> memref<1x1x112xi32, #tpu.memory_space<vmem>>
      %dma_start3A_590 = tpu.memref_squeeze %dma_start3A_589 : memref<1x1x112xi32, #tpu.memory_space<vmem>> -> memref<112xi32, #tpu.memory_space<vmem>>
      %dma_start3A_591 = arith.constant 0 : i32
      %dma_start3A_592 = arith.constant 0 : i32
      %dma_start3A_593 = tpu.memref_slice %arg2[%dma_start3A_591, %dma_start3A_592] : memref<10000x128xf32, #tpu.memory_space<hbm>> -> memref<10000x128xf32, #tpu.memory_space<hbm>>
      tpu.enqueue_indirect_dma source(%dma_start3A_593 : memref<10000x128xf32, #tpu.memory_space<hbm>>) target(%arg10 : memref<112x128xf32, #tpu.memory_space<vmem>>) offsets(%dma_start3A_590 : memref<112xi32, #tpu.memory_space<vmem>>) semaphore(%arg14 : memref<!tpu.dma_semaphore, #tpu.memory_space<semaphore_mem>>)
      %dma_wait3A_594 = arith.constant 0 : i32
      %dma_wait3A_595 = arith.constant 0 : i32
      %dma_wait3A_596 = arith.constant 0 : i32
      %dma_wait3A_597 = tpu.memref_slice %arg7[%dma_wait3A_594, %dma_wait3A_595, %dma_wait3A_596] : memref<2x6x112xi32, #tpu.memory_space<vmem>> -> memref<1x1x112xi32, #tpu.memory_space<vmem>>
      %dma_wait3A_598 = tpu.memref_squeeze %dma_wait3A_597 : memref<1x1x112xi32, #tpu.memory_space<vmem>> -> memref<112xi32, #tpu.memory_space<vmem>>
      %dma_wait3A_599 = arith.constant 0 : i32
      %dma_wait3A_600 = arith.constant 0 : i32
      %dma_wait3A_601 = tpu.memref_slice %arg2[%dma_wait3A_599, %dma_wait3A_600] : memref<10000x128xf32, #tpu.memory_space<hbm>> -> memref<10000x128xf32, #tpu.memory_space<hbm>>
      tpu.wait_indirect_dma semaphore(%arg15 : memref<!tpu.dma_semaphore, #tpu.memory_space<semaphore_mem>>) src(%dma_wait3A_601 : memref<10000x128xf32, #tpu.memory_space<hbm>>) dst(%arg11 : memref<112x128xf32, #tpu.memory_space<vmem>>)
      %run_scoped3A_602 = arith.constant 0 : i32
      %run_scoped3A_603 = arith.constant 2 : i32
      "tpu.region"() ({
        %run_scoped3A_920 = tpu.sem_alloc : memref<!tpu.dma_semaphore, #tpu.memory_space<semaphore_mem>>
        %dma_start3A_921 = arith.constant 0 : i32
        %dma_start3A_922 = tpu.memref_slice %arg8[%run_scoped3A_602, %run_scoped3A_603, %dma_start3A_921] : memref<2x6x112xi32, #tpu.memory_space<vmem>> -> memref<1x1x112xi32, #tpu.memory_space<vmem>>
        %dma_start3A_923 = tpu.memref_squeeze %dma_start3A_922 : memref<1x1x112xi32, #tpu.memory_space<vmem>> -> memref<112xi32, #tpu.memory_space<vmem>>
        %dma_start3A_924 = arith.constant 0 : i32
        %dma_start3A_925 = arith.constant 0 : i32
        %dma_start3A_926 = tpu.memref_slice %arg12[%dma_start3A_924, %dma_start3A_925] : memref<10240x128xf32, #tpu.memory_space<vmem_shared>> -> memref<10240x128xf32, #tpu.memory_space<vmem_shared>>
        tpu.enqueue_indirect_dma source(%arg11 : memref<112x128xf32, #tpu.memory_space<vmem>>) target(%dma_start3A_926 : memref<10240x128xf32, #tpu.memory_space<vmem_shared>>) offsets(%dma_start3A_923 : memref<112xi32, #tpu.memory_space<vmem>>) semaphore(%run_scoped3A_920 : memref<!tpu.dma_semaphore, #tpu.memory_space<semaphore_mem>>) {add = true}
        %dma_wait3A_927 = arith.constant 0 : i32
        %dma_wait3A_928 = tpu.memref_slice %arg8[%run_scoped3A_602, %run_scoped3A_603, %dma_wait3A_927] : memref<2x6x112xi32, #tpu.memory_space<vmem>> -> memref<1x1x112xi32, #tpu.memory_space<vmem>>
        %dma_wait3A_929 = tpu.memref_squeeze %dma_wait3A_928 : memref<1x1x112xi32, #tpu.memory_space<vmem>> -> memref<112xi32, #tpu.memory_space<vmem>>
        %dma_wait3A_930 = arith.constant 0 : i32
        %dma_wait3A_931 = arith.constant 0 : i32
        %dma_wait3A_932 = tpu.memref_slice %arg12[%dma_wait3A_930, %dma_wait3A_931] : memref<10240x128xf32, #tpu.memory_space<vmem_shared>> -> memref<10240x128xf32, #tpu.memory_space<vmem_shared>>
        tpu.wait_indirect_dma semaphore(%run_scoped3A_920 : memref<!tpu.dma_semaphore, #tpu.memory_space<semaphore_mem>>) src(%arg11 : memref<112x128xf32, #tpu.memory_space<vmem>>) dst(%dma_wait3A_932 : memref<10240x128xf32, #tpu.memory_space<vmem_shared>>)
        tpu.yield
      }) : () -> ()
      %dma_start3A_604 = arith.constant 0 : i32
      %dma_start3A_605 = arith.constant 5 : i32
      %dma_start3A_606 = arith.constant 0 : i32
      %dma_start3A_607 = tpu.memref_slice %arg7[%dma_start3A_604, %dma_start3A_605, %dma_start3A_606] : memref<2x6x112xi32, #tpu.memory_space<vmem>> -> memref<1x1x112xi32, #tpu.memory_space<vmem>>
      %dma_start3A_608 = tpu.memref_squeeze %dma_start3A_607 : memref<1x1x112xi32, #tpu.memory_space<vmem>> -> memref<112xi32, #tpu.memory_space<vmem>>
      %dma_start3A_609 = arith.constant 0 : i32
      %dma_start3A_610 = arith.constant 0 : i32
      %dma_start3A_611 = tpu.memref_slice %arg2[%dma_start3A_609, %dma_start3A_610] : memref<10000x128xf32, #tpu.memory_space<hbm>> -> memref<10000x128xf32, #tpu.memory_space<hbm>>
      tpu.enqueue_indirect_dma source(%dma_start3A_611 : memref<10000x128xf32, #tpu.memory_space<hbm>>) target(%arg11 : memref<112x128xf32, #tpu.memory_space<vmem>>) offsets(%dma_start3A_608 : memref<112xi32, #tpu.memory_space<vmem>>) semaphore(%arg15 : memref<!tpu.dma_semaphore, #tpu.memory_space<semaphore_mem>>)
      %dma_wait3A_612 = arith.constant 0 : i32
      %dma_wait3A_613 = arith.constant 0 : i32
      %dma_wait3A_614 = arith.constant 0 : i32
      %dma_wait3A_615 = tpu.memref_slice %arg7[%dma_wait3A_612, %dma_wait3A_613, %dma_wait3A_614] : memref<2x6x112xi32, #tpu.memory_space<vmem>> -> memref<1x1x112xi32, #tpu.memory_space<vmem>>
      %dma_wait3A_616 = tpu.memref_squeeze %dma_wait3A_615 : memref<1x1x112xi32, #tpu.memory_space<vmem>> -> memref<112xi32, #tpu.memory_space<vmem>>
      %dma_wait3A_617 = arith.constant 0 : i32
      %dma_wait3A_618 = arith.constant 0 : i32
      %dma_wait3A_619 = tpu.memref_slice %arg2[%dma_wait3A_617, %dma_wait3A_618] : memref<10000x128xf32, #tpu.memory_space<hbm>> -> memref<10000x128xf32, #tpu.memory_space<hbm>>
      tpu.wait_indirect_dma semaphore(%arg13 : memref<!tpu.dma_semaphore, #tpu.memory_space<semaphore_mem>>) src(%dma_wait3A_619 : memref<10000x128xf32, #tpu.memory_space<hbm>>) dst(%arg9 : memref<112x128xf32, #tpu.memory_space<vmem>>)
      %run_scoped3A_620 = arith.constant 0 : i32
      %run_scoped3A_621 = arith.constant 3 : i32
      "tpu.region"() ({
        %run_scoped3A_920 = tpu.sem_alloc : memref<!tpu.dma_semaphore, #tpu.memory_space<semaphore_mem>>
        %dma_start3A_921 = arith.constant 0 : i32
        %dma_start3A_922 = tpu.memref_slice %arg8[%run_scoped3A_620, %run_scoped3A_621, %dma_start3A_921] : memref<2x6x112xi32, #tpu.memory_space<vmem>> -> memref<1x1x112xi32, #tpu.memory_space<vmem>>
        %dma_start3A_923 = tpu.memref_squeeze %dma_start3A_922 : memref<1x1x112xi32, #tpu.memory_space<vmem>> -> memref<112xi32, #tpu.memory_space<vmem>>
        %dma_start3A_924 = arith.constant 0 : i32
        %dma_start3A_925 = arith.constant 0 : i32
        %dma_start3A_926 = tpu.memref_slice %arg12[%dma_start3A_924, %dma_start3A_925] : memref<10240x128xf32, #tpu.memory_space<vmem_shared>> -> memref<10240x128xf32, #tpu.memory_space<vmem_shared>>
        tpu.enqueue_indirect_dma source(%arg9 : memref<112x128xf32, #tpu.memory_space<vmem>>) target(%dma_start3A_926 : memref<10240x128xf32, #tpu.memory_space<vmem_shared>>) offsets(%dma_start3A_923 : memref<112xi32, #tpu.memory_space<vmem>>) semaphore(%run_scoped3A_920 : memref<!tpu.dma_semaphore, #tpu.memory_space<semaphore_mem>>) {add = true}
        %dma_wait3A_927 = arith.constant 0 : i32
        %dma_wait3A_928 = tpu.memref_slice %arg8[%run_scoped3A_620, %run_scoped3A_621, %dma_wait3A_927] : memref<2x6x112xi32, #tpu.memory_space<vmem>> -> memref<1x1x112xi32, #tpu.memory_space<vmem>>
        %dma_wait3A_929 = tpu.memref_squeeze %dma_wait3A_928 : memref<1x1x112xi32, #tpu.memory_space<vmem>> -> memref<112xi32, #tpu.memory_space<vmem>>
        %dma_wait3A_930 = arith.constant 0 : i32
        %dma_wait3A_931 = arith.constant 0 : i32
        %dma_wait3A_932 = tpu.memref_slice %arg12[%dma_wait3A_930, %dma_wait3A_931] : memref<10240x128xf32, #tpu.memory_space<vmem_shared>> -> memref<10240x128xf32, #tpu.memory_space<vmem_shared>>
        tpu.wait_indirect_dma semaphore(%run_scoped3A_920 : memref<!tpu.dma_semaphore, #tpu.memory_space<semaphore_mem>>) src(%arg9 : memref<112x128xf32, #tpu.memory_space<vmem>>) dst(%dma_wait3A_932 : memref<10240x128xf32, #tpu.memory_space<vmem_shared>>)
        tpu.yield
      }) : () -> ()
      %add3A_622 = arith.constant 1 : i32
      %add3A_623 = arith.addi %add3A_557, %add3A_622 : i32
      %dma_wait3A_624 = arith.constant 1 : i32
      %dma_wait3A_625 = arith.constant 0 : i32
      %dma_wait3A_626 = arith.constant 0 : i32
      %dma_wait3A_627 = tpu.memref_slice %arg7[%dma_wait3A_624, %dma_wait3A_625, %dma_wait3A_626] : memref<2x6x112xi32, #tpu.memory_space<vmem>> -> memref<1x6x112xi32, #tpu.memory_space<vmem>>
      %dma_wait3A_628 = tpu.memref_squeeze %dma_wait3A_627 : memref<1x6x112xi32, #tpu.memory_space<vmem>> -> memref<6x112xi32, #tpu.memory_space<vmem>>
      %dma_wait3A_629 = arith.constant 0 : i32
      %dma_wait3A_630 = arith.constant 0 : i32
      %dma_wait3A_631 = tpu.memref_slice %arg3[%add3A, %add3A_623, %dma_wait3A_629, %dma_wait3A_630] : memref<32x15x6x112xi32, #tpu.memory_space<hbm>> -> memref<1x1x6x112xi32, #tpu.memory_space<hbm>>
      %dma_wait3A_632 = tpu.memref_squeeze %dma_wait3A_631 : memref<1x1x6x112xi32, #tpu.memory_space<hbm>> -> memref<6x112xi32, #tpu.memory_space<hbm>>
      %dma_wait3A_633 = arith.constant 0 : i32
      %dma_wait3A_634 = arith.constant 0 : i32
      %dma_wait3A_635 = tpu.memref_slice %arg7[%dma_wait3A_624, %dma_wait3A_633, %dma_wait3A_634] : memref<2x6x112xi32, #tpu.memory_space<vmem>> -> memref<1x6x112xi32, #tpu.memory_space<vmem>>
      %dma_wait3A_636 = tpu.memref_squeeze %dma_wait3A_635 : memref<1x6x112xi32, #tpu.memory_space<vmem>> -> memref<6x112xi32, #tpu.memory_space<vmem>>
      %dma_wait3A_637 = arith.constant 0 : i32
      %dma_wait3A_638 = arith.constant 0 : i32
      %dma_wait3A_639 = tpu.memref_slice %arg3[%add3A, %add3A_623, %dma_wait3A_637, %dma_wait3A_638] : memref<32x15x6x112xi32, #tpu.memory_space<hbm>> -> memref<1x1x6x112xi32, #tpu.memory_space<hbm>>
      %dma_wait3A_640 = tpu.memref_squeeze %dma_wait3A_639 : memref<1x1x6x112xi32, #tpu.memory_space<hbm>> -> memref<6x112xi32, #tpu.memory_space<hbm>>
      tpu.wait_dma2 semaphore(%arg17 : memref<!tpu.dma_semaphore, #tpu.memory_space<semaphore_mem>>) src(%dma_wait3A_640 : memref<6x112xi32, #tpu.memory_space<hbm>>) dst(%dma_wait3A_636 : memref<6x112xi32, #tpu.memory_space<vmem>>)
      %dma_wait3A_641 = arith.constant 1 : i32
      %dma_wait3A_642 = arith.constant 0 : i32
      %dma_wait3A_643 = arith.constant 0 : i32
      %dma_wait3A_644 = tpu.memref_slice %arg8[%dma_wait3A_641, %dma_wait3A_642, %dma_wait3A_643] : memref<2x6x112xi32, #tpu.memory_space<vmem>> -> memref<1x6x112xi32, #tpu.memory_space<vmem>>
      %dma_wait3A_645 = tpu.memref_squeeze %dma_wait3A_644 : memref<1x6x112xi32, #tpu.memory_space<vmem>> -> memref<6x112xi32, #tpu.memory_space<vmem>>
      %dma_wait3A_646 = arith.constant 0 : i32
      %dma_wait3A_647 = arith.constant 0 : i32
      %dma_wait3A_648 = tpu.memref_slice %arg4[%add3A, %add3A_623, %dma_wait3A_646, %dma_wait3A_647] : memref<32x15x6x112xi32, #tpu.memory_space<hbm>> -> memref<1x1x6x112xi32, #tpu.memory_space<hbm>>
      %dma_wait3A_649 = tpu.memref_squeeze %dma_wait3A_648 : memref<1x1x6x112xi32, #tpu.memory_space<hbm>> -> memref<6x112xi32, #tpu.memory_space<hbm>>
      %dma_wait3A_650 = arith.constant 0 : i32
      %dma_wait3A_651 = arith.constant 0 : i32
      %dma_wait3A_652 = tpu.memref_slice %arg8[%dma_wait3A_641, %dma_wait3A_650, %dma_wait3A_651] : memref<2x6x112xi32, #tpu.memory_space<vmem>> -> memref<1x6x112xi32, #tpu.memory_space<vmem>>
      %dma_wait3A_653 = tpu.memref_squeeze %dma_wait3A_652 : memref<1x6x112xi32, #tpu.memory_space<vmem>> -> memref<6x112xi32, #tpu.memory_space<vmem>>
      %dma_wait3A_654 = arith.constant 0 : i32
      %dma_wait3A_655 = arith.constant 0 : i32
      %dma_wait3A_656 = tpu.memref_slice %arg4[%add3A, %add3A_623, %dma_wait3A_654, %dma_wait3A_655] : memref<32x15x6x112xi32, #tpu.memory_space<hbm>> -> memref<1x1x6x112xi32, #tpu.memory_space<hbm>>
      %dma_wait3A_657 = tpu.memref_squeeze %dma_wait3A_656 : memref<1x1x6x112xi32, #tpu.memory_space<hbm>> -> memref<6x112xi32, #tpu.memory_space<hbm>>
      tpu.wait_dma2 semaphore(%arg17 : memref<!tpu.dma_semaphore, #tpu.memory_space<semaphore_mem>>) src(%dma_wait3A_657 : memref<6x112xi32, #tpu.memory_space<hbm>>) dst(%dma_wait3A_653 : memref<6x112xi32, #tpu.memory_space<vmem>>)
      %dma_start3A_658 = arith.constant 1 : i32
      %dma_start3A_659 = arith.constant 0 : i32
      %dma_start3A_660 = arith.constant 0 : i32
      %dma_start3A_661 = tpu.memref_slice %arg7[%dma_start3A_658, %dma_start3A_659, %dma_start3A_660] : memref<2x6x112xi32, #tpu.memory_space<vmem>> -> memref<1x1x112xi32, #tpu.memory_space<vmem>>
      %dma_start3A_662 = tpu.memref_squeeze %dma_start3A_661 : memref<1x1x112xi32, #tpu.memory_space<vmem>> -> memref<112xi32, #tpu.memory_space<vmem>>
      %dma_start3A_663 = arith.constant 0 : i32
      %dma_start3A_664 = arith.constant 0 : i32
      %dma_start3A_665 = tpu.memref_slice %arg2[%dma_start3A_663, %dma_start3A_664] : memref<10000x128xf32, #tpu.memory_space<hbm>> -> memref<10000x128xf32, #tpu.memory_space<hbm>>
      tpu.enqueue_indirect_dma source(%dma_start3A_665 : memref<10000x128xf32, #tpu.memory_space<hbm>>) target(%arg9 : memref<112x128xf32, #tpu.memory_space<vmem>>) offsets(%dma_start3A_662 : memref<112xi32, #tpu.memory_space<vmem>>) semaphore(%arg13 : memref<!tpu.dma_semaphore, #tpu.memory_space<semaphore_mem>>)
      %dma_wait3A_666 = arith.constant 0 : i32
      %dma_wait3A_667 = arith.constant 0 : i32
      %dma_wait3A_668 = arith.constant 0 : i32
      %dma_wait3A_669 = tpu.memref_slice %arg7[%dma_wait3A_666, %dma_wait3A_667, %dma_wait3A_668] : memref<2x6x112xi32, #tpu.memory_space<vmem>> -> memref<1x1x112xi32, #tpu.memory_space<vmem>>
      %dma_wait3A_670 = tpu.memref_squeeze %dma_wait3A_669 : memref<1x1x112xi32, #tpu.memory_space<vmem>> -> memref<112xi32, #tpu.memory_space<vmem>>
      %dma_wait3A_671 = arith.constant 0 : i32
      %dma_wait3A_672 = arith.constant 0 : i32
      %dma_wait3A_673 = tpu.memref_slice %arg2[%dma_wait3A_671, %dma_wait3A_672] : memref<10000x128xf32, #tpu.memory_space<hbm>> -> memref<10000x128xf32, #tpu.memory_space<hbm>>
      tpu.wait_indirect_dma semaphore(%arg14 : memref<!tpu.dma_semaphore, #tpu.memory_space<semaphore_mem>>) src(%dma_wait3A_673 : memref<10000x128xf32, #tpu.memory_space<hbm>>) dst(%arg10 : memref<112x128xf32, #tpu.memory_space<vmem>>)
      %run_scoped3A_674 = arith.constant 0 : i32
      %run_scoped3A_675 = arith.constant 4 : i32
      "tpu.region"() ({
        %run_scoped3A_920 = tpu.sem_alloc : memref<!tpu.dma_semaphore, #tpu.memory_space<semaphore_mem>>
        %dma_start3A_921 = arith.constant 0 : i32
        %dma_start3A_922 = tpu.memref_slice %arg8[%run_scoped3A_674, %run_scoped3A_675, %dma_start3A_921] : memref<2x6x112xi32, #tpu.memory_space<vmem>> -> memref<1x1x112xi32, #tpu.memory_space<vmem>>
        %dma_start3A_923 = tpu.memref_squeeze %dma_start3A_922 : memref<1x1x112xi32, #tpu.memory_space<vmem>> -> memref<112xi32, #tpu.memory_space<vmem>>
        %dma_start3A_924 = arith.constant 0 : i32
        %dma_start3A_925 = arith.constant 0 : i32
        %dma_start3A_926 = tpu.memref_slice %arg12[%dma_start3A_924, %dma_start3A_925] : memref<10240x128xf32, #tpu.memory_space<vmem_shared>> -> memref<10240x128xf32, #tpu.memory_space<vmem_shared>>
        tpu.enqueue_indirect_dma source(%arg10 : memref<112x128xf32, #tpu.memory_space<vmem>>) target(%dma_start3A_926 : memref<10240x128xf32, #tpu.memory_space<vmem_shared>>) offsets(%dma_start3A_923 : memref<112xi32, #tpu.memory_space<vmem>>) semaphore(%run_scoped3A_920 : memref<!tpu.dma_semaphore, #tpu.memory_space<semaphore_mem>>) {add = true}
        %dma_wait3A_927 = arith.constant 0 : i32
        %dma_wait3A_928 = tpu.memref_slice %arg8[%run_scoped3A_674, %run_scoped3A_675, %dma_wait3A_927] : memref<2x6x112xi32, #tpu.memory_space<vmem>> -> memref<1x1x112xi32, #tpu.memory_space<vmem>>
        %dma_wait3A_929 = tpu.memref_squeeze %dma_wait3A_928 : memref<1x1x112xi32, #tpu.memory_space<vmem>> -> memref<112xi32, #tpu.memory_space<vmem>>
        %dma_wait3A_930 = arith.constant 0 : i32
        %dma_wait3A_931 = arith.constant 0 : i32
        %dma_wait3A_932 = tpu.memref_slice %arg12[%dma_wait3A_930, %dma_wait3A_931] : memref<10240x128xf32, #tpu.memory_space<vmem_shared>> -> memref<10240x128xf32, #tpu.memory_space<vmem_shared>>
        tpu.wait_indirect_dma semaphore(%run_scoped3A_920 : memref<!tpu.dma_semaphore, #tpu.memory_space<semaphore_mem>>) src(%arg10 : memref<112x128xf32, #tpu.memory_space<vmem>>) dst(%dma_wait3A_932 : memref<10240x128xf32, #tpu.memory_space<vmem_shared>>)
        tpu.yield
      }) : () -> ()
      %dma_start3A_676 = arith.constant 1 : i32
      %dma_start3A_677 = arith.constant 1 : i32
      %dma_start3A_678 = arith.constant 0 : i32
      %dma_start3A_679 = tpu.memref_slice %arg7[%dma_start3A_676, %dma_start3A_677, %dma_start3A_678] : memref<2x6x112xi32, #tpu.memory_space<vmem>> -> memref<1x1x112xi32, #tpu.memory_space<vmem>>
      %dma_start3A_680 = tpu.memref_squeeze %dma_start3A_679 : memref<1x1x112xi32, #tpu.memory_space<vmem>> -> memref<112xi32, #tpu.memory_space<vmem>>
      %dma_start3A_681 = arith.constant 0 : i32
      %dma_start3A_682 = arith.constant 0 : i32
      %dma_start3A_683 = tpu.memref_slice %arg2[%dma_start3A_681, %dma_start3A_682] : memref<10000x128xf32, #tpu.memory_space<hbm>> -> memref<10000x128xf32, #tpu.memory_space<hbm>>
      tpu.enqueue_indirect_dma source(%dma_start3A_683 : memref<10000x128xf32, #tpu.memory_space<hbm>>) target(%arg10 : memref<112x128xf32, #tpu.memory_space<vmem>>) offsets(%dma_start3A_680 : memref<112xi32, #tpu.memory_space<vmem>>) semaphore(%arg14 : memref<!tpu.dma_semaphore, #tpu.memory_space<semaphore_mem>>)
      %dma_wait3A_684 = arith.constant 0 : i32
      %dma_wait3A_685 = arith.constant 0 : i32
      %dma_wait3A_686 = arith.constant 0 : i32
      %dma_wait3A_687 = tpu.memref_slice %arg7[%dma_wait3A_684, %dma_wait3A_685, %dma_wait3A_686] : memref<2x6x112xi32, #tpu.memory_space<vmem>> -> memref<1x1x112xi32, #tpu.memory_space<vmem>>
      %dma_wait3A_688 = tpu.memref_squeeze %dma_wait3A_687 : memref<1x1x112xi32, #tpu.memory_space<vmem>> -> memref<112xi32, #tpu.memory_space<vmem>>
      %dma_wait3A_689 = arith.constant 0 : i32
      %dma_wait3A_690 = arith.constant 0 : i32
      %dma_wait3A_691 = tpu.memref_slice %arg2[%dma_wait3A_689, %dma_wait3A_690] : memref<10000x128xf32, #tpu.memory_space<hbm>> -> memref<10000x128xf32, #tpu.memory_space<hbm>>
      tpu.wait_indirect_dma semaphore(%arg15 : memref<!tpu.dma_semaphore, #tpu.memory_space<semaphore_mem>>) src(%dma_wait3A_691 : memref<10000x128xf32, #tpu.memory_space<hbm>>) dst(%arg11 : memref<112x128xf32, #tpu.memory_space<vmem>>)
      %run_scoped3A_692 = arith.constant 0 : i32
      %run_scoped3A_693 = arith.constant 5 : i32
      "tpu.region"() ({
        %run_scoped3A_920 = tpu.sem_alloc : memref<!tpu.dma_semaphore, #tpu.memory_space<semaphore_mem>>
        %dma_start3A_921 = arith.constant 0 : i32
        %dma_start3A_922 = tpu.memref_slice %arg8[%run_scoped3A_692, %run_scoped3A_693, %dma_start3A_921] : memref<2x6x112xi32, #tpu.memory_space<vmem>> -> memref<1x1x112xi32, #tpu.memory_space<vmem>>
        %dma_start3A_923 = tpu.memref_squeeze %dma_start3A_922 : memref<1x1x112xi32, #tpu.memory_space<vmem>> -> memref<112xi32, #tpu.memory_space<vmem>>
        %dma_start3A_924 = arith.constant 0 : i32
        %dma_start3A_925 = arith.constant 0 : i32
        %dma_start3A_926 = tpu.memref_slice %arg12[%dma_start3A_924, %dma_start3A_925] : memref<10240x128xf32, #tpu.memory_space<vmem_shared>> -> memref<10240x128xf32, #tpu.memory_space<vmem_shared>>
        tpu.enqueue_indirect_dma source(%arg11 : memref<112x128xf32, #tpu.memory_space<vmem>>) target(%dma_start3A_926 : memref<10240x128xf32, #tpu.memory_space<vmem_shared>>) offsets(%dma_start3A_923 : memref<112xi32, #tpu.memory_space<vmem>>) semaphore(%run_scoped3A_920 : memref<!tpu.dma_semaphore, #tpu.memory_space<semaphore_mem>>) {add = true}
        %dma_wait3A_927 = arith.constant 0 : i32
        %dma_wait3A_928 = tpu.memref_slice %arg8[%run_scoped3A_692, %run_scoped3A_693, %dma_wait3A_927] : memref<2x6x112xi32, #tpu.memory_space<vmem>> -> memref<1x1x112xi32, #tpu.memory_space<vmem>>
        %dma_wait3A_929 = tpu.memref_squeeze %dma_wait3A_928 : memref<1x1x112xi32, #tpu.memory_space<vmem>> -> memref<112xi32, #tpu.memory_space<vmem>>
        %dma_wait3A_930 = arith.constant 0 : i32
        %dma_wait3A_931 = arith.constant 0 : i32
        %dma_wait3A_932 = tpu.memref_slice %arg12[%dma_wait3A_930, %dma_wait3A_931] : memref<10240x128xf32, #tpu.memory_space<vmem_shared>> -> memref<10240x128xf32, #tpu.memory_space<vmem_shared>>
        tpu.wait_indirect_dma semaphore(%run_scoped3A_920 : memref<!tpu.dma_semaphore, #tpu.memory_space<semaphore_mem>>) src(%arg11 : memref<112x128xf32, #tpu.memory_space<vmem>>) dst(%dma_wait3A_932 : memref<10240x128xf32, #tpu.memory_space<vmem_shared>>)
        tpu.yield
      }) : () -> ()
      %dma_start3A_694 = arith.constant 1 : i32
      %dma_start3A_695 = arith.constant 2 : i32
      %dma_start3A_696 = arith.constant 0 : i32
      %dma_start3A_697 = tpu.memref_slice %arg7[%dma_start3A_694, %dma_start3A_695, %dma_start3A_696] : memref<2x6x112xi32, #tpu.memory_space<vmem>> -> memref<1x1x112xi32, #tpu.memory_space<vmem>>
      %dma_start3A_698 = tpu.memref_squeeze %dma_start3A_697 : memref<1x1x112xi32, #tpu.memory_space<vmem>> -> memref<112xi32, #tpu.memory_space<vmem>>
      %dma_start3A_699 = arith.constant 0 : i32
      %dma_start3A_700 = arith.constant 0 : i32
      %dma_start3A_701 = tpu.memref_slice %arg2[%dma_start3A_699, %dma_start3A_700] : memref<10000x128xf32, #tpu.memory_space<hbm>> -> memref<10000x128xf32, #tpu.memory_space<hbm>>
      tpu.enqueue_indirect_dma source(%dma_start3A_701 : memref<10000x128xf32, #tpu.memory_space<hbm>>) target(%arg11 : memref<112x128xf32, #tpu.memory_space<vmem>>) offsets(%dma_start3A_698 : memref<112xi32, #tpu.memory_space<vmem>>) semaphore(%arg15 : memref<!tpu.dma_semaphore, #tpu.memory_space<semaphore_mem>>)
      %add3A_702 = arith.constant 2 : i32
      %add3A_703 = arith.addi %add3A_557, %add3A_702 : i32
      %dma_start3A_704 = arith.constant 0 : i32
      %dma_start3A_705 = arith.constant 0 : i32
      %dma_start3A_706 = arith.constant 0 : i32
      %dma_start3A_707 = tpu.memref_slice %arg7[%dma_start3A_704, %dma_start3A_705, %dma_start3A_706] : memref<2x6x112xi32, #tpu.memory_space<vmem>> -> memref<1x6x112xi32, #tpu.memory_space<vmem>>
      %dma_start3A_708 = tpu.memref_squeeze %dma_start3A_707 : memref<1x6x112xi32, #tpu.memory_space<vmem>> -> memref<6x112xi32, #tpu.memory_space<vmem>>
      %dma_start3A_709 = arith.constant 0 : i32
      %dma_start3A_710 = arith.constant 0 : i32
      %dma_start3A_711 = tpu.memref_slice %arg3[%add3A, %add3A_703, %dma_start3A_709, %dma_start3A_710] : memref<32x15x6x112xi32, #tpu.memory_space<hbm>> -> memref<1x1x6x112xi32, #tpu.memory_space<hbm>>
      %dma_start3A_712 = tpu.memref_squeeze %dma_start3A_711 : memref<1x1x6x112xi32, #tpu.memory_space<hbm>> -> memref<6x112xi32, #tpu.memory_space<hbm>>
      %dma_start3A_713 = arith.constant 0 : i32
      %dma_start3A_714 = arith.constant 0 : i32
      %dma_start3A_715 = tpu.memref_slice %arg7[%dma_start3A_704, %dma_start3A_713, %dma_start3A_714] : memref<2x6x112xi32, #tpu.memory_space<vmem>> -> memref<1x6x112xi32, #tpu.memory_space<vmem>>
      %dma_start3A_716 = tpu.memref_squeeze %dma_start3A_715 : memref<1x6x112xi32, #tpu.memory_space<vmem>> -> memref<6x112xi32, #tpu.memory_space<vmem>>
      %dma_start3A_717 = arith.constant 0 : i32
      %dma_start3A_718 = arith.constant 0 : i32
      %dma_start3A_719 = tpu.memref_slice %arg3[%add3A, %add3A_703, %dma_start3A_717, %dma_start3A_718] : memref<32x15x6x112xi32, #tpu.memory_space<hbm>> -> memref<1x1x6x112xi32, #tpu.memory_space<hbm>>
      %dma_start3A_720 = tpu.memref_squeeze %dma_start3A_719 : memref<1x1x6x112xi32, #tpu.memory_space<hbm>> -> memref<6x112xi32, #tpu.memory_space<hbm>>
      tpu.enqueue_dma source(%dma_start3A_720 : memref<6x112xi32, #tpu.memory_space<hbm>>) target(%dma_start3A_716 : memref<6x112xi32, #tpu.memory_space<vmem>>) target_semaphore(%arg16 : memref<!tpu.dma_semaphore, #tpu.memory_space<semaphore_mem>>)
      %dma_start3A_721 = arith.constant 0 : i32
      %dma_start3A_722 = arith.constant 0 : i32
      %dma_start3A_723 = arith.constant 0 : i32
      %dma_start3A_724 = tpu.memref_slice %arg8[%dma_start3A_721, %dma_start3A_722, %dma_start3A_723] : memref<2x6x112xi32, #tpu.memory_space<vmem>> -> memref<1x6x112xi32, #tpu.memory_space<vmem>>
      %dma_start3A_725 = tpu.memref_squeeze %dma_start3A_724 : memref<1x6x112xi32, #tpu.memory_space<vmem>> -> memref<6x112xi32, #tpu.memory_space<vmem>>
      %dma_start3A_726 = arith.constant 0 : i32
      %dma_start3A_727 = arith.constant 0 : i32
      %dma_start3A_728 = tpu.memref_slice %arg4[%add3A, %add3A_703, %dma_start3A_726, %dma_start3A_727] : memref<32x15x6x112xi32, #tpu.memory_space<hbm>> -> memref<1x1x6x112xi32, #tpu.memory_space<hbm>>
      %dma_start3A_729 = tpu.memref_squeeze %dma_start3A_728 : memref<1x1x6x112xi32, #tpu.memory_space<hbm>> -> memref<6x112xi32, #tpu.memory_space<hbm>>
      %dma_start3A_730 = arith.constant 0 : i32
      %dma_start3A_731 = arith.constant 0 : i32
      %dma_start3A_732 = tpu.memref_slice %arg8[%dma_start3A_721, %dma_start3A_730, %dma_start3A_731] : memref<2x6x112xi32, #tpu.memory_space<vmem>> -> memref<1x6x112xi32, #tpu.memory_space<vmem>>
      %dma_start3A_733 = tpu.memref_squeeze %dma_start3A_732 : memref<1x6x112xi32, #tpu.memory_space<vmem>> -> memref<6x112xi32, #tpu.memory_space<vmem>>
      %dma_start3A_734 = arith.constant 0 : i32
      %dma_start3A_735 = arith.constant 0 : i32
      %dma_start3A_736 = tpu.memref_slice %arg4[%add3A, %add3A_703, %dma_start3A_734, %dma_start3A_735] : memref<32x15x6x112xi32, #tpu.memory_space<hbm>> -> memref<1x1x6x112xi32, #tpu.memory_space<hbm>>
      %dma_start3A_737 = tpu.memref_squeeze %dma_start3A_736 : memref<1x1x6x112xi32, #tpu.memory_space<hbm>> -> memref<6x112xi32, #tpu.memory_space<hbm>>
      tpu.enqueue_dma source(%dma_start3A_737 : memref<6x112xi32, #tpu.memory_space<hbm>>) target(%dma_start3A_733 : memref<6x112xi32, #tpu.memory_space<vmem>>) target_semaphore(%arg16 : memref<!tpu.dma_semaphore, #tpu.memory_space<semaphore_mem>>)
      %add3A_738 = arith.constant 1 : i32
      %add3A_739 = arith.addi %add3A_557, %add3A_738 : i32
      %dma_wait3A_740 = arith.constant 0 : i32
      %dma_wait3A_741 = arith.constant 0 : i32
      %dma_wait3A_742 = arith.constant 0 : i32
      %dma_wait3A_743 = tpu.memref_slice %arg7[%dma_wait3A_740, %dma_wait3A_741, %dma_wait3A_742] : memref<2x6x112xi32, #tpu.memory_space<vmem>> -> memref<1x1x112xi32, #tpu.memory_space<vmem>>
      %dma_wait3A_744 = tpu.memref_squeeze %dma_wait3A_743 : memref<1x1x112xi32, #tpu.memory_space<vmem>> -> memref<112xi32, #tpu.memory_space<vmem>>
      %dma_wait3A_745 = arith.constant 0 : i32
      %dma_wait3A_746 = arith.constant 0 : i32
      %dma_wait3A_747 = tpu.memref_slice %arg2[%dma_wait3A_745, %dma_wait3A_746] : memref<10000x128xf32, #tpu.memory_space<hbm>> -> memref<10000x128xf32, #tpu.memory_space<hbm>>
      tpu.wait_indirect_dma semaphore(%arg13 : memref<!tpu.dma_semaphore, #tpu.memory_space<semaphore_mem>>) src(%dma_wait3A_747 : memref<10000x128xf32, #tpu.memory_space<hbm>>) dst(%arg9 : memref<112x128xf32, #tpu.memory_space<vmem>>)
      %run_scoped3A_748 = arith.constant 1 : i32
      %run_scoped3A_749 = arith.constant 0 : i32
      "tpu.region"() ({
        %run_scoped3A_920 = tpu.sem_alloc : memref<!tpu.dma_semaphore, #tpu.memory_space<semaphore_mem>>
        %dma_start3A_921 = arith.constant 0 : i32
        %dma_start3A_922 = tpu.memref_slice %arg8[%run_scoped3A_748, %run_scoped3A_749, %dma_start3A_921] : memref<2x6x112xi32, #tpu.memory_space<vmem>> -> memref<1x1x112xi32, #tpu.memory_space<vmem>>
        %dma_start3A_923 = tpu.memref_squeeze %dma_start3A_922 : memref<1x1x112xi32, #tpu.memory_space<vmem>> -> memref<112xi32, #tpu.memory_space<vmem>>
        %dma_start3A_924 = arith.constant 0 : i32
        %dma_start3A_925 = arith.constant 0 : i32
        %dma_start3A_926 = tpu.memref_slice %arg12[%dma_start3A_924, %dma_start3A_925] : memref<10240x128xf32, #tpu.memory_space<vmem_shared>> -> memref<10240x128xf32, #tpu.memory_space<vmem_shared>>
        tpu.enqueue_indirect_dma source(%arg9 : memref<112x128xf32, #tpu.memory_space<vmem>>) target(%dma_start3A_926 : memref<10240x128xf32, #tpu.memory_space<vmem_shared>>) offsets(%dma_start3A_923 : memref<112xi32, #tpu.memory_space<vmem>>) semaphore(%run_scoped3A_920 : memref<!tpu.dma_semaphore, #tpu.memory_space<semaphore_mem>>) {add = true}
        %dma_wait3A_927 = arith.constant 0 : i32
        %dma_wait3A_928 = tpu.memref_slice %arg8[%run_scoped3A_748, %run_scoped3A_749, %dma_wait3A_927] : memref<2x6x112xi32, #tpu.memory_space<vmem>> -> memref<1x1x112xi32, #tpu.memory_space<vmem>>
        %dma_wait3A_929 = tpu.memref_squeeze %dma_wait3A_928 : memref<1x1x112xi32, #tpu.memory_space<vmem>> -> memref<112xi32, #tpu.memory_space<vmem>>
        %dma_wait3A_930 = arith.constant 0 : i32
        %dma_wait3A_931 = arith.constant 0 : i32
        %dma_wait3A_932 = tpu.memref_slice %arg12[%dma_wait3A_930, %dma_wait3A_931] : memref<10240x128xf32, #tpu.memory_space<vmem_shared>> -> memref<10240x128xf32, #tpu.memory_space<vmem_shared>>
        tpu.wait_indirect_dma semaphore(%run_scoped3A_920 : memref<!tpu.dma_semaphore, #tpu.memory_space<semaphore_mem>>) src(%arg9 : memref<112x128xf32, #tpu.memory_space<vmem>>) dst(%dma_wait3A_932 : memref<10240x128xf32, #tpu.memory_space<vmem_shared>>)
        tpu.yield
      }) : () -> ()
      %dma_start3A_750 = arith.constant 1 : i32
      %dma_start3A_751 = arith.constant 3 : i32
      %dma_start3A_752 = arith.constant 0 : i32
      %dma_start3A_753 = tpu.memref_slice %arg7[%dma_start3A_750, %dma_start3A_751, %dma_start3A_752] : memref<2x6x112xi32, #tpu.memory_space<vmem>> -> memref<1x1x112xi32, #tpu.memory_space<vmem>>
      %dma_start3A_754 = tpu.memref_squeeze %dma_start3A_753 : memref<1x1x112xi32, #tpu.memory_space<vmem>> -> memref<112xi32, #tpu.memory_space<vmem>>
      %dma_start3A_755 = arith.constant 0 : i32
      %dma_start3A_756 = arith.constant 0 : i32
      %dma_start3A_757 = tpu.memref_slice %arg2[%dma_start3A_755, %dma_start3A_756] : memref<10000x128xf32, #tpu.memory_space<hbm>> -> memref<10000x128xf32, #tpu.memory_space<hbm>>
      tpu.enqueue_indirect_dma source(%dma_start3A_757 : memref<10000x128xf32, #tpu.memory_space<hbm>>) target(%arg9 : memref<112x128xf32, #tpu.memory_space<vmem>>) offsets(%dma_start3A_754 : memref<112xi32, #tpu.memory_space<vmem>>) semaphore(%arg13 : memref<!tpu.dma_semaphore, #tpu.memory_space<semaphore_mem>>)
      %dma_wait3A_758 = arith.constant 0 : i32
      %dma_wait3A_759 = arith.constant 0 : i32
      %dma_wait3A_760 = arith.constant 0 : i32
      %dma_wait3A_761 = tpu.memref_slice %arg7[%dma_wait3A_758, %dma_wait3A_759, %dma_wait3A_760] : memref<2x6x112xi32, #tpu.memory_space<vmem>> -> memref<1x1x112xi32, #tpu.memory_space<vmem>>
      %dma_wait3A_762 = tpu.memref_squeeze %dma_wait3A_761 : memref<1x1x112xi32, #tpu.memory_space<vmem>> -> memref<112xi32, #tpu.memory_space<vmem>>
      %dma_wait3A_763 = arith.constant 0 : i32
      %dma_wait3A_764 = arith.constant 0 : i32
      %dma_wait3A_765 = tpu.memref_slice %arg2[%dma_wait3A_763, %dma_wait3A_764] : memref<10000x128xf32, #tpu.memory_space<hbm>> -> memref<10000x128xf32, #tpu.memory_space<hbm>>
      tpu.wait_indirect_dma semaphore(%arg14 : memref<!tpu.dma_semaphore, #tpu.memory_space<semaphore_mem>>) src(%dma_wait3A_765 : memref<10000x128xf32, #tpu.memory_space<hbm>>) dst(%arg10 : memref<112x128xf32, #tpu.memory_space<vmem>>)
      %run_scoped3A_766 = arith.constant 1 : i32
      %run_scoped3A_767 = arith.constant 1 : i32
      "tpu.region"() ({
        %run_scoped3A_920 = tpu.sem_alloc : memref<!tpu.dma_semaphore, #tpu.memory_space<semaphore_mem>>
        %dma_start3A_921 = arith.constant 0 : i32
        %dma_start3A_922 = tpu.memref_slice %arg8[%run_scoped3A_766, %run_scoped3A_767, %dma_start3A_921] : memref<2x6x112xi32, #tpu.memory_space<vmem>> -> memref<1x1x112xi32, #tpu.memory_space<vmem>>
        %dma_start3A_923 = tpu.memref_squeeze %dma_start3A_922 : memref<1x1x112xi32, #tpu.memory_space<vmem>> -> memref<112xi32, #tpu.memory_space<vmem>>
        %dma_start3A_924 = arith.constant 0 : i32
        %dma_start3A_925 = arith.constant 0 : i32
        %dma_start3A_926 = tpu.memref_slice %arg12[%dma_start3A_924, %dma_start3A_925] : memref<10240x128xf32, #tpu.memory_space<vmem_shared>> -> memref<10240x128xf32, #tpu.memory_space<vmem_shared>>
        tpu.enqueue_indirect_dma source(%arg10 : memref<112x128xf32, #tpu.memory_space<vmem>>) target(%dma_start3A_926 : memref<10240x128xf32, #tpu.memory_space<vmem_shared>>) offsets(%dma_start3A_923 : memref<112xi32, #tpu.memory_space<vmem>>) semaphore(%run_scoped3A_920 : memref<!tpu.dma_semaphore, #tpu.memory_space<semaphore_mem>>) {add = true}
        %dma_wait3A_927 = arith.constant 0 : i32
        %dma_wait3A_928 = tpu.memref_slice %arg8[%run_scoped3A_766, %run_scoped3A_767, %dma_wait3A_927] : memref<2x6x112xi32, #tpu.memory_space<vmem>> -> memref<1x1x112xi32, #tpu.memory_space<vmem>>
        %dma_wait3A_929 = tpu.memref_squeeze %dma_wait3A_928 : memref<1x1x112xi32, #tpu.memory_space<vmem>> -> memref<112xi32, #tpu.memory_space<vmem>>
        %dma_wait3A_930 = arith.constant 0 : i32
        %dma_wait3A_931 = arith.constant 0 : i32
        %dma_wait3A_932 = tpu.memref_slice %arg12[%dma_wait3A_930, %dma_wait3A_931] : memref<10240x128xf32, #tpu.memory_space<vmem_shared>> -> memref<10240x128xf32, #tpu.memory_space<vmem_shared>>
        tpu.wait_indirect_dma semaphore(%run_scoped3A_920 : memref<!tpu.dma_semaphore, #tpu.memory_space<semaphore_mem>>) src(%arg10 : memref<112x128xf32, #tpu.memory_space<vmem>>) dst(%dma_wait3A_932 : memref<10240x128xf32, #tpu.memory_space<vmem_shared>>)
        tpu.yield
      }) : () -> ()
      %dma_start3A_768 = arith.constant 1 : i32
      %dma_start3A_769 = arith.constant 4 : i32
      %dma_start3A_770 = arith.constant 0 : i32
      %dma_start3A_771 = tpu.memref_slice %arg7[%dma_start3A_768, %dma_start3A_769, %dma_start3A_770] : memref<2x6x112xi32, #tpu.memory_space<vmem>> -> memref<1x1x112xi32, #tpu.memory_space<vmem>>
      %dma_start3A_772 = tpu.memref_squeeze %dma_start3A_771 : memref<1x1x112xi32, #tpu.memory_space<vmem>> -> memref<112xi32, #tpu.memory_space<vmem>>
      %dma_start3A_773 = arith.constant 0 : i32
      %dma_start3A_774 = arith.constant 0 : i32
      %dma_start3A_775 = tpu.memref_slice %arg2[%dma_start3A_773, %dma_start3A_774] : memref<10000x128xf32, #tpu.memory_space<hbm>> -> memref<10000x128xf32, #tpu.memory_space<hbm>>
      tpu.enqueue_indirect_dma source(%dma_start3A_775 : memref<10000x128xf32, #tpu.memory_space<hbm>>) target(%arg10 : memref<112x128xf32, #tpu.memory_space<vmem>>) offsets(%dma_start3A_772 : memref<112xi32, #tpu.memory_space<vmem>>) semaphore(%arg14 : memref<!tpu.dma_semaphore, #tpu.memory_space<semaphore_mem>>)
      %dma_wait3A_776 = arith.constant 0 : i32
      %dma_wait3A_777 = arith.constant 0 : i32
      %dma_wait3A_778 = arith.constant 0 : i32
      %dma_wait3A_779 = tpu.memref_slice %arg7[%dma_wait3A_776, %dma_wait3A_777, %dma_wait3A_778] : memref<2x6x112xi32, #tpu.memory_space<vmem>> -> memref<1x1x112xi32, #tpu.memory_space<vmem>>
      %dma_wait3A_780 = tpu.memref_squeeze %dma_wait3A_779 : memref<1x1x112xi32, #tpu.memory_space<vmem>> -> memref<112xi32, #tpu.memory_space<vmem>>
      %dma_wait3A_781 = arith.constant 0 : i32
      %dma_wait3A_782 = arith.constant 0 : i32
      %dma_wait3A_783 = tpu.memref_slice %arg2[%dma_wait3A_781, %dma_wait3A_782] : memref<10000x128xf32, #tpu.memory_space<hbm>> -> memref<10000x128xf32, #tpu.memory_space<hbm>>
      tpu.wait_indirect_dma semaphore(%arg15 : memref<!tpu.dma_semaphore, #tpu.memory_space<semaphore_mem>>) src(%dma_wait3A_783 : memref<10000x128xf32, #tpu.memory_space<hbm>>) dst(%arg11 : memref<112x128xf32, #tpu.memory_space<vmem>>)
      %run_scoped3A_784 = arith.constant 1 : i32
      %run_scoped3A_785 = arith.constant 2 : i32
      "tpu.region"() ({
        %run_scoped3A_920 = tpu.sem_alloc : memref<!tpu.dma_semaphore, #tpu.memory_space<semaphore_mem>>
        %dma_start3A_921 = arith.constant 0 : i32
        %dma_start3A_922 = tpu.memref_slice %arg8[%run_scoped3A_784, %run_scoped3A_785, %dma_start3A_921] : memref<2x6x112xi32, #tpu.memory_space<vmem>> -> memref<1x1x112xi32, #tpu.memory_space<vmem>>
        %dma_start3A_923 = tpu.memref_squeeze %dma_start3A_922 : memref<1x1x112xi32, #tpu.memory_space<vmem>> -> memref<112xi32, #tpu.memory_space<vmem>>
        %dma_start3A_924 = arith.constant 0 : i32
        %dma_start3A_925 = arith.constant 0 : i32
        %dma_start3A_926 = tpu.memref_slice %arg12[%dma_start3A_924, %dma_start3A_925] : memref<10240x128xf32, #tpu.memory_space<vmem_shared>> -> memref<10240x128xf32, #tpu.memory_space<vmem_shared>>
        tpu.enqueue_indirect_dma source(%arg11 : memref<112x128xf32, #tpu.memory_space<vmem>>) target(%dma_start3A_926 : memref<10240x128xf32, #tpu.memory_space<vmem_shared>>) offsets(%dma_start3A_923 : memref<112xi32, #tpu.memory_space<vmem>>) semaphore(%run_scoped3A_920 : memref<!tpu.dma_semaphore, #tpu.memory_space<semaphore_mem>>) {add = true}
        %dma_wait3A_927 = arith.constant 0 : i32
        %dma_wait3A_928 = tpu.memref_slice %arg8[%run_scoped3A_784, %run_scoped3A_785, %dma_wait3A_927] : memref<2x6x112xi32, #tpu.memory_space<vmem>> -> memref<1x1x112xi32, #tpu.memory_space<vmem>>
        %dma_wait3A_929 = tpu.memref_squeeze %dma_wait3A_928 : memref<1x1x112xi32, #tpu.memory_space<vmem>> -> memref<112xi32, #tpu.memory_space<vmem>>
        %dma_wait3A_930 = arith.constant 0 : i32
        %dma_wait3A_931 = arith.constant 0 : i32
        %dma_wait3A_932 = tpu.memref_slice %arg12[%dma_wait3A_930, %dma_wait3A_931] : memref<10240x128xf32, #tpu.memory_space<vmem_shared>> -> memref<10240x128xf32, #tpu.memory_space<vmem_shared>>
        tpu.wait_indirect_dma semaphore(%run_scoped3A_920 : memref<!tpu.dma_semaphore, #tpu.memory_space<semaphore_mem>>) src(%arg11 : memref<112x128xf32, #tpu.memory_space<vmem>>) dst(%dma_wait3A_932 : memref<10240x128xf32, #tpu.memory_space<vmem_shared>>)
        tpu.yield
      }) : () -> ()
      %dma_start3A_786 = arith.constant 1 : i32
      %dma_start3A_787 = arith.constant 5 : i32
      %dma_start3A_788 = arith.constant 0 : i32
      %dma_start3A_789 = tpu.memref_slice %arg7[%dma_start3A_786, %dma_start3A_787, %dma_start3A_788] : memref<2x6x112xi32, #tpu.memory_space<vmem>> -> memref<1x1x112xi32, #tpu.memory_space<vmem>>
      %dma_start3A_790 = tpu.memref_squeeze %dma_start3A_789 : memref<1x1x112xi32, #tpu.memory_space<vmem>> -> memref<112xi32, #tpu.memory_space<vmem>>
      %dma_start3A_791 = arith.constant 0 : i32
      %dma_start3A_792 = arith.constant 0 : i32
      %dma_start3A_793 = tpu.memref_slice %arg2[%dma_start3A_791, %dma_start3A_792] : memref<10000x128xf32, #tpu.memory_space<hbm>> -> memref<10000x128xf32, #tpu.memory_space<hbm>>
      tpu.enqueue_indirect_dma source(%dma_start3A_793 : memref<10000x128xf32, #tpu.memory_space<hbm>>) target(%arg11 : memref<112x128xf32, #tpu.memory_space<vmem>>) offsets(%dma_start3A_790 : memref<112xi32, #tpu.memory_space<vmem>>) semaphore(%arg15 : memref<!tpu.dma_semaphore, #tpu.memory_space<semaphore_mem>>)
      %dma_wait3A_794 = arith.constant 0 : i32
      %dma_wait3A_795 = arith.constant 0 : i32
      %dma_wait3A_796 = arith.constant 0 : i32
      %dma_wait3A_797 = tpu.memref_slice %arg7[%dma_wait3A_794, %dma_wait3A_795, %dma_wait3A_796] : memref<2x6x112xi32, #tpu.memory_space<vmem>> -> memref<1x1x112xi32, #tpu.memory_space<vmem>>
      %dma_wait3A_798 = tpu.memref_squeeze %dma_wait3A_797 : memref<1x1x112xi32, #tpu.memory_space<vmem>> -> memref<112xi32, #tpu.memory_space<vmem>>
      %dma_wait3A_799 = arith.constant 0 : i32
      %dma_wait3A_800 = arith.constant 0 : i32
      %dma_wait3A_801 = tpu.memref_slice %arg2[%dma_wait3A_799, %dma_wait3A_800] : memref<10000x128xf32, #tpu.memory_space<hbm>> -> memref<10000x128xf32, #tpu.memory_space<hbm>>
      tpu.wait_indirect_dma semaphore(%arg13 : memref<!tpu.dma_semaphore, #tpu.memory_space<semaphore_mem>>) src(%dma_wait3A_801 : memref<10000x128xf32, #tpu.memory_space<hbm>>) dst(%arg9 : memref<112x128xf32, #tpu.memory_space<vmem>>)
      %run_scoped3A_802 = arith.constant 1 : i32
      %run_scoped3A_803 = arith.constant 3 : i32
      "tpu.region"() ({
        %run_scoped3A_920 = tpu.sem_alloc : memref<!tpu.dma_semaphore, #tpu.memory_space<semaphore_mem>>
        %dma_start3A_921 = arith.constant 0 : i32
        %dma_start3A_922 = tpu.memref_slice %arg8[%run_scoped3A_802, %run_scoped3A_803, %dma_start3A_921] : memref<2x6x112xi32, #tpu.memory_space<vmem>> -> memref<1x1x112xi32, #tpu.memory_space<vmem>>
        %dma_start3A_923 = tpu.memref_squeeze %dma_start3A_922 : memref<1x1x112xi32, #tpu.memory_space<vmem>> -> memref<112xi32, #tpu.memory_space<vmem>>
        %dma_start3A_924 = arith.constant 0 : i32
        %dma_start3A_925 = arith.constant 0 : i32
        %dma_start3A_926 = tpu.memref_slice %arg12[%dma_start3A_924, %dma_start3A_925] : memref<10240x128xf32, #tpu.memory_space<vmem_shared>> -> memref<10240x128xf32, #tpu.memory_space<vmem_shared>>
        tpu.enqueue_indirect_dma source(%arg9 : memref<112x128xf32, #tpu.memory_space<vmem>>) target(%dma_start3A_926 : memref<10240x128xf32, #tpu.memory_space<vmem_shared>>) offsets(%dma_start3A_923 : memref<112xi32, #tpu.memory_space<vmem>>) semaphore(%run_scoped3A_920 : memref<!tpu.dma_semaphore, #tpu.memory_space<semaphore_mem>>) {add = true}
        %dma_wait3A_927 = arith.constant 0 : i32
        %dma_wait3A_928 = tpu.memref_slice %arg8[%run_scoped3A_802, %run_scoped3A_803, %dma_wait3A_927] : memref<2x6x112xi32, #tpu.memory_space<vmem>> -> memref<1x1x112xi32, #tpu.memory_space<vmem>>
        %dma_wait3A_929 = tpu.memref_squeeze %dma_wait3A_928 : memref<1x1x112xi32, #tpu.memory_space<vmem>> -> memref<112xi32, #tpu.memory_space<vmem>>
        %dma_wait3A_930 = arith.constant 0 : i32
        %dma_wait3A_931 = arith.constant 0 : i32
        %dma_wait3A_932 = tpu.memref_slice %arg12[%dma_wait3A_930, %dma_wait3A_931] : memref<10240x128xf32, #tpu.memory_space<vmem_shared>> -> memref<10240x128xf32, #tpu.memory_space<vmem_shared>>
        tpu.wait_indirect_dma semaphore(%run_scoped3A_920 : memref<!tpu.dma_semaphore, #tpu.memory_space<semaphore_mem>>) src(%arg9 : memref<112x128xf32, #tpu.memory_space<vmem>>) dst(%dma_wait3A_932 : memref<10240x128xf32, #tpu.memory_space<vmem_shared>>)
        tpu.yield
      }) : () -> ()
      %add3A_804 = arith.constant 1 : i32
      %add3A_805 = arith.addi %add3A_739, %add3A_804 : i32
      %dma_wait3A_806 = arith.constant 0 : i32
      %dma_wait3A_807 = arith.constant 0 : i32
      %dma_wait3A_808 = arith.constant 0 : i32
      %dma_wait3A_809 = tpu.memref_slice %arg7[%dma_wait3A_806, %dma_wait3A_807, %dma_wait3A_808] : memref<2x6x112xi32, #tpu.memory_space<vmem>> -> memref<1x6x112xi32, #tpu.memory_space<vmem>>
      %dma_wait3A_810 = tpu.memref_squeeze %dma_wait3A_809 : memref<1x6x112xi32, #tpu.memory_space<vmem>> -> memref<6x112xi32, #tpu.memory_space<vmem>>
      %dma_wait3A_811 = arith.constant 0 : i32
      %dma_wait3A_812 = arith.constant 0 : i32
      %dma_wait3A_813 = tpu.memref_slice %arg3[%add3A, %add3A_805, %dma_wait3A_811, %dma_wait3A_812] : memref<32x15x6x112xi32, #tpu.memory_space<hbm>> -> memref<1x1x6x112xi32, #tpu.memory_space<hbm>>
      %dma_wait3A_814 = tpu.memref_squeeze %dma_wait3A_813 : memref<1x1x6x112xi32, #tpu.memory_space<hbm>> -> memref<6x112xi32, #tpu.memory_space<hbm>>
      %dma_wait3A_815 = arith.constant 0 : i32
      %dma_wait3A_816 = arith.constant 0 : i32
      %dma_wait3A_817 = tpu.memref_slice %arg7[%dma_wait3A_806, %dma_wait3A_815, %dma_wait3A_816] : memref<2x6x112xi32, #tpu.memory_space<vmem>> -> memref<1x6x112xi32, #tpu.memory_space<vmem>>
      %dma_wait3A_818 = tpu.memref_squeeze %dma_wait3A_817 : memref<1x6x112xi32, #tpu.memory_space<vmem>> -> memref<6x112xi32, #tpu.memory_space<vmem>>
      %dma_wait3A_819 = arith.constant 0 : i32
      %dma_wait3A_820 = arith.constant 0 : i32
      %dma_wait3A_821 = tpu.memref_slice %arg3[%add3A, %add3A_805, %dma_wait3A_819, %dma_wait3A_820] : memref<32x15x6x112xi32, #tpu.memory_space<hbm>> -> memref<1x1x6x112xi32, #tpu.memory_space<hbm>>
      %dma_wait3A_822 = tpu.memref_squeeze %dma_wait3A_821 : memref<1x1x6x112xi32, #tpu.memory_space<hbm>> -> memref<6x112xi32, #tpu.memory_space<hbm>>
      tpu.wait_dma2 semaphore(%arg16 : memref<!tpu.dma_semaphore, #tpu.memory_space<semaphore_mem>>) src(%dma_wait3A_822 : memref<6x112xi32, #tpu.memory_space<hbm>>) dst(%dma_wait3A_818 : memref<6x112xi32, #tpu.memory_space<vmem>>)
      %dma_wait3A_823 = arith.constant 0 : i32
      %dma_wait3A_824 = arith.constant 0 : i32
      %dma_wait3A_825 = arith.constant 0 : i32
      %dma_wait3A_826 = tpu.memref_slice %arg8[%dma_wait3A_823, %dma_wait3A_824, %dma_wait3A_825] : memref<2x6x112xi32, #tpu.memory_space<vmem>> -> memref<1x6x112xi32, #tpu.memory_space<vmem>>
      %dma_wait3A_827 = tpu.memref_squeeze %dma_wait3A_826 : memref<1x6x112xi32, #tpu.memory_space<vmem>> -> memref<6x112xi32, #tpu.memory_space<vmem>>
      %dma_wait3A_828 = arith.constant 0 : i32
      %dma_wait3A_829 = arith.constant 0 : i32
      %dma_wait3A_830 = tpu.memref_slice %arg4[%add3A, %add3A_805, %dma_wait3A_828, %dma_wait3A_829] : memref<32x15x6x112xi32, #tpu.memory_space<hbm>> -> memref<1x1x6x112xi32, #tpu.memory_space<hbm>>
      %dma_wait3A_831 = tpu.memref_squeeze %dma_wait3A_830 : memref<1x1x6x112xi32, #tpu.memory_space<hbm>> -> memref<6x112xi32, #tpu.memory_space<hbm>>
      %dma_wait3A_832 = arith.constant 0 : i32
      %dma_wait3A_833 = arith.constant 0 : i32
      %dma_wait3A_834 = tpu.memref_slice %arg8[%dma_wait3A_823, %dma_wait3A_832, %dma_wait3A_833] : memref<2x6x112xi32, #tpu.memory_space<vmem>> -> memref<1x6x112xi32, #tpu.memory_space<vmem>>
      %dma_wait3A_835 = tpu.memref_squeeze %dma_wait3A_834 : memref<1x6x112xi32, #tpu.memory_space<vmem>> -> memref<6x112xi32, #tpu.memory_space<vmem>>
      %dma_wait3A_836 = arith.constant 0 : i32
      %dma_wait3A_837 = arith.constant 0 : i32
      %dma_wait3A_838 = tpu.memref_slice %arg4[%add3A, %add3A_805, %dma_wait3A_836, %dma_wait3A_837] : memref<32x15x6x112xi32, #tpu.memory_space<hbm>> -> memref<1x1x6x112xi32, #tpu.memory_space<hbm>>
      %dma_wait3A_839 = tpu.memref_squeeze %dma_wait3A_838 : memref<1x1x6x112xi32, #tpu.memory_space<hbm>> -> memref<6x112xi32, #tpu.memory_space<hbm>>
      tpu.wait_dma2 semaphore(%arg16 : memref<!tpu.dma_semaphore, #tpu.memory_space<semaphore_mem>>) src(%dma_wait3A_839 : memref<6x112xi32, #tpu.memory_space<hbm>>) dst(%dma_wait3A_835 : memref<6x112xi32, #tpu.memory_space<vmem>>)
      %dma_start3A_840 = arith.constant 0 : i32
      %dma_start3A_841 = arith.constant 0 : i32
      %dma_start3A_842 = arith.constant 0 : i32
      %dma_start3A_843 = tpu.memref_slice %arg7[%dma_start3A_840, %dma_start3A_841, %dma_start3A_842] : memref<2x6x112xi32, #tpu.memory_space<vmem>> -> memref<1x1x112xi32, #tpu.memory_space<vmem>>
      %dma_start3A_844 = tpu.memref_squeeze %dma_start3A_843 : memref<1x1x112xi32, #tpu.memory_space<vmem>> -> memref<112xi32, #tpu.memory_space<vmem>>
      %dma_start3A_845 = arith.constant 0 : i32
      %dma_start3A_846 = arith.constant 0 : i32
      %dma_start3A_847 = tpu.memref_slice %arg2[%dma_start3A_845, %dma_start3A_846] : memref<10000x128xf32, #tpu.memory_space<hbm>> -> memref<10000x128xf32, #tpu.memory_space<hbm>>
      tpu.enqueue_indirect_dma source(%dma_start3A_847 : memref<10000x128xf32, #tpu.memory_space<hbm>>) target(%arg9 : memref<112x128xf32, #tpu.memory_space<vmem>>) offsets(%dma_start3A_844 : memref<112xi32, #tpu.memory_space<vmem>>) semaphore(%arg13 : memref<!tpu.dma_semaphore, #tpu.memory_space<semaphore_mem>>)
      %dma_wait3A_848 = arith.constant 0 : i32
      %dma_wait3A_849 = arith.constant 0 : i32
      %dma_wait3A_850 = arith.constant 0 : i32
      %dma_wait3A_851 = tpu.memref_slice %arg7[%dma_wait3A_848, %dma_wait3A_849, %dma_wait3A_850] : memref<2x6x112xi32, #tpu.memory_space<vmem>> -> memref<1x1x112xi32, #tpu.memory_space<vmem>>
      %dma_wait3A_852 = tpu.memref_squeeze %dma_wait3A_851 : memref<1x1x112xi32, #tpu.memory_space<vmem>> -> memref<112xi32, #tpu.memory_space<vmem>>
      %dma_wait3A_853 = arith.constant 0 : i32
      %dma_wait3A_854 = arith.constant 0 : i32
      %dma_wait3A_855 = tpu.memref_slice %arg2[%dma_wait3A_853, %dma_wait3A_854] : memref<10000x128xf32, #tpu.memory_space<hbm>> -> memref<10000x128xf32, #tpu.memory_space<hbm>>
      tpu.wait_indirect_dma semaphore(%arg14 : memref<!tpu.dma_semaphore, #tpu.memory_space<semaphore_mem>>) src(%dma_wait3A_855 : memref<10000x128xf32, #tpu.memory_space<hbm>>) dst(%arg10 : memref<112x128xf32, #tpu.memory_space<vmem>>)
      %run_scoped3A_856 = arith.constant 1 : i32
      %run_scoped3A_857 = arith.constant 4 : i32
      "tpu.region"() ({
        %run_scoped3A_920 = tpu.sem_alloc : memref<!tpu.dma_semaphore, #tpu.memory_space<semaphore_mem>>
        %dma_start3A_921 = arith.constant 0 : i32
        %dma_start3A_922 = tpu.memref_slice %arg8[%run_scoped3A_856, %run_scoped3A_857, %dma_start3A_921] : memref<2x6x112xi32, #tpu.memory_space<vmem>> -> memref<1x1x112xi32, #tpu.memory_space<vmem>>
        %dma_start3A_923 = tpu.memref_squeeze %dma_start3A_922 : memref<1x1x112xi32, #tpu.memory_space<vmem>> -> memref<112xi32, #tpu.memory_space<vmem>>
        %dma_start3A_924 = arith.constant 0 : i32
        %dma_start3A_925 = arith.constant 0 : i32
        %dma_start3A_926 = tpu.memref_slice %arg12[%dma_start3A_924, %dma_start3A_925] : memref<10240x128xf32, #tpu.memory_space<vmem_shared>> -> memref<10240x128xf32, #tpu.memory_space<vmem_shared>>
        tpu.enqueue_indirect_dma source(%arg10 : memref<112x128xf32, #tpu.memory_space<vmem>>) target(%dma_start3A_926 : memref<10240x128xf32, #tpu.memory_space<vmem_shared>>) offsets(%dma_start3A_923 : memref<112xi32, #tpu.memory_space<vmem>>) semaphore(%run_scoped3A_920 : memref<!tpu.dma_semaphore, #tpu.memory_space<semaphore_mem>>) {add = true}
        %dma_wait3A_927 = arith.constant 0 : i32
        %dma_wait3A_928 = tpu.memref_slice %arg8[%run_scoped3A_856, %run_scoped3A_857, %dma_wait3A_927] : memref<2x6x112xi32, #tpu.memory_space<vmem>> -> memref<1x1x112xi32, #tpu.memory_space<vmem>>
        %dma_wait3A_929 = tpu.memref_squeeze %dma_wait3A_928 : memref<1x1x112xi32, #tpu.memory_space<vmem>> -> memref<112xi32, #tpu.memory_space<vmem>>
        %dma_wait3A_930 = arith.constant 0 : i32
        %dma_wait3A_931 = arith.constant 0 : i32
        %dma_wait3A_932 = tpu.memref_slice %arg12[%dma_wait3A_930, %dma_wait3A_931] : memref<10240x128xf32, #tpu.memory_space<vmem_shared>> -> memref<10240x128xf32, #tpu.memory_space<vmem_shared>>
        tpu.wait_indirect_dma semaphore(%run_scoped3A_920 : memref<!tpu.dma_semaphore, #tpu.memory_space<semaphore_mem>>) src(%arg10 : memref<112x128xf32, #tpu.memory_space<vmem>>) dst(%dma_wait3A_932 : memref<10240x128xf32, #tpu.memory_space<vmem_shared>>)
        tpu.yield
      }) : () -> ()
      %dma_start3A_858 = arith.constant 0 : i32
      %dma_start3A_859 = arith.constant 1 : i32
      %dma_start3A_860 = arith.constant 0 : i32
      %dma_start3A_861 = tpu.memref_slice %arg7[%dma_start3A_858, %dma_start3A_859, %dma_start3A_860] : memref<2x6x112xi32, #tpu.memory_space<vmem>> -> memref<1x1x112xi32, #tpu.memory_space<vmem>>
      %dma_start3A_862 = tpu.memref_squeeze %dma_start3A_861 : memref<1x1x112xi32, #tpu.memory_space<vmem>> -> memref<112xi32, #tpu.memory_space<vmem>>
      %dma_start3A_863 = arith.constant 0 : i32
      %dma_start3A_864 = arith.constant 0 : i32
      %dma_start3A_865 = tpu.memref_slice %arg2[%dma_start3A_863, %dma_start3A_864] : memref<10000x128xf32, #tpu.memory_space<hbm>> -> memref<10000x128xf32, #tpu.memory_space<hbm>>
      tpu.enqueue_indirect_dma source(%dma_start3A_865 : memref<10000x128xf32, #tpu.memory_space<hbm>>) target(%arg10 : memref<112x128xf32, #tpu.memory_space<vmem>>) offsets(%dma_start3A_862 : memref<112xi32, #tpu.memory_space<vmem>>) semaphore(%arg14 : memref<!tpu.dma_semaphore, #tpu.memory_space<semaphore_mem>>)
      %dma_wait3A_866 = arith.constant 0 : i32
      %dma_wait3A_867 = arith.constant 0 : i32
      %dma_wait3A_868 = arith.constant 0 : i32
      %dma_wait3A_869 = tpu.memref_slice %arg7[%dma_wait3A_866, %dma_wait3A_867, %dma_wait3A_868] : memref<2x6x112xi32, #tpu.memory_space<vmem>> -> memref<1x1x112xi32, #tpu.memory_space<vmem>>
      %dma_wait3A_870 = tpu.memref_squeeze %dma_wait3A_869 : memref<1x1x112xi32, #tpu.memory_space<vmem>> -> memref<112xi32, #tpu.memory_space<vmem>>
      %dma_wait3A_871 = arith.constant 0 : i32
      %dma_wait3A_872 = arith.constant 0 : i32
      %dma_wait3A_873 = tpu.memref_slice %arg2[%dma_wait3A_871, %dma_wait3A_872] : memref<10000x128xf32, #tpu.memory_space<hbm>> -> memref<10000x128xf32, #tpu.memory_space<hbm>>
      tpu.wait_indirect_dma semaphore(%arg15 : memref<!tpu.dma_semaphore, #tpu.memory_space<semaphore_mem>>) src(%dma_wait3A_873 : memref<10000x128xf32, #tpu.memory_space<hbm>>) dst(%arg11 : memref<112x128xf32, #tpu.memory_space<vmem>>)
      %run_scoped3A_874 = arith.constant 1 : i32
      %run_scoped3A_875 = arith.constant 5 : i32
      "tpu.region"() ({
        %run_scoped3A_920 = tpu.sem_alloc : memref<!tpu.dma_semaphore, #tpu.memory_space<semaphore_mem>>
        %dma_start3A_921 = arith.constant 0 : i32
        %dma_start3A_922 = tpu.memref_slice %arg8[%run_scoped3A_874, %run_scoped3A_875, %dma_start3A_921] : memref<2x6x112xi32, #tpu.memory_space<vmem>> -> memref<1x1x112xi32, #tpu.memory_space<vmem>>
        %dma_start3A_923 = tpu.memref_squeeze %dma_start3A_922 : memref<1x1x112xi32, #tpu.memory_space<vmem>> -> memref<112xi32, #tpu.memory_space<vmem>>
        %dma_start3A_924 = arith.constant 0 : i32
        %dma_start3A_925 = arith.constant 0 : i32
        %dma_start3A_926 = tpu.memref_slice %arg12[%dma_start3A_924, %dma_start3A_925] : memref<10240x128xf32, #tpu.memory_space<vmem_shared>> -> memref<10240x128xf32, #tpu.memory_space<vmem_shared>>
        tpu.enqueue_indirect_dma source(%arg11 : memref<112x128xf32, #tpu.memory_space<vmem>>) target(%dma_start3A_926 : memref<10240x128xf32, #tpu.memory_space<vmem_shared>>) offsets(%dma_start3A_923 : memref<112xi32, #tpu.memory_space<vmem>>) semaphore(%run_scoped3A_920 : memref<!tpu.dma_semaphore, #tpu.memory_space<semaphore_mem>>) {add = true}
        %dma_wait3A_927 = arith.constant 0 : i32
        %dma_wait3A_928 = tpu.memref_slice %arg8[%run_scoped3A_874, %run_scoped3A_875, %dma_wait3A_927] : memref<2x6x112xi32, #tpu.memory_space<vmem>> -> memref<1x1x112xi32, #tpu.memory_space<vmem>>
        %dma_wait3A_929 = tpu.memref_squeeze %dma_wait3A_928 : memref<1x1x112xi32, #tpu.memory_space<vmem>> -> memref<112xi32, #tpu.memory_space<vmem>>
        %dma_wait3A_930 = arith.constant 0 : i32
        %dma_wait3A_931 = arith.constant 0 : i32
        %dma_wait3A_932 = tpu.memref_slice %arg12[%dma_wait3A_930, %dma_wait3A_931] : memref<10240x128xf32, #tpu.memory_space<vmem_shared>> -> memref<10240x128xf32, #tpu.memory_space<vmem_shared>>
        tpu.wait_indirect_dma semaphore(%run_scoped3A_920 : memref<!tpu.dma_semaphore, #tpu.memory_space<semaphore_mem>>) src(%arg11 : memref<112x128xf32, #tpu.memory_space<vmem>>) dst(%dma_wait3A_932 : memref<10240x128xf32, #tpu.memory_space<vmem_shared>>)
        tpu.yield
      }) : () -> ()
      %dma_start3A_876 = arith.constant 0 : i32
      %dma_start3A_877 = arith.constant 2 : i32
      %dma_start3A_878 = arith.constant 0 : i32
      %dma_start3A_879 = tpu.memref_slice %arg7[%dma_start3A_876, %dma_start3A_877, %dma_start3A_878] : memref<2x6x112xi32, #tpu.memory_space<vmem>> -> memref<1x1x112xi32, #tpu.memory_space<vmem>>
      %dma_start3A_880 = tpu.memref_squeeze %dma_start3A_879 : memref<1x1x112xi32, #tpu.memory_space<vmem>> -> memref<112xi32, #tpu.memory_space<vmem>>
      %dma_start3A_881 = arith.constant 0 : i32
      %dma_start3A_882 = arith.constant 0 : i32
      %dma_start3A_883 = tpu.memref_slice %arg2[%dma_start3A_881, %dma_start3A_882] : memref<10000x128xf32, #tpu.memory_space<hbm>> -> memref<10000x128xf32, #tpu.memory_space<hbm>>
      tpu.enqueue_indirect_dma source(%dma_start3A_883 : memref<10000x128xf32, #tpu.memory_space<hbm>>) target(%arg11 : memref<112x128xf32, #tpu.memory_space<vmem>>) offsets(%dma_start3A_880 : memref<112xi32, #tpu.memory_space<vmem>>) semaphore(%arg15 : memref<!tpu.dma_semaphore, #tpu.memory_space<semaphore_mem>>)
      %add3A_884 = arith.constant 2 : i32
      %add3A_885 = arith.addi %add3A_739, %add3A_884 : i32
      %dma_start3A_886 = arith.constant 1 : i32
      %dma_start3A_887 = arith.constant 0 : i32
      %dma_start3A_888 = arith.constant 0 : i32
      %dma_start3A_889 = tpu.memref_slice %arg7[%dma_start3A_886, %dma_start3A_887, %dma_start3A_888] : memref<2x6x112xi32, #tpu.memory_space<vmem>> -> memref<1x6x112xi32, #tpu.memory_space<vmem>>
      %dma_start3A_890 = tpu.memref_squeeze %dma_start3A_889 : memref<1x6x112xi32, #tpu.memory_space<vmem>> -> memref<6x112xi32, #tpu.memory_space<vmem>>
      %dma_start3A_891 = arith.constant 0 : i32
      %dma_start3A_892 = arith.constant 0 : i32
      %dma_start3A_893 = tpu.memref_slice %arg3[%add3A, %add3A_885, %dma_start3A_891, %dma_start3A_892] : memref<32x15x6x112xi32, #tpu.memory_space<hbm>> -> memref<1x1x6x112xi32, #tpu.memory_space<hbm>>
      %dma_start3A_894 = tpu.memref_squeeze %dma_start3A_893 : memref<1x1x6x112xi32, #tpu.memory_space<hbm>> -> memref<6x112xi32, #tpu.memory_space<hbm>>
      %dma_start3A_895 = arith.constant 0 : i32
      %dma_start3A_896 = arith.constant 0 : i32
      %dma_start3A_897 = tpu.memref_slice %arg7[%dma_start3A_886, %dma_start3A_895, %dma_start3A_896] : memref<2x6x112xi32, #tpu.memory_space<vmem>> -> memref<1x6x112xi32, #tpu.memory_space<vmem>>
      %dma_start3A_898 = tpu.memref_squeeze %dma_start3A_897 : memref<1x6x112xi32, #tpu.memory_space<vmem>> -> memref<6x112xi32, #tpu.memory_space<vmem>>
      %dma_start3A_899 = arith.constant 0 : i32
      %dma_start3A_900 = arith.constant 0 : i32
      %dma_start3A_901 = tpu.memref_slice %arg3[%add3A, %add3A_885, %dma_start3A_899, %dma_start3A_900] : memref<32x15x6x112xi32, #tpu.memory_space<hbm>> -> memref<1x1x6x112xi32, #tpu.memory_space<hbm>>
      %dma_start3A_902 = tpu.memref_squeeze %dma_start3A_901 : memref<1x1x6x112xi32, #tpu.memory_space<hbm>> -> memref<6x112xi32, #tpu.memory_space<hbm>>
      tpu.enqueue_dma source(%dma_start3A_902 : memref<6x112xi32, #tpu.memory_space<hbm>>) target(%dma_start3A_898 : memref<6x112xi32, #tpu.memory_space<vmem>>) target_semaphore(%arg17 : memref<!tpu.dma_semaphore, #tpu.memory_space<semaphore_mem>>)
      %dma_start3A_903 = arith.constant 1 : i32
      %dma_start3A_904 = arith.constant 0 : i32
      %dma_start3A_905 = arith.constant 0 : i32
      %dma_start3A_906 = tpu.memref_slice %arg8[%dma_start3A_903, %dma_start3A_904, %dma_start3A_905] : memref<2x6x112xi32, #tpu.memory_space<vmem>> -> memref<1x6x112xi32, #tpu.memory_space<vmem>>
      %dma_start3A_907 = tpu.memref_squeeze %dma_start3A_906 : memref<1x6x112xi32, #tpu.memory_space<vmem>> -> memref<6x112xi32, #tpu.memory_space<vmem>>
      %dma_start3A_908 = arith.constant 0 : i32
      %dma_start3A_909 = arith.constant 0 : i32
      %dma_start3A_910 = tpu.memref_slice %arg4[%add3A, %add3A_885, %dma_start3A_908, %dma_start3A_909] : memref<32x15x6x112xi32, #tpu.memory_space<hbm>> -> memref<1x1x6x112xi32, #tpu.memory_space<hbm>>
      %dma_start3A_911 = tpu.memref_squeeze %dma_start3A_910 : memref<1x1x6x112xi32, #tpu.memory_space<hbm>> -> memref<6x112xi32, #tpu.memory_space<hbm>>
      %dma_start3A_912 = arith.constant 0 : i32
      %dma_start3A_913 = arith.constant 0 : i32
      %dma_start3A_914 = tpu.memref_slice %arg8[%dma_start3A_903, %dma_start3A_912, %dma_start3A_913] : memref<2x6x112xi32, #tpu.memory_space<vmem>> -> memref<1x6x112xi32, #tpu.memory_space<vmem>>
      %dma_start3A_915 = tpu.memref_squeeze %dma_start3A_914 : memref<1x6x112xi32, #tpu.memory_space<vmem>> -> memref<6x112xi32, #tpu.memory_space<vmem>>
      %dma_start3A_916 = arith.constant 0 : i32
      %dma_start3A_917 = arith.constant 0 : i32
      %dma_start3A_918 = tpu.memref_slice %arg4[%add3A, %add3A_885, %dma_start3A_916, %dma_start3A_917] : memref<32x15x6x112xi32, #tpu.memory_space<hbm>> -> memref<1x1x6x112xi32, #tpu.memory_space<hbm>>
      %dma_start3A_919 = tpu.memref_squeeze %dma_start3A_918 : memref<1x1x6x112xi32, #tpu.memory_space<hbm>> -> memref<6x112xi32, #tpu.memory_space<hbm>>
      tpu.enqueue_dma source(%dma_start3A_919 : memref<6x112xi32, #tpu.memory_space<hbm>>) target(%dma_start3A_915 : memref<6x112xi32, #tpu.memory_space<vmem>>) target_semaphore(%arg17 : memref<!tpu.dma_semaphore, #tpu.memory_space<semaphore_mem>>)
    }
    %scan3A_144 = arith.constant 6 : i32
    %dma_wait3A_145 = arith.constant 0 : i32
    %dma_wait3A_146 = arith.constant 0 : i32
    %dma_wait3A_147 = arith.constant 0 : i32
    %dma_wait3A_148 = tpu.memref_slice %arg7[%dma_wait3A_145, %dma_wait3A_146, %dma_wait3A_147] : memref<2x6x112xi32, #tpu.memory_space<vmem>> -> memref<1x1x112xi32, #tpu.memory_space<vmem>>
    %dma_wait3A_149 = tpu.memref_squeeze %dma_wait3A_148 : memref<1x1x112xi32, #tpu.memory_space<vmem>> -> memref<112xi32, #tpu.memory_space<vmem>>
    %dma_wait3A_150 = arith.constant 0 : i32
    %dma_wait3A_151 = arith.constant 0 : i32
    %dma_wait3A_152 = tpu.memref_slice %arg2[%dma_wait3A_150, %dma_wait3A_151] : memref<10000x128xf32, #tpu.memory_space<hbm>> -> memref<10000x128xf32, #tpu.memory_space<hbm>>
    tpu.wait_indirect_dma semaphore(%arg13 : memref<!tpu.dma_semaphore, #tpu.memory_space<semaphore_mem>>) src(%dma_wait3A_152 : memref<10000x128xf32, #tpu.memory_space<hbm>>) dst(%arg9 : memref<112x128xf32, #tpu.memory_space<vmem>>)
    %run_scoped3A = arith.constant 0 : i32
    %run_scoped3A_153 = arith.constant 0 : i32
    "tpu.region"() ({
      %run_scoped3A_553 = tpu.sem_alloc : memref<!tpu.dma_semaphore, #tpu.memory_space<semaphore_mem>>
      %dma_start3A_554 = arith.constant 0 : i32
      %dma_start3A_555 = tpu.memref_slice %arg8[%run_scoped3A, %run_scoped3A_153, %dma_start3A_554] : memref<2x6x112xi32, #tpu.memory_space<vmem>> -> memref<1x1x112xi32, #tpu.memory_space<vmem>>
      %dma_start3A_556 = tpu.memref_squeeze %dma_start3A_555 : memref<1x1x112xi32, #tpu.memory_space<vmem>> -> memref<112xi32, #tpu.memory_space<vmem>>
      %dma_start3A_557 = arith.constant 0 : i32
      %dma_start3A_558 = arith.constant 0 : i32
      %dma_start3A_559 = tpu.memref_slice %arg12[%dma_start3A_557, %dma_start3A_558] : memref<10240x128xf32, #tpu.memory_space<vmem_shared>> -> memref<10240x128xf32, #tpu.memory_space<vmem_shared>>
      tpu.enqueue_indirect_dma source(%arg9 : memref<112x128xf32, #tpu.memory_space<vmem>>) target(%dma_start3A_559 : memref<10240x128xf32, #tpu.memory_space<vmem_shared>>) offsets(%dma_start3A_556 : memref<112xi32, #tpu.memory_space<vmem>>) semaphore(%run_scoped3A_553 : memref<!tpu.dma_semaphore, #tpu.memory_space<semaphore_mem>>) {add = true}
      %dma_wait3A_560 = arith.constant 0 : i32
      %dma_wait3A_561 = tpu.memref_slice %arg8[%run_scoped3A, %run_scoped3A_153, %dma_wait3A_560] : memref<2x6x112xi32, #tpu.memory_space<vmem>> -> memref<1x1x112xi32, #tpu.memory_space<vmem>>
      %dma_wait3A_562 = tpu.memref_squeeze %dma_wait3A_561 : memref<1x1x112xi32, #tpu.memory_space<vmem>> -> memref<112xi32, #tpu.memory_space<vmem>>
      %dma_wait3A_563 = arith.constant 0 : i32
      %dma_wait3A_564 = arith.constant 0 : i32
      %dma_wait3A_565 = tpu.memref_slice %arg12[%dma_wait3A_563, %dma_wait3A_564] : memref<10240x128xf32, #tpu.memory_space<vmem_shared>> -> memref<10240x128xf32, #tpu.memory_space<vmem_shared>>
      tpu.wait_indirect_dma semaphore(%run_scoped3A_553 : memref<!tpu.dma_semaphore, #tpu.memory_space<semaphore_mem>>) src(%arg9 : memref<112x128xf32, #tpu.memory_space<vmem>>) dst(%dma_wait3A_565 : memref<10240x128xf32, #tpu.memory_space<vmem_shared>>)
      tpu.yield
    }) : () -> ()
    %dma_start3A_154 = arith.constant 0 : i32
    %dma_start3A_155 = arith.constant 3 : i32
    %dma_start3A_156 = arith.constant 0 : i32
    %dma_start3A_157 = tpu.memref_slice %arg7[%dma_start3A_154, %dma_start3A_155, %dma_start3A_156] : memref<2x6x112xi32, #tpu.memory_space<vmem>> -> memref<1x1x112xi32, #tpu.memory_space<vmem>>
    %dma_start3A_158 = tpu.memref_squeeze %dma_start3A_157 : memref<1x1x112xi32, #tpu.memory_space<vmem>> -> memref<112xi32, #tpu.memory_space<vmem>>
    %dma_start3A_159 = arith.constant 0 : i32
    %dma_start3A_160 = arith.constant 0 : i32
    %dma_start3A_161 = tpu.memref_slice %arg2[%dma_start3A_159, %dma_start3A_160] : memref<10000x128xf32, #tpu.memory_space<hbm>> -> memref<10000x128xf32, #tpu.memory_space<hbm>>
    tpu.enqueue_indirect_dma source(%dma_start3A_161 : memref<10000x128xf32, #tpu.memory_space<hbm>>) target(%arg9 : memref<112x128xf32, #tpu.memory_space<vmem>>) offsets(%dma_start3A_158 : memref<112xi32, #tpu.memory_space<vmem>>) semaphore(%arg13 : memref<!tpu.dma_semaphore, #tpu.memory_space<semaphore_mem>>)
    %dma_wait3A_162 = arith.constant 0 : i32
    %dma_wait3A_163 = arith.constant 0 : i32
    %dma_wait3A_164 = arith.constant 0 : i32
    %dma_wait3A_165 = tpu.memref_slice %arg7[%dma_wait3A_162, %dma_wait3A_163, %dma_wait3A_164] : memref<2x6x112xi32, #tpu.memory_space<vmem>> -> memref<1x1x112xi32, #tpu.memory_space<vmem>>
    %dma_wait3A_166 = tpu.memref_squeeze %dma_wait3A_165 : memref<1x1x112xi32, #tpu.memory_space<vmem>> -> memref<112xi32, #tpu.memory_space<vmem>>
    %dma_wait3A_167 = arith.constant 0 : i32
    %dma_wait3A_168 = arith.constant 0 : i32
    %dma_wait3A_169 = tpu.memref_slice %arg2[%dma_wait3A_167, %dma_wait3A_168] : memref<10000x128xf32, #tpu.memory_space<hbm>> -> memref<10000x128xf32, #tpu.memory_space<hbm>>
    tpu.wait_indirect_dma semaphore(%arg14 : memref<!tpu.dma_semaphore, #tpu.memory_space<semaphore_mem>>) src(%dma_wait3A_169 : memref<10000x128xf32, #tpu.memory_space<hbm>>) dst(%arg10 : memref<112x128xf32, #tpu.memory_space<vmem>>)
    %run_scoped3A_170 = arith.constant 0 : i32
    %run_scoped3A_171 = arith.constant 1 : i32
    "tpu.region"() ({
      %run_scoped3A_553 = tpu.sem_alloc : memref<!tpu.dma_semaphore, #tpu.memory_space<semaphore_mem>>
      %dma_start3A_554 = arith.constant 0 : i32
      %dma_start3A_555 = tpu.memref_slice %arg8[%run_scoped3A_170, %run_scoped3A_171, %dma_start3A_554] : memref<2x6x112xi32, #tpu.memory_space<vmem>> -> memref<1x1x112xi32, #tpu.memory_space<vmem>>
      %dma_start3A_556 = tpu.memref_squeeze %dma_start3A_555 : memref<1x1x112xi32, #tpu.memory_space<vmem>> -> memref<112xi32, #tpu.memory_space<vmem>>
      %dma_start3A_557 = arith.constant 0 : i32
      %dma_start3A_558 = arith.constant 0 : i32
      %dma_start3A_559 = tpu.memref_slice %arg12[%dma_start3A_557, %dma_start3A_558] : memref<10240x128xf32, #tpu.memory_space<vmem_shared>> -> memref<10240x128xf32, #tpu.memory_space<vmem_shared>>
      tpu.enqueue_indirect_dma source(%arg10 : memref<112x128xf32, #tpu.memory_space<vmem>>) target(%dma_start3A_559 : memref<10240x128xf32, #tpu.memory_space<vmem_shared>>) offsets(%dma_start3A_556 : memref<112xi32, #tpu.memory_space<vmem>>) semaphore(%run_scoped3A_553 : memref<!tpu.dma_semaphore, #tpu.memory_space<semaphore_mem>>) {add = true}
      %dma_wait3A_560 = arith.constant 0 : i32
      %dma_wait3A_561 = tpu.memref_slice %arg8[%run_scoped3A_170, %run_scoped3A_171, %dma_wait3A_560] : memref<2x6x112xi32, #tpu.memory_space<vmem>> -> memref<1x1x112xi32, #tpu.memory_space<vmem>>
      %dma_wait3A_562 = tpu.memref_squeeze %dma_wait3A_561 : memref<1x1x112xi32, #tpu.memory_space<vmem>> -> memref<112xi32, #tpu.memory_space<vmem>>
      %dma_wait3A_563 = arith.constant 0 : i32
      %dma_wait3A_564 = arith.constant 0 : i32
      %dma_wait3A_565 = tpu.memref_slice %arg12[%dma_wait3A_563, %dma_wait3A_564] : memref<10240x128xf32, #tpu.memory_space<vmem_shared>> -> memref<10240x128xf32, #tpu.memory_space<vmem_shared>>
      tpu.wait_indirect_dma semaphore(%run_scoped3A_553 : memref<!tpu.dma_semaphore, #tpu.memory_space<semaphore_mem>>) src(%arg10 : memref<112x128xf32, #tpu.memory_space<vmem>>) dst(%dma_wait3A_565 : memref<10240x128xf32, #tpu.memory_space<vmem_shared>>)
      tpu.yield
    }) : () -> ()
    %dma_start3A_172 = arith.constant 0 : i32
    %dma_start3A_173 = arith.constant 4 : i32
    %dma_start3A_174 = arith.constant 0 : i32
    %dma_start3A_175 = tpu.memref_slice %arg7[%dma_start3A_172, %dma_start3A_173, %dma_start3A_174] : memref<2x6x112xi32, #tpu.memory_space<vmem>> -> memref<1x1x112xi32, #tpu.memory_space<vmem>>
    %dma_start3A_176 = tpu.memref_squeeze %dma_start3A_175 : memref<1x1x112xi32, #tpu.memory_space<vmem>> -> memref<112xi32, #tpu.memory_space<vmem>>
    %dma_start3A_177 = arith.constant 0 : i32
    %dma_start3A_178 = arith.constant 0 : i32
    %dma_start3A_179 = tpu.memref_slice %arg2[%dma_start3A_177, %dma_start3A_178] : memref<10000x128xf32, #tpu.memory_space<hbm>> -> memref<10000x128xf32, #tpu.memory_space<hbm>>
    tpu.enqueue_indirect_dma source(%dma_start3A_179 : memref<10000x128xf32, #tpu.memory_space<hbm>>) target(%arg10 : memref<112x128xf32, #tpu.memory_space<vmem>>) offsets(%dma_start3A_176 : memref<112xi32, #tpu.memory_space<vmem>>) semaphore(%arg14 : memref<!tpu.dma_semaphore, #tpu.memory_space<semaphore_mem>>)
    %dma_wait3A_180 = arith.constant 0 : i32
    %dma_wait3A_181 = arith.constant 0 : i32
    %dma_wait3A_182 = arith.constant 0 : i32
    %dma_wait3A_183 = tpu.memref_slice %arg7[%dma_wait3A_180, %dma_wait3A_181, %dma_wait3A_182] : memref<2x6x112xi32, #tpu.memory_space<vmem>> -> memref<1x1x112xi32, #tpu.memory_space<vmem>>
    %dma_wait3A_184 = tpu.memref_squeeze %dma_wait3A_183 : memref<1x1x112xi32, #tpu.memory_space<vmem>> -> memref<112xi32, #tpu.memory_space<vmem>>
    %dma_wait3A_185 = arith.constant 0 : i32
    %dma_wait3A_186 = arith.constant 0 : i32
    %dma_wait3A_187 = tpu.memref_slice %arg2[%dma_wait3A_185, %dma_wait3A_186] : memref<10000x128xf32, #tpu.memory_space<hbm>> -> memref<10000x128xf32, #tpu.memory_space<hbm>>
    tpu.wait_indirect_dma semaphore(%arg15 : memref<!tpu.dma_semaphore, #tpu.memory_space<semaphore_mem>>) src(%dma_wait3A_187 : memref<10000x128xf32, #tpu.memory_space<hbm>>) dst(%arg11 : memref<112x128xf32, #tpu.memory_space<vmem>>)
    %run_scoped3A_188 = arith.constant 0 : i32
    %run_scoped3A_189 = arith.constant 2 : i32
    "tpu.region"() ({
      %run_scoped3A_553 = tpu.sem_alloc : memref<!tpu.dma_semaphore, #tpu.memory_space<semaphore_mem>>
      %dma_start3A_554 = arith.constant 0 : i32
      %dma_start3A_555 = tpu.memref_slice %arg8[%run_scoped3A_188, %run_scoped3A_189, %dma_start3A_554] : memref<2x6x112xi32, #tpu.memory_space<vmem>> -> memref<1x1x112xi32, #tpu.memory_space<vmem>>
      %dma_start3A_556 = tpu.memref_squeeze %dma_start3A_555 : memref<1x1x112xi32, #tpu.memory_space<vmem>> -> memref<112xi32, #tpu.memory_space<vmem>>
      %dma_start3A_557 = arith.constant 0 : i32
      %dma_start3A_558 = arith.constant 0 : i32
      %dma_start3A_559 = tpu.memref_slice %arg12[%dma_start3A_557, %dma_start3A_558] : memref<10240x128xf32, #tpu.memory_space<vmem_shared>> -> memref<10240x128xf32, #tpu.memory_space<vmem_shared>>
      tpu.enqueue_indirect_dma source(%arg11 : memref<112x128xf32, #tpu.memory_space<vmem>>) target(%dma_start3A_559 : memref<10240x128xf32, #tpu.memory_space<vmem_shared>>) offsets(%dma_start3A_556 : memref<112xi32, #tpu.memory_space<vmem>>) semaphore(%run_scoped3A_553 : memref<!tpu.dma_semaphore, #tpu.memory_space<semaphore_mem>>) {add = true}
      %dma_wait3A_560 = arith.constant 0 : i32
      %dma_wait3A_561 = tpu.memref_slice %arg8[%run_scoped3A_188, %run_scoped3A_189, %dma_wait3A_560] : memref<2x6x112xi32, #tpu.memory_space<vmem>> -> memref<1x1x112xi32, #tpu.memory_space<vmem>>
      %dma_wait3A_562 = tpu.memref_squeeze %dma_wait3A_561 : memref<1x1x112xi32, #tpu.memory_space<vmem>> -> memref<112xi32, #tpu.memory_space<vmem>>
      %dma_wait3A_563 = arith.constant 0 : i32
      %dma_wait3A_564 = arith.constant 0 : i32
      %dma_wait3A_565 = tpu.memref_slice %arg12[%dma_wait3A_563, %dma_wait3A_564] : memref<10240x128xf32, #tpu.memory_space<vmem_shared>> -> memref<10240x128xf32, #tpu.memory_space<vmem_shared>>
      tpu.wait_indirect_dma semaphore(%run_scoped3A_553 : memref<!tpu.dma_semaphore, #tpu.memory_space<semaphore_mem>>) src(%arg11 : memref<112x128xf32, #tpu.memory_space<vmem>>) dst(%dma_wait3A_565 : memref<10240x128xf32, #tpu.memory_space<vmem_shared>>)
      tpu.yield
    }) : () -> ()
    %dma_start3A_190 = arith.constant 0 : i32
    %dma_start3A_191 = arith.constant 5 : i32
    %dma_start3A_192 = arith.constant 0 : i32
    %dma_start3A_193 = tpu.memref_slice %arg7[%dma_start3A_190, %dma_start3A_191, %dma_start3A_192] : memref<2x6x112xi32, #tpu.memory_space<vmem>> -> memref<1x1x112xi32, #tpu.memory_space<vmem>>
    %dma_start3A_194 = tpu.memref_squeeze %dma_start3A_193 : memref<1x1x112xi32, #tpu.memory_space<vmem>> -> memref<112xi32, #tpu.memory_space<vmem>>
    %dma_start3A_195 = arith.constant 0 : i32
    %dma_start3A_196 = arith.constant 0 : i32
    %dma_start3A_197 = tpu.memref_slice %arg2[%dma_start3A_195, %dma_start3A_196] : memref<10000x128xf32, #tpu.memory_space<hbm>> -> memref<10000x128xf32, #tpu.memory_space<hbm>>
    tpu.enqueue_indirect_dma source(%dma_start3A_197 : memref<10000x128xf32, #tpu.memory_space<hbm>>) target(%arg11 : memref<112x128xf32, #tpu.memory_space<vmem>>) offsets(%dma_start3A_194 : memref<112xi32, #tpu.memory_space<vmem>>) semaphore(%arg15 : memref<!tpu.dma_semaphore, #tpu.memory_space<semaphore_mem>>)
    %dma_wait3A_198 = arith.constant 0 : i32
    %dma_wait3A_199 = arith.constant 0 : i32
    %dma_wait3A_200 = arith.constant 0 : i32
    %dma_wait3A_201 = tpu.memref_slice %arg7[%dma_wait3A_198, %dma_wait3A_199, %dma_wait3A_200] : memref<2x6x112xi32, #tpu.memory_space<vmem>> -> memref<1x1x112xi32, #tpu.memory_space<vmem>>
    %dma_wait3A_202 = tpu.memref_squeeze %dma_wait3A_201 : memref<1x1x112xi32, #tpu.memory_space<vmem>> -> memref<112xi32, #tpu.memory_space<vmem>>
    %dma_wait3A_203 = arith.constant 0 : i32
    %dma_wait3A_204 = arith.constant 0 : i32
    %dma_wait3A_205 = tpu.memref_slice %arg2[%dma_wait3A_203, %dma_wait3A_204] : memref<10000x128xf32, #tpu.memory_space<hbm>> -> memref<10000x128xf32, #tpu.memory_space<hbm>>
    tpu.wait_indirect_dma semaphore(%arg13 : memref<!tpu.dma_semaphore, #tpu.memory_space<semaphore_mem>>) src(%dma_wait3A_205 : memref<10000x128xf32, #tpu.memory_space<hbm>>) dst(%arg9 : memref<112x128xf32, #tpu.memory_space<vmem>>)
    %run_scoped3A_206 = arith.constant 0 : i32
    %run_scoped3A_207 = arith.constant 3 : i32
    "tpu.region"() ({
      %run_scoped3A_553 = tpu.sem_alloc : memref<!tpu.dma_semaphore, #tpu.memory_space<semaphore_mem>>
      %dma_start3A_554 = arith.constant 0 : i32
      %dma_start3A_555 = tpu.memref_slice %arg8[%run_scoped3A_206, %run_scoped3A_207, %dma_start3A_554] : memref<2x6x112xi32, #tpu.memory_space<vmem>> -> memref<1x1x112xi32, #tpu.memory_space<vmem>>
      %dma_start3A_556 = tpu.memref_squeeze %dma_start3A_555 : memref<1x1x112xi32, #tpu.memory_space<vmem>> -> memref<112xi32, #tpu.memory_space<vmem>>
      %dma_start3A_557 = arith.constant 0 : i32
      %dma_start3A_558 = arith.constant 0 : i32
      %dma_start3A_559 = tpu.memref_slice %arg12[%dma_start3A_557, %dma_start3A_558] : memref<10240x128xf32, #tpu.memory_space<vmem_shared>> -> memref<10240x128xf32, #tpu.memory_space<vmem_shared>>
      tpu.enqueue_indirect_dma source(%arg9 : memref<112x128xf32, #tpu.memory_space<vmem>>) target(%dma_start3A_559 : memref<10240x128xf32, #tpu.memory_space<vmem_shared>>) offsets(%dma_start3A_556 : memref<112xi32, #tpu.memory_space<vmem>>) semaphore(%run_scoped3A_553 : memref<!tpu.dma_semaphore, #tpu.memory_space<semaphore_mem>>) {add = true}
      %dma_wait3A_560 = arith.constant 0 : i32
      %dma_wait3A_561 = tpu.memref_slice %arg8[%run_scoped3A_206, %run_scoped3A_207, %dma_wait3A_560] : memref<2x6x112xi32, #tpu.memory_space<vmem>> -> memref<1x1x112xi32, #tpu.memory_space<vmem>>
      %dma_wait3A_562 = tpu.memref_squeeze %dma_wait3A_561 : memref<1x1x112xi32, #tpu.memory_space<vmem>> -> memref<112xi32, #tpu.memory_space<vmem>>
      %dma_wait3A_563 = arith.constant 0 : i32
      %dma_wait3A_564 = arith.constant 0 : i32
      %dma_wait3A_565 = tpu.memref_slice %arg12[%dma_wait3A_563, %dma_wait3A_564] : memref<10240x128xf32, #tpu.memory_space<vmem_shared>> -> memref<10240x128xf32, #tpu.memory_space<vmem_shared>>
      tpu.wait_indirect_dma semaphore(%run_scoped3A_553 : memref<!tpu.dma_semaphore, #tpu.memory_space<semaphore_mem>>) src(%arg9 : memref<112x128xf32, #tpu.memory_space<vmem>>) dst(%dma_wait3A_565 : memref<10240x128xf32, #tpu.memory_space<vmem_shared>>)
      tpu.yield
    }) : () -> ()
    %dma_wait3A_208 = arith.constant 13 : i32
    %dma_wait3A_209 = arith.constant 1 : i32
    %dma_wait3A_210 = arith.constant 0 : i32
    %dma_wait3A_211 = arith.constant 0 : i32
    %dma_wait3A_212 = tpu.memref_slice %arg7[%dma_wait3A_209, %dma_wait3A_210, %dma_wait3A_211] : memref<2x6x112xi32, #tpu.memory_space<vmem>> -> memref<1x6x112xi32, #tpu.memory_space<vmem>>
    %dma_wait3A_213 = tpu.memref_squeeze %dma_wait3A_212 : memref<1x6x112xi32, #tpu.memory_space<vmem>> -> memref<6x112xi32, #tpu.memory_space<vmem>>
    %dma_wait3A_214 = arith.constant 0 : i32
    %dma_wait3A_215 = arith.constant 0 : i32
    %dma_wait3A_216 = tpu.memref_slice %arg3[%add3A, %dma_wait3A_208, %dma_wait3A_214, %dma_wait3A_215] : memref<32x15x6x112xi32, #tpu.memory_space<hbm>> -> memref<1x1x6x112xi32, #tpu.memory_space<hbm>>
    %dma_wait3A_217 = tpu.memref_squeeze %dma_wait3A_216 : memref<1x1x6x112xi32, #tpu.memory_space<hbm>> -> memref<6x112xi32, #tpu.memory_space<hbm>>
    %dma_wait3A_218 = arith.constant 0 : i32
    %dma_wait3A_219 = arith.constant 0 : i32
    %dma_wait3A_220 = tpu.memref_slice %arg7[%dma_wait3A_209, %dma_wait3A_218, %dma_wait3A_219] : memref<2x6x112xi32, #tpu.memory_space<vmem>> -> memref<1x6x112xi32, #tpu.memory_space<vmem>>
    %dma_wait3A_221 = tpu.memref_squeeze %dma_wait3A_220 : memref<1x6x112xi32, #tpu.memory_space<vmem>> -> memref<6x112xi32, #tpu.memory_space<vmem>>
    %dma_wait3A_222 = arith.constant 0 : i32
    %dma_wait3A_223 = arith.constant 0 : i32
    %dma_wait3A_224 = tpu.memref_slice %arg3[%add3A, %dma_wait3A_208, %dma_wait3A_222, %dma_wait3A_223] : memref<32x15x6x112xi32, #tpu.memory_space<hbm>> -> memref<1x1x6x112xi32, #tpu.memory_space<hbm>>
    %dma_wait3A_225 = tpu.memref_squeeze %dma_wait3A_224 : memref<1x1x6x112xi32, #tpu.memory_space<hbm>> -> memref<6x112xi32, #tpu.memory_space<hbm>>
    tpu.wait_dma2 semaphore(%arg17 : memref<!tpu.dma_semaphore, #tpu.memory_space<semaphore_mem>>) src(%dma_wait3A_225 : memref<6x112xi32, #tpu.memory_space<hbm>>) dst(%dma_wait3A_221 : memref<6x112xi32, #tpu.memory_space<vmem>>)
    %dma_wait3A_226 = arith.constant 13 : i32
    %dma_wait3A_227 = arith.constant 1 : i32
    %dma_wait3A_228 = arith.constant 0 : i32
    %dma_wait3A_229 = arith.constant 0 : i32
    %dma_wait3A_230 = tpu.memref_slice %arg8[%dma_wait3A_227, %dma_wait3A_228, %dma_wait3A_229] : memref<2x6x112xi32, #tpu.memory_space<vmem>> -> memref<1x6x112xi32, #tpu.memory_space<vmem>>
    %dma_wait3A_231 = tpu.memref_squeeze %dma_wait3A_230 : memref<1x6x112xi32, #tpu.memory_space<vmem>> -> memref<6x112xi32, #tpu.memory_space<vmem>>
    %dma_wait3A_232 = arith.constant 0 : i32
    %dma_wait3A_233 = arith.constant 0 : i32
    %dma_wait3A_234 = tpu.memref_slice %arg4[%add3A, %dma_wait3A_226, %dma_wait3A_232, %dma_wait3A_233] : memref<32x15x6x112xi32, #tpu.memory_space<hbm>> -> memref<1x1x6x112xi32, #tpu.memory_space<hbm>>
    %dma_wait3A_235 = tpu.memref_squeeze %dma_wait3A_234 : memref<1x1x6x112xi32, #tpu.memory_space<hbm>> -> memref<6x112xi32, #tpu.memory_space<hbm>>
    %dma_wait3A_236 = arith.constant 0 : i32
    %dma_wait3A_237 = arith.constant 0 : i32
    %dma_wait3A_238 = tpu.memref_slice %arg8[%dma_wait3A_227, %dma_wait3A_236, %dma_wait3A_237] : memref<2x6x112xi32, #tpu.memory_space<vmem>> -> memref<1x6x112xi32, #tpu.memory_space<vmem>>
    %dma_wait3A_239 = tpu.memref_squeeze %dma_wait3A_238 : memref<1x6x112xi32, #tpu.memory_space<vmem>> -> memref<6x112xi32, #tpu.memory_space<vmem>>
    %dma_wait3A_240 = arith.constant 0 : i32
    %dma_wait3A_241 = arith.constant 0 : i32
    %dma_wait3A_242 = tpu.memref_slice %arg4[%add3A, %dma_wait3A_226, %dma_wait3A_240, %dma_wait3A_241] : memref<32x15x6x112xi32, #tpu.memory_space<hbm>> -> memref<1x1x6x112xi32, #tpu.memory_space<hbm>>
    %dma_wait3A_243 = tpu.memref_squeeze %dma_wait3A_242 : memref<1x1x6x112xi32, #tpu.memory_space<hbm>> -> memref<6x112xi32, #tpu.memory_space<hbm>>
    tpu.wait_dma2 semaphore(%arg17 : memref<!tpu.dma_semaphore, #tpu.memory_space<semaphore_mem>>) src(%dma_wait3A_243 : memref<6x112xi32, #tpu.memory_space<hbm>>) dst(%dma_wait3A_239 : memref<6x112xi32, #tpu.memory_space<vmem>>)
    %dma_start3A_244 = arith.constant 1 : i32
    %dma_start3A_245 = arith.constant 0 : i32
    %dma_start3A_246 = arith.constant 0 : i32
    %dma_start3A_247 = tpu.memref_slice %arg7[%dma_start3A_244, %dma_start3A_245, %dma_start3A_246] : memref<2x6x112xi32, #tpu.memory_space<vmem>> -> memref<1x1x112xi32, #tpu.memory_space<vmem>>
    %dma_start3A_248 = tpu.memref_squeeze %dma_start3A_247 : memref<1x1x112xi32, #tpu.memory_space<vmem>> -> memref<112xi32, #tpu.memory_space<vmem>>
    %dma_start3A_249 = arith.constant 0 : i32
    %dma_start3A_250 = arith.constant 0 : i32
    %dma_start3A_251 = tpu.memref_slice %arg2[%dma_start3A_249, %dma_start3A_250] : memref<10000x128xf32, #tpu.memory_space<hbm>> -> memref<10000x128xf32, #tpu.memory_space<hbm>>
    tpu.enqueue_indirect_dma source(%dma_start3A_251 : memref<10000x128xf32, #tpu.memory_space<hbm>>) target(%arg9 : memref<112x128xf32, #tpu.memory_space<vmem>>) offsets(%dma_start3A_248 : memref<112xi32, #tpu.memory_space<vmem>>) semaphore(%arg13 : memref<!tpu.dma_semaphore, #tpu.memory_space<semaphore_mem>>)
    %dma_wait3A_252 = arith.constant 0 : i32
    %dma_wait3A_253 = arith.constant 0 : i32
    %dma_wait3A_254 = arith.constant 0 : i32
    %dma_wait3A_255 = tpu.memref_slice %arg7[%dma_wait3A_252, %dma_wait3A_253, %dma_wait3A_254] : memref<2x6x112xi32, #tpu.memory_space<vmem>> -> memref<1x1x112xi32, #tpu.memory_space<vmem>>
    %dma_wait3A_256 = tpu.memref_squeeze %dma_wait3A_255 : memref<1x1x112xi32, #tpu.memory_space<vmem>> -> memref<112xi32, #tpu.memory_space<vmem>>
    %dma_wait3A_257 = arith.constant 0 : i32
    %dma_wait3A_258 = arith.constant 0 : i32
    %dma_wait3A_259 = tpu.memref_slice %arg2[%dma_wait3A_257, %dma_wait3A_258] : memref<10000x128xf32, #tpu.memory_space<hbm>> -> memref<10000x128xf32, #tpu.memory_space<hbm>>
    tpu.wait_indirect_dma semaphore(%arg14 : memref<!tpu.dma_semaphore, #tpu.memory_space<semaphore_mem>>) src(%dma_wait3A_259 : memref<10000x128xf32, #tpu.memory_space<hbm>>) dst(%arg10 : memref<112x128xf32, #tpu.memory_space<vmem>>)
    %run_scoped3A_260 = arith.constant 0 : i32
    %run_scoped3A_261 = arith.constant 4 : i32
    "tpu.region"() ({
      %run_scoped3A_553 = tpu.sem_alloc : memref<!tpu.dma_semaphore, #tpu.memory_space<semaphore_mem>>
      %dma_start3A_554 = arith.constant 0 : i32
      %dma_start3A_555 = tpu.memref_slice %arg8[%run_scoped3A_260, %run_scoped3A_261, %dma_start3A_554] : memref<2x6x112xi32, #tpu.memory_space<vmem>> -> memref<1x1x112xi32, #tpu.memory_space<vmem>>
      %dma_start3A_556 = tpu.memref_squeeze %dma_start3A_555 : memref<1x1x112xi32, #tpu.memory_space<vmem>> -> memref<112xi32, #tpu.memory_space<vmem>>
      %dma_start3A_557 = arith.constant 0 : i32
      %dma_start3A_558 = arith.constant 0 : i32
      %dma_start3A_559 = tpu.memref_slice %arg12[%dma_start3A_557, %dma_start3A_558] : memref<10240x128xf32, #tpu.memory_space<vmem_shared>> -> memref<10240x128xf32, #tpu.memory_space<vmem_shared>>
      tpu.enqueue_indirect_dma source(%arg10 : memref<112x128xf32, #tpu.memory_space<vmem>>) target(%dma_start3A_559 : memref<10240x128xf32, #tpu.memory_space<vmem_shared>>) offsets(%dma_start3A_556 : memref<112xi32, #tpu.memory_space<vmem>>) semaphore(%run_scoped3A_553 : memref<!tpu.dma_semaphore, #tpu.memory_space<semaphore_mem>>) {add = true}
      %dma_wait3A_560 = arith.constant 0 : i32
      %dma_wait3A_561 = tpu.memref_slice %arg8[%run_scoped3A_260, %run_scoped3A_261, %dma_wait3A_560] : memref<2x6x112xi32, #tpu.memory_space<vmem>> -> memref<1x1x112xi32, #tpu.memory_space<vmem>>
      %dma_wait3A_562 = tpu.memref_squeeze %dma_wait3A_561 : memref<1x1x112xi32, #tpu.memory_space<vmem>> -> memref<112xi32, #tpu.memory_space<vmem>>
      %dma_wait3A_563 = arith.constant 0 : i32
      %dma_wait3A_564 = arith.constant 0 : i32
      %dma_wait3A_565 = tpu.memref_slice %arg12[%dma_wait3A_563, %dma_wait3A_564] : memref<10240x128xf32, #tpu.memory_space<vmem_shared>> -> memref<10240x128xf32, #tpu.memory_space<vmem_shared>>
      tpu.wait_indirect_dma semaphore(%run_scoped3A_553 : memref<!tpu.dma_semaphore, #tpu.memory_space<semaphore_mem>>) src(%arg10 : memref<112x128xf32, #tpu.memory_space<vmem>>) dst(%dma_wait3A_565 : memref<10240x128xf32, #tpu.memory_space<vmem_shared>>)
      tpu.yield
    }) : () -> ()
    %dma_start3A_262 = arith.constant 1 : i32
    %dma_start3A_263 = arith.constant 1 : i32
    %dma_start3A_264 = arith.constant 0 : i32
    %dma_start3A_265 = tpu.memref_slice %arg7[%dma_start3A_262, %dma_start3A_263, %dma_start3A_264] : memref<2x6x112xi32, #tpu.memory_space<vmem>> -> memref<1x1x112xi32, #tpu.memory_space<vmem>>
    %dma_start3A_266 = tpu.memref_squeeze %dma_start3A_265 : memref<1x1x112xi32, #tpu.memory_space<vmem>> -> memref<112xi32, #tpu.memory_space<vmem>>
    %dma_start3A_267 = arith.constant 0 : i32
    %dma_start3A_268 = arith.constant 0 : i32
    %dma_start3A_269 = tpu.memref_slice %arg2[%dma_start3A_267, %dma_start3A_268] : memref<10000x128xf32, #tpu.memory_space<hbm>> -> memref<10000x128xf32, #tpu.memory_space<hbm>>
    tpu.enqueue_indirect_dma source(%dma_start3A_269 : memref<10000x128xf32, #tpu.memory_space<hbm>>) target(%arg10 : memref<112x128xf32, #tpu.memory_space<vmem>>) offsets(%dma_start3A_266 : memref<112xi32, #tpu.memory_space<vmem>>) semaphore(%arg14 : memref<!tpu.dma_semaphore, #tpu.memory_space<semaphore_mem>>)
    %dma_wait3A_270 = arith.constant 0 : i32
    %dma_wait3A_271 = arith.constant 0 : i32
    %dma_wait3A_272 = arith.constant 0 : i32
    %dma_wait3A_273 = tpu.memref_slice %arg7[%dma_wait3A_270, %dma_wait3A_271, %dma_wait3A_272] : memref<2x6x112xi32, #tpu.memory_space<vmem>> -> memref<1x1x112xi32, #tpu.memory_space<vmem>>
    %dma_wait3A_274 = tpu.memref_squeeze %dma_wait3A_273 : memref<1x1x112xi32, #tpu.memory_space<vmem>> -> memref<112xi32, #tpu.memory_space<vmem>>
    %dma_wait3A_275 = arith.constant 0 : i32
    %dma_wait3A_276 = arith.constant 0 : i32
    %dma_wait3A_277 = tpu.memref_slice %arg2[%dma_wait3A_275, %dma_wait3A_276] : memref<10000x128xf32, #tpu.memory_space<hbm>> -> memref<10000x128xf32, #tpu.memory_space<hbm>>
    tpu.wait_indirect_dma semaphore(%arg15 : memref<!tpu.dma_semaphore, #tpu.memory_space<semaphore_mem>>) src(%dma_wait3A_277 : memref<10000x128xf32, #tpu.memory_space<hbm>>) dst(%arg11 : memref<112x128xf32, #tpu.memory_space<vmem>>)
    %run_scoped3A_278 = arith.constant 0 : i32
    %run_scoped3A_279 = arith.constant 5 : i32
    "tpu.region"() ({
      %run_scoped3A_553 = tpu.sem_alloc : memref<!tpu.dma_semaphore, #tpu.memory_space<semaphore_mem>>
      %dma_start3A_554 = arith.constant 0 : i32
      %dma_start3A_555 = tpu.memref_slice %arg8[%run_scoped3A_278, %run_scoped3A_279, %dma_start3A_554] : memref<2x6x112xi32, #tpu.memory_space<vmem>> -> memref<1x1x112xi32, #tpu.memory_space<vmem>>
      %dma_start3A_556 = tpu.memref_squeeze %dma_start3A_555 : memref<1x1x112xi32, #tpu.memory_space<vmem>> -> memref<112xi32, #tpu.memory_space<vmem>>
      %dma_start3A_557 = arith.constant 0 : i32
      %dma_start3A_558 = arith.constant 0 : i32
      %dma_start3A_559 = tpu.memref_slice %arg12[%dma_start3A_557, %dma_start3A_558] : memref<10240x128xf32, #tpu.memory_space<vmem_shared>> -> memref<10240x128xf32, #tpu.memory_space<vmem_shared>>
      tpu.enqueue_indirect_dma source(%arg11 : memref<112x128xf32, #tpu.memory_space<vmem>>) target(%dma_start3A_559 : memref<10240x128xf32, #tpu.memory_space<vmem_shared>>) offsets(%dma_start3A_556 : memref<112xi32, #tpu.memory_space<vmem>>) semaphore(%run_scoped3A_553 : memref<!tpu.dma_semaphore, #tpu.memory_space<semaphore_mem>>) {add = true}
      %dma_wait3A_560 = arith.constant 0 : i32
      %dma_wait3A_561 = tpu.memref_slice %arg8[%run_scoped3A_278, %run_scoped3A_279, %dma_wait3A_560] : memref<2x6x112xi32, #tpu.memory_space<vmem>> -> memref<1x1x112xi32, #tpu.memory_space<vmem>>
      %dma_wait3A_562 = tpu.memref_squeeze %dma_wait3A_561 : memref<1x1x112xi32, #tpu.memory_space<vmem>> -> memref<112xi32, #tpu.memory_space<vmem>>
      %dma_wait3A_563 = arith.constant 0 : i32
      %dma_wait3A_564 = arith.constant 0 : i32
      %dma_wait3A_565 = tpu.memref_slice %arg12[%dma_wait3A_563, %dma_wait3A_564] : memref<10240x128xf32, #tpu.memory_space<vmem_shared>> -> memref<10240x128xf32, #tpu.memory_space<vmem_shared>>
      tpu.wait_indirect_dma semaphore(%run_scoped3A_553 : memref<!tpu.dma_semaphore, #tpu.memory_space<semaphore_mem>>) src(%arg11 : memref<112x128xf32, #tpu.memory_space<vmem>>) dst(%dma_wait3A_565 : memref<10240x128xf32, #tpu.memory_space<vmem_shared>>)
      tpu.yield
    }) : () -> ()
    %dma_start3A_280 = arith.constant 1 : i32
    %dma_start3A_281 = arith.constant 2 : i32
    %dma_start3A_282 = arith.constant 0 : i32
    %dma_start3A_283 = tpu.memref_slice %arg7[%dma_start3A_280, %dma_start3A_281, %dma_start3A_282] : memref<2x6x112xi32, #tpu.memory_space<vmem>> -> memref<1x1x112xi32, #tpu.memory_space<vmem>>
    %dma_start3A_284 = tpu.memref_squeeze %dma_start3A_283 : memref<1x1x112xi32, #tpu.memory_space<vmem>> -> memref<112xi32, #tpu.memory_space<vmem>>
    %dma_start3A_285 = arith.constant 0 : i32
    %dma_start3A_286 = arith.constant 0 : i32
    %dma_start3A_287 = tpu.memref_slice %arg2[%dma_start3A_285, %dma_start3A_286] : memref<10000x128xf32, #tpu.memory_space<hbm>> -> memref<10000x128xf32, #tpu.memory_space<hbm>>
    tpu.enqueue_indirect_dma source(%dma_start3A_287 : memref<10000x128xf32, #tpu.memory_space<hbm>>) target(%arg11 : memref<112x128xf32, #tpu.memory_space<vmem>>) offsets(%dma_start3A_284 : memref<112xi32, #tpu.memory_space<vmem>>) semaphore(%arg15 : memref<!tpu.dma_semaphore, #tpu.memory_space<semaphore_mem>>)
    %dma_start3A_288 = arith.constant 14 : i32
    %dma_start3A_289 = arith.constant 0 : i32
    %dma_start3A_290 = arith.constant 0 : i32
    %dma_start3A_291 = arith.constant 0 : i32
    %dma_start3A_292 = tpu.memref_slice %arg7[%dma_start3A_289, %dma_start3A_290, %dma_start3A_291] : memref<2x6x112xi32, #tpu.memory_space<vmem>> -> memref<1x6x112xi32, #tpu.memory_space<vmem>>
    %dma_start3A_293 = tpu.memref_squeeze %dma_start3A_292 : memref<1x6x112xi32, #tpu.memory_space<vmem>> -> memref<6x112xi32, #tpu.memory_space<vmem>>
    %dma_start3A_294 = arith.constant 0 : i32
    %dma_start3A_295 = arith.constant 0 : i32
    %dma_start3A_296 = tpu.memref_slice %arg3[%add3A, %dma_start3A_288, %dma_start3A_294, %dma_start3A_295] : memref<32x15x6x112xi32, #tpu.memory_space<hbm>> -> memref<1x1x6x112xi32, #tpu.memory_space<hbm>>
    %dma_start3A_297 = tpu.memref_squeeze %dma_start3A_296 : memref<1x1x6x112xi32, #tpu.memory_space<hbm>> -> memref<6x112xi32, #tpu.memory_space<hbm>>
    %dma_start3A_298 = arith.constant 0 : i32
    %dma_start3A_299 = arith.constant 0 : i32
    %dma_start3A_300 = tpu.memref_slice %arg7[%dma_start3A_289, %dma_start3A_298, %dma_start3A_299] : memref<2x6x112xi32, #tpu.memory_space<vmem>> -> memref<1x6x112xi32, #tpu.memory_space<vmem>>
    %dma_start3A_301 = tpu.memref_squeeze %dma_start3A_300 : memref<1x6x112xi32, #tpu.memory_space<vmem>> -> memref<6x112xi32, #tpu.memory_space<vmem>>
    %dma_start3A_302 = arith.constant 0 : i32
    %dma_start3A_303 = arith.constant 0 : i32
    %dma_start3A_304 = tpu.memref_slice %arg3[%add3A, %dma_start3A_288, %dma_start3A_302, %dma_start3A_303] : memref<32x15x6x112xi32, #tpu.memory_space<hbm>> -> memref<1x1x6x112xi32, #tpu.memory_space<hbm>>
    %dma_start3A_305 = tpu.memref_squeeze %dma_start3A_304 : memref<1x1x6x112xi32, #tpu.memory_space<hbm>> -> memref<6x112xi32, #tpu.memory_space<hbm>>
    tpu.enqueue_dma source(%dma_start3A_305 : memref<6x112xi32, #tpu.memory_space<hbm>>) target(%dma_start3A_301 : memref<6x112xi32, #tpu.memory_space<vmem>>) target_semaphore(%arg16 : memref<!tpu.dma_semaphore, #tpu.memory_space<semaphore_mem>>)
    %dma_start3A_306 = arith.constant 14 : i32
    %dma_start3A_307 = arith.constant 0 : i32
    %dma_start3A_308 = arith.constant 0 : i32
    %dma_start3A_309 = arith.constant 0 : i32
    %dma_start3A_310 = tpu.memref_slice %arg8[%dma_start3A_307, %dma_start3A_308, %dma_start3A_309] : memref<2x6x112xi32, #tpu.memory_space<vmem>> -> memref<1x6x112xi32, #tpu.memory_space<vmem>>
    %dma_start3A_311 = tpu.memref_squeeze %dma_start3A_310 : memref<1x6x112xi32, #tpu.memory_space<vmem>> -> memref<6x112xi32, #tpu.memory_space<vmem>>
    %dma_start3A_312 = arith.constant 0 : i32
    %dma_start3A_313 = arith.constant 0 : i32
    %dma_start3A_314 = tpu.memref_slice %arg4[%add3A, %dma_start3A_306, %dma_start3A_312, %dma_start3A_313] : memref<32x15x6x112xi32, #tpu.memory_space<hbm>> -> memref<1x1x6x112xi32, #tpu.memory_space<hbm>>
    %dma_start3A_315 = tpu.memref_squeeze %dma_start3A_314 : memref<1x1x6x112xi32, #tpu.memory_space<hbm>> -> memref<6x112xi32, #tpu.memory_space<hbm>>
    %dma_start3A_316 = arith.constant 0 : i32
    %dma_start3A_317 = arith.constant 0 : i32
    %dma_start3A_318 = tpu.memref_slice %arg8[%dma_start3A_307, %dma_start3A_316, %dma_start3A_317] : memref<2x6x112xi32, #tpu.memory_space<vmem>> -> memref<1x6x112xi32, #tpu.memory_space<vmem>>
    %dma_start3A_319 = tpu.memref_squeeze %dma_start3A_318 : memref<1x6x112xi32, #tpu.memory_space<vmem>> -> memref<6x112xi32, #tpu.memory_space<vmem>>
    %dma_start3A_320 = arith.constant 0 : i32
    %dma_start3A_321 = arith.constant 0 : i32
    %dma_start3A_322 = tpu.memref_slice %arg4[%add3A, %dma_start3A_306, %dma_start3A_320, %dma_start3A_321] : memref<32x15x6x112xi32, #tpu.memory_space<hbm>> -> memref<1x1x6x112xi32, #tpu.memory_space<hbm>>
    %dma_start3A_323 = tpu.memref_squeeze %dma_start3A_322 : memref<1x1x6x112xi32, #tpu.memory_space<hbm>> -> memref<6x112xi32, #tpu.memory_space<hbm>>
    tpu.enqueue_dma source(%dma_start3A_323 : memref<6x112xi32, #tpu.memory_space<hbm>>) target(%dma_start3A_319 : memref<6x112xi32, #tpu.memory_space<vmem>>) target_semaphore(%arg16 : memref<!tpu.dma_semaphore, #tpu.memory_space<semaphore_mem>>)
    %dma_wait3A_324 = arith.constant 0 : i32
    %dma_wait3A_325 = arith.constant 0 : i32
    %dma_wait3A_326 = arith.constant 0 : i32
    %dma_wait3A_327 = tpu.memref_slice %arg7[%dma_wait3A_324, %dma_wait3A_325, %dma_wait3A_326] : memref<2x6x112xi32, #tpu.memory_space<vmem>> -> memref<1x1x112xi32, #tpu.memory_space<vmem>>
    %dma_wait3A_328 = tpu.memref_squeeze %dma_wait3A_327 : memref<1x1x112xi32, #tpu.memory_space<vmem>> -> memref<112xi32, #tpu.memory_space<vmem>>
    %dma_wait3A_329 = arith.constant 0 : i32
    %dma_wait3A_330 = arith.constant 0 : i32
    %dma_wait3A_331 = tpu.memref_slice %arg2[%dma_wait3A_329, %dma_wait3A_330] : memref<10000x128xf32, #tpu.memory_space<hbm>> -> memref<10000x128xf32, #tpu.memory_space<hbm>>
    tpu.wait_indirect_dma semaphore(%arg13 : memref<!tpu.dma_semaphore, #tpu.memory_space<semaphore_mem>>) src(%dma_wait3A_331 : memref<10000x128xf32, #tpu.memory_space<hbm>>) dst(%arg9 : memref<112x128xf32, #tpu.memory_space<vmem>>)
    %run_scoped3A_332 = arith.constant 1 : i32
    %run_scoped3A_333 = arith.constant 0 : i32
    "tpu.region"() ({
      %run_scoped3A_553 = tpu.sem_alloc : memref<!tpu.dma_semaphore, #tpu.memory_space<semaphore_mem>>
      %dma_start3A_554 = arith.constant 0 : i32
      %dma_start3A_555 = tpu.memref_slice %arg8[%run_scoped3A_332, %run_scoped3A_333, %dma_start3A_554] : memref<2x6x112xi32, #tpu.memory_space<vmem>> -> memref<1x1x112xi32, #tpu.memory_space<vmem>>
      %dma_start3A_556 = tpu.memref_squeeze %dma_start3A_555 : memref<1x1x112xi32, #tpu.memory_space<vmem>> -> memref<112xi32, #tpu.memory_space<vmem>>
      %dma_start3A_557 = arith.constant 0 : i32
      %dma_start3A_558 = arith.constant 0 : i32
      %dma_start3A_559 = tpu.memref_slice %arg12[%dma_start3A_557, %dma_start3A_558] : memref<10240x128xf32, #tpu.memory_space<vmem_shared>> -> memref<10240x128xf32, #tpu.memory_space<vmem_shared>>
      tpu.enqueue_indirect_dma source(%arg9 : memref<112x128xf32, #tpu.memory_space<vmem>>) target(%dma_start3A_559 : memref<10240x128xf32, #tpu.memory_space<vmem_shared>>) offsets(%dma_start3A_556 : memref<112xi32, #tpu.memory_space<vmem>>) semaphore(%run_scoped3A_553 : memref<!tpu.dma_semaphore, #tpu.memory_space<semaphore_mem>>) {add = true}
      %dma_wait3A_560 = arith.constant 0 : i32
      %dma_wait3A_561 = tpu.memref_slice %arg8[%run_scoped3A_332, %run_scoped3A_333, %dma_wait3A_560] : memref<2x6x112xi32, #tpu.memory_space<vmem>> -> memref<1x1x112xi32, #tpu.memory_space<vmem>>
      %dma_wait3A_562 = tpu.memref_squeeze %dma_wait3A_561 : memref<1x1x112xi32, #tpu.memory_space<vmem>> -> memref<112xi32, #tpu.memory_space<vmem>>
      %dma_wait3A_563 = arith.constant 0 : i32
      %dma_wait3A_564 = arith.constant 0 : i32
      %dma_wait3A_565 = tpu.memref_slice %arg12[%dma_wait3A_563, %dma_wait3A_564] : memref<10240x128xf32, #tpu.memory_space<vmem_shared>> -> memref<10240x128xf32, #tpu.memory_space<vmem_shared>>
      tpu.wait_indirect_dma semaphore(%run_scoped3A_553 : memref<!tpu.dma_semaphore, #tpu.memory_space<semaphore_mem>>) src(%arg9 : memref<112x128xf32, #tpu.memory_space<vmem>>) dst(%dma_wait3A_565 : memref<10240x128xf32, #tpu.memory_space<vmem_shared>>)
      tpu.yield
    }) : () -> ()
    %dma_start3A_334 = arith.constant 1 : i32
    %dma_start3A_335 = arith.constant 3 : i32
    %dma_start3A_336 = arith.constant 0 : i32
    %dma_start3A_337 = tpu.memref_slice %arg7[%dma_start3A_334, %dma_start3A_335, %dma_start3A_336] : memref<2x6x112xi32, #tpu.memory_space<vmem>> -> memref<1x1x112xi32, #tpu.memory_space<vmem>>
    %dma_start3A_338 = tpu.memref_squeeze %dma_start3A_337 : memref<1x1x112xi32, #tpu.memory_space<vmem>> -> memref<112xi32, #tpu.memory_space<vmem>>
    %dma_start3A_339 = arith.constant 0 : i32
    %dma_start3A_340 = arith.constant 0 : i32
    %dma_start3A_341 = tpu.memref_slice %arg2[%dma_start3A_339, %dma_start3A_340] : memref<10000x128xf32, #tpu.memory_space<hbm>> -> memref<10000x128xf32, #tpu.memory_space<hbm>>
    tpu.enqueue_indirect_dma source(%dma_start3A_341 : memref<10000x128xf32, #tpu.memory_space<hbm>>) target(%arg9 : memref<112x128xf32, #tpu.memory_space<vmem>>) offsets(%dma_start3A_338 : memref<112xi32, #tpu.memory_space<vmem>>) semaphore(%arg13 : memref<!tpu.dma_semaphore, #tpu.memory_space<semaphore_mem>>)
    %dma_wait3A_342 = arith.constant 0 : i32
    %dma_wait3A_343 = arith.constant 0 : i32
    %dma_wait3A_344 = arith.constant 0 : i32
    %dma_wait3A_345 = tpu.memref_slice %arg7[%dma_wait3A_342, %dma_wait3A_343, %dma_wait3A_344] : memref<2x6x112xi32, #tpu.memory_space<vmem>> -> memref<1x1x112xi32, #tpu.memory_space<vmem>>
    %dma_wait3A_346 = tpu.memref_squeeze %dma_wait3A_345 : memref<1x1x112xi32, #tpu.memory_space<vmem>> -> memref<112xi32, #tpu.memory_space<vmem>>
    %dma_wait3A_347 = arith.constant 0 : i32
    %dma_wait3A_348 = arith.constant 0 : i32
    %dma_wait3A_349 = tpu.memref_slice %arg2[%dma_wait3A_347, %dma_wait3A_348] : memref<10000x128xf32, #tpu.memory_space<hbm>> -> memref<10000x128xf32, #tpu.memory_space<hbm>>
    tpu.wait_indirect_dma semaphore(%arg14 : memref<!tpu.dma_semaphore, #tpu.memory_space<semaphore_mem>>) src(%dma_wait3A_349 : memref<10000x128xf32, #tpu.memory_space<hbm>>) dst(%arg10 : memref<112x128xf32, #tpu.memory_space<vmem>>)
    %run_scoped3A_350 = arith.constant 1 : i32
    %run_scoped3A_351 = arith.constant 1 : i32
    "tpu.region"() ({
      %run_scoped3A_553 = tpu.sem_alloc : memref<!tpu.dma_semaphore, #tpu.memory_space<semaphore_mem>>
      %dma_start3A_554 = arith.constant 0 : i32
      %dma_start3A_555 = tpu.memref_slice %arg8[%run_scoped3A_350, %run_scoped3A_351, %dma_start3A_554] : memref<2x6x112xi32, #tpu.memory_space<vmem>> -> memref<1x1x112xi32, #tpu.memory_space<vmem>>
      %dma_start3A_556 = tpu.memref_squeeze %dma_start3A_555 : memref<1x1x112xi32, #tpu.memory_space<vmem>> -> memref<112xi32, #tpu.memory_space<vmem>>
      %dma_start3A_557 = arith.constant 0 : i32
      %dma_start3A_558 = arith.constant 0 : i32
      %dma_start3A_559 = tpu.memref_slice %arg12[%dma_start3A_557, %dma_start3A_558] : memref<10240x128xf32, #tpu.memory_space<vmem_shared>> -> memref<10240x128xf32, #tpu.memory_space<vmem_shared>>
      tpu.enqueue_indirect_dma source(%arg10 : memref<112x128xf32, #tpu.memory_space<vmem>>) target(%dma_start3A_559 : memref<10240x128xf32, #tpu.memory_space<vmem_shared>>) offsets(%dma_start3A_556 : memref<112xi32, #tpu.memory_space<vmem>>) semaphore(%run_scoped3A_553 : memref<!tpu.dma_semaphore, #tpu.memory_space<semaphore_mem>>) {add = true}
      %dma_wait3A_560 = arith.constant 0 : i32
      %dma_wait3A_561 = tpu.memref_slice %arg8[%run_scoped3A_350, %run_scoped3A_351, %dma_wait3A_560] : memref<2x6x112xi32, #tpu.memory_space<vmem>> -> memref<1x1x112xi32, #tpu.memory_space<vmem>>
      %dma_wait3A_562 = tpu.memref_squeeze %dma_wait3A_561 : memref<1x1x112xi32, #tpu.memory_space<vmem>> -> memref<112xi32, #tpu.memory_space<vmem>>
      %dma_wait3A_563 = arith.constant 0 : i32
      %dma_wait3A_564 = arith.constant 0 : i32
      %dma_wait3A_565 = tpu.memref_slice %arg12[%dma_wait3A_563, %dma_wait3A_564] : memref<10240x128xf32, #tpu.memory_space<vmem_shared>> -> memref<10240x128xf32, #tpu.memory_space<vmem_shared>>
      tpu.wait_indirect_dma semaphore(%run_scoped3A_553 : memref<!tpu.dma_semaphore, #tpu.memory_space<semaphore_mem>>) src(%arg10 : memref<112x128xf32, #tpu.memory_space<vmem>>) dst(%dma_wait3A_565 : memref<10240x128xf32, #tpu.memory_space<vmem_shared>>)
      tpu.yield
    }) : () -> ()
    %dma_start3A_352 = arith.constant 1 : i32
    %dma_start3A_353 = arith.constant 4 : i32
    %dma_start3A_354 = arith.constant 0 : i32
    %dma_start3A_355 = tpu.memref_slice %arg7[%dma_start3A_352, %dma_start3A_353, %dma_start3A_354] : memref<2x6x112xi32, #tpu.memory_space<vmem>> -> memref<1x1x112xi32, #tpu.memory_space<vmem>>
    %dma_start3A_356 = tpu.memref_squeeze %dma_start3A_355 : memref<1x1x112xi32, #tpu.memory_space<vmem>> -> memref<112xi32, #tpu.memory_space<vmem>>
    %dma_start3A_357 = arith.constant 0 : i32
    %dma_start3A_358 = arith.constant 0 : i32
    %dma_start3A_359 = tpu.memref_slice %arg2[%dma_start3A_357, %dma_start3A_358] : memref<10000x128xf32, #tpu.memory_space<hbm>> -> memref<10000x128xf32, #tpu.memory_space<hbm>>
    tpu.enqueue_indirect_dma source(%dma_start3A_359 : memref<10000x128xf32, #tpu.memory_space<hbm>>) target(%arg10 : memref<112x128xf32, #tpu.memory_space<vmem>>) offsets(%dma_start3A_356 : memref<112xi32, #tpu.memory_space<vmem>>) semaphore(%arg14 : memref<!tpu.dma_semaphore, #tpu.memory_space<semaphore_mem>>)
    %dma_wait3A_360 = arith.constant 0 : i32
    %dma_wait3A_361 = arith.constant 0 : i32
    %dma_wait3A_362 = arith.constant 0 : i32
    %dma_wait3A_363 = tpu.memref_slice %arg7[%dma_wait3A_360, %dma_wait3A_361, %dma_wait3A_362] : memref<2x6x112xi32, #tpu.memory_space<vmem>> -> memref<1x1x112xi32, #tpu.memory_space<vmem>>
    %dma_wait3A_364 = tpu.memref_squeeze %dma_wait3A_363 : memref<1x1x112xi32, #tpu.memory_space<vmem>> -> memref<112xi32, #tpu.memory_space<vmem>>
    %dma_wait3A_365 = arith.constant 0 : i32
    %dma_wait3A_366 = arith.constant 0 : i32
    %dma_wait3A_367 = tpu.memref_slice %arg2[%dma_wait3A_365, %dma_wait3A_366] : memref<10000x128xf32, #tpu.memory_space<hbm>> -> memref<10000x128xf32, #tpu.memory_space<hbm>>
    tpu.wait_indirect_dma semaphore(%arg15 : memref<!tpu.dma_semaphore, #tpu.memory_space<semaphore_mem>>) src(%dma_wait3A_367 : memref<10000x128xf32, #tpu.memory_space<hbm>>) dst(%arg11 : memref<112x128xf32, #tpu.memory_space<vmem>>)
    %run_scoped3A_368 = arith.constant 1 : i32
    %run_scoped3A_369 = arith.constant 2 : i32
    "tpu.region"() ({
      %run_scoped3A_553 = tpu.sem_alloc : memref<!tpu.dma_semaphore, #tpu.memory_space<semaphore_mem>>
      %dma_start3A_554 = arith.constant 0 : i32
      %dma_start3A_555 = tpu.memref_slice %arg8[%run_scoped3A_368, %run_scoped3A_369, %dma_start3A_554] : memref<2x6x112xi32, #tpu.memory_space<vmem>> -> memref<1x1x112xi32, #tpu.memory_space<vmem>>
      %dma_start3A_556 = tpu.memref_squeeze %dma_start3A_555 : memref<1x1x112xi32, #tpu.memory_space<vmem>> -> memref<112xi32, #tpu.memory_space<vmem>>
      %dma_start3A_557 = arith.constant 0 : i32
      %dma_start3A_558 = arith.constant 0 : i32
      %dma_start3A_559 = tpu.memref_slice %arg12[%dma_start3A_557, %dma_start3A_558] : memref<10240x128xf32, #tpu.memory_space<vmem_shared>> -> memref<10240x128xf32, #tpu.memory_space<vmem_shared>>
      tpu.enqueue_indirect_dma source(%arg11 : memref<112x128xf32, #tpu.memory_space<vmem>>) target(%dma_start3A_559 : memref<10240x128xf32, #tpu.memory_space<vmem_shared>>) offsets(%dma_start3A_556 : memref<112xi32, #tpu.memory_space<vmem>>) semaphore(%run_scoped3A_553 : memref<!tpu.dma_semaphore, #tpu.memory_space<semaphore_mem>>) {add = true}
      %dma_wait3A_560 = arith.constant 0 : i32
      %dma_wait3A_561 = tpu.memref_slice %arg8[%run_scoped3A_368, %run_scoped3A_369, %dma_wait3A_560] : memref<2x6x112xi32, #tpu.memory_space<vmem>> -> memref<1x1x112xi32, #tpu.memory_space<vmem>>
      %dma_wait3A_562 = tpu.memref_squeeze %dma_wait3A_561 : memref<1x1x112xi32, #tpu.memory_space<vmem>> -> memref<112xi32, #tpu.memory_space<vmem>>
      %dma_wait3A_563 = arith.constant 0 : i32
      %dma_wait3A_564 = arith.constant 0 : i32
      %dma_wait3A_565 = tpu.memref_slice %arg12[%dma_wait3A_563, %dma_wait3A_564] : memref<10240x128xf32, #tpu.memory_space<vmem_shared>> -> memref<10240x128xf32, #tpu.memory_space<vmem_shared>>
      tpu.wait_indirect_dma semaphore(%run_scoped3A_553 : memref<!tpu.dma_semaphore, #tpu.memory_space<semaphore_mem>>) src(%arg11 : memref<112x128xf32, #tpu.memory_space<vmem>>) dst(%dma_wait3A_565 : memref<10240x128xf32, #tpu.memory_space<vmem_shared>>)
      tpu.yield
    }) : () -> ()
    %dma_start3A_370 = arith.constant 1 : i32
    %dma_start3A_371 = arith.constant 5 : i32
    %dma_start3A_372 = arith.constant 0 : i32
    %dma_start3A_373 = tpu.memref_slice %arg7[%dma_start3A_370, %dma_start3A_371, %dma_start3A_372] : memref<2x6x112xi32, #tpu.memory_space<vmem>> -> memref<1x1x112xi32, #tpu.memory_space<vmem>>
    %dma_start3A_374 = tpu.memref_squeeze %dma_start3A_373 : memref<1x1x112xi32, #tpu.memory_space<vmem>> -> memref<112xi32, #tpu.memory_space<vmem>>
    %dma_start3A_375 = arith.constant 0 : i32
    %dma_start3A_376 = arith.constant 0 : i32
    %dma_start3A_377 = tpu.memref_slice %arg2[%dma_start3A_375, %dma_start3A_376] : memref<10000x128xf32, #tpu.memory_space<hbm>> -> memref<10000x128xf32, #tpu.memory_space<hbm>>
    tpu.enqueue_indirect_dma source(%dma_start3A_377 : memref<10000x128xf32, #tpu.memory_space<hbm>>) target(%arg11 : memref<112x128xf32, #tpu.memory_space<vmem>>) offsets(%dma_start3A_374 : memref<112xi32, #tpu.memory_space<vmem>>) semaphore(%arg15 : memref<!tpu.dma_semaphore, #tpu.memory_space<semaphore_mem>>)
    %dma_wait3A_378 = arith.constant 0 : i32
    %dma_wait3A_379 = arith.constant 0 : i32
    %dma_wait3A_380 = arith.constant 0 : i32
    %dma_wait3A_381 = tpu.memref_slice %arg7[%dma_wait3A_378, %dma_wait3A_379, %dma_wait3A_380] : memref<2x6x112xi32, #tpu.memory_space<vmem>> -> memref<1x1x112xi32, #tpu.memory_space<vmem>>
    %dma_wait3A_382 = tpu.memref_squeeze %dma_wait3A_381 : memref<1x1x112xi32, #tpu.memory_space<vmem>> -> memref<112xi32, #tpu.memory_space<vmem>>
    %dma_wait3A_383 = arith.constant 0 : i32
    %dma_wait3A_384 = arith.constant 0 : i32
    %dma_wait3A_385 = tpu.memref_slice %arg2[%dma_wait3A_383, %dma_wait3A_384] : memref<10000x128xf32, #tpu.memory_space<hbm>> -> memref<10000x128xf32, #tpu.memory_space<hbm>>
    tpu.wait_indirect_dma semaphore(%arg13 : memref<!tpu.dma_semaphore, #tpu.memory_space<semaphore_mem>>) src(%dma_wait3A_385 : memref<10000x128xf32, #tpu.memory_space<hbm>>) dst(%arg9 : memref<112x128xf32, #tpu.memory_space<vmem>>)
    %run_scoped3A_386 = arith.constant 1 : i32
    %run_scoped3A_387 = arith.constant 3 : i32
    "tpu.region"() ({
      %run_scoped3A_553 = tpu.sem_alloc : memref<!tpu.dma_semaphore, #tpu.memory_space<semaphore_mem>>
      %dma_start3A_554 = arith.constant 0 : i32
      %dma_start3A_555 = tpu.memref_slice %arg8[%run_scoped3A_386, %run_scoped3A_387, %dma_start3A_554] : memref<2x6x112xi32, #tpu.memory_space<vmem>> -> memref<1x1x112xi32, #tpu.memory_space<vmem>>
      %dma_start3A_556 = tpu.memref_squeeze %dma_start3A_555 : memref<1x1x112xi32, #tpu.memory_space<vmem>> -> memref<112xi32, #tpu.memory_space<vmem>>
      %dma_start3A_557 = arith.constant 0 : i32
      %dma_start3A_558 = arith.constant 0 : i32
      %dma_start3A_559 = tpu.memref_slice %arg12[%dma_start3A_557, %dma_start3A_558] : memref<10240x128xf32, #tpu.memory_space<vmem_shared>> -> memref<10240x128xf32, #tpu.memory_space<vmem_shared>>
      tpu.enqueue_indirect_dma source(%arg9 : memref<112x128xf32, #tpu.memory_space<vmem>>) target(%dma_start3A_559 : memref<10240x128xf32, #tpu.memory_space<vmem_shared>>) offsets(%dma_start3A_556 : memref<112xi32, #tpu.memory_space<vmem>>) semaphore(%run_scoped3A_553 : memref<!tpu.dma_semaphore, #tpu.memory_space<semaphore_mem>>) {add = true}
      %dma_wait3A_560 = arith.constant 0 : i32
      %dma_wait3A_561 = tpu.memref_slice %arg8[%run_scoped3A_386, %run_scoped3A_387, %dma_wait3A_560] : memref<2x6x112xi32, #tpu.memory_space<vmem>> -> memref<1x1x112xi32, #tpu.memory_space<vmem>>
      %dma_wait3A_562 = tpu.memref_squeeze %dma_wait3A_561 : memref<1x1x112xi32, #tpu.memory_space<vmem>> -> memref<112xi32, #tpu.memory_space<vmem>>
      %dma_wait3A_563 = arith.constant 0 : i32
      %dma_wait3A_564 = arith.constant 0 : i32
      %dma_wait3A_565 = tpu.memref_slice %arg12[%dma_wait3A_563, %dma_wait3A_564] : memref<10240x128xf32, #tpu.memory_space<vmem_shared>> -> memref<10240x128xf32, #tpu.memory_space<vmem_shared>>
      tpu.wait_indirect_dma semaphore(%run_scoped3A_553 : memref<!tpu.dma_semaphore, #tpu.memory_space<semaphore_mem>>) src(%arg9 : memref<112x128xf32, #tpu.memory_space<vmem>>) dst(%dma_wait3A_565 : memref<10240x128xf32, #tpu.memory_space<vmem_shared>>)
      tpu.yield
    }) : () -> ()
    %dma_wait3A_388 = arith.constant 14 : i32
    %dma_wait3A_389 = arith.constant 0 : i32
    %dma_wait3A_390 = arith.constant 0 : i32
    %dma_wait3A_391 = arith.constant 0 : i32
    %dma_wait3A_392 = tpu.memref_slice %arg7[%dma_wait3A_389, %dma_wait3A_390, %dma_wait3A_391] : memref<2x6x112xi32, #tpu.memory_space<vmem>> -> memref<1x6x112xi32, #tpu.memory_space<vmem>>
    %dma_wait3A_393 = tpu.memref_squeeze %dma_wait3A_392 : memref<1x6x112xi32, #tpu.memory_space<vmem>> -> memref<6x112xi32, #tpu.memory_space<vmem>>
    %dma_wait3A_394 = arith.constant 0 : i32
    %dma_wait3A_395 = arith.constant 0 : i32
    %dma_wait3A_396 = tpu.memref_slice %arg3[%add3A, %dma_wait3A_388, %dma_wait3A_394, %dma_wait3A_395] : memref<32x15x6x112xi32, #tpu.memory_space<hbm>> -> memref<1x1x6x112xi32, #tpu.memory_space<hbm>>
    %dma_wait3A_397 = tpu.memref_squeeze %dma_wait3A_396 : memref<1x1x6x112xi32, #tpu.memory_space<hbm>> -> memref<6x112xi32, #tpu.memory_space<hbm>>
    %dma_wait3A_398 = arith.constant 0 : i32
    %dma_wait3A_399 = arith.constant 0 : i32
    %dma_wait3A_400 = tpu.memref_slice %arg7[%dma_wait3A_389, %dma_wait3A_398, %dma_wait3A_399] : memref<2x6x112xi32, #tpu.memory_space<vmem>> -> memref<1x6x112xi32, #tpu.memory_space<vmem>>
    %dma_wait3A_401 = tpu.memref_squeeze %dma_wait3A_400 : memref<1x6x112xi32, #tpu.memory_space<vmem>> -> memref<6x112xi32, #tpu.memory_space<vmem>>
    %dma_wait3A_402 = arith.constant 0 : i32
    %dma_wait3A_403 = arith.constant 0 : i32
    %dma_wait3A_404 = tpu.memref_slice %arg3[%add3A, %dma_wait3A_388, %dma_wait3A_402, %dma_wait3A_403] : memref<32x15x6x112xi32, #tpu.memory_space<hbm>> -> memref<1x1x6x112xi32, #tpu.memory_space<hbm>>
    %dma_wait3A_405 = tpu.memref_squeeze %dma_wait3A_404 : memref<1x1x6x112xi32, #tpu.memory_space<hbm>> -> memref<6x112xi32, #tpu.memory_space<hbm>>
    tpu.wait_dma2 semaphore(%arg16 : memref<!tpu.dma_semaphore, #tpu.memory_space<semaphore_mem>>) src(%dma_wait3A_405 : memref<6x112xi32, #tpu.memory_space<hbm>>) dst(%dma_wait3A_401 : memref<6x112xi32, #tpu.memory_space<vmem>>)
    %dma_wait3A_406 = arith.constant 14 : i32
    %dma_wait3A_407 = arith.constant 0 : i32
    %dma_wait3A_408 = arith.constant 0 : i32
    %dma_wait3A_409 = arith.constant 0 : i32
    %dma_wait3A_410 = tpu.memref_slice %arg8[%dma_wait3A_407, %dma_wait3A_408, %dma_wait3A_409] : memref<2x6x112xi32, #tpu.memory_space<vmem>> -> memref<1x6x112xi32, #tpu.memory_space<vmem>>
    %dma_wait3A_411 = tpu.memref_squeeze %dma_wait3A_410 : memref<1x6x112xi32, #tpu.memory_space<vmem>> -> memref<6x112xi32, #tpu.memory_space<vmem>>
    %dma_wait3A_412 = arith.constant 0 : i32
    %dma_wait3A_413 = arith.constant 0 : i32
    %dma_wait3A_414 = tpu.memref_slice %arg4[%add3A, %dma_wait3A_406, %dma_wait3A_412, %dma_wait3A_413] : memref<32x15x6x112xi32, #tpu.memory_space<hbm>> -> memref<1x1x6x112xi32, #tpu.memory_space<hbm>>
    %dma_wait3A_415 = tpu.memref_squeeze %dma_wait3A_414 : memref<1x1x6x112xi32, #tpu.memory_space<hbm>> -> memref<6x112xi32, #tpu.memory_space<hbm>>
    %dma_wait3A_416 = arith.constant 0 : i32
    %dma_wait3A_417 = arith.constant 0 : i32
    %dma_wait3A_418 = tpu.memref_slice %arg8[%dma_wait3A_407, %dma_wait3A_416, %dma_wait3A_417] : memref<2x6x112xi32, #tpu.memory_space<vmem>> -> memref<1x6x112xi32, #tpu.memory_space<vmem>>
    %dma_wait3A_419 = tpu.memref_squeeze %dma_wait3A_418 : memref<1x6x112xi32, #tpu.memory_space<vmem>> -> memref<6x112xi32, #tpu.memory_space<vmem>>
    %dma_wait3A_420 = arith.constant 0 : i32
    %dma_wait3A_421 = arith.constant 0 : i32
    %dma_wait3A_422 = tpu.memref_slice %arg4[%add3A, %dma_wait3A_406, %dma_wait3A_420, %dma_wait3A_421] : memref<32x15x6x112xi32, #tpu.memory_space<hbm>> -> memref<1x1x6x112xi32, #tpu.memory_space<hbm>>
    %dma_wait3A_423 = tpu.memref_squeeze %dma_wait3A_422 : memref<1x1x6x112xi32, #tpu.memory_space<hbm>> -> memref<6x112xi32, #tpu.memory_space<hbm>>
    tpu.wait_dma2 semaphore(%arg16 : memref<!tpu.dma_semaphore, #tpu.memory_space<semaphore_mem>>) src(%dma_wait3A_423 : memref<6x112xi32, #tpu.memory_space<hbm>>) dst(%dma_wait3A_419 : memref<6x112xi32, #tpu.memory_space<vmem>>)
    %dma_start3A_424 = arith.constant 0 : i32
    %dma_start3A_425 = arith.constant 0 : i32
    %dma_start3A_426 = arith.constant 0 : i32
    %dma_start3A_427 = tpu.memref_slice %arg7[%dma_start3A_424, %dma_start3A_425, %dma_start3A_426] : memref<2x6x112xi32, #tpu.memory_space<vmem>> -> memref<1x1x112xi32, #tpu.memory_space<vmem>>
    %dma_start3A_428 = tpu.memref_squeeze %dma_start3A_427 : memref<1x1x112xi32, #tpu.memory_space<vmem>> -> memref<112xi32, #tpu.memory_space<vmem>>
    %dma_start3A_429 = arith.constant 0 : i32
    %dma_start3A_430 = arith.constant 0 : i32
    %dma_start3A_431 = tpu.memref_slice %arg2[%dma_start3A_429, %dma_start3A_430] : memref<10000x128xf32, #tpu.memory_space<hbm>> -> memref<10000x128xf32, #tpu.memory_space<hbm>>
    tpu.enqueue_indirect_dma source(%dma_start3A_431 : memref<10000x128xf32, #tpu.memory_space<hbm>>) target(%arg9 : memref<112x128xf32, #tpu.memory_space<vmem>>) offsets(%dma_start3A_428 : memref<112xi32, #tpu.memory_space<vmem>>) semaphore(%arg13 : memref<!tpu.dma_semaphore, #tpu.memory_space<semaphore_mem>>)
    %dma_wait3A_432 = arith.constant 0 : i32
    %dma_wait3A_433 = arith.constant 0 : i32
    %dma_wait3A_434 = arith.constant 0 : i32
    %dma_wait3A_435 = tpu.memref_slice %arg7[%dma_wait3A_432, %dma_wait3A_433, %dma_wait3A_434] : memref<2x6x112xi32, #tpu.memory_space<vmem>> -> memref<1x1x112xi32, #tpu.memory_space<vmem>>
    %dma_wait3A_436 = tpu.memref_squeeze %dma_wait3A_435 : memref<1x1x112xi32, #tpu.memory_space<vmem>> -> memref<112xi32, #tpu.memory_space<vmem>>
    %dma_wait3A_437 = arith.constant 0 : i32
    %dma_wait3A_438 = arith.constant 0 : i32
    %dma_wait3A_439 = tpu.memref_slice %arg2[%dma_wait3A_437, %dma_wait3A_438] : memref<10000x128xf32, #tpu.memory_space<hbm>> -> memref<10000x128xf32, #tpu.memory_space<hbm>>
    tpu.wait_indirect_dma semaphore(%arg14 : memref<!tpu.dma_semaphore, #tpu.memory_space<semaphore_mem>>) src(%dma_wait3A_439 : memref<10000x128xf32, #tpu.memory_space<hbm>>) dst(%arg10 : memref<112x128xf32, #tpu.memory_space<vmem>>)
    %run_scoped3A_440 = arith.constant 1 : i32
    %run_scoped3A_441 = arith.constant 4 : i32
    "tpu.region"() ({
      %run_scoped3A_553 = tpu.sem_alloc : memref<!tpu.dma_semaphore, #tpu.memory_space<semaphore_mem>>
      %dma_start3A_554 = arith.constant 0 : i32
      %dma_start3A_555 = tpu.memref_slice %arg8[%run_scoped3A_440, %run_scoped3A_441, %dma_start3A_554] : memref<2x6x112xi32, #tpu.memory_space<vmem>> -> memref<1x1x112xi32, #tpu.memory_space<vmem>>
      %dma_start3A_556 = tpu.memref_squeeze %dma_start3A_555 : memref<1x1x112xi32, #tpu.memory_space<vmem>> -> memref<112xi32, #tpu.memory_space<vmem>>
      %dma_start3A_557 = arith.constant 0 : i32
      %dma_start3A_558 = arith.constant 0 : i32
      %dma_start3A_559 = tpu.memref_slice %arg12[%dma_start3A_557, %dma_start3A_558] : memref<10240x128xf32, #tpu.memory_space<vmem_shared>> -> memref<10240x128xf32, #tpu.memory_space<vmem_shared>>
      tpu.enqueue_indirect_dma source(%arg10 : memref<112x128xf32, #tpu.memory_space<vmem>>) target(%dma_start3A_559 : memref<10240x128xf32, #tpu.memory_space<vmem_shared>>) offsets(%dma_start3A_556 : memref<112xi32, #tpu.memory_space<vmem>>) semaphore(%run_scoped3A_553 : memref<!tpu.dma_semaphore, #tpu.memory_space<semaphore_mem>>) {add = true}
      %dma_wait3A_560 = arith.constant 0 : i32
      %dma_wait3A_561 = tpu.memref_slice %arg8[%run_scoped3A_440, %run_scoped3A_441, %dma_wait3A_560] : memref<2x6x112xi32, #tpu.memory_space<vmem>> -> memref<1x1x112xi32, #tpu.memory_space<vmem>>
      %dma_wait3A_562 = tpu.memref_squeeze %dma_wait3A_561 : memref<1x1x112xi32, #tpu.memory_space<vmem>> -> memref<112xi32, #tpu.memory_space<vmem>>
      %dma_wait3A_563 = arith.constant 0 : i32
      %dma_wait3A_564 = arith.constant 0 : i32
      %dma_wait3A_565 = tpu.memref_slice %arg12[%dma_wait3A_563, %dma_wait3A_564] : memref<10240x128xf32, #tpu.memory_space<vmem_shared>> -> memref<10240x128xf32, #tpu.memory_space<vmem_shared>>
      tpu.wait_indirect_dma semaphore(%run_scoped3A_553 : memref<!tpu.dma_semaphore, #tpu.memory_space<semaphore_mem>>) src(%arg10 : memref<112x128xf32, #tpu.memory_space<vmem>>) dst(%dma_wait3A_565 : memref<10240x128xf32, #tpu.memory_space<vmem_shared>>)
      tpu.yield
    }) : () -> ()
    %dma_start3A_442 = arith.constant 0 : i32
    %dma_start3A_443 = arith.constant 1 : i32
    %dma_start3A_444 = arith.constant 0 : i32
    %dma_start3A_445 = tpu.memref_slice %arg7[%dma_start3A_442, %dma_start3A_443, %dma_start3A_444] : memref<2x6x112xi32, #tpu.memory_space<vmem>> -> memref<1x1x112xi32, #tpu.memory_space<vmem>>
    %dma_start3A_446 = tpu.memref_squeeze %dma_start3A_445 : memref<1x1x112xi32, #tpu.memory_space<vmem>> -> memref<112xi32, #tpu.memory_space<vmem>>
    %dma_start3A_447 = arith.constant 0 : i32
    %dma_start3A_448 = arith.constant 0 : i32
    %dma_start3A_449 = tpu.memref_slice %arg2[%dma_start3A_447, %dma_start3A_448] : memref<10000x128xf32, #tpu.memory_space<hbm>> -> memref<10000x128xf32, #tpu.memory_space<hbm>>
    tpu.enqueue_indirect_dma source(%dma_start3A_449 : memref<10000x128xf32, #tpu.memory_space<hbm>>) target(%arg10 : memref<112x128xf32, #tpu.memory_space<vmem>>) offsets(%dma_start3A_446 : memref<112xi32, #tpu.memory_space<vmem>>) semaphore(%arg14 : memref<!tpu.dma_semaphore, #tpu.memory_space<semaphore_mem>>)
    %dma_wait3A_450 = arith.constant 0 : i32
    %dma_wait3A_451 = arith.constant 0 : i32
    %dma_wait3A_452 = arith.constant 0 : i32
    %dma_wait3A_453 = tpu.memref_slice %arg7[%dma_wait3A_450, %dma_wait3A_451, %dma_wait3A_452] : memref<2x6x112xi32, #tpu.memory_space<vmem>> -> memref<1x1x112xi32, #tpu.memory_space<vmem>>
    %dma_wait3A_454 = tpu.memref_squeeze %dma_wait3A_453 : memref<1x1x112xi32, #tpu.memory_space<vmem>> -> memref<112xi32, #tpu.memory_space<vmem>>
    %dma_wait3A_455 = arith.constant 0 : i32
    %dma_wait3A_456 = arith.constant 0 : i32
    %dma_wait3A_457 = tpu.memref_slice %arg2[%dma_wait3A_455, %dma_wait3A_456] : memref<10000x128xf32, #tpu.memory_space<hbm>> -> memref<10000x128xf32, #tpu.memory_space<hbm>>
    tpu.wait_indirect_dma semaphore(%arg15 : memref<!tpu.dma_semaphore, #tpu.memory_space<semaphore_mem>>) src(%dma_wait3A_457 : memref<10000x128xf32, #tpu.memory_space<hbm>>) dst(%arg11 : memref<112x128xf32, #tpu.memory_space<vmem>>)
    %run_scoped3A_458 = arith.constant 1 : i32
    %run_scoped3A_459 = arith.constant 5 : i32
    "tpu.region"() ({
      %run_scoped3A_553 = tpu.sem_alloc : memref<!tpu.dma_semaphore, #tpu.memory_space<semaphore_mem>>
      %dma_start3A_554 = arith.constant 0 : i32
      %dma_start3A_555 = tpu.memref_slice %arg8[%run_scoped3A_458, %run_scoped3A_459, %dma_start3A_554] : memref<2x6x112xi32, #tpu.memory_space<vmem>> -> memref<1x1x112xi32, #tpu.memory_space<vmem>>
      %dma_start3A_556 = tpu.memref_squeeze %dma_start3A_555 : memref<1x1x112xi32, #tpu.memory_space<vmem>> -> memref<112xi32, #tpu.memory_space<vmem>>
      %dma_start3A_557 = arith.constant 0 : i32
      %dma_start3A_558 = arith.constant 0 : i32
      %dma_start3A_559 = tpu.memref_slice %arg12[%dma_start3A_557, %dma_start3A_558] : memref<10240x128xf32, #tpu.memory_space<vmem_shared>> -> memref<10240x128xf32, #tpu.memory_space<vmem_shared>>
      tpu.enqueue_indirect_dma source(%arg11 : memref<112x128xf32, #tpu.memory_space<vmem>>) target(%dma_start3A_559 : memref<10240x128xf32, #tpu.memory_space<vmem_shared>>) offsets(%dma_start3A_556 : memref<112xi32, #tpu.memory_space<vmem>>) semaphore(%run_scoped3A_553 : memref<!tpu.dma_semaphore, #tpu.memory_space<semaphore_mem>>) {add = true}
      %dma_wait3A_560 = arith.constant 0 : i32
      %dma_wait3A_561 = tpu.memref_slice %arg8[%run_scoped3A_458, %run_scoped3A_459, %dma_wait3A_560] : memref<2x6x112xi32, #tpu.memory_space<vmem>> -> memref<1x1x112xi32, #tpu.memory_space<vmem>>
      %dma_wait3A_562 = tpu.memref_squeeze %dma_wait3A_561 : memref<1x1x112xi32, #tpu.memory_space<vmem>> -> memref<112xi32, #tpu.memory_space<vmem>>
      %dma_wait3A_563 = arith.constant 0 : i32
      %dma_wait3A_564 = arith.constant 0 : i32
      %dma_wait3A_565 = tpu.memref_slice %arg12[%dma_wait3A_563, %dma_wait3A_564] : memref<10240x128xf32, #tpu.memory_space<vmem_shared>> -> memref<10240x128xf32, #tpu.memory_space<vmem_shared>>
      tpu.wait_indirect_dma semaphore(%run_scoped3A_553 : memref<!tpu.dma_semaphore, #tpu.memory_space<semaphore_mem>>) src(%arg11 : memref<112x128xf32, #tpu.memory_space<vmem>>) dst(%dma_wait3A_565 : memref<10240x128xf32, #tpu.memory_space<vmem_shared>>)
      tpu.yield
    }) : () -> ()
    %dma_start3A_460 = arith.constant 0 : i32
    %dma_start3A_461 = arith.constant 2 : i32
    %dma_start3A_462 = arith.constant 0 : i32
    %dma_start3A_463 = tpu.memref_slice %arg7[%dma_start3A_460, %dma_start3A_461, %dma_start3A_462] : memref<2x6x112xi32, #tpu.memory_space<vmem>> -> memref<1x1x112xi32, #tpu.memory_space<vmem>>
    %dma_start3A_464 = tpu.memref_squeeze %dma_start3A_463 : memref<1x1x112xi32, #tpu.memory_space<vmem>> -> memref<112xi32, #tpu.memory_space<vmem>>
    %dma_start3A_465 = arith.constant 0 : i32
    %dma_start3A_466 = arith.constant 0 : i32
    %dma_start3A_467 = tpu.memref_slice %arg2[%dma_start3A_465, %dma_start3A_466] : memref<10000x128xf32, #tpu.memory_space<hbm>> -> memref<10000x128xf32, #tpu.memory_space<hbm>>
    tpu.enqueue_indirect_dma source(%dma_start3A_467 : memref<10000x128xf32, #tpu.memory_space<hbm>>) target(%arg11 : memref<112x128xf32, #tpu.memory_space<vmem>>) offsets(%dma_start3A_464 : memref<112xi32, #tpu.memory_space<vmem>>) semaphore(%arg15 : memref<!tpu.dma_semaphore, #tpu.memory_space<semaphore_mem>>)
    %dma_wait3A_468 = arith.constant 0 : i32
    %dma_wait3A_469 = arith.constant 0 : i32
    %dma_wait3A_470 = arith.constant 0 : i32
    %dma_wait3A_471 = tpu.memref_slice %arg7[%dma_wait3A_468, %dma_wait3A_469, %dma_wait3A_470] : memref<2x6x112xi32, #tpu.memory_space<vmem>> -> memref<1x1x112xi32, #tpu.memory_space<vmem>>
    %dma_wait3A_472 = tpu.memref_squeeze %dma_wait3A_471 : memref<1x1x112xi32, #tpu.memory_space<vmem>> -> memref<112xi32, #tpu.memory_space<vmem>>
    %dma_wait3A_473 = arith.constant 0 : i32
    %dma_wait3A_474 = arith.constant 0 : i32
    %dma_wait3A_475 = tpu.memref_slice %arg2[%dma_wait3A_473, %dma_wait3A_474] : memref<10000x128xf32, #tpu.memory_space<hbm>> -> memref<10000x128xf32, #tpu.memory_space<hbm>>
    tpu.wait_indirect_dma semaphore(%arg13 : memref<!tpu.dma_semaphore, #tpu.memory_space<semaphore_mem>>) src(%dma_wait3A_475 : memref<10000x128xf32, #tpu.memory_space<hbm>>) dst(%arg9 : memref<112x128xf32, #tpu.memory_space<vmem>>)
    %run_scoped3A_476 = arith.constant 0 : i32
    %run_scoped3A_477 = arith.constant 0 : i32
    "tpu.region"() ({
      %run_scoped3A_553 = tpu.sem_alloc : memref<!tpu.dma_semaphore, #tpu.memory_space<semaphore_mem>>
      %dma_start3A_554 = arith.constant 0 : i32
      %dma_start3A_555 = tpu.memref_slice %arg8[%run_scoped3A_476, %run_scoped3A_477, %dma_start3A_554] : memref<2x6x112xi32, #tpu.memory_space<vmem>> -> memref<1x1x112xi32, #tpu.memory_space<vmem>>
      %dma_start3A_556 = tpu.memref_squeeze %dma_start3A_555 : memref<1x1x112xi32, #tpu.memory_space<vmem>> -> memref<112xi32, #tpu.memory_space<vmem>>
      %dma_start3A_557 = arith.constant 0 : i32
      %dma_start3A_558 = arith.constant 0 : i32
      %dma_start3A_559 = tpu.memref_slice %arg12[%dma_start3A_557, %dma_start3A_558] : memref<10240x128xf32, #tpu.memory_space<vmem_shared>> -> memref<10240x128xf32, #tpu.memory_space<vmem_shared>>
      tpu.enqueue_indirect_dma source(%arg9 : memref<112x128xf32, #tpu.memory_space<vmem>>) target(%dma_start3A_559 : memref<10240x128xf32, #tpu.memory_space<vmem_shared>>) offsets(%dma_start3A_556 : memref<112xi32, #tpu.memory_space<vmem>>) semaphore(%run_scoped3A_553 : memref<!tpu.dma_semaphore, #tpu.memory_space<semaphore_mem>>) {add = true}
      %dma_wait3A_560 = arith.constant 0 : i32
      %dma_wait3A_561 = tpu.memref_slice %arg8[%run_scoped3A_476, %run_scoped3A_477, %dma_wait3A_560] : memref<2x6x112xi32, #tpu.memory_space<vmem>> -> memref<1x1x112xi32, #tpu.memory_space<vmem>>
      %dma_wait3A_562 = tpu.memref_squeeze %dma_wait3A_561 : memref<1x1x112xi32, #tpu.memory_space<vmem>> -> memref<112xi32, #tpu.memory_space<vmem>>
      %dma_wait3A_563 = arith.constant 0 : i32
      %dma_wait3A_564 = arith.constant 0 : i32
      %dma_wait3A_565 = tpu.memref_slice %arg12[%dma_wait3A_563, %dma_wait3A_564] : memref<10240x128xf32, #tpu.memory_space<vmem_shared>> -> memref<10240x128xf32, #tpu.memory_space<vmem_shared>>
      tpu.wait_indirect_dma semaphore(%run_scoped3A_553 : memref<!tpu.dma_semaphore, #tpu.memory_space<semaphore_mem>>) src(%arg9 : memref<112x128xf32, #tpu.memory_space<vmem>>) dst(%dma_wait3A_565 : memref<10240x128xf32, #tpu.memory_space<vmem_shared>>)
      tpu.yield
    }) : () -> ()
    %dma_start3A_478 = arith.constant 0 : i32
    %dma_start3A_479 = arith.constant 3 : i32
    %dma_start3A_480 = arith.constant 0 : i32
    %dma_start3A_481 = tpu.memref_slice %arg7[%dma_start3A_478, %dma_start3A_479, %dma_start3A_480] : memref<2x6x112xi32, #tpu.memory_space<vmem>> -> memref<1x1x112xi32, #tpu.memory_space<vmem>>
    %dma_start3A_482 = tpu.memref_squeeze %dma_start3A_481 : memref<1x1x112xi32, #tpu.memory_space<vmem>> -> memref<112xi32, #tpu.memory_space<vmem>>
    %dma_start3A_483 = arith.constant 0 : i32
    %dma_start3A_484 = arith.constant 0 : i32
    %dma_start3A_485 = tpu.memref_slice %arg2[%dma_start3A_483, %dma_start3A_484] : memref<10000x128xf32, #tpu.memory_space<hbm>> -> memref<10000x128xf32, #tpu.memory_space<hbm>>
    tpu.enqueue_indirect_dma source(%dma_start3A_485 : memref<10000x128xf32, #tpu.memory_space<hbm>>) target(%arg9 : memref<112x128xf32, #tpu.memory_space<vmem>>) offsets(%dma_start3A_482 : memref<112xi32, #tpu.memory_space<vmem>>) semaphore(%arg13 : memref<!tpu.dma_semaphore, #tpu.memory_space<semaphore_mem>>)
    %dma_wait3A_486 = arith.constant 0 : i32
    %dma_wait3A_487 = arith.constant 0 : i32
    %dma_wait3A_488 = arith.constant 0 : i32
    %dma_wait3A_489 = tpu.memref_slice %arg7[%dma_wait3A_486, %dma_wait3A_487, %dma_wait3A_488] : memref<2x6x112xi32, #tpu.memory_space<vmem>> -> memref<1x1x112xi32, #tpu.memory_space<vmem>>
    %dma_wait3A_490 = tpu.memref_squeeze %dma_wait3A_489 : memref<1x1x112xi32, #tpu.memory_space<vmem>> -> memref<112xi32, #tpu.memory_space<vmem>>
    %dma_wait3A_491 = arith.constant 0 : i32
    %dma_wait3A_492 = arith.constant 0 : i32
    %dma_wait3A_493 = tpu.memref_slice %arg2[%dma_wait3A_491, %dma_wait3A_492] : memref<10000x128xf32, #tpu.memory_space<hbm>> -> memref<10000x128xf32, #tpu.memory_space<hbm>>
    tpu.wait_indirect_dma semaphore(%arg14 : memref<!tpu.dma_semaphore, #tpu.memory_space<semaphore_mem>>) src(%dma_wait3A_493 : memref<10000x128xf32, #tpu.memory_space<hbm>>) dst(%arg10 : memref<112x128xf32, #tpu.memory_space<vmem>>)
    %run_scoped3A_494 = arith.constant 0 : i32
    %run_scoped3A_495 = arith.constant 1 : i32
    "tpu.region"() ({
      %run_scoped3A_553 = tpu.sem_alloc : memref<!tpu.dma_semaphore, #tpu.memory_space<semaphore_mem>>
      %dma_start3A_554 = arith.constant 0 : i32
      %dma_start3A_555 = tpu.memref_slice %arg8[%run_scoped3A_494, %run_scoped3A_495, %dma_start3A_554] : memref<2x6x112xi32, #tpu.memory_space<vmem>> -> memref<1x1x112xi32, #tpu.memory_space<vmem>>
      %dma_start3A_556 = tpu.memref_squeeze %dma_start3A_555 : memref<1x1x112xi32, #tpu.memory_space<vmem>> -> memref<112xi32, #tpu.memory_space<vmem>>
      %dma_start3A_557 = arith.constant 0 : i32
      %dma_start3A_558 = arith.constant 0 : i32
      %dma_start3A_559 = tpu.memref_slice %arg12[%dma_start3A_557, %dma_start3A_558] : memref<10240x128xf32, #tpu.memory_space<vmem_shared>> -> memref<10240x128xf32, #tpu.memory_space<vmem_shared>>
      tpu.enqueue_indirect_dma source(%arg10 : memref<112x128xf32, #tpu.memory_space<vmem>>) target(%dma_start3A_559 : memref<10240x128xf32, #tpu.memory_space<vmem_shared>>) offsets(%dma_start3A_556 : memref<112xi32, #tpu.memory_space<vmem>>) semaphore(%run_scoped3A_553 : memref<!tpu.dma_semaphore, #tpu.memory_space<semaphore_mem>>) {add = true}
      %dma_wait3A_560 = arith.constant 0 : i32
      %dma_wait3A_561 = tpu.memref_slice %arg8[%run_scoped3A_494, %run_scoped3A_495, %dma_wait3A_560] : memref<2x6x112xi32, #tpu.memory_space<vmem>> -> memref<1x1x112xi32, #tpu.memory_space<vmem>>
      %dma_wait3A_562 = tpu.memref_squeeze %dma_wait3A_561 : memref<1x1x112xi32, #tpu.memory_space<vmem>> -> memref<112xi32, #tpu.memory_space<vmem>>
      %dma_wait3A_563 = arith.constant 0 : i32
      %dma_wait3A_564 = arith.constant 0 : i32
      %dma_wait3A_565 = tpu.memref_slice %arg12[%dma_wait3A_563, %dma_wait3A_564] : memref<10240x128xf32, #tpu.memory_space<vmem_shared>> -> memref<10240x128xf32, #tpu.memory_space<vmem_shared>>
      tpu.wait_indirect_dma semaphore(%run_scoped3A_553 : memref<!tpu.dma_semaphore, #tpu.memory_space<semaphore_mem>>) src(%arg10 : memref<112x128xf32, #tpu.memory_space<vmem>>) dst(%dma_wait3A_565 : memref<10240x128xf32, #tpu.memory_space<vmem_shared>>)
      tpu.yield
    }) : () -> ()
    %dma_start3A_496 = arith.constant 0 : i32
    %dma_start3A_497 = arith.constant 4 : i32
    %dma_start3A_498 = arith.constant 0 : i32
    %dma_start3A_499 = tpu.memref_slice %arg7[%dma_start3A_496, %dma_start3A_497, %dma_start3A_498] : memref<2x6x112xi32, #tpu.memory_space<vmem>> -> memref<1x1x112xi32, #tpu.memory_space<vmem>>
    %dma_start3A_500 = tpu.memref_squeeze %dma_start3A_499 : memref<1x1x112xi32, #tpu.memory_space<vmem>> -> memref<112xi32, #tpu.memory_space<vmem>>
    %dma_start3A_501 = arith.constant 0 : i32
    %dma_start3A_502 = arith.constant 0 : i32
    %dma_start3A_503 = tpu.memref_slice %arg2[%dma_start3A_501, %dma_start3A_502] : memref<10000x128xf32, #tpu.memory_space<hbm>> -> memref<10000x128xf32, #tpu.memory_space<hbm>>
    tpu.enqueue_indirect_dma source(%dma_start3A_503 : memref<10000x128xf32, #tpu.memory_space<hbm>>) target(%arg10 : memref<112x128xf32, #tpu.memory_space<vmem>>) offsets(%dma_start3A_500 : memref<112xi32, #tpu.memory_space<vmem>>) semaphore(%arg14 : memref<!tpu.dma_semaphore, #tpu.memory_space<semaphore_mem>>)
    %dma_wait3A_504 = arith.constant 0 : i32
    %dma_wait3A_505 = arith.constant 0 : i32
    %dma_wait3A_506 = arith.constant 0 : i32
    %dma_wait3A_507 = tpu.memref_slice %arg7[%dma_wait3A_504, %dma_wait3A_505, %dma_wait3A_506] : memref<2x6x112xi32, #tpu.memory_space<vmem>> -> memref<1x1x112xi32, #tpu.memory_space<vmem>>
    %dma_wait3A_508 = tpu.memref_squeeze %dma_wait3A_507 : memref<1x1x112xi32, #tpu.memory_space<vmem>> -> memref<112xi32, #tpu.memory_space<vmem>>
    %dma_wait3A_509 = arith.constant 0 : i32
    %dma_wait3A_510 = arith.constant 0 : i32
    %dma_wait3A_511 = tpu.memref_slice %arg2[%dma_wait3A_509, %dma_wait3A_510] : memref<10000x128xf32, #tpu.memory_space<hbm>> -> memref<10000x128xf32, #tpu.memory_space<hbm>>
    tpu.wait_indirect_dma semaphore(%arg15 : memref<!tpu.dma_semaphore, #tpu.memory_space<semaphore_mem>>) src(%dma_wait3A_511 : memref<10000x128xf32, #tpu.memory_space<hbm>>) dst(%arg11 : memref<112x128xf32, #tpu.memory_space<vmem>>)
    %run_scoped3A_512 = arith.constant 0 : i32
    %run_scoped3A_513 = arith.constant 2 : i32
    "tpu.region"() ({
      %run_scoped3A_553 = tpu.sem_alloc : memref<!tpu.dma_semaphore, #tpu.memory_space<semaphore_mem>>
      %dma_start3A_554 = arith.constant 0 : i32
      %dma_start3A_555 = tpu.memref_slice %arg8[%run_scoped3A_512, %run_scoped3A_513, %dma_start3A_554] : memref<2x6x112xi32, #tpu.memory_space<vmem>> -> memref<1x1x112xi32, #tpu.memory_space<vmem>>
      %dma_start3A_556 = tpu.memref_squeeze %dma_start3A_555 : memref<1x1x112xi32, #tpu.memory_space<vmem>> -> memref<112xi32, #tpu.memory_space<vmem>>
      %dma_start3A_557 = arith.constant 0 : i32
      %dma_start3A_558 = arith.constant 0 : i32
      %dma_start3A_559 = tpu.memref_slice %arg12[%dma_start3A_557, %dma_start3A_558] : memref<10240x128xf32, #tpu.memory_space<vmem_shared>> -> memref<10240x128xf32, #tpu.memory_space<vmem_shared>>
      tpu.enqueue_indirect_dma source(%arg11 : memref<112x128xf32, #tpu.memory_space<vmem>>) target(%dma_start3A_559 : memref<10240x128xf32, #tpu.memory_space<vmem_shared>>) offsets(%dma_start3A_556 : memref<112xi32, #tpu.memory_space<vmem>>) semaphore(%run_scoped3A_553 : memref<!tpu.dma_semaphore, #tpu.memory_space<semaphore_mem>>) {add = true}
      %dma_wait3A_560 = arith.constant 0 : i32
      %dma_wait3A_561 = tpu.memref_slice %arg8[%run_scoped3A_512, %run_scoped3A_513, %dma_wait3A_560] : memref<2x6x112xi32, #tpu.memory_space<vmem>> -> memref<1x1x112xi32, #tpu.memory_space<vmem>>
      %dma_wait3A_562 = tpu.memref_squeeze %dma_wait3A_561 : memref<1x1x112xi32, #tpu.memory_space<vmem>> -> memref<112xi32, #tpu.memory_space<vmem>>
      %dma_wait3A_563 = arith.constant 0 : i32
      %dma_wait3A_564 = arith.constant 0 : i32
      %dma_wait3A_565 = tpu.memref_slice %arg12[%dma_wait3A_563, %dma_wait3A_564] : memref<10240x128xf32, #tpu.memory_space<vmem_shared>> -> memref<10240x128xf32, #tpu.memory_space<vmem_shared>>
      tpu.wait_indirect_dma semaphore(%run_scoped3A_553 : memref<!tpu.dma_semaphore, #tpu.memory_space<semaphore_mem>>) src(%arg11 : memref<112x128xf32, #tpu.memory_space<vmem>>) dst(%dma_wait3A_565 : memref<10240x128xf32, #tpu.memory_space<vmem_shared>>)
      tpu.yield
    }) : () -> ()
    %dma_start3A_514 = arith.constant 0 : i32
    %dma_start3A_515 = arith.constant 5 : i32
    %dma_start3A_516 = arith.constant 0 : i32
    %dma_start3A_517 = tpu.memref_slice %arg7[%dma_start3A_514, %dma_start3A_515, %dma_start3A_516] : memref<2x6x112xi32, #tpu.memory_space<vmem>> -> memref<1x1x112xi32, #tpu.memory_space<vmem>>
    %dma_start3A_518 = tpu.memref_squeeze %dma_start3A_517 : memref<1x1x112xi32, #tpu.memory_space<vmem>> -> memref<112xi32, #tpu.memory_space<vmem>>
    %dma_start3A_519 = arith.constant 0 : i32
    %dma_start3A_520 = arith.constant 0 : i32
    %dma_start3A_521 = tpu.memref_slice %arg2[%dma_start3A_519, %dma_start3A_520] : memref<10000x128xf32, #tpu.memory_space<hbm>> -> memref<10000x128xf32, #tpu.memory_space<hbm>>
    tpu.enqueue_indirect_dma source(%dma_start3A_521 : memref<10000x128xf32, #tpu.memory_space<hbm>>) target(%arg11 : memref<112x128xf32, #tpu.memory_space<vmem>>) offsets(%dma_start3A_518 : memref<112xi32, #tpu.memory_space<vmem>>) semaphore(%arg15 : memref<!tpu.dma_semaphore, #tpu.memory_space<semaphore_mem>>)
    %dma_wait3A_522 = arith.constant 0 : i32
    %dma_wait3A_523 = arith.constant 0 : i32
    %dma_wait3A_524 = arith.constant 0 : i32
    %dma_wait3A_525 = tpu.memref_slice %arg7[%dma_wait3A_522, %dma_wait3A_523, %dma_wait3A_524] : memref<2x6x112xi32, #tpu.memory_space<vmem>> -> memref<1x1x112xi32, #tpu.memory_space<vmem>>
    %dma_wait3A_526 = tpu.memref_squeeze %dma_wait3A_525 : memref<1x1x112xi32, #tpu.memory_space<vmem>> -> memref<112xi32, #tpu.memory_space<vmem>>
    %dma_wait3A_527 = arith.constant 0 : i32
    %dma_wait3A_528 = arith.constant 0 : i32
    %dma_wait3A_529 = tpu.memref_slice %arg2[%dma_wait3A_527, %dma_wait3A_528] : memref<10000x128xf32, #tpu.memory_space<hbm>> -> memref<10000x128xf32, #tpu.memory_space<hbm>>
    tpu.wait_indirect_dma semaphore(%arg13 : memref<!tpu.dma_semaphore, #tpu.memory_space<semaphore_mem>>) src(%dma_wait3A_529 : memref<10000x128xf32, #tpu.memory_space<hbm>>) dst(%arg9 : memref<112x128xf32, #tpu.memory_space<vmem>>)
    %run_scoped3A_530 = arith.constant 0 : i32
    %run_scoped3A_531 = arith.constant 3 : i32
    "tpu.region"() ({
      %run_scoped3A_553 = tpu.sem_alloc : memref<!tpu.dma_semaphore, #tpu.memory_space<semaphore_mem>>
      %dma_start3A_554 = arith.constant 0 : i32
      %dma_start3A_555 = tpu.memref_slice %arg8[%run_scoped3A_530, %run_scoped3A_531, %dma_start3A_554] : memref<2x6x112xi32, #tpu.memory_space<vmem>> -> memref<1x1x112xi32, #tpu.memory_space<vmem>>
      %dma_start3A_556 = tpu.memref_squeeze %dma_start3A_555 : memref<1x1x112xi32, #tpu.memory_space<vmem>> -> memref<112xi32, #tpu.memory_space<vmem>>
      %dma_start3A_557 = arith.constant 0 : i32
      %dma_start3A_558 = arith.constant 0 : i32
      %dma_start3A_559 = tpu.memref_slice %arg12[%dma_start3A_557, %dma_start3A_558] : memref<10240x128xf32, #tpu.memory_space<vmem_shared>> -> memref<10240x128xf32, #tpu.memory_space<vmem_shared>>
      tpu.enqueue_indirect_dma source(%arg9 : memref<112x128xf32, #tpu.memory_space<vmem>>) target(%dma_start3A_559 : memref<10240x128xf32, #tpu.memory_space<vmem_shared>>) offsets(%dma_start3A_556 : memref<112xi32, #tpu.memory_space<vmem>>) semaphore(%run_scoped3A_553 : memref<!tpu.dma_semaphore, #tpu.memory_space<semaphore_mem>>) {add = true}
      %dma_wait3A_560 = arith.constant 0 : i32
      %dma_wait3A_561 = tpu.memref_slice %arg8[%run_scoped3A_530, %run_scoped3A_531, %dma_wait3A_560] : memref<2x6x112xi32, #tpu.memory_space<vmem>> -> memref<1x1x112xi32, #tpu.memory_space<vmem>>
      %dma_wait3A_562 = tpu.memref_squeeze %dma_wait3A_561 : memref<1x1x112xi32, #tpu.memory_space<vmem>> -> memref<112xi32, #tpu.memory_space<vmem>>
      %dma_wait3A_563 = arith.constant 0 : i32
      %dma_wait3A_564 = arith.constant 0 : i32
      %dma_wait3A_565 = tpu.memref_slice %arg12[%dma_wait3A_563, %dma_wait3A_564] : memref<10240x128xf32, #tpu.memory_space<vmem_shared>> -> memref<10240x128xf32, #tpu.memory_space<vmem_shared>>
      tpu.wait_indirect_dma semaphore(%run_scoped3A_553 : memref<!tpu.dma_semaphore, #tpu.memory_space<semaphore_mem>>) src(%arg9 : memref<112x128xf32, #tpu.memory_space<vmem>>) dst(%dma_wait3A_565 : memref<10240x128xf32, #tpu.memory_space<vmem_shared>>)
      tpu.yield
    }) : () -> ()
    %dma_wait3A_532 = arith.constant 0 : i32
    %dma_wait3A_533 = arith.constant 0 : i32
    %dma_wait3A_534 = arith.constant 0 : i32
    %dma_wait3A_535 = tpu.memref_slice %arg7[%dma_wait3A_532, %dma_wait3A_533, %dma_wait3A_534] : memref<2x6x112xi32, #tpu.memory_space<vmem>> -> memref<1x1x112xi32, #tpu.memory_space<vmem>>
    %dma_wait3A_536 = tpu.memref_squeeze %dma_wait3A_535 : memref<1x1x112xi32, #tpu.memory_space<vmem>> -> memref<112xi32, #tpu.memory_space<vmem>>
    %dma_wait3A_537 = arith.constant 0 : i32
    %dma_wait3A_538 = arith.constant 0 : i32
    %dma_wait3A_539 = tpu.memref_slice %arg2[%dma_wait3A_537, %dma_wait3A_538] : memref<10000x128xf32, #tpu.memory_space<hbm>> -> memref<10000x128xf32, #tpu.memory_space<hbm>>
    tpu.wait_indirect_dma semaphore(%arg14 : memref<!tpu.dma_semaphore, #tpu.memory_space<semaphore_mem>>) src(%dma_wait3A_539 : memref<10000x128xf32, #tpu.memory_space<hbm>>) dst(%arg10 : memref<112x128xf32, #tpu.memory_space<vmem>>)
    %run_scoped3A_540 = arith.constant 0 : i32
    %run_scoped3A_541 = arith.constant 4 : i32
    "tpu.region"() ({
      %run_scoped3A_553 = tpu.sem_alloc : memref<!tpu.dma_semaphore, #tpu.memory_space<semaphore_mem>>
      %dma_start3A_554 = arith.constant 0 : i32
      %dma_start3A_555 = tpu.memref_slice %arg8[%run_scoped3A_540, %run_scoped3A_541, %dma_start3A_554] : memref<2x6x112xi32, #tpu.memory_space<vmem>> -> memref<1x1x112xi32, #tpu.memory_space<vmem>>
      %dma_start3A_556 = tpu.memref_squeeze %dma_start3A_555 : memref<1x1x112xi32, #tpu.memory_space<vmem>> -> memref<112xi32, #tpu.memory_space<vmem>>
      %dma_start3A_557 = arith.constant 0 : i32
      %dma_start3A_558 = arith.constant 0 : i32
      %dma_start3A_559 = tpu.memref_slice %arg12[%dma_start3A_557, %dma_start3A_558] : memref<10240x128xf32, #tpu.memory_space<vmem_shared>> -> memref<10240x128xf32, #tpu.memory_space<vmem_shared>>
      tpu.enqueue_indirect_dma source(%arg10 : memref<112x128xf32, #tpu.memory_space<vmem>>) target(%dma_start3A_559 : memref<10240x128xf32, #tpu.memory_space<vmem_shared>>) offsets(%dma_start3A_556 : memref<112xi32, #tpu.memory_space<vmem>>) semaphore(%run_scoped3A_553 : memref<!tpu.dma_semaphore, #tpu.memory_space<semaphore_mem>>) {add = true}
      %dma_wait3A_560 = arith.constant 0 : i32
      %dma_wait3A_561 = tpu.memref_slice %arg8[%run_scoped3A_540, %run_scoped3A_541, %dma_wait3A_560] : memref<2x6x112xi32, #tpu.memory_space<vmem>> -> memref<1x1x112xi32, #tpu.memory_space<vmem>>
      %dma_wait3A_562 = tpu.memref_squeeze %dma_wait3A_561 : memref<1x1x112xi32, #tpu.memory_space<vmem>> -> memref<112xi32, #tpu.memory_space<vmem>>
      %dma_wait3A_563 = arith.constant 0 : i32
      %dma_wait3A_564 = arith.constant 0 : i32
      %dma_wait3A_565 = tpu.memref_slice %arg12[%dma_wait3A_563, %dma_wait3A_564] : memref<10240x128xf32, #tpu.memory_space<vmem_shared>> -> memref<10240x128xf32, #tpu.memory_space<vmem_shared>>
      tpu.wait_indirect_dma semaphore(%run_scoped3A_553 : memref<!tpu.dma_semaphore, #tpu.memory_space<semaphore_mem>>) src(%arg10 : memref<112x128xf32, #tpu.memory_space<vmem>>) dst(%dma_wait3A_565 : memref<10240x128xf32, #tpu.memory_space<vmem_shared>>)
      tpu.yield
    }) : () -> ()
    %dma_wait3A_542 = arith.constant 0 : i32
    %dma_wait3A_543 = arith.constant 0 : i32
    %dma_wait3A_544 = arith.constant 0 : i32
    %dma_wait3A_545 = tpu.memref_slice %arg7[%dma_wait3A_542, %dma_wait3A_543, %dma_wait3A_544] : memref<2x6x112xi32, #tpu.memory_space<vmem>> -> memref<1x1x112xi32, #tpu.memory_space<vmem>>
    %dma_wait3A_546 = tpu.memref_squeeze %dma_wait3A_545 : memref<1x1x112xi32, #tpu.memory_space<vmem>> -> memref<112xi32, #tpu.memory_space<vmem>>
    %dma_wait3A_547 = arith.constant 0 : i32
    %dma_wait3A_548 = arith.constant 0 : i32
    %dma_wait3A_549 = tpu.memref_slice %arg2[%dma_wait3A_547, %dma_wait3A_548] : memref<10000x128xf32, #tpu.memory_space<hbm>> -> memref<10000x128xf32, #tpu.memory_space<hbm>>
    tpu.wait_indirect_dma semaphore(%arg15 : memref<!tpu.dma_semaphore, #tpu.memory_space<semaphore_mem>>) src(%dma_wait3A_549 : memref<10000x128xf32, #tpu.memory_space<hbm>>) dst(%arg11 : memref<112x128xf32, #tpu.memory_space<vmem>>)
    %run_scoped3A_550 = arith.constant 0 : i32
    %run_scoped3A_551 = arith.constant 5 : i32
    "tpu.region"() ({
      %run_scoped3A_553 = tpu.sem_alloc : memref<!tpu.dma_semaphore, #tpu.memory_space<semaphore_mem>>
      %dma_start3A_554 = arith.constant 0 : i32
      %dma_start3A_555 = tpu.memref_slice %arg8[%run_scoped3A_550, %run_scoped3A_551, %dma_start3A_554] : memref<2x6x112xi32, #tpu.memory_space<vmem>> -> memref<1x1x112xi32, #tpu.memory_space<vmem>>
      %dma_start3A_556 = tpu.memref_squeeze %dma_start3A_555 : memref<1x1x112xi32, #tpu.memory_space<vmem>> -> memref<112xi32, #tpu.memory_space<vmem>>
      %dma_start3A_557 = arith.constant 0 : i32
      %dma_start3A_558 = arith.constant 0 : i32
      %dma_start3A_559 = tpu.memref_slice %arg12[%dma_start3A_557, %dma_start3A_558] : memref<10240x128xf32, #tpu.memory_space<vmem_shared>> -> memref<10240x128xf32, #tpu.memory_space<vmem_shared>>
      tpu.enqueue_indirect_dma source(%arg11 : memref<112x128xf32, #tpu.memory_space<vmem>>) target(%dma_start3A_559 : memref<10240x128xf32, #tpu.memory_space<vmem_shared>>) offsets(%dma_start3A_556 : memref<112xi32, #tpu.memory_space<vmem>>) semaphore(%run_scoped3A_553 : memref<!tpu.dma_semaphore, #tpu.memory_space<semaphore_mem>>) {add = true}
      %dma_wait3A_560 = arith.constant 0 : i32
      %dma_wait3A_561 = tpu.memref_slice %arg8[%run_scoped3A_550, %run_scoped3A_551, %dma_wait3A_560] : memref<2x6x112xi32, #tpu.memory_space<vmem>> -> memref<1x1x112xi32, #tpu.memory_space<vmem>>
      %dma_wait3A_562 = tpu.memref_squeeze %dma_wait3A_561 : memref<1x1x112xi32, #tpu.memory_space<vmem>> -> memref<112xi32, #tpu.memory_space<vmem>>
      %dma_wait3A_563 = arith.constant 0 : i32
      %dma_wait3A_564 = arith.constant 0 : i32
      %dma_wait3A_565 = tpu.memref_slice %arg12[%dma_wait3A_563, %dma_wait3A_564] : memref<10240x128xf32, #tpu.memory_space<vmem_shared>> -> memref<10240x128xf32, #tpu.memory_space<vmem_shared>>
      tpu.wait_indirect_dma semaphore(%run_scoped3A_553 : memref<!tpu.dma_semaphore, #tpu.memory_space<semaphore_mem>>) src(%arg11 : memref<112x128xf32, #tpu.memory_space<vmem>>) dst(%dma_wait3A_565 : memref<10240x128xf32, #tpu.memory_space<vmem_shared>>)
      tpu.yield
    }) : () -> ()
    %barrier3A_552 = arith.constant 0 : index
    tpu.barrier barrier_id(%barrier3A_552)
    "tpu.region"() ({
      %run_scoped3A_553 = tpu.sem_alloc : memref<!tpu.dma_semaphore, #tpu.memory_space<semaphore_mem>>
      %dma_start3A_554 = arith.constant 0 : i32
      %dma_start3A_555 = tpu.memref_slice %arg6[%arg0, %mul3A_2, %dma_start3A_554] : memref<2x10240x128xf32, #tpu.memory_space<hbm>> -> memref<1x640x128xf32, #tpu.memory_space<hbm>>
      %dma_start3A_556 = tpu.memref_squeeze %dma_start3A_555 : memref<1x640x128xf32, #tpu.memory_space<hbm>> -> memref<640x128xf32, #tpu.memory_space<hbm>>
      %dma_start3A_557 = arith.constant 0 : i32
      %dma_start3A_558 = tpu.memref_slice %arg12[%mul3A_2, %dma_start3A_557] : memref<10240x128xf32, #tpu.memory_space<vmem_shared>> -> memref<640x128xf32, #tpu.memory_space<vmem_shared>>
      tpu.enqueue_dma source(%dma_start3A_558 : memref<640x128xf32, #tpu.memory_space<vmem_shared>>) target(%dma_start3A_556 : memref<640x128xf32, #tpu.memory_space<hbm>>) target_semaphore(%run_scoped3A_553 : memref<!tpu.dma_semaphore, #tpu.memory_space<semaphore_mem>>)
      %dma_wait3A_559 = arith.constant 0 : i32
      %dma_wait3A_560 = tpu.memref_slice %arg6[%arg0, %mul3A_2, %dma_wait3A_559] : memref<2x10240x128xf32, #tpu.memory_space<hbm>> -> memref<1x640x128xf32, #tpu.memory_space<hbm>>
      %dma_wait3A_561 = tpu.memref_squeeze %dma_wait3A_560 : memref<1x640x128xf32, #tpu.memory_space<hbm>> -> memref<640x128xf32, #tpu.memory_space<hbm>>
      %dma_wait3A_562 = arith.constant 0 : i32
      %dma_wait3A_563 = tpu.memref_slice %arg12[%mul3A_2, %dma_wait3A_562] : memref<10240x128xf32, #tpu.memory_space<vmem_shared>> -> memref<640x128xf32, #tpu.memory_space<vmem_shared>>
      tpu.wait_dma2 semaphore(%run_scoped3A_553 : memref<!tpu.dma_semaphore, #tpu.memory_space<semaphore_mem>>) src(%dma_wait3A_563 : memref<640x128xf32, #tpu.memory_space<vmem_shared>>) dst(%dma_wait3A_561 : memref<640x128xf32, #tpu.memory_space<hbm>>)
      tpu.yield
    }) : () -> ()
    return
  }
}

module attributes {stable_mosaic.version = 14 : i64} {
  func.func @body(%arg0: i32, %arg1: memref<2000x128xf32, #tpu.memory_space<vmem>>, %arg2: memref<2x2000x128xf32, #tpu.memory_space<vmem>>, %arg3: memref<128x128xf32, #tpu.memory_space<vmem>>, %arg4: memref<1x128xf32, #tpu.memory_space<vmem>>, %arg5: memref<128x128xf32, #tpu.memory_space<vmem>>, %arg6: memref<1x128xf32, #tpu.memory_space<vmem>>, %arg7: memref<2000x128xf32, #tpu.memory_space<vmem>>) attributes {dimension_semantics = [#tpu.dimension_semantics<arbitrary>], iteration_bounds = array<i64: 5>, scalar_prefetch = 0 : i64, scratch_operands = 0 : i64, tpu.core_type = #tpu.core_type<tc>, window_params = [{transform_indices = @transform_0, window_bounds = array<i64: 2000, 128>}, {transform_indices = @transform_1, window_bounds = array<i64: 2, 2000, 128>}, {pipeline_mode = #tpu.pipeline_mode<synchronous>, transform_indices = @transform_2, window_bounds = array<i64: 128, 128>}, {pipeline_mode = #tpu.pipeline_mode<synchronous>, transform_indices = @transform_3, window_bounds = array<i64: 1, 128>}, {pipeline_mode = #tpu.pipeline_mode<synchronous>, transform_indices = @transform_4, window_bounds = array<i64: 128, 128>}, {pipeline_mode = #tpu.pipeline_mode<synchronous>, transform_indices = @transform_5, window_bounds = array<i64: 1, 128>}, {transform_indices = @transform_6, window_bounds = array<i64: 2000, 128>}]} {
    %get3A = arith.constant 0 : index
    %get3A_0 = arith.constant 0 : index
    %get3A_1 = vector.load %arg1[%get3A, %get3A_0] : memref<2000x128xf32, #tpu.memory_space<vmem>>, vector<2000x128xf32>
    %get3A_2 = arith.constant 0 : index
    %get3A_3 = arith.constant 0 : index
    %get3A_4 = arith.constant 0 : index
    %get3A_5 = vector.load %arg2[%get3A_2, %get3A_3, %get3A_4] : memref<2x2000x128xf32, #tpu.memory_space<vmem>>, vector<1x2000x128xf32>
    %get3A_6 = vector.shape_cast %get3A_5 : vector<1x2000x128xf32> to vector<2000x128xf32>
    %add3A = arith.addf %get3A_1, %get3A_6 : vector<2000x128xf32>
    %get3A_7 = arith.constant 1 : index
    %get3A_8 = arith.constant 0 : index
    %get3A_9 = arith.constant 0 : index
    %get3A_10 = vector.load %arg2[%get3A_7, %get3A_8, %get3A_9] : memref<2x2000x128xf32, #tpu.memory_space<vmem>>, vector<1x2000x128xf32>
    %get3A_11 = vector.shape_cast %get3A_10 : vector<1x2000x128xf32> to vector<2000x128xf32>
    %add3A_12 = arith.addf %add3A, %get3A_11 : vector<2000x128xf32>
    %get3A_13 = arith.constant 0 : index
    %get3A_14 = arith.constant 0 : index
    %get3A_15 = vector.load %arg3[%get3A_13, %get3A_14] : memref<128x128xf32, #tpu.memory_space<vmem>>, vector<128x128xf32>
    %dot_general3A = arith.constant dense<0.000000e+00> : vector<2000x128xf32>
    %dot_general3A_16 = tpu.matmul %add3A_12, %get3A_15, %dot_general3A {dimension_numbers = #tpu.dot_dimension_numbers<[1], [0], [0], [1], [0, 0, 1, 1], [], []>, transpose_lhs_hint = false} : vector<2000x128xf32>, vector<128x128xf32>, vector<2000x128xf32> -> vector<2000x128xf32>
    %get3A_17 = arith.constant 0 : index
    %get3A_18 = arith.constant 0 : index
    %get3A_19 = vector.load %arg4[%get3A_17, %get3A_18] : memref<1x128xf32, #tpu.memory_space<vmem>>, vector<1x128xf32>
    %add3A_20 = vector.broadcast %get3A_19 : vector<1x128xf32> to vector<2000x128xf32>
    %add3A_21 = arith.addf %dot_general3A_16, %add3A_20 : vector<2000x128xf32>
    %max3A = arith.constant 0.000000e+00 : f32
    %max3A_22 = vector.broadcast %max3A : f32 to vector<2000x128xf32>
    %max3A_23 = arith.maximumf %add3A_21, %max3A_22 : vector<2000x128xf32>
    %get3A_24 = arith.constant 0 : index
    %get3A_25 = arith.constant 0 : index
    %get3A_26 = vector.load %arg5[%get3A_24, %get3A_25] : memref<128x128xf32, #tpu.memory_space<vmem>>, vector<128x128xf32>
    %dot_general3A_27 = arith.constant dense<0.000000e+00> : vector<2000x128xf32>
    %dot_general3A_28 = tpu.matmul %max3A_23, %get3A_26, %dot_general3A_27 {dimension_numbers = #tpu.dot_dimension_numbers<[1], [0], [0], [1], [0, 0, 1, 1], [], []>, transpose_lhs_hint = false} : vector<2000x128xf32>, vector<128x128xf32>, vector<2000x128xf32> -> vector<2000x128xf32>
    %get3A_29 = arith.constant 0 : index
    %get3A_30 = arith.constant 0 : index
    %get3A_31 = vector.load %arg6[%get3A_29, %get3A_30] : memref<1x128xf32, #tpu.memory_space<vmem>>, vector<1x128xf32>
    %add3A_32 = vector.broadcast %get3A_31 : vector<1x128xf32> to vector<2000x128xf32>
    %add3A_33 = arith.addf %dot_general3A_28, %add3A_32 : vector<2000x128xf32>
    %swap3A = arith.constant 0 : index
    %swap3A_34 = arith.constant 0 : index
    %swap3A_35 = vector.load %arg7[%swap3A, %swap3A_34] : memref<2000x128xf32, #tpu.memory_space<vmem>>, vector<2000x128xf32>
    tpu.vector_store %arg7[%swap3A, %swap3A_34], %add3A_33 {strides = array<i32>} : memref<2000x128xf32, #tpu.memory_space<vmem>>, vector<2000x128xf32>,
    return
  }
  func.func @transform_0(%arg0: i32) -> (i32, i32) {
    %c0_i32 = arith.constant 0 : i32
    %c0_i32_0 = arith.constant 0 : i32
    return %arg0, %c0_i32 : i32, i32
  }
  func.func @transform_1(%arg0: i32) -> (i32, i32, i32) {
    %c0_i32 = arith.constant 0 : i32
    %c0_i32_0 = arith.constant 0 : i32
    %c0_i32_1 = arith.constant 0 : i32
    return %c0_i32, %arg0, %c0_i32_0 : i32, i32, i32
  }
  func.func @transform_2(%arg0: i32) -> (i32, i32) {
    %c0_i32 = arith.constant 0 : i32
    %c0_i32_0 = arith.constant 0 : i32
    %c0_i32_1 = arith.constant 0 : i32
    return %c0_i32, %c0_i32_0 : i32, i32
  }
  func.func @transform_3(%arg0: i32) -> (i32, i32) {
    %c0_i32 = arith.constant 0 : i32
    %c0_i32_0 = arith.constant 0 : i32
    %c0_i32_1 = arith.constant 0 : i32
    return %c0_i32, %c0_i32_0 : i32, i32
  }
  func.func @transform_4(%arg0: i32) -> (i32, i32) {
    %c0_i32 = arith.constant 0 : i32
    %c0_i32_0 = arith.constant 0 : i32
    %c0_i32_1 = arith.constant 0 : i32
    return %c0_i32, %c0_i32_0 : i32, i32
  }
  func.func @transform_5(%arg0: i32) -> (i32, i32) {
    %c0_i32 = arith.constant 0 : i32
    %c0_i32_0 = arith.constant 0 : i32
    %c0_i32_1 = arith.constant 0 : i32
    return %c0_i32, %c0_i32_0 : i32, i32
  }
  func.func @transform_6(%arg0: i32) -> (i32, i32) {
    %c0_i32 = arith.constant 0 : i32
    %c0_i32_0 = arith.constant 0 : i32
    return %arg0, %c0_i32 : i32, i32
  }
}

module attributes {stable_mosaic.version = 14 : i64} {
  func.func @body(%arg0: i32, %arg1: memref<2000x128xf32, #tpu.memory_space<vmem>>, %arg2: memref<2x2000x128xf32, #tpu.memory_space<vmem>>, %arg3: memref<128x128xf32, #tpu.memory_space<vmem>>, %arg4: memref<1x128xf32, #tpu.memory_space<vmem>>, %arg5: memref<128x128xf32, #tpu.memory_space<vmem>>, %arg6: memref<1x128xf32, #tpu.memory_space<vmem>>, %arg7: memref<2000x128xf32, #tpu.memory_space<vmem>>) attributes {dimension_semantics = [#tpu.dimension_semantics<arbitrary>], iteration_bounds = array<i64: 5>, scalar_prefetch = 0 : i64, scratch_operands = 0 : i64, tpu.core_type = #tpu.core_type<tc>, window_params = [{transform_indices = @transform_0, window_bounds = array<i64: 2000, 128>}, {transform_indices = @transform_1, window_bounds = array<i64: 2, 2000, 128>}, {pipeline_mode = #tpu.pipeline_mode<synchronous>, transform_indices = @transform_2, window_bounds = array<i64: 128, 128>}, {pipeline_mode = #tpu.pipeline_mode<synchronous>, transform_indices = @transform_3, window_bounds = array<i64: 1, 128>}, {pipeline_mode = #tpu.pipeline_mode<synchronous>, transform_indices = @transform_4, window_bounds = array<i64: 128, 128>}, {pipeline_mode = #tpu.pipeline_mode<synchronous>, transform_indices = @transform_5, window_bounds = array<i64: 1, 128>}, {transform_indices = @transform_6, window_bounds = array<i64: 2000, 128>}]} {
    %get3A = arith.constant 0 : index
    %get3A_0 = arith.constant 0 : index
    %get3A_1 = vector.load %arg1[%get3A, %get3A_0] : memref<2000x128xf32, #tpu.memory_space<vmem>>, vector<2000x128xf32>
    %get3A_2 = arith.constant 0 : index
    %get3A_3 = arith.constant 0 : index
    %get3A_4 = arith.constant 0 : index
    %get3A_5 = vector.load %arg2[%get3A_2, %get3A_3, %get3A_4] : memref<2x2000x128xf32, #tpu.memory_space<vmem>>, vector<1x2000x128xf32>
    %get3A_6 = vector.shape_cast %get3A_5 : vector<1x2000x128xf32> to vector<2000x128xf32>
    %add3A = arith.addf %get3A_1, %get3A_6 : vector<2000x128xf32>
    %get3A_7 = arith.constant 1 : index
    %get3A_8 = arith.constant 0 : index
    %get3A_9 = arith.constant 0 : index
    %get3A_10 = vector.load %arg2[%get3A_7, %get3A_8, %get3A_9] : memref<2x2000x128xf32, #tpu.memory_space<vmem>>, vector<1x2000x128xf32>
    %get3A_11 = vector.shape_cast %get3A_10 : vector<1x2000x128xf32> to vector<2000x128xf32>
    %add3A_12 = arith.addf %add3A, %get3A_11 : vector<2000x128xf32>
    %get3A_13 = arith.constant 0 : index
    %get3A_14 = arith.constant 0 : index
    %get3A_15 = vector.load %arg3[%get3A_13, %get3A_14] : memref<128x128xf32, #tpu.memory_space<vmem>>, vector<128x128xf32>
    %dot_general3A = arith.constant dense<0.000000e+00> : vector<2000x128xf32>
    %dot_general3A_16 = tpu.matmul %add3A_12, %get3A_15, %dot_general3A {dimension_numbers = #tpu.dot_dimension_numbers<[1], [0], [0], [1], [0, 0, 1, 1], [], []>, transpose_lhs_hint = false} : vector<2000x128xf32>, vector<128x128xf32>, vector<2000x128xf32> -> vector<2000x128xf32>
    %get3A_17 = arith.constant 0 : index
    %get3A_18 = arith.constant 0 : index
    %get3A_19 = vector.load %arg4[%get3A_17, %get3A_18] : memref<1x128xf32, #tpu.memory_space<vmem>>, vector<1x128xf32>
    %add3A_20 = vector.broadcast %get3A_19 : vector<1x128xf32> to vector<2000x128xf32>
    %add3A_21 = arith.addf %dot_general3A_16, %add3A_20 : vector<2000x128xf32>
    %max3A = arith.constant 0.000000e+00 : f32
    %max3A_22 = vector.broadcast %max3A : f32 to vector<2000x128xf32>
    %max3A_23 = arith.maximumf %add3A_21, %max3A_22 : vector<2000x128xf32>
    %get3A_24 = arith.constant 0 : index
    %get3A_25 = arith.constant 0 : index
    %get3A_26 = vector.load %arg5[%get3A_24, %get3A_25] : memref<128x128xf32, #tpu.memory_space<vmem>>, vector<128x128xf32>
    %dot_general3A_27 = arith.constant dense<0.000000e+00> : vector<2000x128xf32>
    %dot_general3A_28 = tpu.matmul %max3A_23, %get3A_26, %dot_general3A_27 {dimension_numbers = #tpu.dot_dimension_numbers<[1], [0], [0], [1], [0, 0, 1, 1], [], []>, transpose_lhs_hint = false} : vector<2000x128xf32>, vector<128x128xf32>, vector<2000x128xf32> -> vector<2000x128xf32>
    %get3A_29 = arith.constant 0 : index
    %get3A_30 = arith.constant 0 : index
    %get3A_31 = vector.load %arg6[%get3A_29, %get3A_30] : memref<1x128xf32, #tpu.memory_space<vmem>>, vector<1x128xf32>
    %add3A_32 = vector.broadcast %get3A_31 : vector<1x128xf32> to vector<2000x128xf32>
    %add3A_33 = arith.addf %dot_general3A_28, %add3A_32 : vector<2000x128xf32>
    %swap3A = arith.constant 0 : index
    %swap3A_34 = arith.constant 0 : index
    %swap3A_35 = vector.load %arg7[%swap3A, %swap3A_34] : memref<2000x128xf32, #tpu.memory_space<vmem>>, vector<2000x128xf32>
    tpu.vector_store %arg7[%swap3A, %swap3A_34], %add3A_33 {strides = array<i32>} : memref<2000x128xf32, #tpu.memory_space<vmem>>, vector<2000x128xf32>,
    return
  }
  func.func @transform_0(%arg0: i32) -> (i32, i32) {
    %c0_i32 = arith.constant 0 : i32
    %c0_i32_0 = arith.constant 0 : i32
    return %arg0, %c0_i32 : i32, i32
  }
  func.func @transform_1(%arg0: i32) -> (i32, i32, i32) {
    %c0_i32 = arith.constant 0 : i32
    %c0_i32_0 = arith.constant 0 : i32
    %c0_i32_1 = arith.constant 0 : i32
    return %c0_i32, %arg0, %c0_i32_0 : i32, i32, i32
  }
  func.func @transform_2(%arg0: i32) -> (i32, i32) {
    %c0_i32 = arith.constant 0 : i32
    %c0_i32_0 = arith.constant 0 : i32
    %c0_i32_1 = arith.constant 0 : i32
    return %c0_i32, %c0_i32_0 : i32, i32
  }
  func.func @transform_3(%arg0: i32) -> (i32, i32) {
    %c0_i32 = arith.constant 0 : i32
    %c0_i32_0 = arith.constant 0 : i32
    %c0_i32_1 = arith.constant 0 : i32
    return %c0_i32, %c0_i32_0 : i32, i32
  }
  func.func @transform_4(%arg0: i32) -> (i32, i32) {
    %c0_i32 = arith.constant 0 : i32
    %c0_i32_0 = arith.constant 0 : i32
    %c0_i32_1 = arith.constant 0 : i32
    return %c0_i32, %c0_i32_0 : i32, i32
  }
  func.func @transform_5(%arg0: i32) -> (i32, i32) {
    %c0_i32 = arith.constant 0 : i32
    %c0_i32_0 = arith.constant 0 : i32
    %c0_i32_1 = arith.constant 0 : i32
    return %c0_i32, %c0_i32_0 : i32, i32
  }
  func.func @transform_6(%arg0: i32) -> (i32, i32) {
    %c0_i32 = arith.constant 0 : i32
    %c0_i32_0 = arith.constant 0 : i32
    return %arg0, %c0_i32 : i32, i32
  }
}

</mosaic_0001>

<sc_bundles>
// kernel: kernel.6.cloned.1.call-start
scs
__scs_entry_jumppad:
0x0: {  	(pc) =	sbr.rel $0x88, $3  }
0x1: {  	(tag) =	ssettag $0x0;
	lr =	simm.s32 $0x1  }
0x2: {  	[smem:$0x3F97] =	sst lr;
	_ =	strace $0xD0000000  }
0x3: {  	_ = 	snop  }
0x4: {  	_ = 	snop  }
0x5: {  	_ = 	snop  }
0x6: {  	_ = 	snop  }
0x7: {  	_ = 	snop  }
__scs_overlays_trampoline_lowered:
0x8: {  	[smem:$0x3FA6] =	sst s0  }
0x9: {  	[smem:$0x3FA7] =	sst s1  }
0xa: {  	[smem:$0x3FA8] =	sst s2  }
0xb: {  	[smem:$0x3FA9] =	sst s3  }
0xc: {  	[smem:$0x3FAA] =	sst s4  }
0xd: {  	[smem:$0x3FAB] =	sst s5  }
0xe: {  	[smem:$0x3FAC] =	sst s6  }
0xf: {  	[smem:$0x3FAD] =	sst s7  }
0x10: {  	[smem:$0x3FAE] =	sst s8  }
0x11: {  	[smem:$0x3FAF] =	sst s9;
	s0 =	simm.s32 @!p0 $0x0  }
0x12: {  	s1 =	sld [smem:$0x3F95];
	s0 =	simm.s32 @p0 $0x1  }
0x13: {  	[smem:$0x3FB0] =	sst s0;
	s0 =	simm.s32 @!p1 $0x0  }
0x14: {  	s2 =	sld [smem:$0x3F94];
	s0 =	simm.s32 @p1 $0x1  }
0x15: {  	[smem:$0x3FB1] =	sst s0;
	s0 =	simm.s32 @!p2 $0x0  }
0x16: {  	s3 =	sld [smem:$0x3FDB];
	s0 =	simm.s32 @p2 $0x1  }
0x17: {  	s4 =	simm.s32 $0x1BF5;
	[smem:$0x3FB3] =	sst s0  }
0x18: {  	s0 =	sld [smem:$0x3F96];
	_ =	swait.ge [sflag:s4], $0x0  }
0x19: {  	s7 =	sld [smem:$0x3F97]  }
0x1a: {  	s8 =	sadd.s32 $0xFFFFE003, lr  }
0x1b: {  	s9 =	sadd.s32 $0xFFFFFEF7, lr;
	s5 =	simm.s32 $0xFFFFFFFF;
	p2 =	slt.u32 s8, $0xFFFFF086  }
0x1c: {  	p1 =	slt.u32 s9, $0xF7A;
	s5 =	simm.s32 @!p2 $0x0  }
0x1d: {  	s5 =	simm.s32 @p1 $0x1;
	p0 =	seq.s32 s7, s2  }
0x1e: {  	s7 =	smul.u32 @!p0 $0xF7A, s2;
	p2 =	seq.s32 @!p0 s5, $0x0  }
0x1f: {  	s9 =	smul.u32 $0xF7A, s1;
	s8 =	simm.s32 @!p0 $0x1BF5;
	p2 =	por !p2, p0  }
0x20: {  	[sflag:s8] =	ssyncset.s32 @!p0 $0xFFFFF086;
	s6 =	sadd.s32 @!p0 s3, s7;
	s7 =	simm.s32 @!p0 $0x108  }
0x21: {  	s3 =	sadd.s32 s3, s9;
	s6 =	sadd.s32 @!p0 $0x88, s6;
	s7 =	simm.s32 @p2 $0x1082  }
0x22: {  	[simem:s7], [sflag:s8] =	dma.local @!p0 [hbm:s6], $0xF7A  }
0x23: {  	s9 =	sor.u32 $0xD0000000, s2;
	s6 =	simm.s32 $0x108;
	_ =	swait.ge @!p0 [sflag:s8], $0x0  }
0x24: {  	s3 =	sadd.s32 $0x88, s3;
	s6 =	simm.s32 @!p1 $0x1082;
	[sflag:s4] =	ssyncset.s32 $0xFFFFF086  }
0x25: {  	[simem:s6], [sflag:s4] =	dma.local [hbm:s3], $0xF7A  }
0x26: {  	[smem:$0x3F97] =	sst s1;
	(tag) =	ssettag s2;
	_ =	strace s9  }
0x27: {  	s1 =	sld [smem:$0x3FA7]  }
0x28: {  	s2 =	sld [smem:$0x3FA8]  }
0x29: {  	s4 =	sld [smem:$0x3FAA]  }
0x2a: {  	p0 =	seq.s32 s5, $0x0;
	s5 =	sld [smem:$0x3FAB]  }
0x2b: {  	s6 =	sld [smem:$0x3FAC]  }
0x2c: {  	s7 =	sld [smem:$0x3FAD]  }
0x2d: {  	s3 =	simm.s32 $0x108;
	s8 =	sld [smem:$0x3FAE]  }
0x2e: {  	s3 =	simm.s32 @!p0 $0x1082;
	s9 =	sld [smem:$0x3FAF]  }
0x2f: {  	lr =	sadd.s32 s0, s3;
	s0 =	sld [smem:$0x3FA6]  }
0x30: {  	s3 =	sld [smem:$0x3FA9]  }
0x31: {  	[smem:$0x3FB2] =	sst s10  }
0x32: {  	s10 =	sld [smem:$0x3FB0];
	_ =	sdelay $0x3  }
0x33: {  	p0 =	seq.s32 s10, $0x1;
	s10 =	sld [smem:$0x3FB2];
	_ =	sdelay $0x3  }
0x34: {  	[smem:$0x3FB2] =	sst s10  }
0x35: {  	s10 =	sld [smem:$0x3FB1];
	_ =	sdelay $0x3  }
0x36: {  	p1 =	seq.s32 s10, $0x1;
	s10 =	sld [smem:$0x3FB2];
	_ =	sdelay $0x3  }
0x37: {  	[smem:$0x3FB2] =	sst s10  }
0x38: {  	s10 =	sld [smem:$0x3FB3]  }
0x39: {  	_ = 	snop;
	(pc) =	sbr.ind lr, $3  }
0x3a: {  	_ = 	snop  }
0x3b: {  	_ = 	snop  }
0x3c: {  	p2 =	seq.s32 s10, $0x1;
	s10 =	sld [smem:$0x3FB2]  }
0x3d: {  	_ =	shalt  }
0x3e: {  	_ =	shalt  }
0x3f: {  	_ =	shalt  }
0x40: {  	_ =	shalt  }
0x41: {  	_ =	shalt  }
0x42: {  	_ =	shalt  }
0x43: {  	_ =	shalt  }
0x44: {  	_ =	shalt  }
0x45: {  	_ =	shalt  }
0x46: {  	_ =	shalt  }
0x47: {  	_ =	shalt  }
0x48: {  	_ =	shalt  }
0x49: {  	_ =	shalt  }
0x4a: {  	_ =	shalt  }
0x4b: {  	_ =	shalt  }
0x4c: {  	_ =	shalt  }
0x4d: {  	_ =	shalt  }
0x4e: {  	_ =	shalt  }
0x4f: {  	_ =	shalt  }
0x50: {  	_ =	shalt  }
0x51: {  	_ =	shalt  }
0x52: {  	_ =	shalt  }
0x53: {  	_ =	shalt  }
0x54: {  	_ =	shalt  }
0x55: {  	_ =	shalt  }
0x56: {  	_ =	shalt  }
0x57: {  	_ =	shalt  }
0x58: {  	_ =	shalt  }
0x59: {  	_ =	shalt  }
0x5a: {  	_ =	shalt  }
0x5b: {  	_ =	shalt  }
0x5c: {  	_ =	shalt  }
0x5d: {  	_ =	shalt  }
0x5e: {  	_ =	shalt  }
0x5f: {  	_ =	shalt  }
0x60: {  	_ =	shalt  }
0x61: {  	_ =	shalt  }
0x62: {  	_ =	shalt  }
0x63: {  	_ =	shalt  }
0x64: {  	_ =	shalt  }
0x65: {  	_ =	shalt  }
0x66: {  	_ =	shalt  }
0x67: {  	_ =	shalt  }
0x68: {  	_ =	shalt  }
0x69: {  	_ =	shalt  }
0x6a: {  	_ =	shalt  }
0x6b: {  	_ =	shalt  }
0x6c: {  	_ =	shalt  }
0x6d: {  	_ =	shalt  }
0x6e: {  	_ =	shalt  }
0x6f: {  	_ =	shalt  }
0x70: {  	_ =	shalt  }
0x71: {  	_ =	shalt  }
0x72: {  	_ =	shalt  }
0x73: {  	_ =	shalt  }
0x74: {  	_ =	shalt  }
0x75: {  	_ =	shalt  }
0x76: {  	_ =	shalt  }
0x77: {  	_ =	shalt  }
0x78: {  	_ =	shalt  }
0x79: {  	_ =	shalt  }
0x7a: {  	_ =	shalt  }
0x7b: {  	_ =	shalt  }
0x7c: {  	_ =	shalt  }
0x7d: {  	_ =	shalt  }
0x7e: {  	_ =	shalt  }
0x7f: {  	_ =	shalt  }
0x80: {  	_ =	shalt  }
0x81: {  	_ =	shalt  }
0x82: {  	_ =	shalt  }
0x83: {  	_ =	shalt  }
0x84: {  	_ =	shalt  }
0x85: {  	_ =	shalt  }
0x86: {  	_ =	shalt  }
0x87: {  	_ =	shalt  }
.Lfunc_end0:
.L_simem_size_0:
called_computation_lowered:
.L_overlay_start_0:
0x88: {  	s2 =	sld [smem:$0x3FD9]  }
0x89: {  	s3 =	sld [smem:$0x3FFE];
	_ =	sdelay $0x1  }
0x8a: {  	s1 =	srdreg.scid  }
0x8b: {  	s0 =	sand.u32 $0x1, s1  }
0x8c: {  	s17 =	sshll.u32 s0, $0xA;
	s2 =	sadd.s32 s3, s2  }
0x8d: {  	s2 =	sadd.s32 s2, s17  }
0x8e: {  	[smem:$0x3FBE] =	sst s2  }
0x8f: {  	_ = 	snop  }
0x90: {  	s2 =	sld [smem:$0x3FC9];
	(tm) =	ssettm $0x1  }
0x91: {  	s18 =	sld [smem:$0x3FFB];
	_ =	sdelay $0x3  }
0x92: {  	_ =	strace s18  }
0x93: {  	s3 =	sld [smem:$0x3FFC];
	_ =	sdelay $0x3  }
0x94: {  	_ =	strace s3  }
0x95: {  	s3 =	sld [smem:$0x3FFD];
	_ =	sdelay $0x3  }
0x96: {  	_ =	strace s3  }
0x97: {  	_ =	strace $0x8FFFFFFF  }
0x98: {  	s19 =	sld [smem:$0x3FDB];
	_ =	sdelay $0x1  }
0x99: {  	s4 =	simm.s32 $_scs_section_size  }
0x9a: {  	s5 =	simm.s32 $_size__tile_overlayer_lowered;
	s6 =	simm.s32 $_tile_overlayer_lowered  }
0x9b: {  	s22 =	simm.s32 $0x1BFF;
	s21 =	sshll.u32 s6, $0x1;
	s3 =	sadd.s32 s4, s19  }
0x9c: {  	s7 =	simm.s32 $0x0;
	s20 =	sshll.u32 s5, $0x1;
	s5 =	sadd.s32 s21, s3  }
0x9d: {  	[timem:s7], [sflag:s22] =	dma.local [hbm:s5], s20  }
0x9e: {  	_ =	swait.ge [sflag:s22], s20  }
0x9f: {  	s4 =	ssub.s32 $0x0, s20;
	[sflag:s22] =	ssyncset.done $0x0  }
0xa0: {  	[sflag:s22] =	ssyncadd.s32 s4;
	_ =	sdelay $0x1  }
0xa1: {  	s23 =	simm.s32 $0x1B8B  }
0xa2: {  	_ =	swait.ge [sflag:s23], $0x1  }
0xa3: {  	[sflag:s23] =	ssyncset.done $0x0  }
0xa4: {  	s25 =	simm.s32 $0x1B8E;
	s24 =	sld [smem:$0x3FFE];
	[sflag:s23] =	ssyncadd.s32 $0xFFFFFFFF  }
0xa5: {  	s26 =	simm.s32 $execute0_lowered;
	[smem:$0x3FD2] =	sst s25  }
0xa6: {  	s5 =	sshll.u32 s26, $0x1;
	_ =	strace $0x80000046;
	[dreg:$0x1] =	wrdreg $0xFFFFFFFF  }
0xa7: {  	s28 =	simm.s32 $_size_execute0_lowered;
	s3 =	sadd.s32 s3, s5;
	[dreg:$0x0] =	wrdreg $0x0  }
0xa8: {  	s5 =	sshll.u32 s28, $0x1;
	[dreg:$0x2] =	wrdreg s3  }
0xa9: {  	[dreg:$0x3] =	wrdreg s5  }
0xaa: {  	[dreg:$0x4] =	wrdreg $0xC0  }
0xab: {  	_ =	task [dreg:s7], $0x5FFFF  }
0xac: {  	[dreg:$0x1] =	wrdreg $0xFFFFFFFF  }
0xad: {  	[dreg:$0x0] =	wrdreg $0x60  }
0xae: {  	[dreg:$0x2] =	wrdreg s2  }
0xaf: {  	[dreg:$0x3] =	wrdreg s24  }
0xb0: {  	[dreg:$0x4] =	wrdreg $0xB8000  }
0xb1: {  	[dreg:$0x5] =	wrdreg $0x9  }
0xb2: {  	_ =	task.clear_ibuf [dreg:s7], $0x6FFFF;
	_ =	strace $0x90000046  }
0xb3: {  	s29 =	simm.s32 $0x9;
	_ =	strace $0x80000048  }
0xb4: {  	_ =	swait.ge [sflag:s29], $0x1  }
0xb5: {  	[sflag:s29] =	ssyncadd.s32 $0xFFFFFFFF  }
0xb6: {  	_ =	strace $0x90000048  }
0xb7: {  	_ =	sfence  }
0xb8: {  	s30 =	sld [smem:$0x0];
	_ =	sdelay $0x2  }
0xb9: {  	s31 =	sshll.u32 s1, $0xD;
	s1 =	sshrl.u32 s1, $0x2  }
0xba: {  	s3 =	sand.u32 $0x4000, s31;
	s1 =	sadd.s32 s1, s30  }
0xbb: {  	s0 =	sor.u32 s3, s0;
	s1 =	sshll.u32 s1, $0x11  }
0xbc: {  	s0 =	sor.u32 s1, s0  }
0xbd: {  	s0 =	sadd.s32 $0x8F2B, s0  }
0xbe: {  	[sflag:s0] =	ssyncadd.remote.s32 $0x1  }
0xbf: {  	_ =	sfence.sel $0xFFFF  }
0xc0: {  	[dreg:$0x0] =	wrdreg $0xFFFFFFFF;
	(pc) =	sbr.abs _section_cstart, $3  }
0xc1: {  	[dreg:$0x1] =	wrdreg $0xFFFFFFFF  }
0xc2: {  	_ =	task.clear_ibuf [dreg:s7], $0x2FFFF;
	_ =	strace $0x9FFFFFFF  }
0xc3: {  	(tm) =	ssettm $0x7FFFFFFF  }
tec
execute0_lowered:
.L_overlay_start_1:
0x0: {  	(tag) =	ssettag $0x1  }
0x1: {  	s2 =	rddreg [dreg:$0x0]  }
0x2: {  	s0 =	rddreg [dreg:$0x1]  }
0x3: {  	s3 =	rddreg [dreg:$0x2]  }
0x4: {  	s12 =	stileid.u32;
	s1 =	srdreg.scid  }
0x5: {  	s4 =	simm.s32 $0x0;
	s28 =	simm.s32 $0x4800;
	s30 =	simm.s32 $0x8000  }
0x6: {  	s29 =	simm.s32 $0x180;
	s7 =	smul.u32 $0x14000, s12;
	s1 =	sand.u32 $0x1, s1  }
0x7: {  	[smem:$0x7FF] =	sst s4;
	s5 =	sadd.s32 $0x11400, s0;
	s11 =	smul.u32 $0x50000, s12  }
0x8: {  	s6 =	sadd.s32 $0x2400, s0;
	s13 =	sshll.u32 s12, $0x1;
	s16 =	smul.u32 $0x7800, s12  }
0x9: {  	s12 =	sshll.u32 s12, $0x6;
	s8 =	smul.u32 $0x140000, s1;
	_ =	strace $0x80000047  }
0xa: {  	s10 =	ssub.s32 $0x2, s1;
	[dreg:$0x6] =	wrdreg s12;
	s17 =	sor.u32 $0x1C06, s12  }
0xb: {  	s12 =	simm.s32 $0x3;
	s9 =	sshrl.u32 s7, $0x3;
	s14 =	sshrl.u32 s10, $0x1  }
0xc: {  	s15 =	sshrl.u32 s11, $0x2;
	[dreg:$0x8] =	wrdreg s17;
	s11 =	simm.s32 $0x900  }
0xd: {  	s7 =	sadd.s32 s7, s8;
	s31 =	sadd.s32 s9, s0;
	s9 =	sor.u32 s1, s13  }
0xe: {  	s1 =	smul.u32 $0x3C00, s1;
	s13 =	simm.s32 $0x280;
	s7 =	sshrl.u32 s7, $0x3  }
0xf: {  	s9 =	smul.u32 $0x3C00, s9;
	s8 =	sadd.s32 $0x20400, s31;
	s0 =	sadd.s32 s7, s0  }
0x10: {  	s7 =	ssub.s32 s10, s14;
	s10 =	sadd.s32 s15, s3;
	[dreg:$0x7] =	wrdreg s8  }
0x11: {  	s1 =	sadd.s32 s1, s16;
	s14 =	simm.s32 $0x980;
	s0 =	sadd.s32 $0x48400, s0  }
0x12: {  	s16 =	simm.s32 $0x5;
	s7 =	smax.u32 s7, $0x1;
	[dreg:$0xf] =	wrdreg s0  }
0x13: {  	s15 =	simm.s32 $0x0;
	s31 =	sadd.s32 $0x800, s1;
	[dreg:$0x10] =	wrdreg s7  }
0x14: {  	s18 =	sshrl.u32 s9, $0x3;
	s17 =	sshrl.u32 s10, $0x3;
	[dreg:$0x11] =	wrdreg s31  }
0x15: {  	s22 =	sadd.s32 $0xC00, s1;
	s9 =	sadd.s32 s5, s18;
	[dreg:$0x12] =	wrdreg s17  }
0x16: {  	s19 =	sadd.s32 $0x80, s18;
	s20 =	sadd.s32 s6, s18;
	[dreg:$0x9] =	wrdreg s9  }
0x17: {  	s1 =	simm.s32 $0x7;
	[dreg:$0xa] =	wrdreg s20;
	s21 =	sadd.s32 s5, s19  }
0x18: {  	s8 =	sadd.s32 $0x700, s18;
	s9 =	sadd.s32 s6, s19;
	[dreg:$0xb] =	wrdreg s21  }
0x19: {  	s10 =	simm.s32 $0x200;
	s24 =	sadd.s32 s5, s8;
	[dreg:$0xc] =	wrdreg s9  }
0x1a: {  	s23 =	sshrl.u32 s22, $0x3;
	s8 =	sadd.s32 s6, s8;
	[dreg:$0xd] =	wrdreg s24  }
0x1b: {  	s22 =	simm.s32 $0xC00;
	s25 =	sadd.s32 s23, s6;
	[dreg:$0xe] =	wrdreg s8  }
0x1c: {  	s0 =	simm.s32 $0x1;
	s26 =	sadd.s32 s23, s5;
	[dreg:$0x4] =	wrdreg s25  }
0x1d: {  	s23 =	simm.s32 $0x4;
	s19 =	simm.s32 $0xA00;
	[dreg:$0x5] =	wrdreg s26  }
0x1e: {  	s21 =	simm.s32 $0x400;
	s24 =	simm.s32 $0x70;
	s25 =	simm.s32 $0x1000  }
0x1f: {  	s9 =	simm.s32 $0x2;
	s8 =	simm.s32 $0x880;
	s26 =	simm.s32 $0xA80  }
.LBB2_1:
0x20: {  	[dreg:$0x13] =	wrdreg s15  }
0x21: {  	s7 =	rddreg [dreg:$0x7]  }
0x22: {  	s31 =	rddreg [dreg:$0x8]  }
0x23: {  	[spmem:s17], [sflag:s31] =	dma.local [hbm:s7], $0x2800  }
0x24: {  	s7 =	rddreg [dreg:$0x9]  }
0x25: {  	[tilespmem:s4], [sflag:$0x4] =	stream.linear.gather [hbm4b:s7+s4], $0x300, $0x38;
	[tilespmem:$0x1F800] =	vst v63  }
0x26: {  	s20 =	simm.s32 $0x800;
	s17 =	rddreg [dreg:$0xa]  }
0x27: {  	[tilespmem:s20], [sflag:$0x4] =	stream.linear.gather [hbm4b:s17+s4], $0x300, $0x38;
	[tilespmem:$0x1F800] =	vst v63  }
0x28: {  	s18 =	rddreg [dreg:$0xb]  }
0x29: {  	[tilespmem:s21], [sflag:$0x5] =	stream.linear.gather [hbm4b:s18+s4], $0x300, $0x38;
	[tilespmem:$0x1F800] =	vst v63  }
0x2a: {  	s31 =	rddreg [dreg:$0xc]  }
0x2b: {  	[tilespmem:s22], [sflag:$0x5] =	stream.linear.gather [hbm4b:s31+s4], $0x300, $0x38;
	[tilespmem:$0x1F800] =	vst v63  }
0x2c: {  	_ =	swait.ge [sflag:s23], $0x300  }
0x2d: {  	[sflag:s23] =	ssyncset.done $0x0  }
0x2e: {  	[sflag:s23] =	ssyncadd.s32 $0xFFFFFD00  }
0x2f: {  	_ =	swait.ge [sflag:s23], $0x300  }
0x30: {  	[sflag:s23] =	ssyncset.done $0x0  }
0x31: {  	[sflag:s23] =	ssyncadd.s32 $0xFFFFFD00  }
0x32: {  	[tilespmem:s25], [sflag:$0x1] =	stream.indirect.gather [hbm4b:s2+s24], $0x80, s4, s24, $0xb8;
	[tilespmem:$0x1F800] =	vst v63  }
0x33: {  	s17 =	simm.s32 $0x80  }
0x34: {  	[tilespmem:s28], [sflag:$0x2] =	stream.indirect.gather [hbm4b:s2+s24], $0x80, s17, s24, $0xb8;
	[tilespmem:$0x1F800] =	vst v63  }
0x35: {  	s15 =	simm.s32 $0x6;
	s31 =	simm.s32 $0x100  }
0x36: {  	[tilespmem:s30], [sflag:$0x3] =	stream.indirect.gather [hbm4b:s2+s24], $0x80, s31, s24, $0xb8;
	[tilespmem:$0x1F800] =	vst v63  }
0x37: {  	_ =	swait.ge [sflag:s15], $0x2800  }
0x38: {  	[sflag:s15] =	ssyncset.done $0x0  }
0x39: {  	[sflag:s15] =	ssyncadd.s32 $0xFFFFD800  }
0x3a: {  	[bflag:$0x0] =	sbarrier.arrive $0xFFFF  }
0x3b: {  	_ =	swait.ge [sflag:s0], $0x3800  }
0x3c: {  	[sflag:s0] =	ssyncset.done $0x0  }
0x3d: {  	[sflag:s0] =	ssyncadd.s32 $0xFFFFC800  }
0x3e: {  	[spmem:s3] =	stream.indirect.scatter.add.f32 [tilespmem:s25], [sflag:$0x7], $0x80, s20, s24, $0xb8;
	[tilespmem:$0x1F800] =	vst v63  }
0x3f: {  	_ =	swait.ge [sflag:s1], $0x3800  }
0x40: {  	[sflag:s1] =	ssyncset.done $0x0  }
0x41: {  	[sflag:s1] =	ssyncadd.s32 $0xFFFFC800  }
0x42: {  	[tilespmem:s25], [sflag:$0x1] =	stream.indirect.gather [hbm4b:s2+s24], $0x80, s29, s24, $0xb8;
	[tilespmem:$0x1F800] =	vst v63  }
0x43: {  	_ =	swait.ge [sflag:s9], $0x3800  }
0x44: {  	[sflag:s9] =	ssyncset.done $0x0  }
0x45: {  	[sflag:s9] =	ssyncadd.s32 $0xFFFFC800  }
0x46: {  	[spmem:s3] =	stream.indirect.scatter.add.f32 [tilespmem:s28], [sflag:$0x7], $0x80, s8, s24, $0xb8;
	[tilespmem:$0x1F800] =	vst v63  }
0x47: {  	_ =	swait.ge [sflag:s1], $0x3800  }
0x48: {  	[sflag:s1] =	ssyncset.done $0x0  }
0x49: {  	[sflag:s1] =	ssyncadd.s32 $0xFFFFC800  }
0x4a: {  	[tilespmem:s28], [sflag:$0x2] =	stream.indirect.gather [hbm4b:s2+s24], $0x80, s10, s24, $0xb8;
	[tilespmem:$0x1F800] =	vst v63  }
0x4b: {  	_ =	swait.ge [sflag:s12], $0x3800  }
0x4c: {  	[sflag:s12] =	ssyncset.done $0x0  }
0x4d: {  	[sflag:s12] =	ssyncadd.s32 $0xFFFFC800  }
0x4e: {  	[spmem:s3] =	stream.indirect.scatter.add.f32 [tilespmem:s30], [sflag:$0x7], $0x80, s11, s24, $0xb8;
	[tilespmem:$0x1F800] =	vst v63  }
0x4f: {  	_ =	swait.ge [sflag:s1], $0x3800  }
0x50: {  	[sflag:s1] =	ssyncset.done $0x0  }
0x51: {  	[sflag:s1] =	ssyncadd.s32 $0xFFFFC800  }
0x52: {  	[tilespmem:s30], [sflag:$0x3] =	stream.indirect.gather [hbm4b:s2+s24], $0x80, s13, s24, $0xb8;
	[tilespmem:$0x1F800] =	vst v63  }
0x53: {  	_ =	swait.ge [sflag:s0], $0x3800  }
0x54: {  	[sflag:s0] =	ssyncset.done $0x0  }
0x55: {  	[sflag:s0] =	ssyncadd.s32 $0xFFFFC800  }
0x56: {  	[spmem:s3] =	stream.indirect.scatter.add.f32 [tilespmem:s25], [sflag:$0x7], $0x80, s14, s24, $0xb8;
	[tilespmem:$0x1F800] =	vst v63  }
0x57: {  	_ =	swait.ge [sflag:s1], $0x3800  }
0x58: {  	[sflag:s1] =	ssyncset.done $0x0  }
0x59: {  	[sflag:s1] =	ssyncadd.s32 $0xFFFFC800  }
0x5a: {  	_ =	swait.ge [sflag:s16], $0x300  }
0x5b: {  	[sflag:s16] =	ssyncset.done $0x0  }
0x5c: {  	[sflag:s16] =	ssyncadd.s32 $0xFFFFFD00  }
0x5d: {  	_ =	swait.ge [sflag:s16], $0x300  }
0x5e: {  	[sflag:s16] =	ssyncset.done $0x0  }
0x5f: {  	[sflag:s16] =	ssyncadd.s32 $0xFFFFFD00  }
0x60: {  	[tilespmem:s25], [sflag:$0x1] =	stream.indirect.gather [hbm4b:s2+s24], $0x80, s21, s24, $0xb8;
	[tilespmem:$0x1F800] =	vst v63  }
0x61: {  	_ =	swait.ge [sflag:s9], $0x3800  }
0x62: {  	[sflag:s9] =	ssyncset.done $0x0  }
0x63: {  	[sflag:s9] =	ssyncadd.s32 $0xFFFFC800  }
0x64: {  	[spmem:s3] =	stream.indirect.scatter.add.f32 [tilespmem:s28], [sflag:$0x7], $0x80, s19, s24, $0xb8;
	[tilespmem:$0x1F800] =	vst v63  }
0x65: {  	_ =	swait.ge [sflag:s1], $0x3800  }
0x66: {  	[sflag:s1] =	ssyncset.done $0x0  }
0x67: {  	s18 =	simm.s32 $0x480;
	[sflag:s1] =	ssyncadd.s32 $0xFFFFC800  }
0x68: {  	[tilespmem:s28], [sflag:$0x2] =	stream.indirect.gather [hbm4b:s2+s24], $0x80, s18, s24, $0xb8;
	[tilespmem:$0x1F800] =	vst v63  }
0x69: {  	_ =	swait.ge [sflag:s12], $0x3800  }
0x6a: {  	[sflag:s12] =	ssyncset.done $0x0  }
0x6b: {  	[sflag:s12] =	ssyncadd.s32 $0xFFFFC800  }
0x6c: {  	[spmem:s3] =	stream.indirect.scatter.add.f32 [tilespmem:s30], [sflag:$0x7], $0x80, s26, s24, $0xb8;
	[tilespmem:$0x1F800] =	vst v63  }
0x6d: {  	_ =	swait.ge [sflag:s1], $0x3800  }
0x6e: {  	[sflag:s1] =	ssyncset.done $0x0;
	s18 =	rddreg [dreg:$0x11]  }
0x6f: {  	s15 =	simm.s32 $0x500;
	[sflag:s1] =	ssyncadd.s32 $0xFFFFC800;
	s7 =	sshrl.u32 s18, $0x3  }
0x70: {  	[tilespmem:s30], [sflag:$0x3] =	stream.indirect.gather [hbm4b:s2+s24], $0x80, s15, s24, $0xb8;
	[tilespmem:$0x1F800] =	vst v63  }
0x71: {  	s15 =	sadd.s32 s5, s7  }
0x72: {  	[tilespmem:s4], [sflag:$0x4] =	stream.linear.gather [hbm4b:s15+s4], $0x300, $0x38;
	[tilespmem:$0x1F800] =	vst v63  }
0x73: {  	s7 =	sadd.s32 s6, s7  }
0x74: {  	[tilespmem:s20], [sflag:$0x4] =	stream.linear.gather [hbm4b:s7+s4], $0x300, $0x38;
	[tilespmem:$0x1F800] =	vst v63  }
0x75: {  	_ =	swait.ge [sflag:s0], $0x3800  }
0x76: {  	[sflag:s0] =	ssyncset.done $0x0  }
0x77: {  	[sflag:s0] =	ssyncadd.s32 $0xFFFFC800  }
0x78: {  	[spmem:s3] =	stream.indirect.scatter.add.f32 [tilespmem:s25], [sflag:$0x7], $0x80, s22, s24, $0xb8;
	[tilespmem:$0x1F800] =	vst v63  }
0x79: {  	_ =	swait.ge [sflag:s1], $0x3800  }
0x7a: {  	[sflag:s1] =	ssyncset.done $0x0  }
0x7b: {  	s15 =	simm.s32 $0x580;
	[sflag:s1] =	ssyncadd.s32 $0xFFFFC800  }
0x7c: {  	[tilespmem:s25], [sflag:$0x1] =	stream.indirect.gather [hbm4b:s2+s24], $0x80, s15, s24, $0xb8;
	[tilespmem:$0x1F800] =	vst v63  }
0x7d: {  	_ =	swait.ge [sflag:s9], $0x3800  }
0x7e: {  	[sflag:s9] =	ssyncset.done $0x0  }
0x7f: {  	s20 =	simm.s32 $0xC80;
	[sflag:s9] =	ssyncadd.s32 $0xFFFFC800  }
0x80: {  	[spmem:s3] =	stream.indirect.scatter.add.f32 [tilespmem:s28], [sflag:$0x7], $0x80, s20, s24, $0xb8;
	[tilespmem:$0x1F800] =	vst v63  }
0x81: {  	_ =	swait.ge [sflag:s1], $0x3800  }
0x82: {  	[sflag:s1] =	ssyncset.done $0x0  }
0x83: {  	s15 =	simm.s32 $0x600;
	[sflag:s1] =	ssyncadd.s32 $0xFFFFC800  }
0x84: {  	[tilespmem:s28], [sflag:$0x2] =	stream.indirect.gather [hbm4b:s2+s24], $0x80, s15, s24, $0xb8;
	[tilespmem:$0x1F800] =	vst v63  }
0x85: {  	_ =	swait.ge [sflag:s12], $0x3800  }
0x86: {  	[sflag:s12] =	ssyncset.done $0x0  }
0x87: {  	s20 =	simm.s32 $0xD00;
	[sflag:s12] =	ssyncadd.s32 $0xFFFFC800  }
0x88: {  	[spmem:s3] =	stream.indirect.scatter.add.f32 [tilespmem:s30], [sflag:$0x7], $0x80, s20, s24, $0xb8;
	[tilespmem:$0x1F800] =	vst v63  }
0x89: {  	_ =	swait.ge [sflag:s1], $0x3800  }
0x8a: {  	[sflag:s1] =	ssyncset.done $0x0  }
0x8b: {  	s15 =	simm.s32 $0x680;
	[sflag:s1] =	ssyncadd.s32 $0xFFFFC800  }
0x8c: {  	[tilespmem:s30], [sflag:$0x3] =	stream.indirect.gather [hbm4b:s2+s24], $0x80, s15, s24, $0xb8;
	[tilespmem:$0x1F800] =	vst v63  }
0x8d: {  	_ =	swait.ge [sflag:s0], $0x3800  }
0x8e: {  	[sflag:s0] =	ssyncset.done $0x0  }
0x8f: {  	s20 =	simm.s32 $0xD80;
	[sflag:s0] =	ssyncadd.s32 $0xFFFFC800  }
0x90: {  	[spmem:s3] =	stream.indirect.scatter.add.f32 [tilespmem:s25], [sflag:$0x7], $0x80, s20, s24, $0xb8;
	[tilespmem:$0x1F800] =	vst v63  }
0x91: {  	_ =	swait.ge [sflag:s1], $0x3800  }
0x92: {  	[sflag:s1] =	ssyncset.done $0x0  }
0x93: {  	[sflag:s1] =	ssyncadd.s32 $0xFFFFC800  }
0x94: {  	_ =	swait.ge [sflag:s23], $0x300  }
0x95: {  	[sflag:s23] =	ssyncset.done $0x0  }
0x96: {  	[sflag:s23] =	ssyncadd.s32 $0xFFFFFD00  }
0x97: {  	_ =	swait.ge [sflag:s23], $0x300  }
0x98: {  	[sflag:s23] =	ssyncset.done $0x0  }
0x99: {  	[sflag:s23] =	ssyncadd.s32 $0xFFFFFD00  }
0x9a: {  	[tilespmem:s25], [sflag:$0x1] =	stream.indirect.gather [hbm4b:s2+s24], $0x80, s4, s24, $0xb8;
	[tilespmem:$0x1F800] =	vst v63  }
0x9b: {  	_ =	swait.ge [sflag:s9], $0x3800  }
0x9c: {  	[sflag:s9] =	ssyncset.done $0x0  }
0x9d: {  	s15 =	simm.s32 $0xE00;
	[sflag:s9] =	ssyncadd.s32 $0xFFFFC800  }
0x9e: {  	[spmem:s3] =	stream.indirect.scatter.add.f32 [tilespmem:s28], [sflag:$0x7], $0x80, s15, s24, $0xb8;
	[tilespmem:$0x1F800] =	vst v63  }
0x9f: {  	_ =	swait.ge [sflag:s1], $0x3800  }
0xa0: {  	[sflag:s1] =	ssyncset.done $0x0  }
0xa1: {  	[sflag:s1] =	ssyncadd.s32 $0xFFFFC800  }
0xa2: {  	[tilespmem:s28], [sflag:$0x2] =	stream.indirect.gather [hbm4b:s2+s24], $0x80, s17, s24, $0xb8;
	[tilespmem:$0x1F800] =	vst v63  }
0xa3: {  	_ =	swait.ge [sflag:s12], $0x3800  }
0xa4: {  	[sflag:s12] =	ssyncset.done $0x0  }
0xa5: {  	s17 =	simm.s32 $0xE80;
	[sflag:s12] =	ssyncadd.s32 $0xFFFFC800  }
0xa6: {  	[spmem:s3] =	stream.indirect.scatter.add.f32 [tilespmem:s30], [sflag:$0x7], $0x80, s17, s24, $0xb8;
	[tilespmem:$0x1F800] =	vst v63  }
0xa7: {  	_ =	swait.ge [sflag:s1], $0x3800  }
0xa8: {  	[sflag:s1] =	ssyncset.done $0x0  }
0xa9: {  	s20 =	rddreg [dreg:$0x5];
	[sflag:s1] =	ssyncadd.s32 $0xFFFFC800  }
0xaa: {  	[tilespmem:s30], [sflag:$0x3] =	stream.indirect.gather [hbm4b:s2+s24], $0x80, s31, s24, $0xb8;
	[tilespmem:$0x1F800] =	vst v63  }
0xab: {  	s7 =	sadd.s32 $0x0, s20;
	s31 =	rddreg [dreg:$0x4]  }
0xac: {  	[tilespmem:s21], [sflag:$0x5] =	stream.linear.gather [hbm4b:s7+s4], $0x300, $0x38;
	[tilespmem:$0x1F800] =	vst v63  }
0xad: {  	s15 =	simm.s32 $0x100;
	s17 =	sadd.s32 $0x0, s31;
	s7 =	sadd.s32 $0x800, s18  }
.LBB2_2:
0xae: {  	[tilespmem:s22], [sflag:$0x5] =	stream.linear.gather [hbm4b:s17+s4], $0x300, $0x38;
	[tilespmem:$0x1F800] =	vst v63  }
0xaf: {  	_ =	swait.ge [sflag:s0], $0x3800  }
0xb0: {  	[sflag:s0] =	ssyncset.done $0x0  }
0xb1: {  	s20 =	simm.s32 $0x800;
	[sflag:s0] =	ssyncadd.s32 $0xFFFFC800  }
0xb2: {  	[spmem:s3] =	stream.indirect.scatter.add.f32 [tilespmem:s25], [sflag:$0x7], $0x80, s20, s24, $0xb8;
	[tilespmem:$0x1F800] =	vst v63  }
0xb3: {  	_ =	swait.ge [sflag:s1], $0x3800  }
0xb4: {  	[sflag:s1] =	ssyncset.done $0x0  }
0xb5: {  	[sflag:s1] =	ssyncadd.s32 $0xFFFFC800  }
0xb6: {  	[tilespmem:s25], [sflag:$0x1] =	stream.indirect.gather [hbm4b:s2+s24], $0x80, s29, s24, $0xb8;
	[tilespmem:$0x1F800] =	vst v63  }
0xb7: {  	_ =	swait.ge [sflag:s9], $0x3800  }
0xb8: {  	[sflag:s9] =	ssyncset.done $0x0  }
0xb9: {  	[sflag:s9] =	ssyncadd.s32 $0xFFFFC800  }
0xba: {  	[spmem:s3] =	stream.indirect.scatter.add.f32 [tilespmem:s28], [sflag:$0x7], $0x80, s8, s24, $0xb8;
	[tilespmem:$0x1F800] =	vst v63  }
0xbb: {  	_ =	swait.ge [sflag:s1], $0x3800  }
0xbc: {  	[sflag:s1] =	ssyncset.done $0x0  }
0xbd: {  	[sflag:s1] =	ssyncadd.s32 $0xFFFFC800  }
0xbe: {  	[tilespmem:s28], [sflag:$0x2] =	stream.indirect.gather [hbm4b:s2+s24], $0x80, s10, s24, $0xb8;
	[tilespmem:$0x1F800] =	vst v63  }
0xbf: {  	_ =	swait.ge [sflag:s12], $0x3800  }
0xc0: {  	[sflag:s12] =	ssyncset.done $0x0  }
0xc1: {  	[sflag:s12] =	ssyncadd.s32 $0xFFFFC800  }
0xc2: {  	[spmem:s3] =	stream.indirect.scatter.add.f32 [tilespmem:s30], [sflag:$0x7], $0x80, s11, s24, $0xb8;
	[tilespmem:$0x1F800] =	vst v63  }
0xc3: {  	_ =	swait.ge [sflag:s1], $0x3800  }
0xc4: {  	[sflag:s1] =	ssyncset.done $0x0  }
0xc5: {  	[sflag:s1] =	ssyncadd.s32 $0xFFFFC800  }
0xc6: {  	[tilespmem:s30], [sflag:$0x3] =	stream.indirect.gather [hbm4b:s2+s24], $0x80, s13, s24, $0xb8;
	[tilespmem:$0x1F800] =	vst v63  }
0xc7: {  	_ =	swait.ge [sflag:s0], $0x3800  }
0xc8: {  	[sflag:s0] =	ssyncset.done $0x0  }
0xc9: {  	[sflag:s0] =	ssyncadd.s32 $0xFFFFC800  }
0xca: {  	[spmem:s3] =	stream.indirect.scatter.add.f32 [tilespmem:s25], [sflag:$0x7], $0x80, s14, s24, $0xb8;
	[tilespmem:$0x1F800] =	vst v63  }
0xcb: {  	_ =	swait.ge [sflag:s1], $0x3800  }
0xcc: {  	[sflag:s1] =	ssyncset.done $0x0  }
0xcd: {  	[sflag:s1] =	ssyncadd.s32 $0xFFFFC800  }
0xce: {  	_ =	swait.ge [sflag:s16], $0x300  }
0xcf: {  	[sflag:s16] =	ssyncset.done $0x0  }
0xd0: {  	[sflag:s16] =	ssyncadd.s32 $0xFFFFFD00  }
0xd1: {  	_ =	swait.ge [sflag:s16], $0x300  }
0xd2: {  	[sflag:s16] =	ssyncset.done $0x0  }
0xd3: {  	[sflag:s16] =	ssyncadd.s32 $0xFFFFFD00  }
0xd4: {  	[tilespmem:s25], [sflag:$0x1] =	stream.indirect.gather [hbm4b:s2+s24], $0x80, s21, s24, $0xb8;
	[tilespmem:$0x1F800] =	vst v63  }
0xd5: {  	_ =	swait.ge [sflag:s9], $0x3800  }
0xd6: {  	[sflag:s9] =	ssyncset.done $0x0  }
0xd7: {  	[sflag:s9] =	ssyncadd.s32 $0xFFFFC800  }
0xd8: {  	[spmem:s3] =	stream.indirect.scatter.add.f32 [tilespmem:s28], [sflag:$0x7], $0x80, s19, s24, $0xb8;
	[tilespmem:$0x1F800] =	vst v63  }
0xd9: {  	_ =	swait.ge [sflag:s1], $0x3800  }
0xda: {  	[sflag:s1] =	ssyncset.done $0x0  }
0xdb: {  	s18 =	simm.s32 $0x480;
	[sflag:s1] =	ssyncadd.s32 $0xFFFFC800  }
0xdc: {  	[tilespmem:s28], [sflag:$0x2] =	stream.indirect.gather [hbm4b:s2+s24], $0x80, s18, s24, $0xb8;
	[tilespmem:$0x1F800] =	vst v63  }
0xdd: {  	_ =	swait.ge [sflag:s12], $0x3800  }
0xde: {  	[sflag:s12] =	ssyncset.done $0x0  }
0xdf: {  	[sflag:s12] =	ssyncadd.s32 $0xFFFFC800  }
0xe0: {  	[spmem:s3] =	stream.indirect.scatter.add.f32 [tilespmem:s30], [sflag:$0x7], $0x80, s26, s24, $0xb8;
	[tilespmem:$0x1F800] =	vst v63  }
0xe1: {  	_ =	swait.ge [sflag:s1], $0x3800  }
0xe2: {  	[sflag:s1] =	ssyncset.done $0x0  }
0xe3: {  	s31 =	sshrl.u32 s7, $0x3;
	s18 =	simm.s32 $0x500;
	[sflag:s1] =	ssyncadd.s32 $0xFFFFC800  }
0xe4: {  	[tilespmem:s30], [sflag:$0x3] =	stream.indirect.gather [hbm4b:s2+s24], $0x80, s18, s24, $0xb8;
	[tilespmem:$0x1F800] =	vst v63  }
0xe5: {  	s18 =	sadd.s32 s5, s31  }
0xe6: {  	[tilespmem:s4], [sflag:$0x4] =	stream.linear.gather [hbm4b:s18+s4], $0x300, $0x38;
	[tilespmem:$0x1F800] =	vst v63  }
0xe7: {  	s31 =	sadd.s32 s6, s31  }
0xe8: {  	[tilespmem:s20], [sflag:$0x4] =	stream.linear.gather [hbm4b:s31+s4], $0x300, $0x38;
	[tilespmem:$0x1F800] =	vst v63  }
0xe9: {  	_ =	swait.ge [sflag:s0], $0x3800  }
0xea: {  	[sflag:s0] =	ssyncset.done $0x0  }
0xeb: {  	[sflag:s0] =	ssyncadd.s32 $0xFFFFC800  }
0xec: {  	[spmem:s3] =	stream.indirect.scatter.add.f32 [tilespmem:s25], [sflag:$0x7], $0x80, s22, s24, $0xb8;
	[tilespmem:$0x1F800] =	vst v63  }
0xed: {  	_ =	swait.ge [sflag:s1], $0x3800  }
0xee: {  	[sflag:s1] =	ssyncset.done $0x0  }
0xef: {  	s31 =	simm.s32 $0x580;
	[sflag:s1] =	ssyncadd.s32 $0xFFFFC800  }
0xf0: {  	[tilespmem:s25], [sflag:$0x1] =	stream.indirect.gather [hbm4b:s2+s24], $0x80, s31, s24, $0xb8;
	[tilespmem:$0x1F800] =	vst v63  }
0xf1: {  	_ =	swait.ge [sflag:s9], $0x3800  }
0xf2: {  	[sflag:s9] =	ssyncset.done $0x0  }
0xf3: {  	s20 =	simm.s32 $0xC80;
	[sflag:s9] =	ssyncadd.s32 $0xFFFFC800  }
0xf4: {  	[spmem:s3] =	stream.indirect.scatter.add.f32 [tilespmem:s28], [sflag:$0x7], $0x80, s20, s24, $0xb8;
	[tilespmem:$0x1F800] =	vst v63  }
0xf5: {  	_ =	swait.ge [sflag:s1], $0x3800  }
0xf6: {  	[sflag:s1] =	ssyncset.done $0x0  }
0xf7: {  	s31 =	simm.s32 $0x600;
	[sflag:s1] =	ssyncadd.s32 $0xFFFFC800  }
0xf8: {  	[tilespmem:s28], [sflag:$0x2] =	stream.indirect.gather [hbm4b:s2+s24], $0x80, s31, s24, $0xb8;
	[tilespmem:$0x1F800] =	vst v63  }
0xf9: {  	_ =	swait.ge [sflag:s12], $0x3800  }
0xfa: {  	[sflag:s12] =	ssyncset.done $0x0  }
0xfb: {  	s20 =	simm.s32 $0xD00;
	[sflag:s12] =	ssyncadd.s32 $0xFFFFC800  }
0xfc: {  	[spmem:s3] =	stream.indirect.scatter.add.f32 [tilespmem:s30], [sflag:$0x7], $0x80, s20, s24, $0xb8;
	[tilespmem:$0x1F800] =	vst v63  }
0xfd: {  	_ =	swait.ge [sflag:s1], $0x3800  }
0xfe: {  	[sflag:s1] =	ssyncset.done $0x0  }
0xff: {  	s31 =	simm.s32 $0x680;
	[sflag:s1] =	ssyncadd.s32 $0xFFFFC800  }
0x100: {  	[tilespmem:s30], [sflag:$0x3] =	stream.indirect.gather [hbm4b:s2+s24], $0x80, s31, s24, $0xb8;
	[tilespmem:$0x1F800] =	vst v63  }
0x101: {  	_ =	swait.ge [sflag:s0], $0x3800  }
0x102: {  	[sflag:s0] =	ssyncset.done $0x0  }
0x103: {  	s20 =	simm.s32 $0xD80;
	[sflag:s0] =	ssyncadd.s32 $0xFFFFC800  }
0x104: {  	[spmem:s3] =	stream.indirect.scatter.add.f32 [tilespmem:s25], [sflag:$0x7], $0x80, s20, s24, $0xb8;
	[tilespmem:$0x1F800] =	vst v63  }
0x105: {  	_ =	swait.ge [sflag:s1], $0x3800  }
0x106: {  	[sflag:s1] =	ssyncset.done $0x0  }
0x107: {  	[sflag:s1] =	ssyncadd.s32 $0xFFFFC800  }
0x108: {  	_ =	swait.ge [sflag:s23], $0x300  }
0x109: {  	[sflag:s23] =	ssyncset.done $0x0  }
0x10a: {  	[sflag:s23] =	ssyncadd.s32 $0xFFFFFD00  }
0x10b: {  	_ =	swait.ge [sflag:s23], $0x300  }
0x10c: {  	[sflag:s23] =	ssyncset.done $0x0  }
0x10d: {  	[sflag:s23] =	ssyncadd.s32 $0xFFFFFD00  }
0x10e: {  	[tilespmem:s25], [sflag:$0x1] =	stream.indirect.gather [hbm4b:s2+s24], $0x80, s4, s24, $0xb8;
	[tilespmem:$0x1F800] =	vst v63  }
0x10f: {  	_ =	swait.ge [sflag:s9], $0x3800  }
0x110: {  	[sflag:s9] =	ssyncset.done $0x0  }
0x111: {  	s31 =	simm.s32 $0xE00;
	[sflag:s9] =	ssyncadd.s32 $0xFFFFC800  }
0x112: {  	[spmem:s3] =	stream.indirect.scatter.add.f32 [tilespmem:s28], [sflag:$0x7], $0x80, s31, s24, $0xb8;
	[tilespmem:$0x1F800] =	vst v63  }
0x113: {  	_ =	swait.ge [sflag:s1], $0x3800  }
0x114: {  	[sflag:s1] =	ssyncset.done $0x0  }
0x115: {  	s20 =	simm.s32 $0x80;
	[sflag:s1] =	ssyncadd.s32 $0xFFFFC800  }
0x116: {  	[tilespmem:s28], [sflag:$0x2] =	stream.indirect.gather [hbm4b:s2+s24], $0x80, s20, s24, $0xb8;
	[tilespmem:$0x1F800] =	vst v63  }
0x117: {  	s17 =	smov.u32 s15;
	p0 =	sne.s32 s15, $0x500;
	_ =	swait.ge [sflag:s12], $0x3800  }
0x118: {  	s15 =	sadd.s32 $0x100, s15;
	s7 =	sadd.s32 $0x800, s7;
	[sflag:s12] =	ssyncset.done $0x0  }
0x119: {  	s31 =	simm.s32 $0xE80;
	s20 =	smov.u32 s6;
	[sflag:s12] =	ssyncadd.s32 $0xFFFFC800  }
0x11a: {  	[spmem:s3] =	stream.indirect.scatter.add.f32 [tilespmem:s30], [sflag:$0x7], $0x80, s31, s24, $0xb8;
	[tilespmem:$0x1F800] =	vst v63  }
0x11b: {  	s6 =	smov.u32 s5;
	s5 =	simm.s32 $0x100;
	_ =	swait.ge [sflag:s1], $0x3800  }
.Ltmp0:
0x11c: {  	[sflag:s1] =	ssyncset.done $0x0;
	s18 =	rddreg [dreg:$0x5];
	(pc) =	sbr.rel @p0 .LBB2_2-.Ltmp0, $4  }
0x11d: {  	s31 =	rddreg [dreg:$0x4];
	[sflag:s1] =	ssyncadd.s32 $0xFFFFC800;
	s18 =	sadd.s32 s17, s18  }
0x11e: {  	[tilespmem:s30], [sflag:$0x3] =	stream.indirect.gather [hbm4b:s2+s24], $0x80, s5, s24, $0xb8;
	[tilespmem:$0x1F800] =	vst v63  }
0x11f: {  	s17 =	sadd.s32 s17, s31;
	s5 =	smov.u32 s6;
	s6 =	smov.u32 s20  }
0x120: {  	[tilespmem:s21], [sflag:$0x5] =	stream.linear.gather [hbm4b:s18+s4], $0x300, $0x38;
	[tilespmem:$0x1F800] =	vst v63  }
0x121: {  	[tilespmem:s22], [sflag:$0x5] =	stream.linear.gather [hbm4b:s17+s4], $0x300, $0x38;
	[tilespmem:$0x1F800] =	vst v63  }
0x122: {  	_ =	swait.ge [sflag:s0], $0x3800  }
0x123: {  	[sflag:s0] =	ssyncset.done $0x0  }
0x124: {  	s11 =	simm.s32 $0x800;
	[sflag:s0] =	ssyncadd.s32 $0xFFFFC800  }
0x125: {  	[spmem:s3] =	stream.indirect.scatter.add.f32 [tilespmem:s25], [sflag:$0x7], $0x80, s11, s24, $0xb8;
	[tilespmem:$0x1F800] =	vst v63  }
0x126: {  	_ =	swait.ge [sflag:s1], $0x3800  }
0x127: {  	[sflag:s1] =	ssyncset.done $0x0  }
0x128: {  	s8 =	simm.s32 $0x180;
	[sflag:s1] =	ssyncadd.s32 $0xFFFFC800  }
0x129: {  	[tilespmem:s25], [sflag:$0x1] =	stream.indirect.gather [hbm4b:s2+s24], $0x80, s8, s24, $0xb8;
	[tilespmem:$0x1F800] =	vst v63  }
0x12a: {  	_ =	swait.ge [sflag:s9], $0x3800  }
0x12b: {  	[sflag:s9] =	ssyncset.done $0x0  }
0x12c: {  	s10 =	simm.s32 $0x880;
	[sflag:s9] =	ssyncadd.s32 $0xFFFFC800  }
0x12d: {  	[spmem:s3] =	stream.indirect.scatter.add.f32 [tilespmem:s28], [sflag:$0x7], $0x80, s10, s24, $0xb8;
	[tilespmem:$0x1F800] =	vst v63  }
0x12e: {  	_ =	swait.ge [sflag:s1], $0x3800  }
0x12f: {  	[sflag:s1] =	ssyncset.done $0x0  }
0x130: {  	s18 =	simm.s32 $0x200;
	[sflag:s1] =	ssyncadd.s32 $0xFFFFC800  }
0x131: {  	[tilespmem:s28], [sflag:$0x2] =	stream.indirect.gather [hbm4b:s2+s24], $0x80, s18, s24, $0xb8;
	[tilespmem:$0x1F800] =	vst v63  }
0x132: {  	_ =	swait.ge [sflag:s12], $0x3800  }
0x133: {  	[sflag:s12] =	ssyncset.done $0x0  }
0x134: {  	s31 =	simm.s32 $0x900;
	[sflag:s12] =	ssyncadd.s32 $0xFFFFC800  }
0x135: {  	[spmem:s3] =	stream.indirect.scatter.add.f32 [tilespmem:s30], [sflag:$0x7], $0x80, s31, s24, $0xb8;
	[tilespmem:$0x1F800] =	vst v63  }
0x136: {  	_ =	swait.ge [sflag:s1], $0x3800  }
0x137: {  	[sflag:s1] =	ssyncset.done $0x0  }
0x138: {  	s14 =	simm.s32 $0x280;
	[sflag:s1] =	ssyncadd.s32 $0xFFFFC800  }
0x139: {  	[tilespmem:s30], [sflag:$0x3] =	stream.indirect.gather [hbm4b:s2+s24], $0x80, s14, s24, $0xb8;
	[tilespmem:$0x1F800] =	vst v63  }
0x13a: {  	_ =	swait.ge [sflag:s0], $0x3800  }
0x13b: {  	[sflag:s0] =	ssyncset.done $0x0  }
0x13c: {  	s19 =	simm.s32 $0x980;
	[sflag:s0] =	ssyncadd.s32 $0xFFFFC800  }
0x13d: {  	[spmem:s3] =	stream.indirect.scatter.add.f32 [tilespmem:s25], [sflag:$0x7], $0x80, s19, s24, $0xb8;
	[tilespmem:$0x1F800] =	vst v63  }
0x13e: {  	_ =	swait.ge [sflag:s1], $0x3800  }
0x13f: {  	[sflag:s1] =	ssyncset.done $0x0  }
0x140: {  	[sflag:s1] =	ssyncadd.s32 $0xFFFFC800  }
0x141: {  	_ =	swait.ge [sflag:s16], $0x300  }
0x142: {  	[sflag:s16] =	ssyncset.done $0x0  }
0x143: {  	[sflag:s16] =	ssyncadd.s32 $0xFFFFFD00  }
0x144: {  	_ =	swait.ge [sflag:s16], $0x300  }
0x145: {  	[sflag:s16] =	ssyncset.done $0x0  }
0x146: {  	[sflag:s16] =	ssyncadd.s32 $0xFFFFFD00  }
0x147: {  	[tilespmem:s25], [sflag:$0x1] =	stream.indirect.gather [hbm4b:s2+s24], $0x80, s21, s24, $0xb8;
	[tilespmem:$0x1F800] =	vst v63  }
0x148: {  	_ =	swait.ge [sflag:s9], $0x3800  }
0x149: {  	[sflag:s9] =	ssyncset.done $0x0  }
0x14a: {  	s15 =	simm.s32 $0xA00;
	[sflag:s9] =	ssyncadd.s32 $0xFFFFC800  }
0x14b: {  	[spmem:s3] =	stream.indirect.scatter.add.f32 [tilespmem:s28], [sflag:$0x7], $0x80, s15, s24, $0xb8;
	[tilespmem:$0x1F800] =	vst v63  }
0x14c: {  	_ =	swait.ge [sflag:s1], $0x3800  }
0x14d: {  	[sflag:s1] =	ssyncset.done $0x0  }
0x14e: {  	s7 =	simm.s32 $0x480;
	[sflag:s1] =	ssyncadd.s32 $0xFFFFC800  }
0x14f: {  	[tilespmem:s28], [sflag:$0x2] =	stream.indirect.gather [hbm4b:s2+s24], $0x80, s7, s24, $0xb8;
	[tilespmem:$0x1F800] =	vst v63  }
0x150: {  	_ =	swait.ge [sflag:s12], $0x3800  }
0x151: {  	[sflag:s12] =	ssyncset.done $0x0  }
0x152: {  	s17 =	simm.s32 $0xA80;
	[sflag:s12] =	ssyncadd.s32 $0xFFFFC800  }
0x153: {  	[spmem:s3] =	stream.indirect.scatter.add.f32 [tilespmem:s30], [sflag:$0x7], $0x80, s17, s24, $0xb8;
	[tilespmem:$0x1F800] =	vst v63  }
0x154: {  	_ =	swait.ge [sflag:s1], $0x3800  }
0x155: {  	[sflag:s1] =	ssyncset.done $0x0  }
0x156: {  	s13 =	simm.s32 $0x500;
	[sflag:s1] =	ssyncadd.s32 $0xFFFFC800  }
0x157: {  	[tilespmem:s30], [sflag:$0x3] =	stream.indirect.gather [hbm4b:s2+s24], $0x80, s13, s24, $0xb8;
	[tilespmem:$0x1F800] =	vst v63  }
0x158: {  	s20 =	rddreg [dreg:$0xd]  }
0x159: {  	[tilespmem:s4], [sflag:$0x4] =	stream.linear.gather [hbm4b:s20+s4], $0x300, $0x38;
	[tilespmem:$0x1F800] =	vst v63  }
0x15a: {  	s26 =	rddreg [dreg:$0xe]  }
0x15b: {  	[tilespmem:s11], [sflag:$0x4] =	stream.linear.gather [hbm4b:s26+s4], $0x300, $0x38;
	[tilespmem:$0x1F800] =	vst v63  }
0x15c: {  	_ =	swait.ge [sflag:s0], $0x3800  }
0x15d: {  	[sflag:s0] =	ssyncset.done $0x0  }
0x15e: {  	[sflag:s0] =	ssyncadd.s32 $0xFFFFC800  }
0x15f: {  	[spmem:s3] =	stream.indirect.scatter.add.f32 [tilespmem:s25], [sflag:$0x7], $0x80, s22, s24, $0xb8;
	[tilespmem:$0x1F800] =	vst v63  }
0x160: {  	_ =	swait.ge [sflag:s1], $0x3800  }
0x161: {  	[sflag:s1] =	ssyncset.done $0x0  }
0x162: {  	s13 =	simm.s32 $0x580;
	[sflag:s1] =	ssyncadd.s32 $0xFFFFC800  }
0x163: {  	[tilespmem:s25], [sflag:$0x1] =	stream.indirect.gather [hbm4b:s2+s24], $0x80, s13, s24, $0xb8;
	[tilespmem:$0x1F800] =	vst v63  }
0x164: {  	_ =	swait.ge [sflag:s9], $0x3800  }
0x165: {  	[sflag:s9] =	ssyncset.done $0x0  }
0x166: {  	s20 =	simm.s32 $0xC80;
	[sflag:s9] =	ssyncadd.s32 $0xFFFFC800  }
0x167: {  	[spmem:s3] =	stream.indirect.scatter.add.f32 [tilespmem:s28], [sflag:$0x7], $0x80, s20, s24, $0xb8;
	[tilespmem:$0x1F800] =	vst v63  }
0x168: {  	_ =	swait.ge [sflag:s1], $0x3800  }
0x169: {  	[sflag:s1] =	ssyncset.done $0x0  }
0x16a: {  	s26 =	simm.s32 $0x600;
	[sflag:s1] =	ssyncadd.s32 $0xFFFFC800  }
0x16b: {  	[tilespmem:s28], [sflag:$0x2] =	stream.indirect.gather [hbm4b:s2+s24], $0x80, s26, s24, $0xb8;
	[tilespmem:$0x1F800] =	vst v63  }
0x16c: {  	_ =	swait.ge [sflag:s12], $0x3800  }
0x16d: {  	[sflag:s12] =	ssyncset.done $0x0  }
0x16e: {  	s13 =	simm.s32 $0xD00;
	[sflag:s12] =	ssyncadd.s32 $0xFFFFC800  }
0x16f: {  	[spmem:s3] =	stream.indirect.scatter.add.f32 [tilespmem:s30], [sflag:$0x7], $0x80, s13, s24, $0xb8;
	[tilespmem:$0x1F800] =	vst v63  }
0x170: {  	_ =	swait.ge [sflag:s1], $0x3800  }
0x171: {  	[sflag:s1] =	ssyncset.done $0x0  }
0x172: {  	s20 =	simm.s32 $0x680;
	[sflag:s1] =	ssyncadd.s32 $0xFFFFC800  }
0x173: {  	[tilespmem:s30], [sflag:$0x3] =	stream.indirect.gather [hbm4b:s2+s24], $0x80, s20, s24, $0xb8;
	[tilespmem:$0x1F800] =	vst v63  }
0x174: {  	_ =	swait.ge [sflag:s0], $0x3800  }
0x175: {  	[sflag:s0] =	ssyncset.done $0x0  }
0x176: {  	s26 =	simm.s32 $0xD80;
	[sflag:s0] =	ssyncadd.s32 $0xFFFFC800  }
0x177: {  	[spmem:s3] =	stream.indirect.scatter.add.f32 [tilespmem:s25], [sflag:$0x7], $0x80, s26, s24, $0xb8;
	[tilespmem:$0x1F800] =	vst v63  }
0x178: {  	_ =	swait.ge [sflag:s1], $0x3800  }
0x179: {  	[sflag:s1] =	ssyncset.done $0x0  }
0x17a: {  	[sflag:s1] =	ssyncadd.s32 $0xFFFFC800  }
0x17b: {  	_ =	swait.ge [sflag:s23], $0x300  }
0x17c: {  	[sflag:s23] =	ssyncset.done $0x0  }
0x17d: {  	[sflag:s23] =	ssyncadd.s32 $0xFFFFFD00  }
0x17e: {  	_ =	swait.ge [sflag:s23], $0x300  }
0x17f: {  	[sflag:s23] =	ssyncset.done $0x0  }
0x180: {  	[sflag:s23] =	ssyncadd.s32 $0xFFFFFD00  }
0x181: {  	[tilespmem:s25], [sflag:$0x1] =	stream.indirect.gather [hbm4b:s2+s24], $0x80, s4, s24, $0xb8;
	[tilespmem:$0x1F800] =	vst v63  }
0x182: {  	_ =	swait.ge [sflag:s9], $0x3800  }
0x183: {  	[sflag:s9] =	ssyncset.done $0x0  }
0x184: {  	s13 =	simm.s32 $0xE00;
	[sflag:s9] =	ssyncadd.s32 $0xFFFFC800  }
0x185: {  	[spmem:s3] =	stream.indirect.scatter.add.f32 [tilespmem:s28], [sflag:$0x7], $0x80, s13, s24, $0xb8;
	[tilespmem:$0x1F800] =	vst v63  }
0x186: {  	_ =	swait.ge [sflag:s1], $0x3800  }
0x187: {  	[sflag:s1] =	ssyncset.done $0x0  }
0x188: {  	s20 =	simm.s32 $0x80;
	[sflag:s1] =	ssyncadd.s32 $0xFFFFC800  }
0x189: {  	[tilespmem:s28], [sflag:$0x2] =	stream.indirect.gather [hbm4b:s2+s24], $0x80, s20, s24, $0xb8;
	[tilespmem:$0x1F800] =	vst v63  }
0x18a: {  	_ =	swait.ge [sflag:s12], $0x3800  }
0x18b: {  	[sflag:s12] =	ssyncset.done $0x0  }
0x18c: {  	s26 =	simm.s32 $0xE80;
	[sflag:s12] =	ssyncadd.s32 $0xFFFFC800  }
0x18d: {  	[spmem:s3] =	stream.indirect.scatter.add.f32 [tilespmem:s30], [sflag:$0x7], $0x80, s26, s24, $0xb8;
	[tilespmem:$0x1F800] =	vst v63  }
0x18e: {  	_ =	swait.ge [sflag:s1], $0x3800  }
0x18f: {  	[sflag:s1] =	ssyncset.done $0x0  }
0x190: {  	s13 =	simm.s32 $0x100;
	[sflag:s1] =	ssyncadd.s32 $0xFFFFC800  }
0x191: {  	[tilespmem:s30], [sflag:$0x3] =	stream.indirect.gather [hbm4b:s2+s24], $0x80, s13, s24, $0xb8;
	[tilespmem:$0x1F800] =	vst v63  }
0x192: {  	_ =	swait.ge [sflag:s0], $0x3800  }
0x193: {  	[sflag:s0] =	ssyncset.done $0x0  }
0x194: {  	[sflag:s0] =	ssyncadd.s32 $0xFFFFC800  }
0x195: {  	[spmem:s3] =	stream.indirect.scatter.add.f32 [tilespmem:s25], [sflag:$0x7], $0x80, s11, s24, $0xb8;
	[tilespmem:$0x1F800] =	vst v63  }
0x196: {  	_ =	swait.ge [sflag:s1], $0x3800  }
0x197: {  	[sflag:s1] =	ssyncset.done $0x0  }
0x198: {  	[sflag:s1] =	ssyncadd.s32 $0xFFFFC800  }
0x199: {  	[tilespmem:s25], [sflag:$0x1] =	stream.indirect.gather [hbm4b:s2+s24], $0x80, s8, s24, $0xb8;
	[tilespmem:$0x1F800] =	vst v63  }
0x19a: {  	_ =	swait.ge [sflag:s9], $0x3800  }
0x19b: {  	[sflag:s9] =	ssyncset.done $0x0  }
0x19c: {  	[sflag:s9] =	ssyncadd.s32 $0xFFFFC800  }
0x19d: {  	[spmem:s3] =	stream.indirect.scatter.add.f32 [tilespmem:s28], [sflag:$0x7], $0x80, s10, s24, $0xb8;
	[tilespmem:$0x1F800] =	vst v63  }
0x19e: {  	_ =	swait.ge [sflag:s1], $0x3800  }
0x19f: {  	[sflag:s1] =	ssyncset.done $0x0  }
0x1a0: {  	[sflag:s1] =	ssyncadd.s32 $0xFFFFC800  }
0x1a1: {  	[tilespmem:s28], [sflag:$0x2] =	stream.indirect.gather [hbm4b:s2+s24], $0x80, s18, s24, $0xb8;
	[tilespmem:$0x1F800] =	vst v63  }
0x1a2: {  	_ =	swait.ge [sflag:s12], $0x3800  }
0x1a3: {  	[sflag:s12] =	ssyncset.done $0x0  }
0x1a4: {  	[sflag:s12] =	ssyncadd.s32 $0xFFFFC800  }
0x1a5: {  	[spmem:s3] =	stream.indirect.scatter.add.f32 [tilespmem:s30], [sflag:$0x7], $0x80, s31, s24, $0xb8;
	[tilespmem:$0x1F800] =	vst v63  }
0x1a6: {  	_ =	swait.ge [sflag:s1], $0x3800  }
0x1a7: {  	[sflag:s1] =	ssyncset.done $0x0  }
0x1a8: {  	[sflag:s1] =	ssyncadd.s32 $0xFFFFC800  }
0x1a9: {  	[tilespmem:s30], [sflag:$0x3] =	stream.indirect.gather [hbm4b:s2+s24], $0x80, s14, s24, $0xb8;
	[tilespmem:$0x1F800] =	vst v63  }
0x1aa: {  	_ =	swait.ge [sflag:s0], $0x3800  }
0x1ab: {  	[sflag:s0] =	ssyncset.done $0x0  }
0x1ac: {  	[sflag:s0] =	ssyncadd.s32 $0xFFFFC800  }
0x1ad: {  	[spmem:s3] =	stream.indirect.scatter.add.f32 [tilespmem:s25], [sflag:$0x7], $0x80, s19, s24, $0xb8;
	[tilespmem:$0x1F800] =	vst v63  }
0x1ae: {  	_ =	swait.ge [sflag:s1], $0x3800  }
0x1af: {  	[sflag:s1] =	ssyncset.done $0x0  }
0x1b0: {  	[sflag:s1] =	ssyncadd.s32 $0xFFFFC800  }
0x1b1: {  	_ =	swait.ge [sflag:s9], $0x3800  }
0x1b2: {  	[sflag:s9] =	ssyncset.done $0x0  }
0x1b3: {  	[sflag:s9] =	ssyncadd.s32 $0xFFFFC800  }
0x1b4: {  	[spmem:s3] =	stream.indirect.scatter.add.f32 [tilespmem:s28], [sflag:$0x7], $0x80, s15, s24, $0xb8;
	[tilespmem:$0x1F800] =	vst v63  }
0x1b5: {  	_ =	swait.ge [sflag:s1], $0x3800  }
0x1b6: {  	[sflag:s1] =	ssyncset.done $0x0  }
0x1b7: {  	[sflag:s1] =	ssyncadd.s32 $0xFFFFC800  }
0x1b8: {  	_ =	swait.ge [sflag:s12], $0x3800  }
0x1b9: {  	[sflag:s12] =	ssyncset.done $0x0  }
0x1ba: {  	[sflag:s12] =	ssyncadd.s32 $0xFFFFC800  }
0x1bb: {  	[spmem:s3] =	stream.indirect.scatter.add.f32 [tilespmem:s30], [sflag:$0x7], $0x80, s17, s24, $0xb8;
	[tilespmem:$0x1F800] =	vst v63  }
0x1bc: {  	_ =	swait.ge [sflag:s1], $0x3800  }
0x1bd: {  	[sflag:s1] =	ssyncset.done $0x0  }
0x1be: {  	[sflag:s1] =	ssyncadd.s32 $0xFFFFC800  }
0x1bf: {  	[bflag:$0x0] =	sbarrier.arrive $0xFFFF  }
0x1c0: {  	s17 =	rddreg [dreg:$0x6]  }
0x1c1: {  	s18 =	rddreg [dreg:$0xf]  }
0x1c2: {  	s7 =	sor.u32 $0x1C07, s17;
	s17 =	rddreg [dreg:$0x12]  }
0x1c3: {  	[hbm:s18], [sflag:s7] =	dma.local [spmem:s17], $0x2800  }
0x1c4: {  	_ =	swait.ge [sflag:s1], $0x2800  }
0x1c5: {  	s20 =	rddreg [dreg:$0x13]  }
0x1c6: {  	s31 =	rddreg [dreg:$0x10];
	s15 =	sadd.s32 $0x1, s20  }
0x1c7: {  	p0 =	sne.s32 s15, s31  }
.Ltmp1:
0x1c8: {  	_ = 	snop;
	(pc) =	sbr.rel @p0 .LBB2_1-.Ltmp1, $4  }
0x1c9: {  	s29 =	simm.s32 $0x180  }
0x1ca: {  	s26 =	simm.s32 $0xA80;
	s13 =	simm.s32 $0x280;
	s11 =	simm.s32 $0x900  }
0x1cb: {  	s8 =	simm.s32 $0x880;
	s10 =	simm.s32 $0x200;
	[sflag:s1] =	ssyncset.done $0x0  }
0x1cc: {  	s14 =	simm.s32 $0x980;
	s19 =	simm.s32 $0xA00;
	[sflag:s1] =	ssyncadd.s32 $0xFFFFD800  }
0x1cd: {  	_ =	sfence.sel $0x180000  }
0x1ce: {  	[bflag:$0x0] =	sbarrier.arrive $0xFFFF  }
0x1cf: {  	_ =	strace $0x90000047  }
0x1d0: {  	s0 =	stileid.u32;
	[bflag:$0x2] =	sbarrier.arrive $0xFFFF  }
0x1d1: {  	p0 =	sne.s32 s0, $0x0;
	s0 =	rddreg [dreg:$0x3]  }
0x1d2: {  	s0 =	sadd.s32 @!p0 $0x100000, s0  }
0x1d3: {  	[sflag:s0] =	ssyncadd.tile.s32 @!p0 $0x1;
	_ =	shalt  }
.Lfunc_end2:
_tile_overlayer_lowered:
.L_overlay_start_2:
0x1d4: {  	(tag) =	ssettag $0x2  }
0x1d5: {  	s0 =	rddreg [dreg:$0x0];
	s2 =	stileid.u32  }
0x1d6: {  	s1 =	rddreg [dreg:$0x1];
	p0 =	sne.s32 s2, $0x0  }
0x1d7: {  	s3 =	rddreg [dreg:$0x2];
	[bflag:$0x3] =	sbarrier.arrive $0xFFFF;
	s2 =	simm.s32 @!p0 $0x1C07  }
0x1d8: {  	[timem:s3], [sflag:s2] =	dma.local @!p0 [hbm:s0], s1  }
0x1d9: {  	s0 =	simm.s32 @!p0 $0x7  }
0x1da: {  	_ =	swait.ge @!p0 [sflag:s0], s1  }
0x1db: {  	s1 =	ssub.s32 @!p0 $0x0, s1;
	[sflag:s0] =	ssyncset.done @!p0 $0x0  }
0x1dc: {  	[sflag:s0] =	ssyncadd.s32 @!p0 s1  }
0x1dd: {  	[bflag:$0x3] =	sbarrier.arrive $0xFFFF  }
0x1de: {  	_ =	shalt  }

// kernel: kernel.9.cloned.1.call-start
scs
__scs_entry_jumppad:
0x0: {  	(pc) =	sbr.rel $0x88, $3  }
0x1: {  	(tag) =	ssettag $0x0;
	lr =	simm.s32 $0x1  }
0x2: {  	[smem:$0x3F97] =	sst lr;
	_ =	strace $0xD0000000  }
0x3: {  	_ = 	snop  }
0x4: {  	_ = 	snop  }
0x5: {  	_ = 	snop  }
0x6: {  	_ = 	snop  }
0x7: {  	_ = 	snop  }
__scs_overlays_trampoline_lowered:
0x8: {  	[smem:$0x3FA6] =	sst s0  }
0x9: {  	[smem:$0x3FA7] =	sst s1  }
0xa: {  	[smem:$0x3FA8] =	sst s2  }
0xb: {  	[smem:$0x3FA9] =	sst s3  }
0xc: {  	[smem:$0x3FAA] =	sst s4  }
0xd: {  	[smem:$0x3FAB] =	sst s5  }
0xe: {  	[smem:$0x3FAC] =	sst s6  }
0xf: {  	[smem:$0x3FAD] =	sst s7  }
0x10: {  	[smem:$0x3FAE] =	sst s8  }
0x11: {  	[smem:$0x3FAF] =	sst s9;
	s0 =	simm.s32 @!p0 $0x0  }
0x12: {  	s1 =	sld [smem:$0x3F95];
	s0 =	simm.s32 @p0 $0x1  }
0x13: {  	[smem:$0x3FB0] =	sst s0;
	s0 =	simm.s32 @!p1 $0x0  }
0x14: {  	s2 =	sld [smem:$0x3F94];
	s0 =	simm.s32 @p1 $0x1  }
0x15: {  	[smem:$0x3FB1] =	sst s0;
	s0 =	simm.s32 @!p2 $0x0  }
0x16: {  	s3 =	sld [smem:$0x3FDB];
	s0 =	simm.s32 @p2 $0x1  }
0x17: {  	s4 =	simm.s32 $0x1BF5;
	[smem:$0x3FB3] =	sst s0  }
0x18: {  	s0 =	sld [smem:$0x3F96];
	_ =	swait.ge [sflag:s4], $0x0  }
0x19: {  	s7 =	sld [smem:$0x3F97]  }
0x1a: {  	s8 =	sadd.s32 $0xFFFFE003, lr  }
0x1b: {  	s9 =	sadd.s32 $0xFFFFFEF7, lr;
	s5 =	simm.s32 $0xFFFFFFFF;
	p2 =	slt.u32 s8, $0xFFFFF086  }
0x1c: {  	p1 =	slt.u32 s9, $0xF7A;
	s5 =	simm.s32 @!p2 $0x0  }
0x1d: {  	s5 =	simm.s32 @p1 $0x1;
	p0 =	seq.s32 s7, s2  }
0x1e: {  	s7 =	smul.u32 @!p0 $0xF7A, s2;
	p2 =	seq.s32 @!p0 s5, $0x0  }
0x1f: {  	s9 =	smul.u32 $0xF7A, s1;
	s8 =	simm.s32 @!p0 $0x1BF5;
	p2 =	por !p2, p0  }
0x20: {  	[sflag:s8] =	ssyncset.s32 @!p0 $0xFFFFF086;
	s6 =	sadd.s32 @!p0 s3, s7;
	s7 =	simm.s32 @!p0 $0x108  }
0x21: {  	s3 =	sadd.s32 s3, s9;
	s6 =	sadd.s32 @!p0 $0x88, s6;
	s7 =	simm.s32 @p2 $0x1082  }
0x22: {  	[simem:s7], [sflag:s8] =	dma.local @!p0 [hbm:s6], $0xF7A  }
0x23: {  	s9 =	sor.u32 $0xD0000000, s2;
	s6 =	simm.s32 $0x108;
	_ =	swait.ge @!p0 [sflag:s8], $0x0  }
0x24: {  	s3 =	sadd.s32 $0x88, s3;
	s6 =	simm.s32 @!p1 $0x1082;
	[sflag:s4] =	ssyncset.s32 $0xFFFFF086  }
0x25: {  	[simem:s6], [sflag:s4] =	dma.local [hbm:s3], $0xF7A  }
0x26: {  	[smem:$0x3F97] =	sst s1;
	(tag) =	ssettag s2;
	_ =	strace s9  }
0x27: {  	s1 =	sld [smem:$0x3FA7]  }
0x28: {  	s2 =	sld [smem:$0x3FA8]  }
0x29: {  	s4 =	sld [smem:$0x3FAA]  }
0x2a: {  	p0 =	seq.s32 s5, $0x0;
	s5 =	sld [smem:$0x3FAB]  }
0x2b: {  	s6 =	sld [smem:$0x3FAC]  }
0x2c: {  	s7 =	sld [smem:$0x3FAD]  }
0x2d: {  	s3 =	simm.s32 $0x108;
	s8 =	sld [smem:$0x3FAE]  }
0x2e: {  	s3 =	simm.s32 @!p0 $0x1082;
	s9 =	sld [smem:$0x3FAF]  }
0x2f: {  	lr =	sadd.s32 s0, s3;
	s0 =	sld [smem:$0x3FA6]  }
0x30: {  	s3 =	sld [smem:$0x3FA9]  }
0x31: {  	[smem:$0x3FB2] =	sst s10  }
0x32: {  	s10 =	sld [smem:$0x3FB0];
	_ =	sdelay $0x3  }
0x33: {  	p0 =	seq.s32 s10, $0x1;
	s10 =	sld [smem:$0x3FB2];
	_ =	sdelay $0x3  }
0x34: {  	[smem:$0x3FB2] =	sst s10  }
0x35: {  	s10 =	sld [smem:$0x3FB1];
	_ =	sdelay $0x3  }
0x36: {  	p1 =	seq.s32 s10, $0x1;
	s10 =	sld [smem:$0x3FB2];
	_ =	sdelay $0x3  }
0x37: {  	[smem:$0x3FB2] =	sst s10  }
0x38: {  	s10 =	sld [smem:$0x3FB3]  }
0x39: {  	_ = 	snop;
	(pc) =	sbr.ind lr, $3  }
0x3a: {  	_ = 	snop  }
0x3b: {  	_ = 	snop  }
0x3c: {  	p2 =	seq.s32 s10, $0x1;
	s10 =	sld [smem:$0x3FB2]  }
0x3d: {  	_ =	shalt  }
0x3e: {  	_ =	shalt  }
0x3f: {  	_ =	shalt  }
0x40: {  	_ =	shalt  }
0x41: {  	_ =	shalt  }
0x42: {  	_ =	shalt  }
0x43: {  	_ =	shalt  }
0x44: {  	_ =	shalt  }
0x45: {  	_ =	shalt  }
0x46: {  	_ =	shalt  }
0x47: {  	_ =	shalt  }
0x48: {  	_ =	shalt  }
0x49: {  	_ =	shalt  }
0x4a: {  	_ =	shalt  }
0x4b: {  	_ =	shalt  }
0x4c: {  	_ =	shalt  }
0x4d: {  	_ =	shalt  }
0x4e: {  	_ =	shalt  }
0x4f: {  	_ =	shalt  }
0x50: {  	_ =	shalt  }
0x51: {  	_ =	shalt  }
0x52: {  	_ =	shalt  }
0x53: {  	_ =	shalt  }
0x54: {  	_ =	shalt  }
0x55: {  	_ =	shalt  }
0x56: {  	_ =	shalt  }
0x57: {  	_ =	shalt  }
0x58: {  	_ =	shalt  }
0x59: {  	_ =	shalt  }
0x5a: {  	_ =	shalt  }
0x5b: {  	_ =	shalt  }
0x5c: {  	_ =	shalt  }
0x5d: {  	_ =	shalt  }
0x5e: {  	_ =	shalt  }
0x5f: {  	_ =	shalt  }
0x60: {  	_ =	shalt  }
0x61: {  	_ =	shalt  }
0x62: {  	_ =	shalt  }
0x63: {  	_ =	shalt  }
0x64: {  	_ =	shalt  }
0x65: {  	_ =	shalt  }
0x66: {  	_ =	shalt  }
0x67: {  	_ =	shalt  }
0x68: {  	_ =	shalt  }
0x69: {  	_ =	shalt  }
0x6a: {  	_ =	shalt  }
0x6b: {  	_ =	shalt  }
0x6c: {  	_ =	shalt  }
0x6d: {  	_ =	shalt  }
0x6e: {  	_ =	shalt  }
0x6f: {  	_ =	shalt  }
0x70: {  	_ =	shalt  }
0x71: {  	_ =	shalt  }
0x72: {  	_ =	shalt  }
0x73: {  	_ =	shalt  }
0x74: {  	_ =	shalt  }
0x75: {  	_ =	shalt  }
0x76: {  	_ =	shalt  }
0x77: {  	_ =	shalt  }
0x78: {  	_ =	shalt  }
0x79: {  	_ =	shalt  }
0x7a: {  	_ =	shalt  }
0x7b: {  	_ =	shalt  }
0x7c: {  	_ =	shalt  }
0x7d: {  	_ =	shalt  }
0x7e: {  	_ =	shalt  }
0x7f: {  	_ =	shalt  }
0x80: {  	_ =	shalt  }
0x81: {  	_ =	shalt  }
0x82: {  	_ =	shalt  }
0x83: {  	_ =	shalt  }
0x84: {  	_ =	shalt  }
0x85: {  	_ =	shalt  }
0x86: {  	_ =	shalt  }
0x87: {  	_ =	shalt  }
.Lfunc_end0:
.L_simem_size_0:
called_computation.1_lowered:
.L_overlay_start_0:
0x88: {  	s2 =	sld [smem:$0x3FD9]  }
0x89: {  	s3 =	sld [smem:$0x3FFE];
	_ =	sdelay $0x1  }
0x8a: {  	s1 =	srdreg.scid  }
0x8b: {  	s0 =	sand.u32 $0x1, s1  }
0x8c: {  	s17 =	sshll.u32 s0, $0xA;
	s2 =	sadd.s32 s3, s2  }
0x8d: {  	s2 =	sadd.s32 s2, s17  }
0x8e: {  	[smem:$0x3FBE] =	sst s2  }
0x8f: {  	_ = 	snop  }
0x90: {  	s2 =	sld [smem:$0x3FD0];
	(tm) =	ssettm $0x1  }
0x91: {  	s18 =	sld [smem:$0x3FFB];
	_ =	sdelay $0x3  }
0x92: {  	_ =	strace s18  }
0x93: {  	s3 =	sld [smem:$0x3FFC];
	_ =	sdelay $0x3  }
0x94: {  	_ =	strace s3  }
0x95: {  	s3 =	sld [smem:$0x3FFD];
	_ =	sdelay $0x3  }
0x96: {  	_ =	strace s3  }
0x97: {  	_ =	strace $0x8FFFFFFF  }
0x98: {  	s19 =	sld [smem:$0x3FDB];
	_ =	sdelay $0x1  }
0x99: {  	s4 =	simm.s32 $_scs_section_size  }
0x9a: {  	s5 =	simm.s32 $_size__tile_overlayer_lowered;
	s6 =	simm.s32 $_tile_overlayer_lowered  }
0x9b: {  	s22 =	simm.s32 $0x1BFF;
	s21 =	sshll.u32 s6, $0x1;
	s3 =	sadd.s32 s4, s19  }
0x9c: {  	s7 =	simm.s32 $0x0;
	s20 =	sshll.u32 s5, $0x1;
	s5 =	sadd.s32 s21, s3  }
0x9d: {  	[timem:s7], [sflag:s22] =	dma.local [hbm:s5], s20  }
0x9e: {  	_ =	swait.ge [sflag:s22], s20  }
0x9f: {  	s4 =	ssub.s32 $0x0, s20;
	[sflag:s22] =	ssyncset.done $0x0  }
0xa0: {  	[sflag:s22] =	ssyncadd.s32 s4;
	_ =	sdelay $0x1  }
0xa1: {  	s23 =	simm.s32 $0x1B8B  }
0xa2: {  	_ =	swait.ge [sflag:s23], $0x1  }
0xa3: {  	[sflag:s23] =	ssyncset.done $0x0  }
0xa4: {  	s25 =	simm.s32 $0x1B8E;
	s24 =	sld [smem:$0x3FFE];
	[sflag:s23] =	ssyncadd.s32 $0xFFFFFFFF  }
0xa5: {  	s26 =	simm.s32 $execute0_lowered;
	[smem:$0x3FD2] =	sst s25  }
0xa6: {  	s5 =	sshll.u32 s26, $0x1;
	_ =	strace $0x80000049;
	[dreg:$0x1] =	wrdreg $0xFFFFFFFF  }
0xa7: {  	s28 =	simm.s32 $_size_execute0_lowered;
	s3 =	sadd.s32 s3, s5;
	[dreg:$0x0] =	wrdreg $0x0  }
0xa8: {  	s5 =	sshll.u32 s28, $0x1;
	[dreg:$0x2] =	wrdreg s3  }
0xa9: {  	[dreg:$0x3] =	wrdreg s5  }
0xaa: {  	[dreg:$0x4] =	wrdreg $0xC0  }
0xab: {  	_ =	task [dreg:s7], $0x5FFFF  }
0xac: {  	[dreg:$0x1] =	wrdreg $0xFFFFFFFF  }
0xad: {  	[dreg:$0x0] =	wrdreg $0x60  }
0xae: {  	[dreg:$0x2] =	wrdreg s2  }
0xaf: {  	[dreg:$0x3] =	wrdreg s24  }
0xb0: {  	[dreg:$0x4] =	wrdreg $0xB8000  }
0xb1: {  	[dreg:$0x5] =	wrdreg $0x9  }
0xb2: {  	_ =	task.clear_ibuf [dreg:s7], $0x6FFFF;
	_ =	strace $0x90000049  }
0xb3: {  	s29 =	simm.s32 $0x9;
	_ =	strace $0x8000004B  }
0xb4: {  	_ =	swait.ge [sflag:s29], $0x1  }
0xb5: {  	[sflag:s29] =	ssyncadd.s32 $0xFFFFFFFF  }
0xb6: {  	_ =	strace $0x9000004B  }
0xb7: {  	_ =	sfence  }
0xb8: {  	s30 =	sld [smem:$0x0];
	_ =	sdelay $0x2  }
0xb9: {  	s31 =	sshll.u32 s1, $0xD;
	s1 =	sshrl.u32 s1, $0x2  }
0xba: {  	s3 =	sand.u32 $0x4000, s31;
	s1 =	sadd.s32 s1, s30  }
0xbb: {  	s0 =	sor.u32 s3, s0;
	s1 =	sshll.u32 s1, $0x11  }
0xbc: {  	s0 =	sor.u32 s1, s0  }
0xbd: {  	s0 =	sadd.s32 $0x8F2B, s0  }
0xbe: {  	[sflag:s0] =	ssyncadd.remote.s32 $0x1  }
0xbf: {  	_ =	sfence.sel $0xFFFF  }
0xc0: {  	[dreg:$0x0] =	wrdreg $0xFFFFFFFF;
	(pc) =	sbr.abs _section_cstart, $3  }
0xc1: {  	[dreg:$0x1] =	wrdreg $0xFFFFFFFF  }
0xc2: {  	_ =	task.clear_ibuf [dreg:s7], $0x2FFFF;
	_ =	strace $0x9FFFFFFF  }
0xc3: {  	(tm) =	ssettm $0x7FFFFFFF  }
tec
execute0_lowered:
.L_overlay_start_1:
0x0: {  	(tag) =	ssettag $0x1  }
0x1: {  	s2 =	rddreg [dreg:$0x0]  }
0x2: {  	s0 =	rddreg [dreg:$0x1]  }
0x3: {  	s3 =	rddreg [dreg:$0x2]  }
0x4: {  	s12 =	stileid.u32;
	s1 =	srdreg.scid  }
0x5: {  	s4 =	simm.s32 $0x0;
	s28 =	simm.s32 $0x4800;
	s30 =	simm.s32 $0x8000  }
0x6: {  	s29 =	simm.s32 $0x180;
	s7 =	smul.u32 $0x14000, s12;
	s1 =	sand.u32 $0x1, s1  }
0x7: {  	[smem:$0x7FF] =	sst s4;
	s5 =	sadd.s32 $0x11400, s0;
	s11 =	smul.u32 $0x50000, s12  }
0x8: {  	s6 =	sadd.s32 $0x2400, s0;
	s13 =	sshll.u32 s12, $0x1;
	s16 =	smul.u32 $0x7800, s12  }
0x9: {  	s12 =	sshll.u32 s12, $0x6;
	s8 =	smul.u32 $0x140000, s1;
	_ =	strace $0x8000004A  }
0xa: {  	s10 =	ssub.s32 $0x2, s1;
	[dreg:$0x6] =	wrdreg s12;
	s17 =	sor.u32 $0x1C06, s12  }
0xb: {  	s12 =	simm.s32 $0x3;
	s9 =	sshrl.u32 s7, $0x3;
	s14 =	sshrl.u32 s10, $0x1  }
0xc: {  	s15 =	sshrl.u32 s11, $0x2;
	[dreg:$0x8] =	wrdreg s17;
	s11 =	simm.s32 $0x900  }
0xd: {  	s7 =	sadd.s32 s7, s8;
	s31 =	sadd.s32 s9, s0;
	s9 =	sor.u32 s1, s13  }
0xe: {  	s1 =	smul.u32 $0x3C00, s1;
	s13 =	simm.s32 $0x280;
	s7 =	sshrl.u32 s7, $0x3  }
0xf: {  	s9 =	smul.u32 $0x3C00, s9;
	s8 =	sadd.s32 $0x20400, s31;
	s0 =	sadd.s32 s7, s0  }
0x10: {  	s7 =	ssub.s32 s10, s14;
	s10 =	sadd.s32 s15, s3;
	[dreg:$0x7] =	wrdreg s8  }
0x11: {  	s1 =	sadd.s32 s1, s16;
	s14 =	simm.s32 $0x980;
	s0 =	sadd.s32 $0x48400, s0  }
0x12: {  	s16 =	simm.s32 $0x5;
	s7 =	smax.u32 s7, $0x1;
	[dreg:$0xf] =	wrdreg s0  }
0x13: {  	s15 =	simm.s32 $0x0;
	s31 =	sadd.s32 $0x800, s1;
	[dreg:$0x10] =	wrdreg s7  }
0x14: {  	s18 =	sshrl.u32 s9, $0x3;
	s17 =	sshrl.u32 s10, $0x3;
	[dreg:$0x11] =	wrdreg s31  }
0x15: {  	s22 =	sadd.s32 $0xC00, s1;
	s9 =	sadd.s32 s5, s18;
	[dreg:$0x12] =	wrdreg s17  }
0x16: {  	s19 =	sadd.s32 $0x80, s18;
	s20 =	sadd.s32 s6, s18;
	[dreg:$0x9] =	wrdreg s9  }
0x17: {  	s1 =	simm.s32 $0x7;
	[dreg:$0xa] =	wrdreg s20;
	s21 =	sadd.s32 s5, s19  }
0x18: {  	s8 =	sadd.s32 $0x700, s18;
	s9 =	sadd.s32 s6, s19;
	[dreg:$0xb] =	wrdreg s21  }
0x19: {  	s10 =	simm.s32 $0x200;
	s24 =	sadd.s32 s5, s8;
	[dreg:$0xc] =	wrdreg s9  }
0x1a: {  	s23 =	sshrl.u32 s22, $0x3;
	s8 =	sadd.s32 s6, s8;
	[dreg:$0xd] =	wrdreg s24  }
0x1b: {  	s22 =	simm.s32 $0xC00;
	s25 =	sadd.s32 s23, s6;
	[dreg:$0xe] =	wrdreg s8  }
0x1c: {  	s0 =	simm.s32 $0x1;
	s26 =	sadd.s32 s23, s5;
	[dreg:$0x4] =	wrdreg s25  }
0x1d: {  	s23 =	simm.s32 $0x4;
	s19 =	simm.s32 $0xA00;
	[dreg:$0x5] =	wrdreg s26  }
0x1e: {  	s21 =	simm.s32 $0x400;
	s24 =	simm.s32 $0x70;
	s25 =	simm.s32 $0x1000  }
0x1f: {  	s9 =	simm.s32 $0x2;
	s8 =	simm.s32 $0x880;
	s26 =	simm.s32 $0xA80  }
.LBB2_1:
0x20: {  	[dreg:$0x13] =	wrdreg s15  }
0x21: {  	s7 =	rddreg [dreg:$0x7]  }
0x22: {  	s31 =	rddreg [dreg:$0x8]  }
0x23: {  	[spmem:s17], [sflag:s31] =	dma.local [hbm:s7], $0x2800  }
0x24: {  	s7 =	rddreg [dreg:$0x9]  }
0x25: {  	[tilespmem:s4], [sflag:$0x4] =	stream.linear.gather [hbm4b:s7+s4], $0x300, $0x38;
	[tilespmem:$0x1F800] =	vst v63  }
0x26: {  	s20 =	simm.s32 $0x800;
	s17 =	rddreg [dreg:$0xa]  }
0x27: {  	[tilespmem:s20], [sflag:$0x4] =	stream.linear.gather [hbm4b:s17+s4], $0x300, $0x38;
	[tilespmem:$0x1F800] =	vst v63  }
0x28: {  	s18 =	rddreg [dreg:$0xb]  }
0x29: {  	[tilespmem:s21], [sflag:$0x5] =	stream.linear.gather [hbm4b:s18+s4], $0x300, $0x38;
	[tilespmem:$0x1F800] =	vst v63  }
0x2a: {  	s31 =	rddreg [dreg:$0xc]  }
0x2b: {  	[tilespmem:s22], [sflag:$0x5] =	stream.linear.gather [hbm4b:s31+s4], $0x300, $0x38;
	[tilespmem:$0x1F800] =	vst v63  }
0x2c: {  	_ =	swait.ge [sflag:s23], $0x300  }
0x2d: {  	[sflag:s23] =	ssyncset.done $0x0  }
0x2e: {  	[sflag:s23] =	ssyncadd.s32 $0xFFFFFD00  }
0x2f: {  	_ =	swait.ge [sflag:s23], $0x300  }
0x30: {  	[sflag:s23] =	ssyncset.done $0x0  }
0x31: {  	[sflag:s23] =	ssyncadd.s32 $0xFFFFFD00  }
0x32: {  	[tilespmem:s25], [sflag:$0x1] =	stream.indirect.gather [hbm4b:s2+s24], $0x80, s4, s24, $0xb8;
	[tilespmem:$0x1F800] =	vst v63  }
0x33: {  	s17 =	simm.s32 $0x80  }
0x34: {  	[tilespmem:s28], [sflag:$0x2] =	stream.indirect.gather [hbm4b:s2+s24], $0x80, s17, s24, $0xb8;
	[tilespmem:$0x1F800] =	vst v63  }
0x35: {  	s15 =	simm.s32 $0x6;
	s31 =	simm.s32 $0x100  }
0x36: {  	[tilespmem:s30], [sflag:$0x3] =	stream.indirect.gather [hbm4b:s2+s24], $0x80, s31, s24, $0xb8;
	[tilespmem:$0x1F800] =	vst v63  }
0x37: {  	_ =	swait.ge [sflag:s15], $0x2800  }
0x38: {  	[sflag:s15] =	ssyncset.done $0x0  }
0x39: {  	[sflag:s15] =	ssyncadd.s32 $0xFFFFD800  }
0x3a: {  	[bflag:$0x0] =	sbarrier.arrive $0xFFFF  }
0x3b: {  	_ =	swait.ge [sflag:s0], $0x3800  }
0x3c: {  	[sflag:s0] =	ssyncset.done $0x0  }
0x3d: {  	[sflag:s0] =	ssyncadd.s32 $0xFFFFC800  }
0x3e: {  	[spmem:s3] =	stream.indirect.scatter.add.f32 [tilespmem:s25], [sflag:$0x7], $0x80, s20, s24, $0xb8;
	[tilespmem:$0x1F800] =	vst v63  }
0x3f: {  	_ =	swait.ge [sflag:s1], $0x3800  }
0x40: {  	[sflag:s1] =	ssyncset.done $0x0  }
0x41: {  	[sflag:s1] =	ssyncadd.s32 $0xFFFFC800  }
0x42: {  	[tilespmem:s25], [sflag:$0x1] =	stream.indirect.gather [hbm4b:s2+s24], $0x80, s29, s24, $0xb8;
	[tilespmem:$0x1F800] =	vst v63  }
0x43: {  	_ =	swait.ge [sflag:s9], $0x3800  }
0x44: {  	[sflag:s9] =	ssyncset.done $0x0  }
0x45: {  	[sflag:s9] =	ssyncadd.s32 $0xFFFFC800  }
0x46: {  	[spmem:s3] =	stream.indirect.scatter.add.f32 [tilespmem:s28], [sflag:$0x7], $0x80, s8, s24, $0xb8;
	[tilespmem:$0x1F800] =	vst v63  }
0x47: {  	_ =	swait.ge [sflag:s1], $0x3800  }
0x48: {  	[sflag:s1] =	ssyncset.done $0x0  }
0x49: {  	[sflag:s1] =	ssyncadd.s32 $0xFFFFC800  }
0x4a: {  	[tilespmem:s28], [sflag:$0x2] =	stream.indirect.gather [hbm4b:s2+s24], $0x80, s10, s24, $0xb8;
	[tilespmem:$0x1F800] =	vst v63  }
0x4b: {  	_ =	swait.ge [sflag:s12], $0x3800  }
0x4c: {  	[sflag:s12] =	ssyncset.done $0x0  }
0x4d: {  	[sflag:s12] =	ssyncadd.s32 $0xFFFFC800  }
0x4e: {  	[spmem:s3] =	stream.indirect.scatter.add.f32 [tilespmem:s30], [sflag:$0x7], $0x80, s11, s24, $0xb8;
	[tilespmem:$0x1F800] =	vst v63  }
0x4f: {  	_ =	swait.ge [sflag:s1], $0x3800  }
0x50: {  	[sflag:s1] =	ssyncset.done $0x0  }
0x51: {  	[sflag:s1] =	ssyncadd.s32 $0xFFFFC800  }
0x52: {  	[tilespmem:s30], [sflag:$0x3] =	stream.indirect.gather [hbm4b:s2+s24], $0x80, s13, s24, $0xb8;
	[tilespmem:$0x1F800] =	vst v63  }
0x53: {  	_ =	swait.ge [sflag:s0], $0x3800  }
0x54: {  	[sflag:s0] =	ssyncset.done $0x0  }
0x55: {  	[sflag:s0] =	ssyncadd.s32 $0xFFFFC800  }
0x56: {  	[spmem:s3] =	stream.indirect.scatter.add.f32 [tilespmem:s25], [sflag:$0x7], $0x80, s14, s24, $0xb8;
	[tilespmem:$0x1F800] =	vst v63  }
0x57: {  	_ =	swait.ge [sflag:s1], $0x3800  }
0x58: {  	[sflag:s1] =	ssyncset.done $0x0  }
0x59: {  	[sflag:s1] =	ssyncadd.s32 $0xFFFFC800  }
0x5a: {  	_ =	swait.ge [sflag:s16], $0x300  }
0x5b: {  	[sflag:s16] =	ssyncset.done $0x0  }
0x5c: {  	[sflag:s16] =	ssyncadd.s32 $0xFFFFFD00  }
0x5d: {  	_ =	swait.ge [sflag:s16], $0x300  }
0x5e: {  	[sflag:s16] =	ssyncset.done $0x0  }
0x5f: {  	[sflag:s16] =	ssyncadd.s32 $0xFFFFFD00  }
0x60: {  	[tilespmem:s25], [sflag:$0x1] =	stream.indirect.gather [hbm4b:s2+s24], $0x80, s21, s24, $0xb8;
	[tilespmem:$0x1F800] =	vst v63  }
0x61: {  	_ =	swait.ge [sflag:s9], $0x3800  }
0x62: {  	[sflag:s9] =	ssyncset.done $0x0  }
0x63: {  	[sflag:s9] =	ssyncadd.s32 $0xFFFFC800  }
0x64: {  	[spmem:s3] =	stream.indirect.scatter.add.f32 [tilespmem:s28], [sflag:$0x7], $0x80, s19, s24, $0xb8;
	[tilespmem:$0x1F800] =	vst v63  }
0x65: {  	_ =	swait.ge [sflag:s1], $0x3800  }
0x66: {  	[sflag:s1] =	ssyncset.done $0x0  }
0x67: {  	s18 =	simm.s32 $0x480;
	[sflag:s1] =	ssyncadd.s32 $0xFFFFC800  }
0x68: {  	[tilespmem:s28], [sflag:$0x2] =	stream.indirect.gather [hbm4b:s2+s24], $0x80, s18, s24, $0xb8;
	[tilespmem:$0x1F800] =	vst v63  }
0x69: {  	_ =	swait.ge [sflag:s12], $0x3800  }
0x6a: {  	[sflag:s12] =	ssyncset.done $0x0  }
0x6b: {  	[sflag:s12] =	ssyncadd.s32 $0xFFFFC800  }
0x6c: {  	[spmem:s3] =	stream.indirect.scatter.add.f32 [tilespmem:s30], [sflag:$0x7], $0x80, s26, s24, $0xb8;
	[tilespmem:$0x1F800] =	vst v63  }
0x6d: {  	_ =	swait.ge [sflag:s1], $0x3800  }
0x6e: {  	[sflag:s1] =	ssyncset.done $0x0;
	s18 =	rddreg [dreg:$0x11]  }
0x6f: {  	s15 =	simm.s32 $0x500;
	[sflag:s1] =	ssyncadd.s32 $0xFFFFC800;
	s7 =	sshrl.u32 s18, $0x3  }
0x70: {  	[tilespmem:s30], [sflag:$0x3] =	stream.indirect.gather [hbm4b:s2+s24], $0x80, s15, s24, $0xb8;
	[tilespmem:$0x1F800] =	vst v63  }
0x71: {  	s15 =	sadd.s32 s5, s7  }
0x72: {  	[tilespmem:s4], [sflag:$0x4] =	stream.linear.gather [hbm4b:s15+s4], $0x300, $0x38;
	[tilespmem:$0x1F800] =	vst v63  }
0x73: {  	s7 =	sadd.s32 s6, s7  }
0x74: {  	[tilespmem:s20], [sflag:$0x4] =	stream.linear.gather [hbm4b:s7+s4], $0x300, $0x38;
	[tilespmem:$0x1F800] =	vst v63  }
0x75: {  	_ =	swait.ge [sflag:s0], $0x3800  }
0x76: {  	[sflag:s0] =	ssyncset.done $0x0  }
0x77: {  	[sflag:s0] =	ssyncadd.s32 $0xFFFFC800  }
0x78: {  	[spmem:s3] =	stream.indirect.scatter.add.f32 [tilespmem:s25], [sflag:$0x7], $0x80, s22, s24, $0xb8;
	[tilespmem:$0x1F800] =	vst v63  }
0x79: {  	_ =	swait.ge [sflag:s1], $0x3800  }
0x7a: {  	[sflag:s1] =	ssyncset.done $0x0  }
0x7b: {  	s15 =	simm.s32 $0x580;
	[sflag:s1] =	ssyncadd.s32 $0xFFFFC800  }
0x7c: {  	[tilespmem:s25], [sflag:$0x1] =	stream.indirect.gather [hbm4b:s2+s24], $0x80, s15, s24, $0xb8;
	[tilespmem:$0x1F800] =	vst v63  }
0x7d: {  	_ =	swait.ge [sflag:s9], $0x3800  }
0x7e: {  	[sflag:s9] =	ssyncset.done $0x0  }
0x7f: {  	s20 =	simm.s32 $0xC80;
	[sflag:s9] =	ssyncadd.s32 $0xFFFFC800  }
0x80: {  	[spmem:s3] =	stream.indirect.scatter.add.f32 [tilespmem:s28], [sflag:$0x7], $0x80, s20, s24, $0xb8;
	[tilespmem:$0x1F800] =	vst v63  }
0x81: {  	_ =	swait.ge [sflag:s1], $0x3800  }
0x82: {  	[sflag:s1] =	ssyncset.done $0x0  }
0x83: {  	s15 =	simm.s32 $0x600;
	[sflag:s1] =	ssyncadd.s32 $0xFFFFC800  }
0x84: {  	[tilespmem:s28], [sflag:$0x2] =	stream.indirect.gather [hbm4b:s2+s24], $0x80, s15, s24, $0xb8;
	[tilespmem:$0x1F800] =	vst v63  }
0x85: {  	_ =	swait.ge [sflag:s12], $0x3800  }
0x86: {  	[sflag:s12] =	ssyncset.done $0x0  }
0x87: {  	s20 =	simm.s32 $0xD00;
	[sflag:s12] =	ssyncadd.s32 $0xFFFFC800  }
0x88: {  	[spmem:s3] =	stream.indirect.scatter.add.f32 [tilespmem:s30], [sflag:$0x7], $0x80, s20, s24, $0xb8;
	[tilespmem:$0x1F800] =	vst v63  }
0x89: {  	_ =	swait.ge [sflag:s1], $0x3800  }
0x8a: {  	[sflag:s1] =	ssyncset.done $0x0  }
0x8b: {  	s15 =	simm.s32 $0x680;
	[sflag:s1] =	ssyncadd.s32 $0xFFFFC800  }
0x8c: {  	[tilespmem:s30], [sflag:$0x3] =	stream.indirect.gather [hbm4b:s2+s24], $0x80, s15, s24, $0xb8;
	[tilespmem:$0x1F800] =	vst v63  }
0x8d: {  	_ =	swait.ge [sflag:s0], $0x3800  }
0x8e: {  	[sflag:s0] =	ssyncset.done $0x0  }
0x8f: {  	s20 =	simm.s32 $0xD80;
	[sflag:s0] =	ssyncadd.s32 $0xFFFFC800  }
0x90: {  	[spmem:s3] =	stream.indirect.scatter.add.f32 [tilespmem:s25], [sflag:$0x7], $0x80, s20, s24, $0xb8;
	[tilespmem:$0x1F800] =	vst v63  }
0x91: {  	_ =	swait.ge [sflag:s1], $0x3800  }
0x92: {  	[sflag:s1] =	ssyncset.done $0x0  }
0x93: {  	[sflag:s1] =	ssyncadd.s32 $0xFFFFC800  }
0x94: {  	_ =	swait.ge [sflag:s23], $0x300  }
0x95: {  	[sflag:s23] =	ssyncset.done $0x0  }
0x96: {  	[sflag:s23] =	ssyncadd.s32 $0xFFFFFD00  }
0x97: {  	_ =	swait.ge [sflag:s23], $0x300  }
0x98: {  	[sflag:s23] =	ssyncset.done $0x0  }
0x99: {  	[sflag:s23] =	ssyncadd.s32 $0xFFFFFD00  }
0x9a: {  	[tilespmem:s25], [sflag:$0x1] =	stream.indirect.gather [hbm4b:s2+s24], $0x80, s4, s24, $0xb8;
	[tilespmem:$0x1F800] =	vst v63  }
0x9b: {  	_ =	swait.ge [sflag:s9], $0x3800  }
0x9c: {  	[sflag:s9] =	ssyncset.done $0x0  }
0x9d: {  	s15 =	simm.s32 $0xE00;
	[sflag:s9] =	ssyncadd.s32 $0xFFFFC800  }
0x9e: {  	[spmem:s3] =	stream.indirect.scatter.add.f32 [tilespmem:s28], [sflag:$0x7], $0x80, s15, s24, $0xb8;
	[tilespmem:$0x1F800] =	vst v63  }
0x9f: {  	_ =	swait.ge [sflag:s1], $0x3800  }
0xa0: {  	[sflag:s1] =	ssyncset.done $0x0  }
0xa1: {  	[sflag:s1] =	ssyncadd.s32 $0xFFFFC800  }
0xa2: {  	[tilespmem:s28], [sflag:$0x2] =	stream.indirect.gather [hbm4b:s2+s24], $0x80, s17, s24, $0xb8;
	[tilespmem:$0x1F800] =	vst v63  }
0xa3: {  	_ =	swait.ge [sflag:s12], $0x3800  }
0xa4: {  	[sflag:s12] =	ssyncset.done $0x0  }
0xa5: {  	s17 =	simm.s32 $0xE80;
	[sflag:s12] =	ssyncadd.s32 $0xFFFFC800  }
0xa6: {  	[spmem:s3] =	stream.indirect.scatter.add.f32 [tilespmem:s30], [sflag:$0x7], $0x80, s17, s24, $0xb8;
	[tilespmem:$0x1F800] =	vst v63  }
0xa7: {  	_ =	swait.ge [sflag:s1], $0x3800  }
0xa8: {  	[sflag:s1] =	ssyncset.done $0x0  }
0xa9: {  	s20 =	rddreg [dreg:$0x5];
	[sflag:s1] =	ssyncadd.s32 $0xFFFFC800  }
0xaa: {  	[tilespmem:s30], [sflag:$0x3] =	stream.indirect.gather [hbm4b:s2+s24], $0x80, s31, s24, $0xb8;
	[tilespmem:$0x1F800] =	vst v63  }
0xab: {  	s7 =	sadd.s32 $0x0, s20;
	s31 =	rddreg [dreg:$0x4]  }
0xac: {  	[tilespmem:s21], [sflag:$0x5] =	stream.linear.gather [hbm4b:s7+s4], $0x300, $0x38;
	[tilespmem:$0x1F800] =	vst v63  }
0xad: {  	s15 =	simm.s32 $0x100;
	s17 =	sadd.s32 $0x0, s31;
	s7 =	sadd.s32 $0x800, s18  }
.LBB2_2:
0xae: {  	[tilespmem:s22], [sflag:$0x5] =	stream.linear.gather [hbm4b:s17+s4], $0x300, $0x38;
	[tilespmem:$0x1F800] =	vst v63  }
0xaf: {  	_ =	swait.ge [sflag:s0], $0x3800  }
0xb0: {  	[sflag:s0] =	ssyncset.done $0x0  }
0xb1: {  	s20 =	simm.s32 $0x800;
	[sflag:s0] =	ssyncadd.s32 $0xFFFFC800  }
0xb2: {  	[spmem:s3] =	stream.indirect.scatter.add.f32 [tilespmem:s25], [sflag:$0x7], $0x80, s20, s24, $0xb8;
	[tilespmem:$0x1F800] =	vst v63  }
0xb3: {  	_ =	swait.ge [sflag:s1], $0x3800  }
0xb4: {  	[sflag:s1] =	ssyncset.done $0x0  }
0xb5: {  	[sflag:s1] =	ssyncadd.s32 $0xFFFFC800  }
0xb6: {  	[tilespmem:s25], [sflag:$0x1] =	stream.indirect.gather [hbm4b:s2+s24], $0x80, s29, s24, $0xb8;
	[tilespmem:$0x1F800] =	vst v63  }
0xb7: {  	_ =	swait.ge [sflag:s9], $0x3800  }
0xb8: {  	[sflag:s9] =	ssyncset.done $0x0  }
0xb9: {  	[sflag:s9] =	ssyncadd.s32 $0xFFFFC800  }
0xba: {  	[spmem:s3] =	stream.indirect.scatter.add.f32 [tilespmem:s28], [sflag:$0x7], $0x80, s8, s24, $0xb8;
	[tilespmem:$0x1F800] =	vst v63  }
0xbb: {  	_ =	swait.ge [sflag:s1], $0x3800  }
0xbc: {  	[sflag:s1] =	ssyncset.done $0x0  }
0xbd: {  	[sflag:s1] =	ssyncadd.s32 $0xFFFFC800  }
0xbe: {  	[tilespmem:s28], [sflag:$0x2] =	stream.indirect.gather [hbm4b:s2+s24], $0x80, s10, s24, $0xb8;
	[tilespmem:$0x1F800] =	vst v63  }
0xbf: {  	_ =	swait.ge [sflag:s12], $0x3800  }
0xc0: {  	[sflag:s12] =	ssyncset.done $0x0  }
0xc1: {  	[sflag:s12] =	ssyncadd.s32 $0xFFFFC800  }
0xc2: {  	[spmem:s3] =	stream.indirect.scatter.add.f32 [tilespmem:s30], [sflag:$0x7], $0x80, s11, s24, $0xb8;
	[tilespmem:$0x1F800] =	vst v63  }
0xc3: {  	_ =	swait.ge [sflag:s1], $0x3800  }
0xc4: {  	[sflag:s1] =	ssyncset.done $0x0  }
0xc5: {  	[sflag:s1] =	ssyncadd.s32 $0xFFFFC800  }
0xc6: {  	[tilespmem:s30], [sflag:$0x3] =	stream.indirect.gather [hbm4b:s2+s24], $0x80, s13, s24, $0xb8;
	[tilespmem:$0x1F800] =	vst v63  }
0xc7: {  	_ =	swait.ge [sflag:s0], $0x3800  }
0xc8: {  	[sflag:s0] =	ssyncset.done $0x0  }
0xc9: {  	[sflag:s0] =	ssyncadd.s32 $0xFFFFC800  }
0xca: {  	[spmem:s3] =	stream.indirect.scatter.add.f32 [tilespmem:s25], [sflag:$0x7], $0x80, s14, s24, $0xb8;
	[tilespmem:$0x1F800] =	vst v63  }
0xcb: {  	_ =	swait.ge [sflag:s1], $0x3800  }
0xcc: {  	[sflag:s1] =	ssyncset.done $0x0  }
0xcd: {  	[sflag:s1] =	ssyncadd.s32 $0xFFFFC800  }
0xce: {  	_ =	swait.ge [sflag:s16], $0x300  }
0xcf: {  	[sflag:s16] =	ssyncset.done $0x0  }
0xd0: {  	[sflag:s16] =	ssyncadd.s32 $0xFFFFFD00  }
0xd1: {  	_ =	swait.ge [sflag:s16], $0x300  }
0xd2: {  	[sflag:s16] =	ssyncset.done $0x0  }
0xd3: {  	[sflag:s16] =	ssyncadd.s32 $0xFFFFFD00  }
0xd4: {  	[tilespmem:s25], [sflag:$0x1] =	stream.indirect.gather [hbm4b:s2+s24], $0x80, s21, s24, $0xb8;
	[tilespmem:$0x1F800] =	vst v63  }
0xd5: {  	_ =	swait.ge [sflag:s9], $0x3800  }
0xd6: {  	[sflag:s9] =	ssyncset.done $0x0  }
0xd7: {  	[sflag:s9] =	ssyncadd.s32 $0xFFFFC800  }
0xd8: {  	[spmem:s3] =	stream.indirect.scatter.add.f32 [tilespmem:s28], [sflag:$0x7], $0x80, s19, s24, $0xb8;
	[tilespmem:$0x1F800] =	vst v63  }
0xd9: {  	_ =	swait.ge [sflag:s1], $0x3800  }
0xda: {  	[sflag:s1] =	ssyncset.done $0x0  }
0xdb: {  	s18 =	simm.s32 $0x480;
	[sflag:s1] =	ssyncadd.s32 $0xFFFFC800  }
0xdc: {  	[tilespmem:s28], [sflag:$0x2] =	stream.indirect.gather [hbm4b:s2+s24], $0x80, s18, s24, $0xb8;
	[tilespmem:$0x1F800] =	vst v63  }
0xdd: {  	_ =	swait.ge [sflag:s12], $0x3800  }
0xde: {  	[sflag:s12] =	ssyncset.done $0x0  }
0xdf: {  	[sflag:s12] =	ssyncadd.s32 $0xFFFFC800  }
0xe0: {  	[spmem:s3] =	stream.indirect.scatter.add.f32 [tilespmem:s30], [sflag:$0x7], $0x80, s26, s24, $0xb8;
	[tilespmem:$0x1F800] =	vst v63  }
0xe1: {  	_ =	swait.ge [sflag:s1], $0x3800  }
0xe2: {  	[sflag:s1] =	ssyncset.done $0x0  }
0xe3: {  	s31 =	sshrl.u32 s7, $0x3;
	s18 =	simm.s32 $0x500;
	[sflag:s1] =	ssyncadd.s32 $0xFFFFC800  }
0xe4: {  	[tilespmem:s30], [sflag:$0x3] =	stream.indirect.gather [hbm4b:s2+s24], $0x80, s18, s24, $0xb8;
	[tilespmem:$0x1F800] =	vst v63  }
0xe5: {  	s18 =	sadd.s32 s5, s31  }
0xe6: {  	[tilespmem:s4], [sflag:$0x4] =	stream.linear.gather [hbm4b:s18+s4], $0x300, $0x38;
	[tilespmem:$0x1F800] =	vst v63  }
0xe7: {  	s31 =	sadd.s32 s6, s31  }
0xe8: {  	[tilespmem:s20], [sflag:$0x4] =	stream.linear.gather [hbm4b:s31+s4], $0x300, $0x38;
	[tilespmem:$0x1F800] =	vst v63  }
0xe9: {  	_ =	swait.ge [sflag:s0], $0x3800  }
0xea: {  	[sflag:s0] =	ssyncset.done $0x0  }
0xeb: {  	[sflag:s0] =	ssyncadd.s32 $0xFFFFC800  }
0xec: {  	[spmem:s3] =	stream.indirect.scatter.add.f32 [tilespmem:s25], [sflag:$0x7], $0x80, s22, s24, $0xb8;
	[tilespmem:$0x1F800] =	vst v63  }
0xed: {  	_ =	swait.ge [sflag:s1], $0x3800  }
0xee: {  	[sflag:s1] =	ssyncset.done $0x0  }
0xef: {  	s31 =	simm.s32 $0x580;
	[sflag:s1] =	ssyncadd.s32 $0xFFFFC800  }
0xf0: {  	[tilespmem:s25], [sflag:$0x1] =	stream.indirect.gather [hbm4b:s2+s24], $0x80, s31, s24, $0xb8;
	[tilespmem:$0x1F800] =	vst v63  }
0xf1: {  	_ =	swait.ge [sflag:s9], $0x3800  }
0xf2: {  	[sflag:s9] =	ssyncset.done $0x0  }
0xf3: {  	s20 =	simm.s32 $0xC80;
	[sflag:s9] =	ssyncadd.s32 $0xFFFFC800  }
0xf4: {  	[spmem:s3] =	stream.indirect.scatter.add.f32 [tilespmem:s28], [sflag:$0x7], $0x80, s20, s24, $0xb8;
	[tilespmem:$0x1F800] =	vst v63  }
0xf5: {  	_ =	swait.ge [sflag:s1], $0x3800  }
0xf6: {  	[sflag:s1] =	ssyncset.done $0x0  }
0xf7: {  	s31 =	simm.s32 $0x600;
	[sflag:s1] =	ssyncadd.s32 $0xFFFFC800  }
0xf8: {  	[tilespmem:s28], [sflag:$0x2] =	stream.indirect.gather [hbm4b:s2+s24], $0x80, s31, s24, $0xb8;
	[tilespmem:$0x1F800] =	vst v63  }
0xf9: {  	_ =	swait.ge [sflag:s12], $0x3800  }
0xfa: {  	[sflag:s12] =	ssyncset.done $0x0  }
0xfb: {  	s20 =	simm.s32 $0xD00;
	[sflag:s12] =	ssyncadd.s32 $0xFFFFC800  }
0xfc: {  	[spmem:s3] =	stream.indirect.scatter.add.f32 [tilespmem:s30], [sflag:$0x7], $0x80, s20, s24, $0xb8;
	[tilespmem:$0x1F800] =	vst v63  }
0xfd: {  	_ =	swait.ge [sflag:s1], $0x3800  }
0xfe: {  	[sflag:s1] =	ssyncset.done $0x0  }
0xff: {  	s31 =	simm.s32 $0x680;
	[sflag:s1] =	ssyncadd.s32 $0xFFFFC800  }
0x100: {  	[tilespmem:s30], [sflag:$0x3] =	stream.indirect.gather [hbm4b:s2+s24], $0x80, s31, s24, $0xb8;
	[tilespmem:$0x1F800] =	vst v63  }
0x101: {  	_ =	swait.ge [sflag:s0], $0x3800  }
0x102: {  	[sflag:s0] =	ssyncset.done $0x0  }
0x103: {  	s20 =	simm.s32 $0xD80;
	[sflag:s0] =	ssyncadd.s32 $0xFFFFC800  }
0x104: {  	[spmem:s3] =	stream.indirect.scatter.add.f32 [tilespmem:s25], [sflag:$0x7], $0x80, s20, s24, $0xb8;
	[tilespmem:$0x1F800] =	vst v63  }
0x105: {  	_ =	swait.ge [sflag:s1], $0x3800  }
0x106: {  	[sflag:s1] =	ssyncset.done $0x0  }
0x107: {  	[sflag:s1] =	ssyncadd.s32 $0xFFFFC800  }
0x108: {  	_ =	swait.ge [sflag:s23], $0x300  }
0x109: {  	[sflag:s23] =	ssyncset.done $0x0  }
0x10a: {  	[sflag:s23] =	ssyncadd.s32 $0xFFFFFD00  }
0x10b: {  	_ =	swait.ge [sflag:s23], $0x300  }
0x10c: {  	[sflag:s23] =	ssyncset.done $0x0  }
0x10d: {  	[sflag:s23] =	ssyncadd.s32 $0xFFFFFD00  }
0x10e: {  	[tilespmem:s25], [sflag:$0x1] =	stream.indirect.gather [hbm4b:s2+s24], $0x80, s4, s24, $0xb8;
	[tilespmem:$0x1F800] =	vst v63  }
0x10f: {  	_ =	swait.ge [sflag:s9], $0x3800  }
0x110: {  	[sflag:s9] =	ssyncset.done $0x0  }
0x111: {  	s31 =	simm.s32 $0xE00;
	[sflag:s9] =	ssyncadd.s32 $0xFFFFC800  }
0x112: {  	[spmem:s3] =	stream.indirect.scatter.add.f32 [tilespmem:s28], [sflag:$0x7], $0x80, s31, s24, $0xb8;
	[tilespmem:$0x1F800] =	vst v63  }
0x113: {  	_ =	swait.ge [sflag:s1], $0x3800  }
0x114: {  	[sflag:s1] =	ssyncset.done $0x0  }
0x115: {  	s20 =	simm.s32 $0x80;
	[sflag:s1] =	ssyncadd.s32 $0xFFFFC800  }
0x116: {  	[tilespmem:s28], [sflag:$0x2] =	stream.indirect.gather [hbm4b:s2+s24], $0x80, s20, s24, $0xb8;
	[tilespmem:$0x1F800] =	vst v63  }
0x117: {  	s17 =	smov.u32 s15;
	p0 =	sne.s32 s15, $0x500;
	_ =	swait.ge [sflag:s12], $0x3800  }
0x118: {  	s15 =	sadd.s32 $0x100, s15;
	s7 =	sadd.s32 $0x800, s7;
	[sflag:s12] =	ssyncset.done $0x0  }
0x119: {  	s31 =	simm.s32 $0xE80;
	s20 =	smov.u32 s6;
	[sflag:s12] =	ssyncadd.s32 $0xFFFFC800  }
0x11a: {  	[spmem:s3] =	stream.indirect.scatter.add.f32 [tilespmem:s30], [sflag:$0x7], $0x80, s31, s24, $0xb8;
	[tilespmem:$0x1F800] =	vst v63  }
0x11b: {  	s6 =	smov.u32 s5;
	s5 =	simm.s32 $0x100;
	_ =	swait.ge [sflag:s1], $0x3800  }
.Ltmp0:
0x11c: {  	[sflag:s1] =	ssyncset.done $0x0;
	s18 =	rddreg [dreg:$0x5];
	(pc) =	sbr.rel @p0 .LBB2_2-.Ltmp0, $4  }
0x11d: {  	s31 =	rddreg [dreg:$0x4];
	[sflag:s1] =	ssyncadd.s32 $0xFFFFC800;
	s18 =	sadd.s32 s17, s18  }
0x11e: {  	[tilespmem:s30], [sflag:$0x3] =	stream.indirect.gather [hbm4b:s2+s24], $0x80, s5, s24, $0xb8;
	[tilespmem:$0x1F800] =	vst v63  }
0x11f: {  	s17 =	sadd.s32 s17, s31;
	s5 =	smov.u32 s6;
	s6 =	smov.u32 s20  }
0x120: {  	[tilespmem:s21], [sflag:$0x5] =	stream.linear.gather [hbm4b:s18+s4], $0x300, $0x38;
	[tilespmem:$0x1F800] =	vst v63  }
0x121: {  	[tilespmem:s22], [sflag:$0x5] =	stream.linear.gather [hbm4b:s17+s4], $0x300, $0x38;
	[tilespmem:$0x1F800] =	vst v63  }
0x122: {  	_ =	swait.ge [sflag:s0], $0x3800  }
0x123: {  	[sflag:s0] =	ssyncset.done $0x0  }
0x124: {  	s11 =	simm.s32 $0x800;
	[sflag:s0] =	ssyncadd.s32 $0xFFFFC800  }
0x125: {  	[spmem:s3] =	stream.indirect.scatter.add.f32 [tilespmem:s25], [sflag:$0x7], $0x80, s11, s24, $0xb8;
	[tilespmem:$0x1F800] =	vst v63  }
0x126: {  	_ =	swait.ge [sflag:s1], $0x3800  }
0x127: {  	[sflag:s1] =	ssyncset.done $0x0  }
0x128: {  	s8 =	simm.s32 $0x180;
	[sflag:s1] =	ssyncadd.s32 $0xFFFFC800  }
0x129: {  	[tilespmem:s25], [sflag:$0x1] =	stream.indirect.gather [hbm4b:s2+s24], $0x80, s8, s24, $0xb8;
	[tilespmem:$0x1F800] =	vst v63  }
0x12a: {  	_ =	swait.ge [sflag:s9], $0x3800  }
0x12b: {  	[sflag:s9] =	ssyncset.done $0x0  }
0x12c: {  	s10 =	simm.s32 $0x880;
	[sflag:s9] =	ssyncadd.s32 $0xFFFFC800  }
0x12d: {  	[spmem:s3] =	stream.indirect.scatter.add.f32 [tilespmem:s28], [sflag:$0x7], $0x80, s10, s24, $0xb8;
	[tilespmem:$0x1F800] =	vst v63  }
0x12e: {  	_ =	swait.ge [sflag:s1], $0x3800  }
0x12f: {  	[sflag:s1] =	ssyncset.done $0x0  }
0x130: {  	s18 =	simm.s32 $0x200;
	[sflag:s1] =	ssyncadd.s32 $0xFFFFC800  }
0x131: {  	[tilespmem:s28], [sflag:$0x2] =	stream.indirect.gather [hbm4b:s2+s24], $0x80, s18, s24, $0xb8;
	[tilespmem:$0x1F800] =	vst v63  }
0x132: {  	_ =	swait.ge [sflag:s12], $0x3800  }
0x133: {  	[sflag:s12] =	ssyncset.done $0x0  }
0x134: {  	s31 =	simm.s32 $0x900;
	[sflag:s12] =	ssyncadd.s32 $0xFFFFC800  }
0x135: {  	[spmem:s3] =	stream.indirect.scatter.add.f32 [tilespmem:s30], [sflag:$0x7], $0x80, s31, s24, $0xb8;
	[tilespmem:$0x1F800] =	vst v63  }
0x136: {  	_ =	swait.ge [sflag:s1], $0x3800  }
0x137: {  	[sflag:s1] =	ssyncset.done $0x0  }
0x138: {  	s14 =	simm.s32 $0x280;
	[sflag:s1] =	ssyncadd.s32 $0xFFFFC800  }
0x139: {  	[tilespmem:s30], [sflag:$0x3] =	stream.indirect.gather [hbm4b:s2+s24], $0x80, s14, s24, $0xb8;
	[tilespmem:$0x1F800] =	vst v63  }
0x13a: {  	_ =	swait.ge [sflag:s0], $0x3800  }
0x13b: {  	[sflag:s0] =	ssyncset.done $0x0  }
0x13c: {  	s19 =	simm.s32 $0x980;
	[sflag:s0] =	ssyncadd.s32 $0xFFFFC800  }
0x13d: {  	[spmem:s3] =	stream.indirect.scatter.add.f32 [tilespmem:s25], [sflag:$0x7], $0x80, s19, s24, $0xb8;
	[tilespmem:$0x1F800] =	vst v63  }
0x13e: {  	_ =	swait.ge [sflag:s1], $0x3800  }
0x13f: {  	[sflag:s1] =	ssyncset.done $0x0  }
0x140: {  	[sflag:s1] =	ssyncadd.s32 $0xFFFFC800  }
0x141: {  	_ =	swait.ge [sflag:s16], $0x300  }
0x142: {  	[sflag:s16] =	ssyncset.done $0x0  }
0x143: {  	[sflag:s16] =	ssyncadd.s32 $0xFFFFFD00  }
0x144: {  	_ =	swait.ge [sflag:s16], $0x300  }
0x145: {  	[sflag:s16] =	ssyncset.done $0x0  }
0x146: {  	[sflag:s16] =	ssyncadd.s32 $0xFFFFFD00  }
0x147: {  	[tilespmem:s25], [sflag:$0x1] =	stream.indirect.gather [hbm4b:s2+s24], $0x80, s21, s24, $0xb8;
	[tilespmem:$0x1F800] =	vst v63  }
0x148: {  	_ =	swait.ge [sflag:s9], $0x3800  }
0x149: {  	[sflag:s9] =	ssyncset.done $0x0  }
0x14a: {  	s15 =	simm.s32 $0xA00;
	[sflag:s9] =	ssyncadd.s32 $0xFFFFC800  }
0x14b: {  	[spmem:s3] =	stream.indirect.scatter.add.f32 [tilespmem:s28], [sflag:$0x7], $0x80, s15, s24, $0xb8;
	[tilespmem:$0x1F800] =	vst v63  }
0x14c: {  	_ =	swait.ge [sflag:s1], $0x3800  }
0x14d: {  	[sflag:s1] =	ssyncset.done $0x0  }
0x14e: {  	s7 =	simm.s32 $0x480;
	[sflag:s1] =	ssyncadd.s32 $0xFFFFC800  }
0x14f: {  	[tilespmem:s28], [sflag:$0x2] =	stream.indirect.gather [hbm4b:s2+s24], $0x80, s7, s24, $0xb8;
	[tilespmem:$0x1F800] =	vst v63  }
0x150: {  	_ =	swait.ge [sflag:s12], $0x3800  }
0x151: {  	[sflag:s12] =	ssyncset.done $0x0  }
0x152: {  	s17 =	simm.s32 $0xA80;
	[sflag:s12] =	ssyncadd.s32 $0xFFFFC800  }
0x153: {  	[spmem:s3] =	stream.indirect.scatter.add.f32 [tilespmem:s30], [sflag:$0x7], $0x80, s17, s24, $0xb8;
	[tilespmem:$0x1F800] =	vst v63  }
0x154: {  	_ =	swait.ge [sflag:s1], $0x3800  }
0x155: {  	[sflag:s1] =	ssyncset.done $0x0  }
0x156: {  	s13 =	simm.s32 $0x500;
	[sflag:s1] =	ssyncadd.s32 $0xFFFFC800  }
0x157: {  	[tilespmem:s30], [sflag:$0x3] =	stream.indirect.gather [hbm4b:s2+s24], $0x80, s13, s24, $0xb8;
	[tilespmem:$0x1F800] =	vst v63  }
0x158: {  	s20 =	rddreg [dreg:$0xd]  }
0x159: {  	[tilespmem:s4], [sflag:$0x4] =	stream.linear.gather [hbm4b:s20+s4], $0x300, $0x38;
	[tilespmem:$0x1F800] =	vst v63  }
0x15a: {  	s26 =	rddreg [dreg:$0xe]  }
0x15b: {  	[tilespmem:s11], [sflag:$0x4] =	stream.linear.gather [hbm4b:s26+s4], $0x300, $0x38;
	[tilespmem:$0x1F800] =	vst v63  }
0x15c: {  	_ =	swait.ge [sflag:s0], $0x3800  }
0x15d: {  	[sflag:s0] =	ssyncset.done $0x0  }
0x15e: {  	[sflag:s0] =	ssyncadd.s32 $0xFFFFC800  }
0x15f: {  	[spmem:s3] =	stream.indirect.scatter.add.f32 [tilespmem:s25], [sflag:$0x7], $0x80, s22, s24, $0xb8;
	[tilespmem:$0x1F800] =	vst v63  }
0x160: {  	_ =	swait.ge [sflag:s1], $0x3800  }
0x161: {  	[sflag:s1] =	ssyncset.done $0x0  }
0x162: {  	s13 =	simm.s32 $0x580;
	[sflag:s1] =	ssyncadd.s32 $0xFFFFC800  }
0x163: {  	[tilespmem:s25], [sflag:$0x1] =	stream.indirect.gather [hbm4b:s2+s24], $0x80, s13, s24, $0xb8;
	[tilespmem:$0x1F800] =	vst v63  }
0x164: {  	_ =	swait.ge [sflag:s9], $0x3800  }
0x165: {  	[sflag:s9] =	ssyncset.done $0x0  }
0x166: {  	s20 =	simm.s32 $0xC80;
	[sflag:s9] =	ssyncadd.s32 $0xFFFFC800  }
0x167: {  	[spmem:s3] =	stream.indirect.scatter.add.f32 [tilespmem:s28], [sflag:$0x7], $0x80, s20, s24, $0xb8;
	[tilespmem:$0x1F800] =	vst v63  }
0x168: {  	_ =	swait.ge [sflag:s1], $0x3800  }
0x169: {  	[sflag:s1] =	ssyncset.done $0x0  }
0x16a: {  	s26 =	simm.s32 $0x600;
	[sflag:s1] =	ssyncadd.s32 $0xFFFFC800  }
0x16b: {  	[tilespmem:s28], [sflag:$0x2] =	stream.indirect.gather [hbm4b:s2+s24], $0x80, s26, s24, $0xb8;
	[tilespmem:$0x1F800] =	vst v63  }
0x16c: {  	_ =	swait.ge [sflag:s12], $0x3800  }
0x16d: {  	[sflag:s12] =	ssyncset.done $0x0  }
0x16e: {  	s13 =	simm.s32 $0xD00;
	[sflag:s12] =	ssyncadd.s32 $0xFFFFC800  }
0x16f: {  	[spmem:s3] =	stream.indirect.scatter.add.f32 [tilespmem:s30], [sflag:$0x7], $0x80, s13, s24, $0xb8;
	[tilespmem:$0x1F800] =	vst v63  }
0x170: {  	_ =	swait.ge [sflag:s1], $0x3800  }
0x171: {  	[sflag:s1] =	ssyncset.done $0x0  }
0x172: {  	s20 =	simm.s32 $0x680;
	[sflag:s1] =	ssyncadd.s32 $0xFFFFC800  }
0x173: {  	[tilespmem:s30], [sflag:$0x3] =	stream.indirect.gather [hbm4b:s2+s24], $0x80, s20, s24, $0xb8;
	[tilespmem:$0x1F800] =	vst v63  }
0x174: {  	_ =	swait.ge [sflag:s0], $0x3800  }
0x175: {  	[sflag:s0] =	ssyncset.done $0x0  }
0x176: {  	s26 =	simm.s32 $0xD80;
	[sflag:s0] =	ssyncadd.s32 $0xFFFFC800  }
0x177: {  	[spmem:s3] =	stream.indirect.scatter.add.f32 [tilespmem:s25], [sflag:$0x7], $0x80, s26, s24, $0xb8;
	[tilespmem:$0x1F800] =	vst v63  }
0x178: {  	_ =	swait.ge [sflag:s1], $0x3800  }
0x179: {  	[sflag:s1] =	ssyncset.done $0x0  }
0x17a: {  	[sflag:s1] =	ssyncadd.s32 $0xFFFFC800  }
0x17b: {  	_ =	swait.ge [sflag:s23], $0x300  }
0x17c: {  	[sflag:s23] =	ssyncset.done $0x0  }
0x17d: {  	[sflag:s23] =	ssyncadd.s32 $0xFFFFFD00  }
0x17e: {  	_ =	swait.ge [sflag:s23], $0x300  }
0x17f: {  	[sflag:s23] =	ssyncset.done $0x0  }
0x180: {  	[sflag:s23] =	ssyncadd.s32 $0xFFFFFD00  }
0x181: {  	[tilespmem:s25], [sflag:$0x1] =	stream.indirect.gather [hbm4b:s2+s24], $0x80, s4, s24, $0xb8;
	[tilespmem:$0x1F800] =	vst v63  }
0x182: {  	_ =	swait.ge [sflag:s9], $0x3800  }
0x183: {  	[sflag:s9] =	ssyncset.done $0x0  }
0x184: {  	s13 =	simm.s32 $0xE00;
	[sflag:s9] =	ssyncadd.s32 $0xFFFFC800  }
0x185: {  	[spmem:s3] =	stream.indirect.scatter.add.f32 [tilespmem:s28], [sflag:$0x7], $0x80, s13, s24, $0xb8;
	[tilespmem:$0x1F800] =	vst v63  }
0x186: {  	_ =	swait.ge [sflag:s1], $0x3800  }
0x187: {  	[sflag:s1] =	ssyncset.done $0x0  }
0x188: {  	s20 =	simm.s32 $0x80;
	[sflag:s1] =	ssyncadd.s32 $0xFFFFC800  }
0x189: {  	[tilespmem:s28], [sflag:$0x2] =	stream.indirect.gather [hbm4b:s2+s24], $0x80, s20, s24, $0xb8;
	[tilespmem:$0x1F800] =	vst v63  }
0x18a: {  	_ =	swait.ge [sflag:s12], $0x3800  }
0x18b: {  	[sflag:s12] =	ssyncset.done $0x0  }
0x18c: {  	s26 =	simm.s32 $0xE80;
	[sflag:s12] =	ssyncadd.s32 $0xFFFFC800  }
0x18d: {  	[spmem:s3] =	stream.indirect.scatter.add.f32 [tilespmem:s30], [sflag:$0x7], $0x80, s26, s24, $0xb8;
	[tilespmem:$0x1F800] =	vst v63  }
0x18e: {  	_ =	swait.ge [sflag:s1], $0x3800  }
0x18f: {  	[sflag:s1] =	ssyncset.done $0x0  }
0x190: {  	s13 =	simm.s32 $0x100;
	[sflag:s1] =	ssyncadd.s32 $0xFFFFC800  }
0x191: {  	[tilespmem:s30], [sflag:$0x3] =	stream.indirect.gather [hbm4b:s2+s24], $0x80, s13, s24, $0xb8;
	[tilespmem:$0x1F800] =	vst v63  }
0x192: {  	_ =	swait.ge [sflag:s0], $0x3800  }
0x193: {  	[sflag:s0] =	ssyncset.done $0x0  }
0x194: {  	[sflag:s0] =	ssyncadd.s32 $0xFFFFC800  }
0x195: {  	[spmem:s3] =	stream.indirect.scatter.add.f32 [tilespmem:s25], [sflag:$0x7], $0x80, s11, s24, $0xb8;
	[tilespmem:$0x1F800] =	vst v63  }
0x196: {  	_ =	swait.ge [sflag:s1], $0x3800  }
0x197: {  	[sflag:s1] =	ssyncset.done $0x0  }
0x198: {  	[sflag:s1] =	ssyncadd.s32 $0xFFFFC800  }
0x199: {  	[tilespmem:s25], [sflag:$0x1] =	stream.indirect.gather [hbm4b:s2+s24], $0x80, s8, s24, $0xb8;
	[tilespmem:$0x1F800] =	vst v63  }
0x19a: {  	_ =	swait.ge [sflag:s9], $0x3800  }
0x19b: {  	[sflag:s9] =	ssyncset.done $0x0  }
0x19c: {  	[sflag:s9] =	ssyncadd.s32 $0xFFFFC800  }
0x19d: {  	[spmem:s3] =	stream.indirect.scatter.add.f32 [tilespmem:s28], [sflag:$0x7], $0x80, s10, s24, $0xb8;
	[tilespmem:$0x1F800] =	vst v63  }
0x19e: {  	_ =	swait.ge [sflag:s1], $0x3800  }
0x19f: {  	[sflag:s1] =	ssyncset.done $0x0  }
0x1a0: {  	[sflag:s1] =	ssyncadd.s32 $0xFFFFC800  }
0x1a1: {  	[tilespmem:s28], [sflag:$0x2] =	stream.indirect.gather [hbm4b:s2+s24], $0x80, s18, s24, $0xb8;
	[tilespmem:$0x1F800] =	vst v63  }
0x1a2: {  	_ =	swait.ge [sflag:s12], $0x3800  }
0x1a3: {  	[sflag:s12] =	ssyncset.done $0x0  }
0x1a4: {  	[sflag:s12] =	ssyncadd.s32 $0xFFFFC800  }
0x1a5: {  	[spmem:s3] =	stream.indirect.scatter.add.f32 [tilespmem:s30], [sflag:$0x7], $0x80, s31, s24, $0xb8;
	[tilespmem:$0x1F800] =	vst v63  }
0x1a6: {  	_ =	swait.ge [sflag:s1], $0x3800  }
0x1a7: {  	[sflag:s1] =	ssyncset.done $0x0  }
0x1a8: {  	[sflag:s1] =	ssyncadd.s32 $0xFFFFC800  }
0x1a9: {  	[tilespmem:s30], [sflag:$0x3] =	stream.indirect.gather [hbm4b:s2+s24], $0x80, s14, s24, $0xb8;
	[tilespmem:$0x1F800] =	vst v63  }
0x1aa: {  	_ =	swait.ge [sflag:s0], $0x3800  }
0x1ab: {  	[sflag:s0] =	ssyncset.done $0x0  }
0x1ac: {  	[sflag:s0] =	ssyncadd.s32 $0xFFFFC800  }
0x1ad: {  	[spmem:s3] =	stream.indirect.scatter.add.f32 [tilespmem:s25], [sflag:$0x7], $0x80, s19, s24, $0xb8;
	[tilespmem:$0x1F800] =	vst v63  }
0x1ae: {  	_ =	swait.ge [sflag:s1], $0x3800  }
0x1af: {  	[sflag:s1] =	ssyncset.done $0x0  }
0x1b0: {  	[sflag:s1] =	ssyncadd.s32 $0xFFFFC800  }
0x1b1: {  	_ =	swait.ge [sflag:s9], $0x3800  }
0x1b2: {  	[sflag:s9] =	ssyncset.done $0x0  }
0x1b3: {  	[sflag:s9] =	ssyncadd.s32 $0xFFFFC800  }
0x1b4: {  	[spmem:s3] =	stream.indirect.scatter.add.f32 [tilespmem:s28], [sflag:$0x7], $0x80, s15, s24, $0xb8;
	[tilespmem:$0x1F800] =	vst v63  }
0x1b5: {  	_ =	swait.ge [sflag:s1], $0x3800  }
0x1b6: {  	[sflag:s1] =	ssyncset.done $0x0  }
0x1b7: {  	[sflag:s1] =	ssyncadd.s32 $0xFFFFC800  }
0x1b8: {  	_ =	swait.ge [sflag:s12], $0x3800  }
0x1b9: {  	[sflag:s12] =	ssyncset.done $0x0  }
0x1ba: {  	[sflag:s12] =	ssyncadd.s32 $0xFFFFC800  }
0x1bb: {  	[spmem:s3] =	stream.indirect.scatter.add.f32 [tilespmem:s30], [sflag:$0x7], $0x80, s17, s24, $0xb8;
	[tilespmem:$0x1F800] =	vst v63  }
0x1bc: {  	_ =	swait.ge [sflag:s1], $0x3800  }
0x1bd: {  	[sflag:s1] =	ssyncset.done $0x0  }
0x1be: {  	[sflag:s1] =	ssyncadd.s32 $0xFFFFC800  }
0x1bf: {  	[bflag:$0x0] =	sbarrier.arrive $0xFFFF  }
0x1c0: {  	s17 =	rddreg [dreg:$0x6]  }
0x1c1: {  	s18 =	rddreg [dreg:$0xf]  }
0x1c2: {  	s7 =	sor.u32 $0x1C07, s17;
	s17 =	rddreg [dreg:$0x12]  }
0x1c3: {  	[hbm:s18], [sflag:s7] =	dma.local [spmem:s17], $0x2800  }
0x1c4: {  	_ =	swait.ge [sflag:s1], $0x2800  }
0x1c5: {  	s20 =	rddreg [dreg:$0x13]  }
0x1c6: {  	s31 =	rddreg [dreg:$0x10];
	s15 =	sadd.s32 $0x1, s20  }
0x1c7: {  	p0 =	sne.s32 s15, s31  }
.Ltmp1:
0x1c8: {  	_ = 	snop;
	(pc) =	sbr.rel @p0 .LBB2_1-.Ltmp1, $4  }
0x1c9: {  	s29 =	simm.s32 $0x180  }
0x1ca: {  	s26 =	simm.s32 $0xA80;
	s13 =	simm.s32 $0x280;
	s11 =	simm.s32 $0x900  }
0x1cb: {  	s8 =	simm.s32 $0x880;
	s10 =	simm.s32 $0x200;
	[sflag:s1] =	ssyncset.done $0x0  }
0x1cc: {  	s14 =	simm.s32 $0x980;
	s19 =	simm.s32 $0xA00;
	[sflag:s1] =	ssyncadd.s32 $0xFFFFD800  }
0x1cd: {  	_ =	sfence.sel $0x180000  }
0x1ce: {  	[bflag:$0x0] =	sbarrier.arrive $0xFFFF  }
0x1cf: {  	_ =	strace $0x9000004A  }
0x1d0: {  	s0 =	stileid.u32;
	[bflag:$0x2] =	sbarrier.arrive $0xFFFF  }
0x1d1: {  	p0 =	sne.s32 s0, $0x0;
	s0 =	rddreg [dreg:$0x3]  }
0x1d2: {  	s0 =	sadd.s32 @!p0 $0x100000, s0  }
0x1d3: {  	[sflag:s0] =	ssyncadd.tile.s32 @!p0 $0x1;
	_ =	shalt  }
.Lfunc_end2:
_tile_overlayer_lowered:
.L_overlay_start_2:
0x1d4: {  	(tag) =	ssettag $0x2  }
0x1d5: {  	s0 =	rddreg [dreg:$0x0];
	s2 =	stileid.u32  }
0x1d6: {  	s1 =	rddreg [dreg:$0x1];
	p0 =	sne.s32 s2, $0x0  }
0x1d7: {  	s3 =	rddreg [dreg:$0x2];
	[bflag:$0x3] =	sbarrier.arrive $0xFFFF;
	s2 =	simm.s32 @!p0 $0x1C07  }
0x1d8: {  	[timem:s3], [sflag:s2] =	dma.local @!p0 [hbm:s0], s1  }
0x1d9: {  	s0 =	simm.s32 @!p0 $0x7  }
0x1da: {  	_ =	swait.ge @!p0 [sflag:s0], s1  }
0x1db: {  	s1 =	ssub.s32 @!p0 $0x0, s1;
	[sflag:s0] =	ssyncset.done @!p0 $0x0  }
0x1dc: {  	[sflag:s0] =	ssyncadd.s32 @!p0 s1  }
0x1dd: {  	[bflag:$0x3] =	sbarrier.arrive $0xFFFF  }
0x1de: {  	_ =	shalt  }

</sc_bundles>
